<compile_context>
chip_gen: v7x
topology: tpu7x:2x2x1
jax: 0.10.2.dev20260603
libtpu: 0.0.44.dev20260713+nightly
codegen_flags: <defaults>
</compile_context>

<pallas_src>
import functools

import jax
import jax.numpy as jnp
from jax import lax
from jax.experimental import pallas as pl
from jax.experimental.pallas import tpu as pltpu
from jax.experimental.pallas import tpu_sc as plsc

_NC = 2
_NS = 16
_L = 16

_PREC = lax.Precision.HIGHEST


def _largest_div(x, cap, mult):
    for v in range(cap - cap % mult, 0, -mult):
        if x % v == 0:
            return v
    return mult


def _ploop(lo, hi, unroll):
    return lambda body: plsc.parallel_loop(lo, hi, 1, unroll=unroll)(body)


def _tc_nodes(x, Wnode):
    n, d = x.shape
    hid = Wnode.shape[2]
    nw = Wnode.shape[0]
    blk_n = _largest_div(n, 2048, 8)
    nb = n // blk_n

    def node_body(x_ref, w_ref, t_ref):
        t_ref[...] = jnp.dot(x_ref[...], w_ref[0],
                             preferred_element_type=jnp.float32,
                             precision=_PREC)

    return pl.pallas_call(
        node_body,
        grid=(nw, nb),
        in_specs=[
            pl.BlockSpec((blk_n, d), lambda f, i: (i, 0)),
            pl.BlockSpec((1, d, hid), lambda f, i: (f, 0, 0)),
        ],
        out_specs=pl.BlockSpec((blk_n, hid), lambda f, i: (f * nb + i, 0)),
        out_shape=jax.ShapeDtypeStruct((nw * n, hid), jnp.float32),
    )(x, Wnode)


def _tc_et(edge_attr, Wedge, bedge):
    e, de = edge_attr.shape
    hid = Wedge.shape[2]
    blk_e = _largest_div(e, 16000, 8)
    neb = e // blk_e

    def edge_body(a_ref, w_ref, b_ref, et_ref):
        et_ref[...] = (jnp.dot(a_ref[...], w_ref[0],
                               preferred_element_type=jnp.float32,
                               precision=lax.Precision.DEFAULT) + b_ref[0])

    return pl.pallas_call(
        edge_body,
        grid=(_NC, neb),
        in_specs=[
            pl.BlockSpec((blk_e, de), lambda f, i: (i, 0)),
            pl.BlockSpec((1, de, hid), lambda f, i: (f, 0, 0)),
            pl.BlockSpec((1, 1, hid), lambda f, i: (f, 0, 0)),
        ],
        out_specs=pl.BlockSpec((blk_e, hid), lambda f, i: (f * neb + i, 0)),
        out_shape=jax.ShapeDtypeStruct((_NC * e, hid), jnp.float32),
    )(edge_attr, Wedge, bedge)


def _sc_flows(ei, t, et, n, e, hid, w, interpret=False):
    ept = e // _NS
    k = _largest_div(ept, 32, _L)
    k2 = 2 * k
    chunks = ept // k
    bsz = _largest_div(ept, 800, k)
    cpb = bsz // k
    blocks = ept // bsz
    rpt = n // _NS
    zc = _largest_div(rpt, min(32, k), 1)
    zrounds = rpt // zc
    jh = hid // _L
    jw = w // _L

    mesh = plsc.VectorSubcoreMesh(core_axis_name="c", subcore_axis_name="s",
                                  num_cores=_NC, num_subcores=_NS)

    scratches = [
        pltpu.VMEM((bsz,), jnp.int32),
        pltpu.VMEM((bsz,), jnp.int32),
        pltpu.VMEM((bsz,), jnp.int32),
        pltpu.VMEM((bsz,), jnp.int32),
        pltpu.VMEM((k,), jnp.int32),
        pltpu.VMEM((k,), jnp.int32),
        pltpu.VMEM((k2,), jnp.int32),
        pltpu.VMEM((k2,), jnp.int32),
        pltpu.VMEM((k2, hid), jnp.float32),
        pltpu.VMEM((k2, hid), jnp.float32),
        pltpu.VMEM((k, hid), jnp.float32),
        pltpu.VMEM((k, hid), jnp.float32),
        pltpu.VMEM((k, w), jnp.float32),
        pltpu.VMEM((k, w), jnp.float32),
        pltpu.VMEM_SHARED((n, w), jnp.float32),
        pltpu.SemaphoreType.DMA,
        pltpu.SemaphoreType.DMA,
        pltpu.SemaphoreType.DMA,
        pltpu.SemaphoreType.DMA,
        pltpu.SemaphoreType.DMA,
        pltpu.SemaphoreType.DMA,
        pltpu.SemaphoreType.DMA,
        pltpu.SemaphoreType.DMA,
    ]

    @functools.partial(
        pl.kernel,
        out_type=jax.ShapeDtypeStruct((_NC * n, w), jnp.float32),
        mesh=mesh,
        interpret=interpret,
        compiler_params=pltpu.CompilerParams(use_tc_tiling_on_sc=False),
        scratch_types=scratches,
    )
    def sc_kernel(ei_ref, t_ref, et_ref, out_ref,
                  iab0, iab1, iob0, iob1, ias0, ias1, gidx0, gidx1,
                  rows0, rows1, ec0, ec1, stg0, stg1, shared,
                  sg0, sg1, se0, se1, ss0, ss1, sb0, sb1):
        c = lax.axis_index("c")
        s = lax.axis_index("s")
        cn = (c * n).astype(jnp.int32)
        cn2 = cn + 2 * n
        base0 = s * ept
        row0 = s * rpt

        zero = jnp.zeros((_L,), jnp.float32)

        def zrow(i, carry):
            for j in range(jw):
                stg0[i, pl.ds(j * _L, _L)] = zero
            return carry
        lax.fori_loop(0, k, zrow, 0)

        def zcopy(r, carry):
            pltpu.sync_copy(stg0.at[pl.ds(0, zc)],
                            shared.at[pl.ds(row0 + r * zc, zc)])
            return carry
        lax.fori_loop(0, zrounds, zcopy, 0)

        one0 = jnp.where(lax.iota(jnp.int32, _L) == 0,
                         jnp.ones((_L,), jnp.float32), zero)

        def srow(i, carry):
            stg0[i, pl.ds(hid, _L)] = one0
            stg1[i, pl.ds(hid, _L)] = one0
            return carry
        lax.fori_loop(0, k, srow, 0)

        plsc.subcore_barrier()

        bslots = ((iab0, iob0, sb0), (iab1, iob1, sb1))
        cslots = ((ias0, gidx0, rows0, ec0, stg0, sg0, se0, ss0),
                  (ias1, gidx1, rows1, ec1, stg1, sg1, se1, ss1))

        def start_block(bi, bs):
            iabx, iobx, sbx = bs
            pltpu.async_copy(ei_ref.at[1 - c, pl.ds(base0 + bi * bsz, bsz)],
                             iabx, sbx)
            pltpu.async_copy(ei_ref.at[c, pl.ds(base0 + bi * bsz, bsz)],
                             iobx, sbx)

        def wait_block(bs):
            iabx, iobx, sbx = bs
            pltpu.make_async_copy(ei_ref.at[0, pl.ds(0, bsz)], iabx,
                                  sbx).wait()
            pltpu.make_async_copy(ei_ref.at[0, pl.ds(0, bsz)], iobx,
                                  sbx).wait()

        def issue(g, bs, cs):
            iabx, iobx, _ = bs
            ias, gidx, rows, ecb, stg, sg, se, ss = cs

            @pl.when(g >= 2)
            def _drain():
                pltpu.make_async_copy(stg, shared.at[ias], ss).wait()

            off = lax.rem(g, cpb) * k
            for j in range(k // _L):
                d = pl.ds(j * _L, _L)
                sd = pl.ds(off + j * _L, _L)
                v = iabx[sd]
                ias[d] = v
                gidx[d] = v + cn
                gidx[pl.ds(k + j * _L, _L)] = iobx[sd] + cn2
            pltpu.async_copy(t_ref.at[gidx], rows, sg)
            pltpu.async_copy(et_ref.at[pl.ds(c * e + base0 + g * k, k)],
                             ecb, se)

        def process(cs):
            ias, gidx, rows, ecb, stg, sg, se, ss = cs
            pltpu.make_async_copy(t_ref.at[gidx], rows, sg).wait()
            pltpu.make_async_copy(et_ref.at[pl.ds(0, k)], ecb, se).wait()

            @_ploop(0, k, 4)
            def edge(kk):
                for j in range(jh):
                    d = pl.ds(j * _L, _L)
                    z = rows[kk, d] + rows[k + kk, d] + ecb[kk, d]
                    stg[kk, d] = jnp.maximum(z, 0.0)

            pltpu.async_copy(stg, shared.at[ias], ss, add=True)

        start_block(0, bslots[0])
        wait_block(bslots[0])
        if blocks > 1:
            start_block(1, bslots[1])
        issue(jnp.int32(0), bslots[0], cslots[0])

        def it(g, carry):
            nxt = g + 1
            nb = nxt // cpb

            @pl.when(jnp.logical_and(lax.rem(nxt, cpb) == 0, nxt < chunks))
            def _blk():
                @pl.when(lax.rem(nb, 2) == 0)
                def _w0():
                    wait_block(bslots[0])

                @pl.when(lax.rem(nb, 2) == 1)
                def _w1():
                    wait_block(bslots[1])

                @pl.when(jnp.logical_and(nb + 1 < blocks,
                                         lax.rem(nb + 1, 2) == 0))
                def _s0():
                    start_block(nb + 1, bslots[0])

                @pl.when(jnp.logical_and(nb + 1 < blocks,
                                         lax.rem(nb + 1, 2) == 1))
                def _s1():
                    start_block(nb + 1, bslots[1])

            bpar = lax.rem(nb, 2)
            cpar = lax.rem(nxt, 2)
            for bp in range(2):
                for cp in range(2):
                    @pl.when(jnp.logical_and(
                        nxt < chunks,
                        jnp.logical_and(bpar == bp, cpar == cp)))
                    def _issue(bp=bp, cp=cp):
                        issue(nxt, bslots[bp], cslots[cp])

            @pl.when(lax.rem(g, 2) == 0)
            def _proc0():
                process(cslots[0])

            @pl.when(lax.rem(g, 2) == 1)
            def _proc1():
                process(cslots[1])

            return carry
        lax.fori_loop(0, chunks, it, 0)

        pltpu.make_async_copy(stg0, shared.at[ias0], ss0).wait()
        if chunks >= 2:
            pltpu.make_async_copy(stg1, shared.at[ias1], ss1).wait()

        plsc.subcore_barrier()
        pltpu.sync_copy(shared.at[pl.ds(row0, rpt)],
                        out_ref.at[pl.ds(cn + row0, rpt)])

    return sc_kernel(ei, t, et)


def _tc_post(Sa, Sb, V2, Wn1t, Wn1b, bn1, Wn2, bn2):
    n2, w = Sa.shape
    n = n2 // _NC
    hid = Wn2.shape[0]
    blk = _largest_div(n, 2048, 8)
    nb = n // blk

    def body(sfa, sba, sfb, sbb, vf, vb, w1t, w1b, b1, w2, b2, o):
        aggf = jnp.dot(sfa[...] + sfb[...], vf[0],
                       preferred_element_type=jnp.float32, precision=_PREC)
        aggb = jnp.dot(sba[...] + sbb[...], vb[0],
                       preferred_element_type=jnp.float32, precision=_PREC)
        pre = (jnp.dot(aggf, w1t[...], preferred_element_type=jnp.float32,
                       precision=_PREC)
               + jnp.dot(aggb, w1b[...], preferred_element_type=jnp.float32,
                         precision=_PREC) + b1[...])
        o[...] = (jnp.dot(jnp.maximum(pre, 0.0), w2[...],
                          preferred_element_type=jnp.float32,
                          precision=_PREC) + b2[...])

    return pl.pallas_call(
        body,
        grid=(nb,),
        in_specs=[
            pl.BlockSpec((blk, w), lambda i: (i, 0)),
            pl.BlockSpec((blk, w), lambda i: (nb + i, 0)),
            pl.BlockSpec((blk, w), lambda i: (i, 0)),
            pl.BlockSpec((blk, w), lambda i: (nb + i, 0)),
            pl.BlockSpec((1, w, hid), lambda i: (0, 0, 0)),
            pl.BlockSpec((1, w, hid), lambda i: (1, 0, 0)),
            pl.BlockSpec((hid, hid), lambda i: (0, 0)),
            pl.BlockSpec((hid, hid), lambda i: (0, 0)),
            pl.BlockSpec((1, hid), lambda i: (0, 0)),
            pl.BlockSpec((hid, hid), lambda i: (0, 0)),
            pl.BlockSpec((1, hid), lambda i: (0, 0)),
        ],
        out_specs=pl.BlockSpec((blk, hid), lambda i: (i, 0)),
        out_shape=jax.ShapeDtypeStruct((n, hid), jnp.float32),
    )(Sa, Sa, Sb, Sb, V2, V2, Wn1t, Wn1b, bn1, Wn2, bn2)


def kernel(x, edge_index, edge_attr, Wf1, bf1, Wf2, bf2,
           Wb1, bb1, Wb2, bb2, Wn1, bn1, Wn2, bn2):
    n, d = x.shape
    e, de = edge_attr.shape
    hid = Wf2.shape[0]
    w = ((hid + 1 + _L - 1) // _L) * _L

    ei = edge_index.astype(jnp.int32)

    Wnode = jnp.stack([
        Wf1[:d], Wb1[:d],
        Wf1[d:2 * d], Wb1[d:2 * d],
    ])
    Wedge = jnp.stack([Wf1[2 * d:], Wb1[2 * d:]])
    bedge = jnp.stack([bf1, bb1])[:, None, :]
    pad = jnp.zeros((w - hid - 1, hid), jnp.float32)
    V2 = jnp.stack([
        jnp.concatenate([Wf2, bf2[None], pad], axis=0),
        jnp.concatenate([Wb2, bb2[None], pad], axis=0),
    ])

    unit = _NS * 2 * _L
    es = max(unit, ((e * 3) // 5) // unit * unit)
    if e - es < unit:
        es = e - e // 2 // unit * unit if e > unit else e

    t = _tc_nodes(x, Wnode)
    eta = _tc_et(edge_attr[:es], Wedge, bedge)
    etb = _tc_et(edge_attr[es:], Wedge, bedge)
    Sa = _sc_flows(ei[:, :es], t, eta, n, es, hid, w)
    Sb = _sc_flows(ei[:, es:], t, etb, n, e - es, hid, w)
    return _tc_post(Sa, Sb, V2, Wn1[:hid], Wn1[hid:], bn1[None], Wn2,
                    bn2[None])

# --- scband reference (transcript-rebuilt; emitter-appended) ---
"""Pipeline reference for scband-time-aware-node-model-49976239456338 (READ-ONLY COPY).

The authoritative reference and input builder live on the scoring server;
editing this copy changes nothing except your own understanding.
"""

import jax, jax.numpy as jnp
import numpy as np

N = 10000
E = 320000
D = 128
DE = 16
HID = 128
DIN_FLOW = 2 * D + DE  # 272
DIN_NODE = 2 * HID     # 256


def _mlp(h, W1, b1, W2, b2):
    h = jnp.maximum(h @ W1 + b1, 0.0)
    return h @ W2 + b2


def setup_inputs(seed: int = 0) -> dict:
    key = jax.random.key(seed)
    ks = [jax.random.fold_in(key, i) for i in range(20)]
    inp = {}
    inp["x"] = jax.random.normal(ks[0], (N, D), dtype=jnp.float32)
    inp["edge_index"] = jax.random.randint(ks[1], (2, E), 0, N, dtype=jnp.int64)
    inp["edge_attr"] = jax.random.normal(ks[2], (E, DE), dtype=jnp.float32)
    def lin(k, fan_in, fan_out):
        s = 1.0 / np.sqrt(fan_in)
        return jax.random.normal(k, (fan_in, fan_out), dtype=jnp.float32) * s
    inp["Wf1"] = lin(ks[3], DIN_FLOW, HID); inp["bf1"] = jnp.zeros((HID,), jnp.float32)
    inp["Wf2"] = lin(ks[4], HID, HID);      inp["bf2"] = jnp.zeros((HID,), jnp.float32)
    inp["Wb1"] = lin(ks[5], DIN_FLOW, HID); inp["bb1"] = jnp.zeros((HID,), jnp.float32)
    inp["Wb2"] = lin(ks[6], HID, HID);      inp["bb2"] = jnp.zeros((HID,), jnp.float32)
    inp["Wn1"] = lin(ks[7], DIN_NODE, HID); inp["bn1"] = jnp.zeros((HID,), jnp.float32)
    inp["Wn2"] = lin(ks[8], HID, HID);      inp["bn2"] = jnp.zeros((HID,), jnp.float32)
    return inp


def reference(x, edge_index, edge_attr, Wf1, bf1, Wf2, bf2, Wb1, bb1, Wb2, bb2, Wn1, bn1, Wn2, bn2):
    past_nodes = edge_index[0]
    future_nodes = edge_index[1]
    x_past = jnp.take(x, past_nodes, axis=0)
    x_future = jnp.take(x, future_nodes, axis=0)
    # forward flow: messages gathered at receiving (future) nodes
    flow_forward_input = jnp.concatenate([x_future, x_past, edge_attr], axis=1)
    flow_forward = _mlp(flow_forward_input, Wf1, bf1, Wf2, bf2)
    flow_forward_aggregated = jax.ops.segment_sum(flow_forward, future_nodes, num_segments=x.shape[0])
    # backward flow: messages gathered at emitting (past) nodes
    flow_backward_input = jnp.concatenate([x_past, x_future, edge_attr], axis=1)
    flow_backward = _mlp(flow_backward_input, Wb1, bb1, Wb2, bb2)
    flow_backward_aggregated = jax.ops.segment_sum(flow_backward, past_nodes, num_segments=x.shape[0])
    flow_total = jnp.concatenate([flow_forward_aggregated, flow_backward_aggregated], axis=1)
    return _mlp(flow_total, Wn1, bn1, Wn2, bn2)

if __name__ == "__main__":
    import jax
    _d = setup_inputs()
    print(jax.jit(kernel)(*tuple(_d.values())))

</pallas_src>

<mosaic_0001>
#map = affine_map<(d0, d1) -> (0, 0)>
module attributes {stable_mosaic.version = 14 : i64} {
  func.func @sc_kernel(%arg0: i32, %arg1: i32, %arg2: memref<2x128000xi32, #tpu.memory_space<hbm>>, %arg3: memref<40000x128xf32, #tpu.memory_space<hbm>>, %arg4: memref<256000x128xf32, #tpu.memory_space<hbm>>, %arg5: memref<20000x144xf32, #tpu.memory_space<hbm>>, %arg6: memref<800xi32, #tpu.memory_space<vmem>>, %arg7: memref<800xi32, #tpu.memory_space<vmem>>, %arg8: memref<800xi32, #tpu.memory_space<vmem>>, %arg9: memref<800xi32, #tpu.memory_space<vmem>>, %arg10: memref<32xi32, #tpu.memory_space<vmem>>, %arg11: memref<32xi32, #tpu.memory_space<vmem>>, %arg12: memref<64xi32, #tpu.memory_space<vmem>>, %arg13: memref<64xi32, #tpu.memory_space<vmem>>, %arg14: memref<64x128xf32, #tpu.memory_space<vmem>>, %arg15: memref<64x128xf32, #tpu.memory_space<vmem>>, %arg16: memref<32x128xf32, #tpu.memory_space<vmem>>, %arg17: memref<32x128xf32, #tpu.memory_space<vmem>>, %arg18: memref<32x144xf32, #tpu.memory_space<vmem>>, %arg19: memref<32x144xf32, #tpu.memory_space<vmem>>, %arg20: memref<10000x144xf32, #tpu.memory_space<vmem_shared>>, %arg21: memref<!tpu.dma_semaphore, #tpu.memory_space<semaphore_mem>>, %arg22: memref<!tpu.dma_semaphore, #tpu.memory_space<semaphore_mem>>, %arg23: memref<!tpu.dma_semaphore, #tpu.memory_space<semaphore_mem>>, %arg24: memref<!tpu.dma_semaphore, #tpu.memory_space<semaphore_mem>>, %arg25: memref<!tpu.dma_semaphore, #tpu.memory_space<semaphore_mem>>, %arg26: memref<!tpu.dma_semaphore, #tpu.memory_space<semaphore_mem>>, %arg27: memref<!tpu.dma_semaphore, #tpu.memory_space<semaphore_mem>>, %arg28: memref<!tpu.dma_semaphore, #tpu.memory_space<semaphore_mem>>) attributes {dimension_semantics = [#tpu.dimension_semantics<core_parallel>, #tpu.dimension_semantics<subcore_parallel>], iteration_bounds = array<i64: 2, 16>, scalar_prefetch = 0 : i64, scratch_operands = 23 : i64, tpu.core_type = #tpu.core_type<sc_vector_subcore>, window_params = [{transform_indices = #map}, {transform_indices = #map}, {transform_indices = #map}, {transform_indices = #map}]} {
    %mul3A = arith.constant 10000 : i32
    %mul3A_0 = arith.muli %arg0, %mul3A : i32
    %add3A = arith.constant 20000 : i32
    %add3A_1 = arith.addi %mul3A_0, %add3A : i32
    %mul3A_2 = arith.constant 8000 : i32
    %mul3A_3 = arith.muli %arg1, %mul3A_2 : i32
    %mul3A_4 = arith.constant 625 : i32
    %mul3A_5 = arith.muli %arg1, %mul3A_4 : i32
    %broadcast_in_dim3A = arith.constant 0.000000e+00 : f32
    %broadcast_in_dim3A_6 = vector.broadcast %broadcast_in_dim3A : f32 to vector<16xf32>
    %scan3A = arith.constant 0 : i32
    %scan3A_7 = arith.constant 0 : i32
    %scan3A_8 = arith.constant 32 : i32
    %scan3A_9 = arith.addi %scan3A_7, %scan3A_8 : i32
    %scan3A_10 = arith.constant 1 : i32
    scf.for %scan3A_148 = %scan3A_7 to %scan3A_9 step %scan3A_10  : i32 {
      %swap3A_149 = arith.index_cast %scan3A_148 : i32 to index
      %swap3A_150 = arith.constant 0 : index
      %swap3A_151 = tpu.vector_load %arg18[%swap3A_149, %swap3A_150] {strides = array<i32>} : memref<32x144xf32, #tpu.memory_space<vmem>>, vector<1x16xf32>,
      %swap3A_152 = vector.shape_cast %swap3A_151 : vector<1x16xf32> to vector<16xf32>
      %swap3A_153 = vector.shape_cast %broadcast_in_dim3A_6 : vector<16xf32> to vector<1x16xf32>
      tpu.vector_store %arg18[%swap3A_149, %swap3A_150], %swap3A_153 {strides = array<i32>} : memref<32x144xf32, #tpu.memory_space<vmem>>, vector<1x16xf32>,
      %swap3A_154 = arith.index_cast %scan3A_148 : i32 to index
      %swap3A_155 = arith.constant 16 : index
      %swap3A_156 = tpu.vector_load %arg18[%swap3A_154, %swap3A_155] {strides = array<i32>} : memref<32x144xf32, #tpu.memory_space<vmem>>, vector<1x16xf32>,
      %swap3A_157 = vector.shape_cast %swap3A_156 : vector<1x16xf32> to vector<16xf32>
      %swap3A_158 = vector.shape_cast %broadcast_in_dim3A_6 : vector<16xf32> to vector<1x16xf32>
      tpu.vector_store %arg18[%swap3A_154, %swap3A_155], %swap3A_158 {strides = array<i32>} : memref<32x144xf32, #tpu.memory_space<vmem>>, vector<1x16xf32>,
      %swap3A_159 = arith.index_cast %scan3A_148 : i32 to index
      %swap3A_160 = arith.constant 32 : index
      %swap3A_161 = tpu.vector_load %arg18[%swap3A_159, %swap3A_160] {strides = array<i32>} : memref<32x144xf32, #tpu.memory_space<vmem>>, vector<1x16xf32>,
      %swap3A_162 = vector.shape_cast %swap3A_161 : vector<1x16xf32> to vector<16xf32>
      %swap3A_163 = vector.shape_cast %broadcast_in_dim3A_6 : vector<16xf32> to vector<1x16xf32>
      tpu.vector_store %arg18[%swap3A_159, %swap3A_160], %swap3A_163 {strides = array<i32>} : memref<32x144xf32, #tpu.memory_space<vmem>>, vector<1x16xf32>,
      %swap3A_164 = arith.index_cast %scan3A_148 : i32 to index
      %swap3A_165 = arith.constant 48 : index
      %swap3A_166 = tpu.vector_load %arg18[%swap3A_164, %swap3A_165] {strides = array<i32>} : memref<32x144xf32, #tpu.memory_space<vmem>>, vector<1x16xf32>,
      %swap3A_167 = vector.shape_cast %swap3A_166 : vector<1x16xf32> to vector<16xf32>
      %swap3A_168 = vector.shape_cast %broadcast_in_dim3A_6 : vector<16xf32> to vector<1x16xf32>
      tpu.vector_store %arg18[%swap3A_164, %swap3A_165], %swap3A_168 {strides = array<i32>} : memref<32x144xf32, #tpu.memory_space<vmem>>, vector<1x16xf32>,
      %swap3A_169 = arith.index_cast %scan3A_148 : i32 to index
      %swap3A_170 = arith.constant 64 : index
      %swap3A_171 = tpu.vector_load %arg18[%swap3A_169, %swap3A_170] {strides = array<i32>} : memref<32x144xf32, #tpu.memory_space<vmem>>, vector<1x16xf32>,
      %swap3A_172 = vector.shape_cast %swap3A_171 : vector<1x16xf32> to vector<16xf32>
      %swap3A_173 = vector.shape_cast %broadcast_in_dim3A_6 : vector<16xf32> to vector<1x16xf32>
      tpu.vector_store %arg18[%swap3A_169, %swap3A_170], %swap3A_173 {strides = array<i32>} : memref<32x144xf32, #tpu.memory_space<vmem>>, vector<1x16xf32>,
      %swap3A_174 = arith.index_cast %scan3A_148 : i32 to index
      %swap3A_175 = arith.constant 80 : index
      %swap3A_176 = tpu.vector_load %arg18[%swap3A_174, %swap3A_175] {strides = array<i32>} : memref<32x144xf32, #tpu.memory_space<vmem>>, vector<1x16xf32>,
      %swap3A_177 = vector.shape_cast %swap3A_176 : vector<1x16xf32> to vector<16xf32>
      %swap3A_178 = vector.shape_cast %broadcast_in_dim3A_6 : vector<16xf32> to vector<1x16xf32>
      tpu.vector_store %arg18[%swap3A_174, %swap3A_175], %swap3A_178 {strides = array<i32>} : memref<32x144xf32, #tpu.memory_space<vmem>>, vector<1x16xf32>,
      %swap3A_179 = arith.index_cast %scan3A_148 : i32 to index
      %swap3A_180 = arith.constant 96 : index
      %swap3A_181 = tpu.vector_load %arg18[%swap3A_179, %swap3A_180] {strides = array<i32>} : memref<32x144xf32, #tpu.memory_space<vmem>>, vector<1x16xf32>,
      %swap3A_182 = vector.shape_cast %swap3A_181 : vector<1x16xf32> to vector<16xf32>
      %swap3A_183 = vector.shape_cast %broadcast_in_dim3A_6 : vector<16xf32> to vector<1x16xf32>
      tpu.vector_store %arg18[%swap3A_179, %swap3A_180], %swap3A_183 {strides = array<i32>} : memref<32x144xf32, #tpu.memory_space<vmem>>, vector<1x16xf32>,
      %swap3A_184 = arith.index_cast %scan3A_148 : i32 to index
      %swap3A_185 = arith.constant 112 : index
      %swap3A_186 = tpu.vector_load %arg18[%swap3A_184, %swap3A_185] {strides = array<i32>} : memref<32x144xf32, #tpu.memory_space<vmem>>, vector<1x16xf32>,
      %swap3A_187 = vector.shape_cast %swap3A_186 : vector<1x16xf32> to vector<16xf32>
      %swap3A_188 = vector.shape_cast %broadcast_in_dim3A_6 : vector<16xf32> to vector<1x16xf32>
      tpu.vector_store %arg18[%swap3A_184, %swap3A_185], %swap3A_188 {strides = array<i32>} : memref<32x144xf32, #tpu.memory_space<vmem>>, vector<1x16xf32>,
      %swap3A_189 = arith.index_cast %scan3A_148 : i32 to index
      %swap3A_190 = arith.constant 128 : index
      %swap3A_191 = tpu.vector_load %arg18[%swap3A_189, %swap3A_190] {strides = array<i32>} : memref<32x144xf32, #tpu.memory_space<vmem>>, vector<1x16xf32>,
      %swap3A_192 = vector.shape_cast %swap3A_191 : vector<1x16xf32> to vector<16xf32>
      %swap3A_193 = vector.shape_cast %broadcast_in_dim3A_6 : vector<16xf32> to vector<1x16xf32>
      tpu.vector_store %arg18[%swap3A_189, %swap3A_190], %swap3A_193 {strides = array<i32>} : memref<32x144xf32, #tpu.memory_space<vmem>>, vector<1x16xf32>,
    }
    %scan3A_11 = arith.constant 32 : i32
    %scan3A_12 = arith.constant 0 : i32
    %scan3A_13 = arith.constant 0 : i32
    %scan3A_14 = arith.constant 25 : i32
    %scan3A_15 = arith.addi %scan3A_13, %scan3A_14 : i32
    %scan3A_16 = arith.constant 1 : i32
    scf.for %scan3A_148 = %scan3A_13 to %scan3A_15 step %scan3A_16  : i32 {
      %mul3A_149 = arith.constant 25 : i32
      %mul3A_150 = arith.muli %scan3A_148, %mul3A_149 : i32
      %add3A_151 = arith.addi %mul3A_5, %mul3A_150 : i32
      "tpu.region"() ({
        %run_scoped3A = tpu.sem_alloc : memref<!tpu.dma_semaphore, #tpu.memory_space<semaphore_mem>>
        %dma_start3A_152 = arith.constant 0 : i32
        %dma_start3A_153 = arith.constant 0 : i32
        %dma_start3A_154 = tpu.memref_slice %arg18[%dma_start3A_152, %dma_start3A_153] : memref<32x144xf32, #tpu.memory_space<vmem>> -> memref<25x144xf32, #tpu.memory_space<vmem>>
        %dma_start3A_155 = arith.constant 0 : i32
        %dma_start3A_156 = tpu.memref_slice %arg20[%add3A_151, %dma_start3A_155] : memref<10000x144xf32, #tpu.memory_space<vmem_shared>> -> memref<25x144xf32, #tpu.memory_space<vmem_shared>>
        %dma_start3A_157 = arith.constant 0 : i32
        %dma_start3A_158 = tpu.memref_slice %arg20[%add3A_151, %dma_start3A_157] : memref<10000x144xf32, #tpu.memory_space<vmem_shared>> -> memref<25x144xf32, #tpu.memory_space<vmem_shared>>
        %dma_start3A_159 = arith.constant 0 : i32
        %dma_start3A_160 = arith.constant 0 : i32
        %dma_start3A_161 = tpu.memref_slice %arg18[%dma_start3A_159, %dma_start3A_160] : memref<32x144xf32, #tpu.memory_space<vmem>> -> memref<25x144xf32, #tpu.memory_space<vmem>>
        tpu.enqueue_dma source(%dma_start3A_161 : memref<25x144xf32, #tpu.memory_space<vmem>>) target(%dma_start3A_158 : memref<25x144xf32, #tpu.memory_space<vmem_shared>>) target_semaphore(%run_scoped3A : memref<!tpu.dma_semaphore, #tpu.memory_space<semaphore_mem>>)
        %dma_wait3A_162 = arith.constant 0 : i32
        %dma_wait3A_163 = arith.constant 0 : i32
        %dma_wait3A_164 = tpu.memref_slice %arg18[%dma_wait3A_162, %dma_wait3A_163] : memref<32x144xf32, #tpu.memory_space<vmem>> -> memref<25x144xf32, #tpu.memory_space<vmem>>
        %dma_wait3A_165 = arith.constant 0 : i32
        %dma_wait3A_166 = tpu.memref_slice %arg20[%add3A_151, %dma_wait3A_165] : memref<10000x144xf32, #tpu.memory_space<vmem_shared>> -> memref<25x144xf32, #tpu.memory_space<vmem_shared>>
        %dma_wait3A_167 = arith.constant 0 : i32
        %dma_wait3A_168 = tpu.memref_slice %arg20[%add3A_151, %dma_wait3A_167] : memref<10000x144xf32, #tpu.memory_space<vmem_shared>> -> memref<25x144xf32, #tpu.memory_space<vmem_shared>>
        %dma_wait3A_169 = arith.constant 0 : i32
        %dma_wait3A_170 = arith.constant 0 : i32
        %dma_wait3A_171 = tpu.memref_slice %arg18[%dma_wait3A_169, %dma_wait3A_170] : memref<32x144xf32, #tpu.memory_space<vmem>> -> memref<25x144xf32, #tpu.memory_space<vmem>>
        tpu.wait_dma2 semaphore(%run_scoped3A : memref<!tpu.dma_semaphore, #tpu.memory_space<semaphore_mem>>) src(%dma_wait3A_171 : memref<25x144xf32, #tpu.memory_space<vmem>>) dst(%dma_wait3A_168 : memref<25x144xf32, #tpu.memory_space<vmem_shared>>)
        tpu.yield
      }) : () -> ()
    }
    %scan3A_17 = arith.constant 25 : i32
    %iota3A = tpu.iota {dimensions = array<i32: 0>} : vector<16xi32>
    %eq3A = arith.constant 0 : i32
    %eq3A_18 = vector.broadcast %eq3A : i32 to vector<16xi32>
    %eq3A_19 = arith.cmpi eq, %iota3A, %eq3A_18 : vector<16xi32>
    %broadcast_in_dim3A_20 = arith.constant 1.000000e+00 : f32
    %broadcast_in_dim3A_21 = vector.broadcast %broadcast_in_dim3A_20 : f32 to vector<16xf32>
    %select_n3A = arith.select %eq3A_19, %broadcast_in_dim3A_21, %broadcast_in_dim3A_6 : vector<16xi1>, vector<16xf32>
    %scan3A_22 = arith.constant 0 : i32
    %scan3A_23 = arith.constant 0 : i32
    %scan3A_24 = arith.constant 32 : i32
    %scan3A_25 = arith.addi %scan3A_23, %scan3A_24 : i32
    %scan3A_26 = arith.constant 1 : i32
    scf.for %scan3A_148 = %scan3A_23 to %scan3A_25 step %scan3A_26  : i32 {
      %swap3A_149 = arith.index_cast %scan3A_148 : i32 to index
      %swap3A_150 = arith.constant 128 : index
      %swap3A_151 = tpu.vector_load %arg18[%swap3A_149, %swap3A_150] {strides = array<i32>} : memref<32x144xf32, #tpu.memory_space<vmem>>, vector<1x16xf32>,
      %swap3A_152 = vector.shape_cast %swap3A_151 : vector<1x16xf32> to vector<16xf32>
      %swap3A_153 = vector.shape_cast %select_n3A : vector<16xf32> to vector<1x16xf32>
      tpu.vector_store %arg18[%swap3A_149, %swap3A_150], %swap3A_153 {strides = array<i32>} : memref<32x144xf32, #tpu.memory_space<vmem>>, vector<1x16xf32>,
      %swap3A_154 = arith.index_cast %scan3A_148 : i32 to index
      %swap3A_155 = arith.constant 128 : index
      %swap3A_156 = tpu.vector_load %arg19[%swap3A_154, %swap3A_155] {strides = array<i32>} : memref<32x144xf32, #tpu.memory_space<vmem>>, vector<1x16xf32>,
      %swap3A_157 = vector.shape_cast %swap3A_156 : vector<1x16xf32> to vector<16xf32>
      %swap3A_158 = vector.shape_cast %select_n3A : vector<16xf32> to vector<1x16xf32>
      tpu.vector_store %arg19[%swap3A_154, %swap3A_155], %swap3A_158 {strides = array<i32>} : memref<32x144xf32, #tpu.memory_space<vmem>>, vector<1x16xf32>,
    }
    %scan3A_27 = arith.constant 32 : i32
    %barrier3A = arith.constant 0 : index
    tpu.barrier barrier_id(%barrier3A)
    %sub3A = arith.constant 1 : i32
    %sub3A_28 = arith.subi %sub3A, %arg0 : i32
    %add3A_29 = arith.constant 0 : i32
    %add3A_30 = arith.addi %mul3A_3, %add3A_29 : i32
    %dma_start3A = tpu.memref_slice %arg2[%sub3A_28, %add3A_30] : memref<2x128000xi32, #tpu.memory_space<hbm>> -> memref<1x800xi32, #tpu.memory_space<hbm>>
    %dma_start3A_31 = tpu.memref_squeeze %dma_start3A : memref<1x800xi32, #tpu.memory_space<hbm>> -> memref<800xi32, #tpu.memory_space<hbm>>
    %dma_start3A_32 = tpu.memref_slice %arg2[%sub3A_28, %add3A_30] : memref<2x128000xi32, #tpu.memory_space<hbm>> -> memref<1x800xi32, #tpu.memory_space<hbm>>
    %dma_start3A_33 = tpu.memref_squeeze %dma_start3A_32 : memref<1x800xi32, #tpu.memory_space<hbm>> -> memref<800xi32, #tpu.memory_space<hbm>>
    tpu.enqueue_dma source(%dma_start3A_33 : memref<800xi32, #tpu.memory_space<hbm>>) target(%arg6 : memref<800xi32, #tpu.memory_space<vmem>>) target_semaphore(%arg27 : memref<!tpu.dma_semaphore, #tpu.memory_space<semaphore_mem>>)
    %add3A_34 = arith.constant 0 : i32
    %add3A_35 = arith.addi %mul3A_3, %add3A_34 : i32
    %dma_start3A_36 = tpu.memref_slice %arg2[%arg0, %add3A_35] : memref<2x128000xi32, #tpu.memory_space<hbm>> -> memref<1x800xi32, #tpu.memory_space<hbm>>
    %dma_start3A_37 = tpu.memref_squeeze %dma_start3A_36 : memref<1x800xi32, #tpu.memory_space<hbm>> -> memref<800xi32, #tpu.memory_space<hbm>>
    %dma_start3A_38 = tpu.memref_slice %arg2[%arg0, %add3A_35] : memref<2x128000xi32, #tpu.memory_space<hbm>> -> memref<1x800xi32, #tpu.memory_space<hbm>>
    %dma_start3A_39 = tpu.memref_squeeze %dma_start3A_38 : memref<1x800xi32, #tpu.memory_space<hbm>> -> memref<800xi32, #tpu.memory_space<hbm>>
    tpu.enqueue_dma source(%dma_start3A_39 : memref<800xi32, #tpu.memory_space<hbm>>) target(%arg8 : memref<800xi32, #tpu.memory_space<vmem>>) target_semaphore(%arg27 : memref<!tpu.dma_semaphore, #tpu.memory_space<semaphore_mem>>)
    %dma_wait3A = arith.constant 0 : i32
    %dma_wait3A_40 = arith.constant 0 : i32
    %dma_wait3A_41 = tpu.memref_slice %arg2[%dma_wait3A, %dma_wait3A_40] : memref<2x128000xi32, #tpu.memory_space<hbm>> -> memref<1x800xi32, #tpu.memory_space<hbm>>
    %dma_wait3A_42 = tpu.memref_squeeze %dma_wait3A_41 : memref<1x800xi32, #tpu.memory_space<hbm>> -> memref<800xi32, #tpu.memory_space<hbm>>
    %dma_wait3A_43 = arith.constant 0 : i32
    %dma_wait3A_44 = tpu.memref_slice %arg2[%dma_wait3A, %dma_wait3A_43] : memref<2x128000xi32, #tpu.memory_space<hbm>> -> memref<1x800xi32, #tpu.memory_space<hbm>>
    %dma_wait3A_45 = tpu.memref_squeeze %dma_wait3A_44 : memref<1x800xi32, #tpu.memory_space<hbm>> -> memref<800xi32, #tpu.memory_space<hbm>>
    tpu.wait_dma2 semaphore(%arg27 : memref<!tpu.dma_semaphore, #tpu.memory_space<semaphore_mem>>) src(%dma_wait3A_45 : memref<800xi32, #tpu.memory_space<hbm>>) dst(%arg6 : memref<800xi32, #tpu.memory_space<vmem>>)
    %dma_wait3A_46 = arith.constant 0 : i32
    %dma_wait3A_47 = arith.constant 0 : i32
    %dma_wait3A_48 = tpu.memref_slice %arg2[%dma_wait3A_46, %dma_wait3A_47] : memref<2x128000xi32, #tpu.memory_space<hbm>> -> memref<1x800xi32, #tpu.memory_space<hbm>>
    %dma_wait3A_49 = tpu.memref_squeeze %dma_wait3A_48 : memref<1x800xi32, #tpu.memory_space<hbm>> -> memref<800xi32, #tpu.memory_space<hbm>>
    %dma_wait3A_50 = arith.constant 0 : i32
    %dma_wait3A_51 = tpu.memref_slice %arg2[%dma_wait3A_46, %dma_wait3A_50] : memref<2x128000xi32, #tpu.memory_space<hbm>> -> memref<1x800xi32, #tpu.memory_space<hbm>>
    %dma_wait3A_52 = tpu.memref_squeeze %dma_wait3A_51 : memref<1x800xi32, #tpu.memory_space<hbm>> -> memref<800xi32, #tpu.memory_space<hbm>>
    tpu.wait_dma2 semaphore(%arg27 : memref<!tpu.dma_semaphore, #tpu.memory_space<semaphore_mem>>) src(%dma_wait3A_52 : memref<800xi32, #tpu.memory_space<hbm>>) dst(%arg8 : memref<800xi32, #tpu.memory_space<vmem>>)
    %sub3A_53 = arith.constant 1 : i32
    %sub3A_54 = arith.subi %sub3A_53, %arg0 : i32
    %add3A_55 = arith.constant 800 : i32
    %add3A_56 = arith.addi %mul3A_3, %add3A_55 : i32
    %dma_start3A_57 = tpu.memref_slice %arg2[%sub3A_54, %add3A_56] : memref<2x128000xi32, #tpu.memory_space<hbm>> -> memref<1x800xi32, #tpu.memory_space<hbm>>
    %dma_start3A_58 = tpu.memref_squeeze %dma_start3A_57 : memref<1x800xi32, #tpu.memory_space<hbm>> -> memref<800xi32, #tpu.memory_space<hbm>>
    %dma_start3A_59 = tpu.memref_slice %arg2[%sub3A_54, %add3A_56] : memref<2x128000xi32, #tpu.memory_space<hbm>> -> memref<1x800xi32, #tpu.memory_space<hbm>>
    %dma_start3A_60 = tpu.memref_squeeze %dma_start3A_59 : memref<1x800xi32, #tpu.memory_space<hbm>> -> memref<800xi32, #tpu.memory_space<hbm>>
    tpu.enqueue_dma source(%dma_start3A_60 : memref<800xi32, #tpu.memory_space<hbm>>) target(%arg7 : memref<800xi32, #tpu.memory_space<vmem>>) target_semaphore(%arg28 : memref<!tpu.dma_semaphore, #tpu.memory_space<semaphore_mem>>)
    %add3A_61 = arith.constant 800 : i32
    %add3A_62 = arith.addi %mul3A_3, %add3A_61 : i32
    %dma_start3A_63 = tpu.memref_slice %arg2[%arg0, %add3A_62] : memref<2x128000xi32, #tpu.memory_space<hbm>> -> memref<1x800xi32, #tpu.memory_space<hbm>>
    %dma_start3A_64 = tpu.memref_squeeze %dma_start3A_63 : memref<1x800xi32, #tpu.memory_space<hbm>> -> memref<800xi32, #tpu.memory_space<hbm>>
    %dma_start3A_65 = tpu.memref_slice %arg2[%arg0, %add3A_62] : memref<2x128000xi32, #tpu.memory_space<hbm>> -> memref<1x800xi32, #tpu.memory_space<hbm>>
    %dma_start3A_66 = tpu.memref_squeeze %dma_start3A_65 : memref<1x800xi32, #tpu.memory_space<hbm>> -> memref<800xi32, #tpu.memory_space<hbm>>
    tpu.enqueue_dma source(%dma_start3A_66 : memref<800xi32, #tpu.memory_space<hbm>>) target(%arg9 : memref<800xi32, #tpu.memory_space<vmem>>) target_semaphore(%arg28 : memref<!tpu.dma_semaphore, #tpu.memory_space<semaphore_mem>>)
    %ge3A = arith.constant 0 : i32
    %ge3A_67 = arith.constant 2 : i32
    %ge3A_68 = arith.cmpi sge, %ge3A, %ge3A_67 : i32
    %convert_element_type3A = arith.extui %ge3A_68 : i1 to i32
    %cond3A = arith.constant 0 : i32
    %cond3A_69 = arith.cmpi ne, %convert_element_type3A, %cond3A : i32
    scf.if %cond3A_69 {
      %dma_wait3A_148 = arith.constant 0 : i32
      %dma_wait3A_149 = arith.constant 0 : i32
      %dma_wait3A_150 = tpu.memref_slice %arg20[%dma_wait3A_148, %dma_wait3A_149] : memref<10000x144xf32, #tpu.memory_space<vmem_shared>> -> memref<10000x144xf32, #tpu.memory_space<vmem_shared>>
      tpu.wait_indirect_dma semaphore(%arg25 : memref<!tpu.dma_semaphore, #tpu.memory_space<semaphore_mem>>) src(%arg18 : memref<32x144xf32, #tpu.memory_space<vmem>>) dst(%dma_wait3A_150 : memref<10000x144xf32, #tpu.memory_space<vmem_shared>>)
    } else {
    }
    %rem3A = arith.constant 0 : i32
    %rem3A_70 = arith.constant 25 : i32
    %rem3A_71 = arith.remsi %rem3A, %rem3A_70 : i32
    %mul3A_72 = arith.constant 32 : i32
    %mul3A_73 = arith.muli %rem3A_71, %mul3A_72 : i32
    %add3A_74 = arith.constant 0 : i32
    %add3A_75 = arith.addi %mul3A_73, %add3A_74 : i32
    %get3A = arith.index_cast %add3A_75 : i32 to index
    %get3A_76 = tpu.vector_load %arg6[%get3A] {strides = array<i32>} : memref<800xi32, #tpu.memory_space<vmem>>, vector<16xi32>,
    %get3A_77 = vector.shape_cast %get3A_76 : vector<16xi32> to vector<16xi32>
    %swap3A = arith.constant 0 : index
    %swap3A_78 = tpu.vector_load %arg10[%swap3A] {strides = array<i32>} : memref<32xi32, #tpu.memory_space<vmem>>, vector<16xi32>,
    %swap3A_79 = vector.shape_cast %swap3A_78 : vector<16xi32> to vector<16xi32>
    %swap3A_80 = vector.shape_cast %get3A_77 : vector<16xi32> to vector<16xi32>
    tpu.vector_store %arg10[%swap3A], %swap3A_80 {strides = array<i32>} : memref<32xi32, #tpu.memory_space<vmem>>, vector<16xi32>,
    %add3A_81 = vector.broadcast %mul3A_0 : i32 to vector<16xi32>
    %add3A_82 = arith.addi %get3A_77, %add3A_81 : vector<16xi32>
    %swap3A_83 = arith.constant 0 : index
    %swap3A_84 = tpu.vector_load %arg12[%swap3A_83] {strides = array<i32>} : memref<64xi32, #tpu.memory_space<vmem>>, vector<16xi32>,
    %swap3A_85 = vector.shape_cast %swap3A_84 : vector<16xi32> to vector<16xi32>
    %swap3A_86 = vector.shape_cast %add3A_82 : vector<16xi32> to vector<16xi32>
    tpu.vector_store %arg12[%swap3A_83], %swap3A_86 {strides = array<i32>} : memref<64xi32, #tpu.memory_space<vmem>>, vector<16xi32>,
    %get3A_87 = arith.index_cast %add3A_75 : i32 to index
    %get3A_88 = tpu.vector_load %arg8[%get3A_87] {strides = array<i32>} : memref<800xi32, #tpu.memory_space<vmem>>, vector<16xi32>,
    %get3A_89 = vector.shape_cast %get3A_88 : vector<16xi32> to vector<16xi32>
    %add3A_90 = vector.broadcast %add3A_1 : i32 to vector<16xi32>
    %add3A_91 = arith.addi %get3A_89, %add3A_90 : vector<16xi32>
    %swap3A_92 = arith.constant 32 : index
    %swap3A_93 = tpu.vector_load %arg12[%swap3A_92] {strides = array<i32>} : memref<64xi32, #tpu.memory_space<vmem>>, vector<16xi32>,
    %swap3A_94 = vector.shape_cast %swap3A_93 : vector<16xi32> to vector<16xi32>
    %swap3A_95 = vector.shape_cast %add3A_91 : vector<16xi32> to vector<16xi32>
    tpu.vector_store %arg12[%swap3A_92], %swap3A_95 {strides = array<i32>} : memref<64xi32, #tpu.memory_space<vmem>>, vector<16xi32>,
    %add3A_96 = arith.constant 16 : i32
    %add3A_97 = arith.addi %mul3A_73, %add3A_96 : i32
    %get3A_98 = arith.index_cast %add3A_97 : i32 to index
    %get3A_99 = tpu.vector_load %arg6[%get3A_98] {strides = array<i32>} : memref<800xi32, #tpu.memory_space<vmem>>, vector<16xi32>,
    %get3A_100 = vector.shape_cast %get3A_99 : vector<16xi32> to vector<16xi32>
    %swap3A_101 = arith.constant 16 : index
    %swap3A_102 = tpu.vector_load %arg10[%swap3A_101] {strides = array<i32>} : memref<32xi32, #tpu.memory_space<vmem>>, vector<16xi32>,
    %swap3A_103 = vector.shape_cast %swap3A_102 : vector<16xi32> to vector<16xi32>
    %swap3A_104 = vector.shape_cast %get3A_100 : vector<16xi32> to vector<16xi32>
    tpu.vector_store %arg10[%swap3A_101], %swap3A_104 {strides = array<i32>} : memref<32xi32, #tpu.memory_space<vmem>>, vector<16xi32>,
    %add3A_105 = vector.broadcast %mul3A_0 : i32 to vector<16xi32>
    %add3A_106 = arith.addi %get3A_100, %add3A_105 : vector<16xi32>
    %swap3A_107 = arith.constant 16 : index
    %swap3A_108 = tpu.vector_load %arg12[%swap3A_107] {strides = array<i32>} : memref<64xi32, #tpu.memory_space<vmem>>, vector<16xi32>,
    %swap3A_109 = vector.shape_cast %swap3A_108 : vector<16xi32> to vector<16xi32>
    %swap3A_110 = vector.shape_cast %add3A_106 : vector<16xi32> to vector<16xi32>
    tpu.vector_store %arg12[%swap3A_107], %swap3A_110 {strides = array<i32>} : memref<64xi32, #tpu.memory_space<vmem>>, vector<16xi32>,
    %get3A_111 = arith.index_cast %add3A_97 : i32 to index
    %get3A_112 = tpu.vector_load %arg8[%get3A_111] {strides = array<i32>} : memref<800xi32, #tpu.memory_space<vmem>>, vector<16xi32>,
    %get3A_113 = vector.shape_cast %get3A_112 : vector<16xi32> to vector<16xi32>
    %add3A_114 = vector.broadcast %add3A_1 : i32 to vector<16xi32>
    %add3A_115 = arith.addi %get3A_113, %add3A_114 : vector<16xi32>
    %swap3A_116 = arith.constant 48 : index
    %swap3A_117 = tpu.vector_load %arg12[%swap3A_116] {strides = array<i32>} : memref<64xi32, #tpu.memory_space<vmem>>, vector<16xi32>,
    %swap3A_118 = vector.shape_cast %swap3A_117 : vector<16xi32> to vector<16xi32>
    %swap3A_119 = vector.shape_cast %add3A_115 : vector<16xi32> to vector<16xi32>
    tpu.vector_store %arg12[%swap3A_116], %swap3A_119 {strides = array<i32>} : memref<64xi32, #tpu.memory_space<vmem>>, vector<16xi32>,
    %dma_start3A_120 = arith.constant 0 : i32
    %dma_start3A_121 = arith.constant 0 : i32
    %dma_start3A_122 = tpu.memref_slice %arg3[%dma_start3A_120, %dma_start3A_121] : memref<40000x128xf32, #tpu.memory_space<hbm>> -> memref<40000x128xf32, #tpu.memory_space<hbm>>
    tpu.enqueue_indirect_dma source(%dma_start3A_122 : memref<40000x128xf32, #tpu.memory_space<hbm>>) target(%arg14 : memref<64x128xf32, #tpu.memory_space<vmem>>) offsets(%arg12 : memref<64xi32, #tpu.memory_space<vmem>>) semaphore(%arg21 : memref<!tpu.dma_semaphore, #tpu.memory_space<semaphore_mem>>)
    %mul3A_123 = arith.constant 128000 : i32
    %mul3A_124 = arith.muli %arg0, %mul3A_123 : i32
    %add3A_125 = arith.addi %mul3A_124, %mul3A_3 : i32
    %mul3A_126 = arith.constant 0 : i32
    %mul3A_127 = arith.constant 32 : i32
    %mul3A_128 = arith.muli %mul3A_126, %mul3A_127 : i32
    %add3A_129 = arith.addi %add3A_125, %mul3A_128 : i32
    %dma_start3A_130 = arith.constant 0 : i32
    %dma_start3A_131 = tpu.memref_slice %arg4[%add3A_129, %dma_start3A_130] : memref<256000x128xf32, #tpu.memory_space<hbm>> -> memref<32x128xf32, #tpu.memory_space<hbm>>
    %dma_start3A_132 = arith.constant 0 : i32
    %dma_start3A_133 = tpu.memref_slice %arg4[%add3A_129, %dma_start3A_132] : memref<256000x128xf32, #tpu.memory_space<hbm>> -> memref<32x128xf32, #tpu.memory_space<hbm>>
    tpu.enqueue_dma source(%dma_start3A_133 : memref<32x128xf32, #tpu.memory_space<hbm>>) target(%arg16 : memref<32x128xf32, #tpu.memory_space<vmem>>) target_semaphore(%arg23 : memref<!tpu.dma_semaphore, #tpu.memory_space<semaphore_mem>>)
    %scan3A_134 = arith.constant 0 : i32
    %scan3A_135 = arith.constant 0 : i32
    %scan3A_136 = arith.constant 250 : i32
    %scan3A_137 = arith.addi %scan3A_135, %scan3A_136 : i32
    %scan3A_138 = arith.constant 1 : i32
    scf.for %scan3A_148 = %scan3A_135 to %scan3A_137 step %scan3A_138  : i32 {
      %add3A_149 = arith.constant 1 : i32
      %add3A_150 = arith.addi %scan3A_148, %add3A_149 : i32
      %jit3A = arith.constant 25 : i32
      %div3A = arith.divsi %add3A_150, %jit3A : i32
      %sign3A = arith.constant 0 : i32
      %sign3A_151 = arith.cmpi sgt, %add3A_150, %sign3A : i32
      %sign3A_152 = arith.extui %sign3A_151 : i1 to i32
      %sign3A_153 = arith.constant 0 : i32
      %sign3A_154 = arith.cmpi slt, %add3A_150, %sign3A_153 : i32
      %sign3A_155 = arith.extui %sign3A_154 : i1 to i32
      %sign3A_156 = arith.subi %sign3A_152, %sign3A_155 : i32
      %sign3A_157 = arith.constant 0 : i32
      %sign3A_158 = arith.cmpi sgt, %jit3A, %sign3A_157 : i32
      %sign3A_159 = arith.extui %sign3A_158 : i1 to i32
      %sign3A_160 = arith.constant 0 : i32
      %sign3A_161 = arith.cmpi slt, %jit3A, %sign3A_160 : i32
      %sign3A_162 = arith.extui %sign3A_161 : i1 to i32
      %sign3A_163 = arith.subi %sign3A_159, %sign3A_162 : i32
      %ne3A = arith.cmpi ne, %sign3A_156, %sign3A_163 : i32
      %rem3A_164 = arith.remsi %add3A_150, %jit3A : i32
      %ne3A_165 = arith.constant 0 : i32
      %ne3A_166 = arith.cmpi ne, %rem3A_164, %ne3A_165 : i32
      %and3A = arith.andi %ne3A, %ne3A_166 : i1
      %sub3A_167 = arith.constant 1 : i32
      %sub3A_168 = arith.subi %div3A, %sub3A_167 : i32
      %select_n3A_169 = arith.select %and3A, %sub3A_168, %div3A : i32
      %rem3A_170 = arith.constant 25 : i32
      %rem3A_171 = arith.remsi %add3A_150, %rem3A_170 : i32
      %eq3A_172 = arith.constant 0 : i32
      %eq3A_173 = arith.cmpi eq, %rem3A_171, %eq3A_172 : i32
      %lt3A = arith.constant 250 : i32
      %lt3A_174 = arith.cmpi slt, %add3A_150, %lt3A : i32
      %and3A_175 = arith.andi %eq3A_173, %lt3A_174 : i1
      %convert_element_type3A_176 = arith.extui %and3A_175 : i1 to i32
      %cond3A_177 = arith.constant 0 : i32
      %cond3A_178 = arith.cmpi ne, %convert_element_type3A_176, %cond3A_177 : i32
      scf.if %cond3A_178 {
        %rem3A_241 = arith.constant 2 : i32
        %rem3A_242 = arith.remsi %select_n3A_169, %rem3A_241 : i32
        %eq3A_243 = arith.constant 0 : i32
        %eq3A_244 = arith.cmpi eq, %rem3A_242, %eq3A_243 : i32
        %convert_element_type3A_245 = arith.extui %eq3A_244 : i1 to i32
        %cond3A_246 = arith.constant 0 : i32
        %cond3A_247 = arith.cmpi ne, %convert_element_type3A_245, %cond3A_246 : i32
        scf.if %cond3A_247 {
          %dma_wait3A_283 = arith.constant 0 : i32
          %dma_wait3A_284 = arith.constant 0 : i32
          %dma_wait3A_285 = tpu.memref_slice %arg2[%dma_wait3A_283, %dma_wait3A_284] : memref<2x128000xi32, #tpu.memory_space<hbm>> -> memref<1x800xi32, #tpu.memory_space<hbm>>
          %dma_wait3A_286 = tpu.memref_squeeze %dma_wait3A_285 : memref<1x800xi32, #tpu.memory_space<hbm>> -> memref<800xi32, #tpu.memory_space<hbm>>
          %dma_wait3A_287 = arith.constant 0 : i32
          %dma_wait3A_288 = tpu.memref_slice %arg2[%dma_wait3A_283, %dma_wait3A_287] : memref<2x128000xi32, #tpu.memory_space<hbm>> -> memref<1x800xi32, #tpu.memory_space<hbm>>
          %dma_wait3A_289 = tpu.memref_squeeze %dma_wait3A_288 : memref<1x800xi32, #tpu.memory_space<hbm>> -> memref<800xi32, #tpu.memory_space<hbm>>
          tpu.wait_dma2 semaphore(%arg27 : memref<!tpu.dma_semaphore, #tpu.memory_space<semaphore_mem>>) src(%dma_wait3A_289 : memref<800xi32, #tpu.memory_space<hbm>>) dst(%arg6 : memref<800xi32, #tpu.memory_space<vmem>>)
          %dma_wait3A_290 = arith.constant 0 : i32
          %dma_wait3A_291 = arith.constant 0 : i32
          %dma_wait3A_292 = tpu.memref_slice %arg2[%dma_wait3A_290, %dma_wait3A_291] : memref<2x128000xi32, #tpu.memory_space<hbm>> -> memref<1x800xi32, #tpu.memory_space<hbm>>
          %dma_wait3A_293 = tpu.memref_squeeze %dma_wait3A_292 : memref<1x800xi32, #tpu.memory_space<hbm>> -> memref<800xi32, #tpu.memory_space<hbm>>
          %dma_wait3A_294 = arith.constant 0 : i32
          %dma_wait3A_295 = tpu.memref_slice %arg2[%dma_wait3A_290, %dma_wait3A_294] : memref<2x128000xi32, #tpu.memory_space<hbm>> -> memref<1x800xi32, #tpu.memory_space<hbm>>
          %dma_wait3A_296 = tpu.memref_squeeze %dma_wait3A_295 : memref<1x800xi32, #tpu.memory_space<hbm>> -> memref<800xi32, #tpu.memory_space<hbm>>
          tpu.wait_dma2 semaphore(%arg27 : memref<!tpu.dma_semaphore, #tpu.memory_space<semaphore_mem>>) src(%dma_wait3A_296 : memref<800xi32, #tpu.memory_space<hbm>>) dst(%arg8 : memref<800xi32, #tpu.memory_space<vmem>>)
        } else {
        }
        %rem3A_248 = arith.constant 2 : i32
        %rem3A_249 = arith.remsi %select_n3A_169, %rem3A_248 : i32
        %eq3A_250 = arith.constant 1 : i32
        %eq3A_251 = arith.cmpi eq, %rem3A_249, %eq3A_250 : i32
        %convert_element_type3A_252 = arith.extui %eq3A_251 : i1 to i32
        %cond3A_253 = arith.constant 0 : i32
        %cond3A_254 = arith.cmpi ne, %convert_element_type3A_252, %cond3A_253 : i32
        scf.if %cond3A_254 {
          %dma_wait3A_283 = arith.constant 0 : i32
          %dma_wait3A_284 = arith.constant 0 : i32
          %dma_wait3A_285 = tpu.memref_slice %arg2[%dma_wait3A_283, %dma_wait3A_284] : memref<2x128000xi32, #tpu.memory_space<hbm>> -> memref<1x800xi32, #tpu.memory_space<hbm>>
          %dma_wait3A_286 = tpu.memref_squeeze %dma_wait3A_285 : memref<1x800xi32, #tpu.memory_space<hbm>> -> memref<800xi32, #tpu.memory_space<hbm>>
          %dma_wait3A_287 = arith.constant 0 : i32
          %dma_wait3A_288 = tpu.memref_slice %arg2[%dma_wait3A_283, %dma_wait3A_287] : memref<2x128000xi32, #tpu.memory_space<hbm>> -> memref<1x800xi32, #tpu.memory_space<hbm>>
          %dma_wait3A_289 = tpu.memref_squeeze %dma_wait3A_288 : memref<1x800xi32, #tpu.memory_space<hbm>> -> memref<800xi32, #tpu.memory_space<hbm>>
          tpu.wait_dma2 semaphore(%arg28 : memref<!tpu.dma_semaphore, #tpu.memory_space<semaphore_mem>>) src(%dma_wait3A_289 : memref<800xi32, #tpu.memory_space<hbm>>) dst(%arg7 : memref<800xi32, #tpu.memory_space<vmem>>)
          %dma_wait3A_290 = arith.constant 0 : i32
          %dma_wait3A_291 = arith.constant 0 : i32
          %dma_wait3A_292 = tpu.memref_slice %arg2[%dma_wait3A_290, %dma_wait3A_291] : memref<2x128000xi32, #tpu.memory_space<hbm>> -> memref<1x800xi32, #tpu.memory_space<hbm>>
          %dma_wait3A_293 = tpu.memref_squeeze %dma_wait3A_292 : memref<1x800xi32, #tpu.memory_space<hbm>> -> memref<800xi32, #tpu.memory_space<hbm>>
          %dma_wait3A_294 = arith.constant 0 : i32
          %dma_wait3A_295 = tpu.memref_slice %arg2[%dma_wait3A_290, %dma_wait3A_294] : memref<2x128000xi32, #tpu.memory_space<hbm>> -> memref<1x800xi32, #tpu.memory_space<hbm>>
          %dma_wait3A_296 = tpu.memref_squeeze %dma_wait3A_295 : memref<1x800xi32, #tpu.memory_space<hbm>> -> memref<800xi32, #tpu.memory_space<hbm>>
          tpu.wait_dma2 semaphore(%arg28 : memref<!tpu.dma_semaphore, #tpu.memory_space<semaphore_mem>>) src(%dma_wait3A_296 : memref<800xi32, #tpu.memory_space<hbm>>) dst(%arg9 : memref<800xi32, #tpu.memory_space<vmem>>)
        } else {
        }
        %add3A_255 = arith.constant 1 : i32
        %add3A_256 = arith.addi %select_n3A_169, %add3A_255 : i32
        %lt3A_257 = arith.constant 10 : i32
        %lt3A_258 = arith.cmpi slt, %add3A_256, %lt3A_257 : i32
        %add3A_259 = arith.constant 1 : i32
        %add3A_260 = arith.addi %select_n3A_169, %add3A_259 : i32
        %rem3A_261 = arith.constant 2 : i32
        %rem3A_262 = arith.remsi %add3A_260, %rem3A_261 : i32
        %eq3A_263 = arith.constant 0 : i32
        %eq3A_264 = arith.cmpi eq, %rem3A_262, %eq3A_263 : i32
        %and3A_265 = arith.andi %lt3A_258, %eq3A_264 : i1
        %convert_element_type3A_266 = arith.extui %and3A_265 : i1 to i32
        %cond3A_267 = arith.constant 0 : i32
        %cond3A_268 = arith.cmpi ne, %convert_element_type3A_266, %cond3A_267 : i32
        scf.if %cond3A_268 {
          %add3A_283 = arith.constant 1 : i32
          %add3A_284 = arith.addi %select_n3A_169, %add3A_283 : i32
          %sub3A_285 = arith.constant 1 : i32
          %sub3A_286 = arith.subi %sub3A_285, %arg0 : i32
          %mul3A_287 = arith.constant 800 : i32
          %mul3A_288 = arith.muli %add3A_284, %mul3A_287 : i32
          %add3A_289 = arith.addi %mul3A_3, %mul3A_288 : i32
          %dma_start3A_290 = tpu.memref_slice %arg2[%sub3A_286, %add3A_289] : memref<2x128000xi32, #tpu.memory_space<hbm>> -> memref<1x800xi32, #tpu.memory_space<hbm>>
          %dma_start3A_291 = tpu.memref_squeeze %dma_start3A_290 : memref<1x800xi32, #tpu.memory_space<hbm>> -> memref<800xi32, #tpu.memory_space<hbm>>
          %dma_start3A_292 = tpu.memref_slice %arg2[%sub3A_286, %add3A_289] : memref<2x128000xi32, #tpu.memory_space<hbm>> -> memref<1x800xi32, #tpu.memory_space<hbm>>
          %dma_start3A_293 = tpu.memref_squeeze %dma_start3A_292 : memref<1x800xi32, #tpu.memory_space<hbm>> -> memref<800xi32, #tpu.memory_space<hbm>>
          tpu.enqueue_dma source(%dma_start3A_293 : memref<800xi32, #tpu.memory_space<hbm>>) target(%arg6 : memref<800xi32, #tpu.memory_space<vmem>>) target_semaphore(%arg27 : memref<!tpu.dma_semaphore, #tpu.memory_space<semaphore_mem>>)
          %mul3A_294 = arith.constant 800 : i32
          %mul3A_295 = arith.muli %add3A_284, %mul3A_294 : i32
          %add3A_296 = arith.addi %mul3A_3, %mul3A_295 : i32
          %dma_start3A_297 = tpu.memref_slice %arg2[%arg0, %add3A_296] : memref<2x128000xi32, #tpu.memory_space<hbm>> -> memref<1x800xi32, #tpu.memory_space<hbm>>
          %dma_start3A_298 = tpu.memref_squeeze %dma_start3A_297 : memref<1x800xi32, #tpu.memory_space<hbm>> -> memref<800xi32, #tpu.memory_space<hbm>>
          %dma_start3A_299 = tpu.memref_slice %arg2[%arg0, %add3A_296] : memref<2x128000xi32, #tpu.memory_space<hbm>> -> memref<1x800xi32, #tpu.memory_space<hbm>>
          %dma_start3A_300 = tpu.memref_squeeze %dma_start3A_299 : memref<1x800xi32, #tpu.memory_space<hbm>> -> memref<800xi32, #tpu.memory_space<hbm>>
          tpu.enqueue_dma source(%dma_start3A_300 : memref<800xi32, #tpu.memory_space<hbm>>) target(%arg8 : memref<800xi32, #tpu.memory_space<vmem>>) target_semaphore(%arg27 : memref<!tpu.dma_semaphore, #tpu.memory_space<semaphore_mem>>)
        } else {
        }
        %add3A_269 = arith.constant 1 : i32
        %add3A_270 = arith.addi %select_n3A_169, %add3A_269 : i32
        %lt3A_271 = arith.constant 10 : i32
        %lt3A_272 = arith.cmpi slt, %add3A_270, %lt3A_271 : i32
        %add3A_273 = arith.constant 1 : i32
        %add3A_274 = arith.addi %select_n3A_169, %add3A_273 : i32
        %rem3A_275 = arith.constant 2 : i32
        %rem3A_276 = arith.remsi %add3A_274, %rem3A_275 : i32
        %eq3A_277 = arith.constant 1 : i32
        %eq3A_278 = arith.cmpi eq, %rem3A_276, %eq3A_277 : i32
        %and3A_279 = arith.andi %lt3A_272, %eq3A_278 : i1
        %convert_element_type3A_280 = arith.extui %and3A_279 : i1 to i32
        %cond3A_281 = arith.constant 0 : i32
        %cond3A_282 = arith.cmpi ne, %convert_element_type3A_280, %cond3A_281 : i32
        scf.if %cond3A_282 {
          %add3A_283 = arith.constant 1 : i32
          %add3A_284 = arith.addi %select_n3A_169, %add3A_283 : i32
          %sub3A_285 = arith.constant 1 : i32
          %sub3A_286 = arith.subi %sub3A_285, %arg0 : i32
          %mul3A_287 = arith.constant 800 : i32
          %mul3A_288 = arith.muli %add3A_284, %mul3A_287 : i32
          %add3A_289 = arith.addi %mul3A_3, %mul3A_288 : i32
          %dma_start3A_290 = tpu.memref_slice %arg2[%sub3A_286, %add3A_289] : memref<2x128000xi32, #tpu.memory_space<hbm>> -> memref<1x800xi32, #tpu.memory_space<hbm>>
          %dma_start3A_291 = tpu.memref_squeeze %dma_start3A_290 : memref<1x800xi32, #tpu.memory_space<hbm>> -> memref<800xi32, #tpu.memory_space<hbm>>
          %dma_start3A_292 = tpu.memref_slice %arg2[%sub3A_286, %add3A_289] : memref<2x128000xi32, #tpu.memory_space<hbm>> -> memref<1x800xi32, #tpu.memory_space<hbm>>
          %dma_start3A_293 = tpu.memref_squeeze %dma_start3A_292 : memref<1x800xi32, #tpu.memory_space<hbm>> -> memref<800xi32, #tpu.memory_space<hbm>>
          tpu.enqueue_dma source(%dma_start3A_293 : memref<800xi32, #tpu.memory_space<hbm>>) target(%arg7 : memref<800xi32, #tpu.memory_space<vmem>>) target_semaphore(%arg28 : memref<!tpu.dma_semaphore, #tpu.memory_space<semaphore_mem>>)
          %mul3A_294 = arith.constant 800 : i32
          %mul3A_295 = arith.muli %add3A_284, %mul3A_294 : i32
          %add3A_296 = arith.addi %mul3A_3, %mul3A_295 : i32
          %dma_start3A_297 = tpu.memref_slice %arg2[%arg0, %add3A_296] : memref<2x128000xi32, #tpu.memory_space<hbm>> -> memref<1x800xi32, #tpu.memory_space<hbm>>
          %dma_start3A_298 = tpu.memref_squeeze %dma_start3A_297 : memref<1x800xi32, #tpu.memory_space<hbm>> -> memref<800xi32, #tpu.memory_space<hbm>>
          %dma_start3A_299 = tpu.memref_slice %arg2[%arg0, %add3A_296] : memref<2x128000xi32, #tpu.memory_space<hbm>> -> memref<1x800xi32, #tpu.memory_space<hbm>>
          %dma_start3A_300 = tpu.memref_squeeze %dma_start3A_299 : memref<1x800xi32, #tpu.memory_space<hbm>> -> memref<800xi32, #tpu.memory_space<hbm>>
          tpu.enqueue_dma source(%dma_start3A_300 : memref<800xi32, #tpu.memory_space<hbm>>) target(%arg9 : memref<800xi32, #tpu.memory_space<vmem>>) target_semaphore(%arg28 : memref<!tpu.dma_semaphore, #tpu.memory_space<semaphore_mem>>)
        } else {
        }
      } else {
      }
      %rem3A_179 = arith.constant 2 : i32
      %rem3A_180 = arith.remsi %select_n3A_169, %rem3A_179 : i32
      %rem3A_181 = arith.constant 2 : i32
      %rem3A_182 = arith.remsi %add3A_150, %rem3A_181 : i32
      %lt3A_183 = arith.constant 250 : i32
      %lt3A_184 = arith.cmpi slt, %add3A_150, %lt3A_183 : i32
      %eq3A_185 = arith.constant 0 : i32
      %eq3A_186 = arith.cmpi eq, %rem3A_180, %eq3A_185 : i32
      %eq3A_187 = arith.constant 0 : i32
      %eq3A_188 = arith.cmpi eq, %rem3A_182, %eq3A_187 : i32
      %and3A_189 = arith.andi %eq3A_186, %eq3A_188 : i1
      %and3A_190 = arith.andi %lt3A_184, %and3A_189 : i1
      %convert_element_type3A_191 = arith.extui %and3A_190 : i1 to i32
      %cond3A_192 = arith.constant 0 : i32
      %cond3A_193 = arith.cmpi ne, %convert_element_type3A_191, %cond3A_192 : i32
      scf.if %cond3A_193 {
        %ge3A_241 = arith.constant 2 : i32
        %ge3A_242 = arith.cmpi sge, %add3A_150, %ge3A_241 : i32
        %convert_element_type3A_243 = arith.extui %ge3A_242 : i1 to i32
        %cond3A_244 = arith.constant 0 : i32
        %cond3A_245 = arith.cmpi ne, %convert_element_type3A_243, %cond3A_244 : i32
        scf.if %cond3A_245 {
          %dma_wait3A_311 = arith.constant 0 : i32
          %dma_wait3A_312 = arith.constant 0 : i32
          %dma_wait3A_313 = tpu.memref_slice %arg20[%dma_wait3A_311, %dma_wait3A_312] : memref<10000x144xf32, #tpu.memory_space<vmem_shared>> -> memref<10000x144xf32, #tpu.memory_space<vmem_shared>>
          tpu.wait_indirect_dma semaphore(%arg25 : memref<!tpu.dma_semaphore, #tpu.memory_space<semaphore_mem>>) src(%arg18 : memref<32x144xf32, #tpu.memory_space<vmem>>) dst(%dma_wait3A_313 : memref<10000x144xf32, #tpu.memory_space<vmem_shared>>)
        } else {
        }
        %rem3A_246 = arith.constant 25 : i32
        %rem3A_247 = arith.remsi %add3A_150, %rem3A_246 : i32
        %mul3A_248 = arith.constant 32 : i32
        %mul3A_249 = arith.muli %rem3A_247, %mul3A_248 : i32
        %add3A_250 = arith.constant 0 : i32
        %add3A_251 = arith.addi %mul3A_249, %add3A_250 : i32
        %get3A_252 = arith.index_cast %add3A_251 : i32 to index
        %get3A_253 = tpu.vector_load %arg6[%get3A_252] {strides = array<i32>} : memref<800xi32, #tpu.memory_space<vmem>>, vector<16xi32>,
        %get3A_254 = vector.shape_cast %get3A_253 : vector<16xi32> to vector<16xi32>
        %swap3A_255 = arith.constant 0 : index
        %swap3A_256 = tpu.vector_load %arg10[%swap3A_255] {strides = array<i32>} : memref<32xi32, #tpu.memory_space<vmem>>, vector<16xi32>,
        %swap3A_257 = vector.shape_cast %swap3A_256 : vector<16xi32> to vector<16xi32>
        %swap3A_258 = vector.shape_cast %get3A_254 : vector<16xi32> to vector<16xi32>
        tpu.vector_store %arg10[%swap3A_255], %swap3A_258 {strides = array<i32>} : memref<32xi32, #tpu.memory_space<vmem>>, vector<16xi32>,
        %add3A_259 = vector.broadcast %mul3A_0 : i32 to vector<16xi32>
        %add3A_260 = arith.addi %get3A_254, %add3A_259 : vector<16xi32>
        %swap3A_261 = arith.constant 0 : index
        %swap3A_262 = tpu.vector_load %arg12[%swap3A_261] {strides = array<i32>} : memref<64xi32, #tpu.memory_space<vmem>>, vector<16xi32>,
        %swap3A_263 = vector.shape_cast %swap3A_262 : vector<16xi32> to vector<16xi32>
        %swap3A_264 = vector.shape_cast %add3A_260 : vector<16xi32> to vector<16xi32>
        tpu.vector_store %arg12[%swap3A_261], %swap3A_264 {strides = array<i32>} : memref<64xi32, #tpu.memory_space<vmem>>, vector<16xi32>,
        %get3A_265 = arith.index_cast %add3A_251 : i32 to index
        %get3A_266 = tpu.vector_load %arg8[%get3A_265] {strides = array<i32>} : memref<800xi32, #tpu.memory_space<vmem>>, vector<16xi32>,
        %get3A_267 = vector.shape_cast %get3A_266 : vector<16xi32> to vector<16xi32>
        %add3A_268 = vector.broadcast %add3A_1 : i32 to vector<16xi32>
        %add3A_269 = arith.addi %get3A_267, %add3A_268 : vector<16xi32>
        %swap3A_270 = arith.constant 32 : index
        %swap3A_271 = tpu.vector_load %arg12[%swap3A_270] {strides = array<i32>} : memref<64xi32, #tpu.memory_space<vmem>>, vector<16xi32>,
        %swap3A_272 = vector.shape_cast %swap3A_271 : vector<16xi32> to vector<16xi32>
        %swap3A_273 = vector.shape_cast %add3A_269 : vector<16xi32> to vector<16xi32>
        tpu.vector_store %arg12[%swap3A_270], %swap3A_273 {strides = array<i32>} : memref<64xi32, #tpu.memory_space<vmem>>, vector<16xi32>,
        %add3A_274 = arith.constant 16 : i32
        %add3A_275 = arith.addi %mul3A_249, %add3A_274 : i32
        %get3A_276 = arith.index_cast %add3A_275 : i32 to index
        %get3A_277 = tpu.vector_load %arg6[%get3A_276] {strides = array<i32>} : memref<800xi32, #tpu.memory_space<vmem>>, vector<16xi32>,
        %get3A_278 = vector.shape_cast %get3A_277 : vector<16xi32> to vector<16xi32>
        %swap3A_279 = arith.constant 16 : index
        %swap3A_280 = tpu.vector_load %arg10[%swap3A_279] {strides = array<i32>} : memref<32xi32, #tpu.memory_space<vmem>>, vector<16xi32>,
        %swap3A_281 = vector.shape_cast %swap3A_280 : vector<16xi32> to vector<16xi32>
        %swap3A_282 = vector.shape_cast %get3A_278 : vector<16xi32> to vector<16xi32>
        tpu.vector_store %arg10[%swap3A_279], %swap3A_282 {strides = array<i32>} : memref<32xi32, #tpu.memory_space<vmem>>, vector<16xi32>,
        %add3A_283 = vector.broadcast %mul3A_0 : i32 to vector<16xi32>
        %add3A_284 = arith.addi %get3A_278, %add3A_283 : vector<16xi32>
        %swap3A_285 = arith.constant 16 : index
        %swap3A_286 = tpu.vector_load %arg12[%swap3A_285] {strides = array<i32>} : memref<64xi32, #tpu.memory_space<vmem>>, vector<16xi32>,
        %swap3A_287 = vector.shape_cast %swap3A_286 : vector<16xi32> to vector<16xi32>
        %swap3A_288 = vector.shape_cast %add3A_284 : vector<16xi32> to vector<16xi32>
        tpu.vector_store %arg12[%swap3A_285], %swap3A_288 {strides = array<i32>} : memref<64xi32, #tpu.memory_space<vmem>>, vector<16xi32>,
        %get3A_289 = arith.index_cast %add3A_275 : i32 to index
        %get3A_290 = tpu.vector_load %arg8[%get3A_289] {strides = array<i32>} : memref<800xi32, #tpu.memory_space<vmem>>, vector<16xi32>,
        %get3A_291 = vector.shape_cast %get3A_290 : vector<16xi32> to vector<16xi32>
        %add3A_292 = vector.broadcast %add3A_1 : i32 to vector<16xi32>
        %add3A_293 = arith.addi %get3A_291, %add3A_292 : vector<16xi32>
        %swap3A_294 = arith.constant 48 : index
        %swap3A_295 = tpu.vector_load %arg12[%swap3A_294] {strides = array<i32>} : memref<64xi32, #tpu.memory_space<vmem>>, vector<16xi32>,
        %swap3A_296 = vector.shape_cast %swap3A_295 : vector<16xi32> to vector<16xi32>
        %swap3A_297 = vector.shape_cast %add3A_293 : vector<16xi32> to vector<16xi32>
        tpu.vector_store %arg12[%swap3A_294], %swap3A_297 {strides = array<i32>} : memref<64xi32, #tpu.memory_space<vmem>>, vector<16xi32>,
        %dma_start3A_298 = arith.constant 0 : i32
        %dma_start3A_299 = arith.constant 0 : i32
        %dma_start3A_300 = tpu.memref_slice %arg3[%dma_start3A_298, %dma_start3A_299] : memref<40000x128xf32, #tpu.memory_space<hbm>> -> memref<40000x128xf32, #tpu.memory_space<hbm>>
        tpu.enqueue_indirect_dma source(%dma_start3A_300 : memref<40000x128xf32, #tpu.memory_space<hbm>>) target(%arg14 : memref<64x128xf32, #tpu.memory_space<vmem>>) offsets(%arg12 : memref<64xi32, #tpu.memory_space<vmem>>) semaphore(%arg21 : memref<!tpu.dma_semaphore, #tpu.memory_space<semaphore_mem>>)
        %mul3A_301 = arith.constant 128000 : i32
        %mul3A_302 = arith.muli %arg0, %mul3A_301 : i32
        %add3A_303 = arith.addi %mul3A_302, %mul3A_3 : i32
        %mul3A_304 = arith.constant 32 : i32
        %mul3A_305 = arith.muli %add3A_150, %mul3A_304 : i32
        %add3A_306 = arith.addi %add3A_303, %mul3A_305 : i32
        %dma_start3A_307 = arith.constant 0 : i32
        %dma_start3A_308 = tpu.memref_slice %arg4[%add3A_306, %dma_start3A_307] : memref<256000x128xf32, #tpu.memory_space<hbm>> -> memref<32x128xf32, #tpu.memory_space<hbm>>
        %dma_start3A_309 = arith.constant 0 : i32
        %dma_start3A_310 = tpu.memref_slice %arg4[%add3A_306, %dma_start3A_309] : memref<256000x128xf32, #tpu.memory_space<hbm>> -> memref<32x128xf32, #tpu.memory_space<hbm>>
        tpu.enqueue_dma source(%dma_start3A_310 : memref<32x128xf32, #tpu.memory_space<hbm>>) target(%arg16 : memref<32x128xf32, #tpu.memory_space<vmem>>) target_semaphore(%arg23 : memref<!tpu.dma_semaphore, #tpu.memory_space<semaphore_mem>>)
      } else {
      }
      %lt3A_194 = arith.constant 250 : i32
      %lt3A_195 = arith.cmpi slt, %add3A_150, %lt3A_194 : i32
      %eq3A_196 = arith.constant 0 : i32
      %eq3A_197 = arith.cmpi eq, %rem3A_180, %eq3A_196 : i32
      %eq3A_198 = arith.constant 1 : i32
      %eq3A_199 = arith.cmpi eq, %rem3A_182, %eq3A_198 : i32
      %and3A_200 = arith.andi %eq3A_197, %eq3A_199 : i1
      %and3A_201 = arith.andi %lt3A_195, %and3A_200 : i1
      %convert_element_type3A_202 = arith.extui %and3A_201 : i1 to i32
      %cond3A_203 = arith.constant 0 : i32
      %cond3A_204 = arith.cmpi ne, %convert_element_type3A_202, %cond3A_203 : i32
      scf.if %cond3A_204 {
        %ge3A_241 = arith.constant 2 : i32
        %ge3A_242 = arith.cmpi sge, %add3A_150, %ge3A_241 : i32
        %convert_element_type3A_243 = arith.extui %ge3A_242 : i1 to i32
        %cond3A_244 = arith.constant 0 : i32
        %cond3A_245 = arith.cmpi ne, %convert_element_type3A_243, %cond3A_244 : i32
        scf.if %cond3A_245 {
          %dma_wait3A_311 = arith.constant 0 : i32
          %dma_wait3A_312 = arith.constant 0 : i32
          %dma_wait3A_313 = tpu.memref_slice %arg20[%dma_wait3A_311, %dma_wait3A_312] : memref<10000x144xf32, #tpu.memory_space<vmem_shared>> -> memref<10000x144xf32, #tpu.memory_space<vmem_shared>>
          tpu.wait_indirect_dma semaphore(%arg26 : memref<!tpu.dma_semaphore, #tpu.memory_space<semaphore_mem>>) src(%arg19 : memref<32x144xf32, #tpu.memory_space<vmem>>) dst(%dma_wait3A_313 : memref<10000x144xf32, #tpu.memory_space<vmem_shared>>)
        } else {
        }
        %rem3A_246 = arith.constant 25 : i32
        %rem3A_247 = arith.remsi %add3A_150, %rem3A_246 : i32
        %mul3A_248 = arith.constant 32 : i32
        %mul3A_249 = arith.muli %rem3A_247, %mul3A_248 : i32
        %add3A_250 = arith.constant 0 : i32
        %add3A_251 = arith.addi %mul3A_249, %add3A_250 : i32
        %get3A_252 = arith.index_cast %add3A_251 : i32 to index
        %get3A_253 = tpu.vector_load %arg6[%get3A_252] {strides = array<i32>} : memref<800xi32, #tpu.memory_space<vmem>>, vector<16xi32>,
        %get3A_254 = vector.shape_cast %get3A_253 : vector<16xi32> to vector<16xi32>
        %swap3A_255 = arith.constant 0 : index
        %swap3A_256 = tpu.vector_load %arg11[%swap3A_255] {strides = array<i32>} : memref<32xi32, #tpu.memory_space<vmem>>, vector<16xi32>,
        %swap3A_257 = vector.shape_cast %swap3A_256 : vector<16xi32> to vector<16xi32>
        %swap3A_258 = vector.shape_cast %get3A_254 : vector<16xi32> to vector<16xi32>
        tpu.vector_store %arg11[%swap3A_255], %swap3A_258 {strides = array<i32>} : memref<32xi32, #tpu.memory_space<vmem>>, vector<16xi32>,
        %add3A_259 = vector.broadcast %mul3A_0 : i32 to vector<16xi32>
        %add3A_260 = arith.addi %get3A_254, %add3A_259 : vector<16xi32>
        %swap3A_261 = arith.constant 0 : index
        %swap3A_262 = tpu.vector_load %arg13[%swap3A_261] {strides = array<i32>} : memref<64xi32, #tpu.memory_space<vmem>>, vector<16xi32>,
        %swap3A_263 = vector.shape_cast %swap3A_262 : vector<16xi32> to vector<16xi32>
        %swap3A_264 = vector.shape_cast %add3A_260 : vector<16xi32> to vector<16xi32>
        tpu.vector_store %arg13[%swap3A_261], %swap3A_264 {strides = array<i32>} : memref<64xi32, #tpu.memory_space<vmem>>, vector<16xi32>,
        %get3A_265 = arith.index_cast %add3A_251 : i32 to index
        %get3A_266 = tpu.vector_load %arg8[%get3A_265] {strides = array<i32>} : memref<800xi32, #tpu.memory_space<vmem>>, vector<16xi32>,
        %get3A_267 = vector.shape_cast %get3A_266 : vector<16xi32> to vector<16xi32>
        %add3A_268 = vector.broadcast %add3A_1 : i32 to vector<16xi32>
        %add3A_269 = arith.addi %get3A_267, %add3A_268 : vector<16xi32>
        %swap3A_270 = arith.constant 32 : index
        %swap3A_271 = tpu.vector_load %arg13[%swap3A_270] {strides = array<i32>} : memref<64xi32, #tpu.memory_space<vmem>>, vector<16xi32>,
        %swap3A_272 = vector.shape_cast %swap3A_271 : vector<16xi32> to vector<16xi32>
        %swap3A_273 = vector.shape_cast %add3A_269 : vector<16xi32> to vector<16xi32>
        tpu.vector_store %arg13[%swap3A_270], %swap3A_273 {strides = array<i32>} : memref<64xi32, #tpu.memory_space<vmem>>, vector<16xi32>,
        %add3A_274 = arith.constant 16 : i32
        %add3A_275 = arith.addi %mul3A_249, %add3A_274 : i32
        %get3A_276 = arith.index_cast %add3A_275 : i32 to index
        %get3A_277 = tpu.vector_load %arg6[%get3A_276] {strides = array<i32>} : memref<800xi32, #tpu.memory_space<vmem>>, vector<16xi32>,
        %get3A_278 = vector.shape_cast %get3A_277 : vector<16xi32> to vector<16xi32>
        %swap3A_279 = arith.constant 16 : index
        %swap3A_280 = tpu.vector_load %arg11[%swap3A_279] {strides = array<i32>} : memref<32xi32, #tpu.memory_space<vmem>>, vector<16xi32>,
        %swap3A_281 = vector.shape_cast %swap3A_280 : vector<16xi32> to vector<16xi32>
        %swap3A_282 = vector.shape_cast %get3A_278 : vector<16xi32> to vector<16xi32>
        tpu.vector_store %arg11[%swap3A_279], %swap3A_282 {strides = array<i32>} : memref<32xi32, #tpu.memory_space<vmem>>, vector<16xi32>,
        %add3A_283 = vector.broadcast %mul3A_0 : i32 to vector<16xi32>
        %add3A_284 = arith.addi %get3A_278, %add3A_283 : vector<16xi32>
        %swap3A_285 = arith.constant 16 : index
        %swap3A_286 = tpu.vector_load %arg13[%swap3A_285] {strides = array<i32>} : memref<64xi32, #tpu.memory_space<vmem>>, vector<16xi32>,
        %swap3A_287 = vector.shape_cast %swap3A_286 : vector<16xi32> to vector<16xi32>
        %swap3A_288 = vector.shape_cast %add3A_284 : vector<16xi32> to vector<16xi32>
        tpu.vector_store %arg13[%swap3A_285], %swap3A_288 {strides = array<i32>} : memref<64xi32, #tpu.memory_space<vmem>>, vector<16xi32>,
        %get3A_289 = arith.index_cast %add3A_275 : i32 to index
        %get3A_290 = tpu.vector_load %arg8[%get3A_289] {strides = array<i32>} : memref<800xi32, #tpu.memory_space<vmem>>, vector<16xi32>,
        %get3A_291 = vector.shape_cast %get3A_290 : vector<16xi32> to vector<16xi32>
        %add3A_292 = vector.broadcast %add3A_1 : i32 to vector<16xi32>
        %add3A_293 = arith.addi %get3A_291, %add3A_292 : vector<16xi32>
        %swap3A_294 = arith.constant 48 : index
        %swap3A_295 = tpu.vector_load %arg13[%swap3A_294] {strides = array<i32>} : memref<64xi32, #tpu.memory_space<vmem>>, vector<16xi32>,
        %swap3A_296 = vector.shape_cast %swap3A_295 : vector<16xi32> to vector<16xi32>
        %swap3A_297 = vector.shape_cast %add3A_293 : vector<16xi32> to vector<16xi32>
        tpu.vector_store %arg13[%swap3A_294], %swap3A_297 {strides = array<i32>} : memref<64xi32, #tpu.memory_space<vmem>>, vector<16xi32>,
        %dma_start3A_298 = arith.constant 0 : i32
        %dma_start3A_299 = arith.constant 0 : i32
        %dma_start3A_300 = tpu.memref_slice %arg3[%dma_start3A_298, %dma_start3A_299] : memref<40000x128xf32, #tpu.memory_space<hbm>> -> memref<40000x128xf32, #tpu.memory_space<hbm>>
        tpu.enqueue_indirect_dma source(%dma_start3A_300 : memref<40000x128xf32, #tpu.memory_space<hbm>>) target(%arg15 : memref<64x128xf32, #tpu.memory_space<vmem>>) offsets(%arg13 : memref<64xi32, #tpu.memory_space<vmem>>) semaphore(%arg22 : memref<!tpu.dma_semaphore, #tpu.memory_space<semaphore_mem>>)
        %mul3A_301 = arith.constant 128000 : i32
        %mul3A_302 = arith.muli %arg0, %mul3A_301 : i32
        %add3A_303 = arith.addi %mul3A_302, %mul3A_3 : i32
        %mul3A_304 = arith.constant 32 : i32
        %mul3A_305 = arith.muli %add3A_150, %mul3A_304 : i32
        %add3A_306 = arith.addi %add3A_303, %mul3A_305 : i32
        %dma_start3A_307 = arith.constant 0 : i32
        %dma_start3A_308 = tpu.memref_slice %arg4[%add3A_306, %dma_start3A_307] : memref<256000x128xf32, #tpu.memory_space<hbm>> -> memref<32x128xf32, #tpu.memory_space<hbm>>
        %dma_start3A_309 = arith.constant 0 : i32
        %dma_start3A_310 = tpu.memref_slice %arg4[%add3A_306, %dma_start3A_309] : memref<256000x128xf32, #tpu.memory_space<hbm>> -> memref<32x128xf32, #tpu.memory_space<hbm>>
        tpu.enqueue_dma source(%dma_start3A_310 : memref<32x128xf32, #tpu.memory_space<hbm>>) target(%arg17 : memref<32x128xf32, #tpu.memory_space<vmem>>) target_semaphore(%arg24 : memref<!tpu.dma_semaphore, #tpu.memory_space<semaphore_mem>>)
      } else {
      }
      %lt3A_205 = arith.constant 250 : i32
      %lt3A_206 = arith.cmpi slt, %add3A_150, %lt3A_205 : i32
      %eq3A_207 = arith.constant 1 : i32
      %eq3A_208 = arith.cmpi eq, %rem3A_180, %eq3A_207 : i32
      %eq3A_209 = arith.constant 0 : i32
      %eq3A_210 = arith.cmpi eq, %rem3A_182, %eq3A_209 : i32
      %and3A_211 = arith.andi %eq3A_208, %eq3A_210 : i1
      %and3A_212 = arith.andi %lt3A_206, %and3A_211 : i1
      %convert_element_type3A_213 = arith.extui %and3A_212 : i1 to i32
      %cond3A_214 = arith.constant 0 : i32
      %cond3A_215 = arith.cmpi ne, %convert_element_type3A_213, %cond3A_214 : i32
      scf.if %cond3A_215 {
        %ge3A_241 = arith.constant 2 : i32
        %ge3A_242 = arith.cmpi sge, %add3A_150, %ge3A_241 : i32
        %convert_element_type3A_243 = arith.extui %ge3A_242 : i1 to i32
        %cond3A_244 = arith.constant 0 : i32
        %cond3A_245 = arith.cmpi ne, %convert_element_type3A_243, %cond3A_244 : i32
        scf.if %cond3A_245 {
          %dma_wait3A_311 = arith.constant 0 : i32
          %dma_wait3A_312 = arith.constant 0 : i32
          %dma_wait3A_313 = tpu.memref_slice %arg20[%dma_wait3A_311, %dma_wait3A_312] : memref<10000x144xf32, #tpu.memory_space<vmem_shared>> -> memref<10000x144xf32, #tpu.memory_space<vmem_shared>>
          tpu.wait_indirect_dma semaphore(%arg25 : memref<!tpu.dma_semaphore, #tpu.memory_space<semaphore_mem>>) src(%arg18 : memref<32x144xf32, #tpu.memory_space<vmem>>) dst(%dma_wait3A_313 : memref<10000x144xf32, #tpu.memory_space<vmem_shared>>)
        } else {
        }
        %rem3A_246 = arith.constant 25 : i32
        %rem3A_247 = arith.remsi %add3A_150, %rem3A_246 : i32
        %mul3A_248 = arith.constant 32 : i32
        %mul3A_249 = arith.muli %rem3A_247, %mul3A_248 : i32
        %add3A_250 = arith.constant 0 : i32
        %add3A_251 = arith.addi %mul3A_249, %add3A_250 : i32
        %get3A_252 = arith.index_cast %add3A_251 : i32 to index
        %get3A_253 = tpu.vector_load %arg7[%get3A_252] {strides = array<i32>} : memref<800xi32, #tpu.memory_space<vmem>>, vector<16xi32>,
        %get3A_254 = vector.shape_cast %get3A_253 : vector<16xi32> to vector<16xi32>
        %swap3A_255 = arith.constant 0 : index
        %swap3A_256 = tpu.vector_load %arg10[%swap3A_255] {strides = array<i32>} : memref<32xi32, #tpu.memory_space<vmem>>, vector<16xi32>,
        %swap3A_257 = vector.shape_cast %swap3A_256 : vector<16xi32> to vector<16xi32>
        %swap3A_258 = vector.shape_cast %get3A_254 : vector<16xi32> to vector<16xi32>
        tpu.vector_store %arg10[%swap3A_255], %swap3A_258 {strides = array<i32>} : memref<32xi32, #tpu.memory_space<vmem>>, vector<16xi32>,
        %add3A_259 = vector.broadcast %mul3A_0 : i32 to vector<16xi32>
        %add3A_260 = arith.addi %get3A_254, %add3A_259 : vector<16xi32>
        %swap3A_261 = arith.constant 0 : index
        %swap3A_262 = tpu.vector_load %arg12[%swap3A_261] {strides = array<i32>} : memref<64xi32, #tpu.memory_space<vmem>>, vector<16xi32>,
        %swap3A_263 = vector.shape_cast %swap3A_262 : vector<16xi32> to vector<16xi32>
        %swap3A_264 = vector.shape_cast %add3A_260 : vector<16xi32> to vector<16xi32>
        tpu.vector_store %arg12[%swap3A_261], %swap3A_264 {strides = array<i32>} : memref<64xi32, #tpu.memory_space<vmem>>, vector<16xi32>,
        %get3A_265 = arith.index_cast %add3A_251 : i32 to index
        %get3A_266 = tpu.vector_load %arg9[%get3A_265] {strides = array<i32>} : memref<800xi32, #tpu.memory_space<vmem>>, vector<16xi32>,
        %get3A_267 = vector.shape_cast %get3A_266 : vector<16xi32> to vector<16xi32>
        %add3A_268 = vector.broadcast %add3A_1 : i32 to vector<16xi32>
        %add3A_269 = arith.addi %get3A_267, %add3A_268 : vector<16xi32>
        %swap3A_270 = arith.constant 32 : index
        %swap3A_271 = tpu.vector_load %arg12[%swap3A_270] {strides = array<i32>} : memref<64xi32, #tpu.memory_space<vmem>>, vector<16xi32>,
        %swap3A_272 = vector.shape_cast %swap3A_271 : vector<16xi32> to vector<16xi32>
        %swap3A_273 = vector.shape_cast %add3A_269 : vector<16xi32> to vector<16xi32>
        tpu.vector_store %arg12[%swap3A_270], %swap3A_273 {strides = array<i32>} : memref<64xi32, #tpu.memory_space<vmem>>, vector<16xi32>,
        %add3A_274 = arith.constant 16 : i32
        %add3A_275 = arith.addi %mul3A_249, %add3A_274 : i32
        %get3A_276 = arith.index_cast %add3A_275 : i32 to index
        %get3A_277 = tpu.vector_load %arg7[%get3A_276] {strides = array<i32>} : memref<800xi32, #tpu.memory_space<vmem>>, vector<16xi32>,
        %get3A_278 = vector.shape_cast %get3A_277 : vector<16xi32> to vector<16xi32>
        %swap3A_279 = arith.constant 16 : index
        %swap3A_280 = tpu.vector_load %arg10[%swap3A_279] {strides = array<i32>} : memref<32xi32, #tpu.memory_space<vmem>>, vector<16xi32>,
        %swap3A_281 = vector.shape_cast %swap3A_280 : vector<16xi32> to vector<16xi32>
        %swap3A_282 = vector.shape_cast %get3A_278 : vector<16xi32> to vector<16xi32>
        tpu.vector_store %arg10[%swap3A_279], %swap3A_282 {strides = array<i32>} : memref<32xi32, #tpu.memory_space<vmem>>, vector<16xi32>,
        %add3A_283 = vector.broadcast %mul3A_0 : i32 to vector<16xi32>
        %add3A_284 = arith.addi %get3A_278, %add3A_283 : vector<16xi32>
        %swap3A_285 = arith.constant 16 : index
        %swap3A_286 = tpu.vector_load %arg12[%swap3A_285] {strides = array<i32>} : memref<64xi32, #tpu.memory_space<vmem>>, vector<16xi32>,
        %swap3A_287 = vector.shape_cast %swap3A_286 : vector<16xi32> to vector<16xi32>
        %swap3A_288 = vector.shape_cast %add3A_284 : vector<16xi32> to vector<16xi32>
        tpu.vector_store %arg12[%swap3A_285], %swap3A_288 {strides = array<i32>} : memref<64xi32, #tpu.memory_space<vmem>>, vector<16xi32>,
        %get3A_289 = arith.index_cast %add3A_275 : i32 to index
        %get3A_290 = tpu.vector_load %arg9[%get3A_289] {strides = array<i32>} : memref<800xi32, #tpu.memory_space<vmem>>, vector<16xi32>,
        %get3A_291 = vector.shape_cast %get3A_290 : vector<16xi32> to vector<16xi32>
        %add3A_292 = vector.broadcast %add3A_1 : i32 to vector<16xi32>
        %add3A_293 = arith.addi %get3A_291, %add3A_292 : vector<16xi32>
        %swap3A_294 = arith.constant 48 : index
        %swap3A_295 = tpu.vector_load %arg12[%swap3A_294] {strides = array<i32>} : memref<64xi32, #tpu.memory_space<vmem>>, vector<16xi32>,
        %swap3A_296 = vector.shape_cast %swap3A_295 : vector<16xi32> to vector<16xi32>
        %swap3A_297 = vector.shape_cast %add3A_293 : vector<16xi32> to vector<16xi32>
        tpu.vector_store %arg12[%swap3A_294], %swap3A_297 {strides = array<i32>} : memref<64xi32, #tpu.memory_space<vmem>>, vector<16xi32>,
        %dma_start3A_298 = arith.constant 0 : i32
        %dma_start3A_299 = arith.constant 0 : i32
        %dma_start3A_300 = tpu.memref_slice %arg3[%dma_start3A_298, %dma_start3A_299] : memref<40000x128xf32, #tpu.memory_space<hbm>> -> memref<40000x128xf32, #tpu.memory_space<hbm>>
        tpu.enqueue_indirect_dma source(%dma_start3A_300 : memref<40000x128xf32, #tpu.memory_space<hbm>>) target(%arg14 : memref<64x128xf32, #tpu.memory_space<vmem>>) offsets(%arg12 : memref<64xi32, #tpu.memory_space<vmem>>) semaphore(%arg21 : memref<!tpu.dma_semaphore, #tpu.memory_space<semaphore_mem>>)
        %mul3A_301 = arith.constant 128000 : i32
        %mul3A_302 = arith.muli %arg0, %mul3A_301 : i32
        %add3A_303 = arith.addi %mul3A_302, %mul3A_3 : i32
        %mul3A_304 = arith.constant 32 : i32
        %mul3A_305 = arith.muli %add3A_150, %mul3A_304 : i32
        %add3A_306 = arith.addi %add3A_303, %mul3A_305 : i32
        %dma_start3A_307 = arith.constant 0 : i32
        %dma_start3A_308 = tpu.memref_slice %arg4[%add3A_306, %dma_start3A_307] : memref<256000x128xf32, #tpu.memory_space<hbm>> -> memref<32x128xf32, #tpu.memory_space<hbm>>
        %dma_start3A_309 = arith.constant 0 : i32
        %dma_start3A_310 = tpu.memref_slice %arg4[%add3A_306, %dma_start3A_309] : memref<256000x128xf32, #tpu.memory_space<hbm>> -> memref<32x128xf32, #tpu.memory_space<hbm>>
        tpu.enqueue_dma source(%dma_start3A_310 : memref<32x128xf32, #tpu.memory_space<hbm>>) target(%arg16 : memref<32x128xf32, #tpu.memory_space<vmem>>) target_semaphore(%arg23 : memref<!tpu.dma_semaphore, #tpu.memory_space<semaphore_mem>>)
      } else {
      }
      %lt3A_216 = arith.constant 250 : i32
      %lt3A_217 = arith.cmpi slt, %add3A_150, %lt3A_216 : i32
      %eq3A_218 = arith.constant 1 : i32
      %eq3A_219 = arith.cmpi eq, %rem3A_180, %eq3A_218 : i32
      %eq3A_220 = arith.constant 1 : i32
      %eq3A_221 = arith.cmpi eq, %rem3A_182, %eq3A_220 : i32
      %and3A_222 = arith.andi %eq3A_219, %eq3A_221 : i1
      %and3A_223 = arith.andi %lt3A_217, %and3A_222 : i1
      %convert_element_type3A_224 = arith.extui %and3A_223 : i1 to i32
      %cond3A_225 = arith.constant 0 : i32
      %cond3A_226 = arith.cmpi ne, %convert_element_type3A_224, %cond3A_225 : i32
      scf.if %cond3A_226 {
        %ge3A_241 = arith.constant 2 : i32
        %ge3A_242 = arith.cmpi sge, %add3A_150, %ge3A_241 : i32
        %convert_element_type3A_243 = arith.extui %ge3A_242 : i1 to i32
        %cond3A_244 = arith.constant 0 : i32
        %cond3A_245 = arith.cmpi ne, %convert_element_type3A_243, %cond3A_244 : i32
        scf.if %cond3A_245 {
          %dma_wait3A_311 = arith.constant 0 : i32
          %dma_wait3A_312 = arith.constant 0 : i32
          %dma_wait3A_313 = tpu.memref_slice %arg20[%dma_wait3A_311, %dma_wait3A_312] : memref<10000x144xf32, #tpu.memory_space<vmem_shared>> -> memref<10000x144xf32, #tpu.memory_space<vmem_shared>>
          tpu.wait_indirect_dma semaphore(%arg26 : memref<!tpu.dma_semaphore, #tpu.memory_space<semaphore_mem>>) src(%arg19 : memref<32x144xf32, #tpu.memory_space<vmem>>) dst(%dma_wait3A_313 : memref<10000x144xf32, #tpu.memory_space<vmem_shared>>)
        } else {
        }
        %rem3A_246 = arith.constant 25 : i32
        %rem3A_247 = arith.remsi %add3A_150, %rem3A_246 : i32
        %mul3A_248 = arith.constant 32 : i32
        %mul3A_249 = arith.muli %rem3A_247, %mul3A_248 : i32
        %add3A_250 = arith.constant 0 : i32
        %add3A_251 = arith.addi %mul3A_249, %add3A_250 : i32
        %get3A_252 = arith.index_cast %add3A_251 : i32 to index
        %get3A_253 = tpu.vector_load %arg7[%get3A_252] {strides = array<i32>} : memref<800xi32, #tpu.memory_space<vmem>>, vector<16xi32>,
        %get3A_254 = vector.shape_cast %get3A_253 : vector<16xi32> to vector<16xi32>
        %swap3A_255 = arith.constant 0 : index
        %swap3A_256 = tpu.vector_load %arg11[%swap3A_255] {strides = array<i32>} : memref<32xi32, #tpu.memory_space<vmem>>, vector<16xi32>,
        %swap3A_257 = vector.shape_cast %swap3A_256 : vector<16xi32> to vector<16xi32>
        %swap3A_258 = vector.shape_cast %get3A_254 : vector<16xi32> to vector<16xi32>
        tpu.vector_store %arg11[%swap3A_255], %swap3A_258 {strides = array<i32>} : memref<32xi32, #tpu.memory_space<vmem>>, vector<16xi32>,
        %add3A_259 = vector.broadcast %mul3A_0 : i32 to vector<16xi32>
        %add3A_260 = arith.addi %get3A_254, %add3A_259 : vector<16xi32>
        %swap3A_261 = arith.constant 0 : index
        %swap3A_262 = tpu.vector_load %arg13[%swap3A_261] {strides = array<i32>} : memref<64xi32, #tpu.memory_space<vmem>>, vector<16xi32>,
        %swap3A_263 = vector.shape_cast %swap3A_262 : vector<16xi32> to vector<16xi32>
        %swap3A_264 = vector.shape_cast %add3A_260 : vector<16xi32> to vector<16xi32>
        tpu.vector_store %arg13[%swap3A_261], %swap3A_264 {strides = array<i32>} : memref<64xi32, #tpu.memory_space<vmem>>, vector<16xi32>,
        %get3A_265 = arith.index_cast %add3A_251 : i32 to index
        %get3A_266 = tpu.vector_load %arg9[%get3A_265] {strides = array<i32>} : memref<800xi32, #tpu.memory_space<vmem>>, vector<16xi32>,
        %get3A_267 = vector.shape_cast %get3A_266 : vector<16xi32> to vector<16xi32>
        %add3A_268 = vector.broadcast %add3A_1 : i32 to vector<16xi32>
        %add3A_269 = arith.addi %get3A_267, %add3A_268 : vector<16xi32>
        %swap3A_270 = arith.constant 32 : index
        %swap3A_271 = tpu.vector_load %arg13[%swap3A_270] {strides = array<i32>} : memref<64xi32, #tpu.memory_space<vmem>>, vector<16xi32>,
        %swap3A_272 = vector.shape_cast %swap3A_271 : vector<16xi32> to vector<16xi32>
        %swap3A_273 = vector.shape_cast %add3A_269 : vector<16xi32> to vector<16xi32>
        tpu.vector_store %arg13[%swap3A_270], %swap3A_273 {strides = array<i32>} : memref<64xi32, #tpu.memory_space<vmem>>, vector<16xi32>,
        %add3A_274 = arith.constant 16 : i32
        %add3A_275 = arith.addi %mul3A_249, %add3A_274 : i32
        %get3A_276 = arith.index_cast %add3A_275 : i32 to index
        %get3A_277 = tpu.vector_load %arg7[%get3A_276] {strides = array<i32>} : memref<800xi32, #tpu.memory_space<vmem>>, vector<16xi32>,
        %get3A_278 = vector.shape_cast %get3A_277 : vector<16xi32> to vector<16xi32>
        %swap3A_279 = arith.constant 16 : index
        %swap3A_280 = tpu.vector_load %arg11[%swap3A_279] {strides = array<i32>} : memref<32xi32, #tpu.memory_space<vmem>>, vector<16xi32>,
        %swap3A_281 = vector.shape_cast %swap3A_280 : vector<16xi32> to vector<16xi32>
        %swap3A_282 = vector.shape_cast %get3A_278 : vector<16xi32> to vector<16xi32>
        tpu.vector_store %arg11[%swap3A_279], %swap3A_282 {strides = array<i32>} : memref<32xi32, #tpu.memory_space<vmem>>, vector<16xi32>,
        %add3A_283 = vector.broadcast %mul3A_0 : i32 to vector<16xi32>
        %add3A_284 = arith.addi %get3A_278, %add3A_283 : vector<16xi32>
        %swap3A_285 = arith.constant 16 : index
        %swap3A_286 = tpu.vector_load %arg13[%swap3A_285] {strides = array<i32>} : memref<64xi32, #tpu.memory_space<vmem>>, vector<16xi32>,
        %swap3A_287 = vector.shape_cast %swap3A_286 : vector<16xi32> to vector<16xi32>
        %swap3A_288 = vector.shape_cast %add3A_284 : vector<16xi32> to vector<16xi32>
        tpu.vector_store %arg13[%swap3A_285], %swap3A_288 {strides = array<i32>} : memref<64xi32, #tpu.memory_space<vmem>>, vector<16xi32>,
        %get3A_289 = arith.index_cast %add3A_275 : i32 to index
        %get3A_290 = tpu.vector_load %arg9[%get3A_289] {strides = array<i32>} : memref<800xi32, #tpu.memory_space<vmem>>, vector<16xi32>,
        %get3A_291 = vector.shape_cast %get3A_290 : vector<16xi32> to vector<16xi32>
        %add3A_292 = vector.broadcast %add3A_1 : i32 to vector<16xi32>
        %add3A_293 = arith.addi %get3A_291, %add3A_292 : vector<16xi32>
        %swap3A_294 = arith.constant 48 : index
        %swap3A_295 = tpu.vector_load %arg13[%swap3A_294] {strides = array<i32>} : memref<64xi32, #tpu.memory_space<vmem>>, vector<16xi32>,
        %swap3A_296 = vector.shape_cast %swap3A_295 : vector<16xi32> to vector<16xi32>
        %swap3A_297 = vector.shape_cast %add3A_293 : vector<16xi32> to vector<16xi32>
        tpu.vector_store %arg13[%swap3A_294], %swap3A_297 {strides = array<i32>} : memref<64xi32, #tpu.memory_space<vmem>>, vector<16xi32>,
        %dma_start3A_298 = arith.constant 0 : i32
        %dma_start3A_299 = arith.constant 0 : i32
        %dma_start3A_300 = tpu.memref_slice %arg3[%dma_start3A_298, %dma_start3A_299] : memref<40000x128xf32, #tpu.memory_space<hbm>> -> memref<40000x128xf32, #tpu.memory_space<hbm>>
        tpu.enqueue_indirect_dma source(%dma_start3A_300 : memref<40000x128xf32, #tpu.memory_space<hbm>>) target(%arg15 : memref<64x128xf32, #tpu.memory_space<vmem>>) offsets(%arg13 : memref<64xi32, #tpu.memory_space<vmem>>) semaphore(%arg22 : memref<!tpu.dma_semaphore, #tpu.memory_space<semaphore_mem>>)
        %mul3A_301 = arith.constant 128000 : i32
        %mul3A_302 = arith.muli %arg0, %mul3A_301 : i32
        %add3A_303 = arith.addi %mul3A_302, %mul3A_3 : i32
        %mul3A_304 = arith.constant 32 : i32
        %mul3A_305 = arith.muli %add3A_150, %mul3A_304 : i32
        %add3A_306 = arith.addi %add3A_303, %mul3A_305 : i32
        %dma_start3A_307 = arith.constant 0 : i32
        %dma_start3A_308 = tpu.memref_slice %arg4[%add3A_306, %dma_start3A_307] : memref<256000x128xf32, #tpu.memory_space<hbm>> -> memref<32x128xf32, #tpu.memory_space<hbm>>
        %dma_start3A_309 = arith.constant 0 : i32
        %dma_start3A_310 = tpu.memref_slice %arg4[%add3A_306, %dma_start3A_309] : memref<256000x128xf32, #tpu.memory_space<hbm>> -> memref<32x128xf32, #tpu.memory_space<hbm>>
        tpu.enqueue_dma source(%dma_start3A_310 : memref<32x128xf32, #tpu.memory_space<hbm>>) target(%arg17 : memref<32x128xf32, #tpu.memory_space<vmem>>) target_semaphore(%arg24 : memref<!tpu.dma_semaphore, #tpu.memory_space<semaphore_mem>>)
      } else {
      }
      %rem3A_227 = arith.constant 2 : i32
      %rem3A_228 = arith.remsi %scan3A_148, %rem3A_227 : i32
      %eq3A_229 = arith.constant 0 : i32
      %eq3A_230 = arith.cmpi eq, %rem3A_228, %eq3A_229 : i32
      %convert_element_type3A_231 = arith.extui %eq3A_230 : i1 to i32
      %cond3A_232 = arith.constant 0 : i32
      %cond3A_233 = arith.cmpi ne, %convert_element_type3A_231, %cond3A_232 : i32
      scf.if %cond3A_233 {
        %dma_wait3A_241 = arith.constant 0 : i32
        %dma_wait3A_242 = arith.constant 0 : i32
        %dma_wait3A_243 = tpu.memref_slice %arg3[%dma_wait3A_241, %dma_wait3A_242] : memref<40000x128xf32, #tpu.memory_space<hbm>> -> memref<40000x128xf32, #tpu.memory_space<hbm>>
        tpu.wait_indirect_dma semaphore(%arg21 : memref<!tpu.dma_semaphore, #tpu.memory_space<semaphore_mem>>) src(%dma_wait3A_243 : memref<40000x128xf32, #tpu.memory_space<hbm>>) dst(%arg14 : memref<64x128xf32, #tpu.memory_space<vmem>>)
        %dma_wait3A_244 = arith.constant 0 : i32
        %dma_wait3A_245 = arith.constant 0 : i32
        %dma_wait3A_246 = tpu.memref_slice %arg4[%dma_wait3A_244, %dma_wait3A_245] : memref<256000x128xf32, #tpu.memory_space<hbm>> -> memref<32x128xf32, #tpu.memory_space<hbm>>
        %dma_wait3A_247 = arith.constant 0 : i32
        %dma_wait3A_248 = arith.constant 0 : i32
        %dma_wait3A_249 = tpu.memref_slice %arg4[%dma_wait3A_247, %dma_wait3A_248] : memref<256000x128xf32, #tpu.memory_space<hbm>> -> memref<32x128xf32, #tpu.memory_space<hbm>>
        tpu.wait_dma2 semaphore(%arg23 : memref<!tpu.dma_semaphore, #tpu.memory_space<semaphore_mem>>) src(%dma_wait3A_249 : memref<32x128xf32, #tpu.memory_space<hbm>>) dst(%arg16 : memref<32x128xf32, #tpu.memory_space<vmem>>)
        %parallel_loop3A = arith.constant 0 : i32
        %parallel_loop3A_250 = arith.constant 32 : i32
        %parallel_loop3A_251 = arith.constant 1 : i32
        scf.for %parallel_loop3A_255 = %parallel_loop3A to %parallel_loop3A_250 step %parallel_loop3A_251  : i32 {
          %parallel_loop3A_256 = arith.index_cast %parallel_loop3A_255 : i32 to index
          %parallel_loop3A_257 = arith.constant 0 : index
          %parallel_loop3A_258 = tpu.vector_load %arg14[%parallel_loop3A_256, %parallel_loop3A_257] {strides = array<i32>} : memref<64x128xf32, #tpu.memory_space<vmem>>, vector<1x16xf32>,
          %parallel_loop3A_259 = vector.shape_cast %parallel_loop3A_258 : vector<1x16xf32> to vector<16xf32>
          %parallel_loop3A_260 = arith.constant 32 : i32
          %parallel_loop3A_261 = arith.addi %parallel_loop3A_260, %parallel_loop3A_255 : i32
          %parallel_loop3A_262 = arith.index_cast %parallel_loop3A_261 : i32 to index
          %parallel_loop3A_263 = arith.constant 0 : index
          %parallel_loop3A_264 = tpu.vector_load %arg14[%parallel_loop3A_262, %parallel_loop3A_263] {strides = array<i32>} : memref<64x128xf32, #tpu.memory_space<vmem>>, vector<1x16xf32>,
          %parallel_loop3A_265 = vector.shape_cast %parallel_loop3A_264 : vector<1x16xf32> to vector<16xf32>
          %parallel_loop3A_266 = arith.addf %parallel_loop3A_259, %parallel_loop3A_265 : vector<16xf32>
          %parallel_loop3A_267 = arith.index_cast %parallel_loop3A_255 : i32 to index
          %parallel_loop3A_268 = arith.constant 0 : index
          %parallel_loop3A_269 = tpu.vector_load %arg16[%parallel_loop3A_267, %parallel_loop3A_268] {strides = array<i32>} : memref<32x128xf32, #tpu.memory_space<vmem>>, vector<1x16xf32>,
          %parallel_loop3A_270 = vector.shape_cast %parallel_loop3A_269 : vector<1x16xf32> to vector<16xf32>
          %parallel_loop3A_271 = arith.addf %parallel_loop3A_266, %parallel_loop3A_270 : vector<16xf32>
          %parallel_loop3A_272 = arith.constant 0.000000e+00 : f32
          %parallel_loop3A_273 = vector.broadcast %parallel_loop3A_272 : f32 to vector<16xf32>
          %parallel_loop3A_274 = arith.maximumf %parallel_loop3A_271, %parallel_loop3A_273 : vector<16xf32>
          %parallel_loop3A_275 = arith.index_cast %parallel_loop3A_255 : i32 to index
          %parallel_loop3A_276 = arith.constant 0 : index
          %parallel_loop3A_277 = tpu.vector_load %arg18[%parallel_loop3A_275, %parallel_loop3A_276] {strides = array<i32>} : memref<32x144xf32, #tpu.memory_space<vmem>>, vector<1x16xf32>,
          %parallel_loop3A_278 = vector.shape_cast %parallel_loop3A_277 : vector<1x16xf32> to vector<16xf32>
          %parallel_loop3A_279 = vector.shape_cast %parallel_loop3A_274 : vector<16xf32> to vector<1x16xf32>
          tpu.vector_store %arg18[%parallel_loop3A_275, %parallel_loop3A_276], %parallel_loop3A_279 {strides = array<i32>} : memref<32x144xf32, #tpu.memory_space<vmem>>, vector<1x16xf32>,
          %parallel_loop3A_280 = arith.index_cast %parallel_loop3A_255 : i32 to index
          %parallel_loop3A_281 = arith.constant 16 : index
          %parallel_loop3A_282 = tpu.vector_load %arg14[%parallel_loop3A_280, %parallel_loop3A_281] {strides = array<i32>} : memref<64x128xf32, #tpu.memory_space<vmem>>, vector<1x16xf32>,
          %parallel_loop3A_283 = vector.shape_cast %parallel_loop3A_282 : vector<1x16xf32> to vector<16xf32>
          %parallel_loop3A_284 = arith.constant 32 : i32
          %parallel_loop3A_285 = arith.addi %parallel_loop3A_284, %parallel_loop3A_255 : i32
          %parallel_loop3A_286 = arith.index_cast %parallel_loop3A_285 : i32 to index
          %parallel_loop3A_287 = arith.constant 16 : index
          %parallel_loop3A_288 = tpu.vector_load %arg14[%parallel_loop3A_286, %parallel_loop3A_287] {strides = array<i32>} : memref<64x128xf32, #tpu.memory_space<vmem>>, vector<1x16xf32>,
          %parallel_loop3A_289 = vector.shape_cast %parallel_loop3A_288 : vector<1x16xf32> to vector<16xf32>
          %parallel_loop3A_290 = arith.addf %parallel_loop3A_283, %parallel_loop3A_289 : vector<16xf32>
          %parallel_loop3A_291 = arith.index_cast %parallel_loop3A_255 : i32 to index
          %parallel_loop3A_292 = arith.constant 16 : index
          %parallel_loop3A_293 = tpu.vector_load %arg16[%parallel_loop3A_291, %parallel_loop3A_292] {strides = array<i32>} : memref<32x128xf32, #tpu.memory_space<vmem>>, vector<1x16xf32>,
          %parallel_loop3A_294 = vector.shape_cast %parallel_loop3A_293 : vector<1x16xf32> to vector<16xf32>
          %parallel_loop3A_295 = arith.addf %parallel_loop3A_290, %parallel_loop3A_294 : vector<16xf32>
          %parallel_loop3A_296 = arith.constant 0.000000e+00 : f32
          %parallel_loop3A_297 = vector.broadcast %parallel_loop3A_296 : f32 to vector<16xf32>
          %parallel_loop3A_298 = arith.maximumf %parallel_loop3A_295, %parallel_loop3A_297 : vector<16xf32>
          %parallel_loop3A_299 = arith.index_cast %parallel_loop3A_255 : i32 to index
          %parallel_loop3A_300 = arith.constant 16 : index
          %parallel_loop3A_301 = tpu.vector_load %arg18[%parallel_loop3A_299, %parallel_loop3A_300] {strides = array<i32>} : memref<32x144xf32, #tpu.memory_space<vmem>>, vector<1x16xf32>,
          %parallel_loop3A_302 = vector.shape_cast %parallel_loop3A_301 : vector<1x16xf32> to vector<16xf32>
          %parallel_loop3A_303 = vector.shape_cast %parallel_loop3A_298 : vector<16xf32> to vector<1x16xf32>
          tpu.vector_store %arg18[%parallel_loop3A_299, %parallel_loop3A_300], %parallel_loop3A_303 {strides = array<i32>} : memref<32x144xf32, #tpu.memory_space<vmem>>, vector<1x16xf32>,
          %parallel_loop3A_304 = arith.index_cast %parallel_loop3A_255 : i32 to index
          %parallel_loop3A_305 = arith.constant 32 : index
          %parallel_loop3A_306 = tpu.vector_load %arg14[%parallel_loop3A_304, %parallel_loop3A_305] {strides = array<i32>} : memref<64x128xf32, #tpu.memory_space<vmem>>, vector<1x16xf32>,
          %parallel_loop3A_307 = vector.shape_cast %parallel_loop3A_306 : vector<1x16xf32> to vector<16xf32>
          %parallel_loop3A_308 = arith.constant 32 : i32
          %parallel_loop3A_309 = arith.addi %parallel_loop3A_308, %parallel_loop3A_255 : i32
          %parallel_loop3A_310 = arith.index_cast %parallel_loop3A_309 : i32 to index
          %parallel_loop3A_311 = arith.constant 32 : index
          %parallel_loop3A_312 = tpu.vector_load %arg14[%parallel_loop3A_310, %parallel_loop3A_311] {strides = array<i32>} : memref<64x128xf32, #tpu.memory_space<vmem>>, vector<1x16xf32>,
          %parallel_loop3A_313 = vector.shape_cast %parallel_loop3A_312 : vector<1x16xf32> to vector<16xf32>
          %parallel_loop3A_314 = arith.addf %parallel_loop3A_307, %parallel_loop3A_313 : vector<16xf32>
          %parallel_loop3A_315 = arith.index_cast %parallel_loop3A_255 : i32 to index
          %parallel_loop3A_316 = arith.constant 32 : index
          %parallel_loop3A_317 = tpu.vector_load %arg16[%parallel_loop3A_315, %parallel_loop3A_316] {strides = array<i32>} : memref<32x128xf32, #tpu.memory_space<vmem>>, vector<1x16xf32>,
          %parallel_loop3A_318 = vector.shape_cast %parallel_loop3A_317 : vector<1x16xf32> to vector<16xf32>
          %parallel_loop3A_319 = arith.addf %parallel_loop3A_314, %parallel_loop3A_318 : vector<16xf32>
          %parallel_loop3A_320 = arith.constant 0.000000e+00 : f32
          %parallel_loop3A_321 = vector.broadcast %parallel_loop3A_320 : f32 to vector<16xf32>
          %parallel_loop3A_322 = arith.maximumf %parallel_loop3A_319, %parallel_loop3A_321 : vector<16xf32>
          %parallel_loop3A_323 = arith.index_cast %parallel_loop3A_255 : i32 to index
          %parallel_loop3A_324 = arith.constant 32 : index
          %parallel_loop3A_325 = tpu.vector_load %arg18[%parallel_loop3A_323, %parallel_loop3A_324] {strides = array<i32>} : memref<32x144xf32, #tpu.memory_space<vmem>>, vector<1x16xf32>,
          %parallel_loop3A_326 = vector.shape_cast %parallel_loop3A_325 : vector<1x16xf32> to vector<16xf32>
          %parallel_loop3A_327 = vector.shape_cast %parallel_loop3A_322 : vector<16xf32> to vector<1x16xf32>
          tpu.vector_store %arg18[%parallel_loop3A_323, %parallel_loop3A_324], %parallel_loop3A_327 {strides = array<i32>} : memref<32x144xf32, #tpu.memory_space<vmem>>, vector<1x16xf32>,
          %parallel_loop3A_328 = arith.index_cast %parallel_loop3A_255 : i32 to index
          %parallel_loop3A_329 = arith.constant 48 : index
          %parallel_loop3A_330 = tpu.vector_load %arg14[%parallel_loop3A_328, %parallel_loop3A_329] {strides = array<i32>} : memref<64x128xf32, #tpu.memory_space<vmem>>, vector<1x16xf32>,
          %parallel_loop3A_331 = vector.shape_cast %parallel_loop3A_330 : vector<1x16xf32> to vector<16xf32>
          %parallel_loop3A_332 = arith.constant 32 : i32
          %parallel_loop3A_333 = arith.addi %parallel_loop3A_332, %parallel_loop3A_255 : i32
          %parallel_loop3A_334 = arith.index_cast %parallel_loop3A_333 : i32 to index
          %parallel_loop3A_335 = arith.constant 48 : index
          %parallel_loop3A_336 = tpu.vector_load %arg14[%parallel_loop3A_334, %parallel_loop3A_335] {strides = array<i32>} : memref<64x128xf32, #tpu.memory_space<vmem>>, vector<1x16xf32>,
          %parallel_loop3A_337 = vector.shape_cast %parallel_loop3A_336 : vector<1x16xf32> to vector<16xf32>
          %parallel_loop3A_338 = arith.addf %parallel_loop3A_331, %parallel_loop3A_337 : vector<16xf32>
          %parallel_loop3A_339 = arith.index_cast %parallel_loop3A_255 : i32 to index
          %parallel_loop3A_340 = arith.constant 48 : index
          %parallel_loop3A_341 = tpu.vector_load %arg16[%parallel_loop3A_339, %parallel_loop3A_340] {strides = array<i32>} : memref<32x128xf32, #tpu.memory_space<vmem>>, vector<1x16xf32>,
          %parallel_loop3A_342 = vector.shape_cast %parallel_loop3A_341 : vector<1x16xf32> to vector<16xf32>
          %parallel_loop3A_343 = arith.addf %parallel_loop3A_338, %parallel_loop3A_342 : vector<16xf32>
          %parallel_loop3A_344 = arith.constant 0.000000e+00 : f32
          %parallel_loop3A_345 = vector.broadcast %parallel_loop3A_344 : f32 to vector<16xf32>
          %parallel_loop3A_346 = arith.maximumf %parallel_loop3A_343, %parallel_loop3A_345 : vector<16xf32>
          %parallel_loop3A_347 = arith.index_cast %parallel_loop3A_255 : i32 to index
          %parallel_loop3A_348 = arith.constant 48 : index
          %parallel_loop3A_349 = tpu.vector_load %arg18[%parallel_loop3A_347, %parallel_loop3A_348] {strides = array<i32>} : memref<32x144xf32, #tpu.memory_space<vmem>>, vector<1x16xf32>,
          %parallel_loop3A_350 = vector.shape_cast %parallel_loop3A_349 : vector<1x16xf32> to vector<16xf32>
          %parallel_loop3A_351 = vector.shape_cast %parallel_loop3A_346 : vector<16xf32> to vector<1x16xf32>
          tpu.vector_store %arg18[%parallel_loop3A_347, %parallel_loop3A_348], %parallel_loop3A_351 {strides = array<i32>} : memref<32x144xf32, #tpu.memory_space<vmem>>, vector<1x16xf32>,
          %parallel_loop3A_352 = arith.index_cast %parallel_loop3A_255 : i32 to index
          %parallel_loop3A_353 = arith.constant 64 : index
          %parallel_loop3A_354 = tpu.vector_load %arg14[%parallel_loop3A_352, %parallel_loop3A_353] {strides = array<i32>} : memref<64x128xf32, #tpu.memory_space<vmem>>, vector<1x16xf32>,
          %parallel_loop3A_355 = vector.shape_cast %parallel_loop3A_354 : vector<1x16xf32> to vector<16xf32>
          %parallel_loop3A_356 = arith.constant 32 : i32
          %parallel_loop3A_357 = arith.addi %parallel_loop3A_356, %parallel_loop3A_255 : i32
          %parallel_loop3A_358 = arith.index_cast %parallel_loop3A_357 : i32 to index
          %parallel_loop3A_359 = arith.constant 64 : index
          %parallel_loop3A_360 = tpu.vector_load %arg14[%parallel_loop3A_358, %parallel_loop3A_359] {strides = array<i32>} : memref<64x128xf32, #tpu.memory_space<vmem>>, vector<1x16xf32>,
          %parallel_loop3A_361 = vector.shape_cast %parallel_loop3A_360 : vector<1x16xf32> to vector<16xf32>
          %parallel_loop3A_362 = arith.addf %parallel_loop3A_355, %parallel_loop3A_361 : vector<16xf32>
          %parallel_loop3A_363 = arith.index_cast %parallel_loop3A_255 : i32 to index
          %parallel_loop3A_364 = arith.constant 64 : index
          %parallel_loop3A_365 = tpu.vector_load %arg16[%parallel_loop3A_363, %parallel_loop3A_364] {strides = array<i32>} : memref<32x128xf32, #tpu.memory_space<vmem>>, vector<1x16xf32>,
          %parallel_loop3A_366 = vector.shape_cast %parallel_loop3A_365 : vector<1x16xf32> to vector<16xf32>
          %parallel_loop3A_367 = arith.addf %parallel_loop3A_362, %parallel_loop3A_366 : vector<16xf32>
          %parallel_loop3A_368 = arith.constant 0.000000e+00 : f32
          %parallel_loop3A_369 = vector.broadcast %parallel_loop3A_368 : f32 to vector<16xf32>
          %parallel_loop3A_370 = arith.maximumf %parallel_loop3A_367, %parallel_loop3A_369 : vector<16xf32>
          %parallel_loop3A_371 = arith.index_cast %parallel_loop3A_255 : i32 to index
          %parallel_loop3A_372 = arith.constant 64 : index
          %parallel_loop3A_373 = tpu.vector_load %arg18[%parallel_loop3A_371, %parallel_loop3A_372] {strides = array<i32>} : memref<32x144xf32, #tpu.memory_space<vmem>>, vector<1x16xf32>,
          %parallel_loop3A_374 = vector.shape_cast %parallel_loop3A_373 : vector<1x16xf32> to vector<16xf32>
          %parallel_loop3A_375 = vector.shape_cast %parallel_loop3A_370 : vector<16xf32> to vector<1x16xf32>
          tpu.vector_store %arg18[%parallel_loop3A_371, %parallel_loop3A_372], %parallel_loop3A_375 {strides = array<i32>} : memref<32x144xf32, #tpu.memory_space<vmem>>, vector<1x16xf32>,
          %parallel_loop3A_376 = arith.index_cast %parallel_loop3A_255 : i32 to index
          %parallel_loop3A_377 = arith.constant 80 : index
          %parallel_loop3A_378 = tpu.vector_load %arg14[%parallel_loop3A_376, %parallel_loop3A_377] {strides = array<i32>} : memref<64x128xf32, #tpu.memory_space<vmem>>, vector<1x16xf32>,
          %parallel_loop3A_379 = vector.shape_cast %parallel_loop3A_378 : vector<1x16xf32> to vector<16xf32>
          %parallel_loop3A_380 = arith.constant 32 : i32
          %parallel_loop3A_381 = arith.addi %parallel_loop3A_380, %parallel_loop3A_255 : i32
          %parallel_loop3A_382 = arith.index_cast %parallel_loop3A_381 : i32 to index
          %parallel_loop3A_383 = arith.constant 80 : index
          %parallel_loop3A_384 = tpu.vector_load %arg14[%parallel_loop3A_382, %parallel_loop3A_383] {strides = array<i32>} : memref<64x128xf32, #tpu.memory_space<vmem>>, vector<1x16xf32>,
          %parallel_loop3A_385 = vector.shape_cast %parallel_loop3A_384 : vector<1x16xf32> to vector<16xf32>
          %parallel_loop3A_386 = arith.addf %parallel_loop3A_379, %parallel_loop3A_385 : vector<16xf32>
          %parallel_loop3A_387 = arith.index_cast %parallel_loop3A_255 : i32 to index
          %parallel_loop3A_388 = arith.constant 80 : index
          %parallel_loop3A_389 = tpu.vector_load %arg16[%parallel_loop3A_387, %parallel_loop3A_388] {strides = array<i32>} : memref<32x128xf32, #tpu.memory_space<vmem>>, vector<1x16xf32>,
          %parallel_loop3A_390 = vector.shape_cast %parallel_loop3A_389 : vector<1x16xf32> to vector<16xf32>
          %parallel_loop3A_391 = arith.addf %parallel_loop3A_386, %parallel_loop3A_390 : vector<16xf32>
          %parallel_loop3A_392 = arith.constant 0.000000e+00 : f32
          %parallel_loop3A_393 = vector.broadcast %parallel_loop3A_392 : f32 to vector<16xf32>
          %parallel_loop3A_394 = arith.maximumf %parallel_loop3A_391, %parallel_loop3A_393 : vector<16xf32>
          %parallel_loop3A_395 = arith.index_cast %parallel_loop3A_255 : i32 to index
          %parallel_loop3A_396 = arith.constant 80 : index
          %parallel_loop3A_397 = tpu.vector_load %arg18[%parallel_loop3A_395, %parallel_loop3A_396] {strides = array<i32>} : memref<32x144xf32, #tpu.memory_space<vmem>>, vector<1x16xf32>,
          %parallel_loop3A_398 = vector.shape_cast %parallel_loop3A_397 : vector<1x16xf32> to vector<16xf32>
          %parallel_loop3A_399 = vector.shape_cast %parallel_loop3A_394 : vector<16xf32> to vector<1x16xf32>
          tpu.vector_store %arg18[%parallel_loop3A_395, %parallel_loop3A_396], %parallel_loop3A_399 {strides = array<i32>} : memref<32x144xf32, #tpu.memory_space<vmem>>, vector<1x16xf32>,
          %parallel_loop3A_400 = arith.index_cast %parallel_loop3A_255 : i32 to index
          %parallel_loop3A_401 = arith.constant 96 : index
          %parallel_loop3A_402 = tpu.vector_load %arg14[%parallel_loop3A_400, %parallel_loop3A_401] {strides = array<i32>} : memref<64x128xf32, #tpu.memory_space<vmem>>, vector<1x16xf32>,
          %parallel_loop3A_403 = vector.shape_cast %parallel_loop3A_402 : vector<1x16xf32> to vector<16xf32>
          %parallel_loop3A_404 = arith.constant 32 : i32
          %parallel_loop3A_405 = arith.addi %parallel_loop3A_404, %parallel_loop3A_255 : i32
          %parallel_loop3A_406 = arith.index_cast %parallel_loop3A_405 : i32 to index
          %parallel_loop3A_407 = arith.constant 96 : index
          %parallel_loop3A_408 = tpu.vector_load %arg14[%parallel_loop3A_406, %parallel_loop3A_407] {strides = array<i32>} : memref<64x128xf32, #tpu.memory_space<vmem>>, vector<1x16xf32>,
          %parallel_loop3A_409 = vector.shape_cast %parallel_loop3A_408 : vector<1x16xf32> to vector<16xf32>
          %parallel_loop3A_410 = arith.addf %parallel_loop3A_403, %parallel_loop3A_409 : vector<16xf32>
          %parallel_loop3A_411 = arith.index_cast %parallel_loop3A_255 : i32 to index
          %parallel_loop3A_412 = arith.constant 96 : index
          %parallel_loop3A_413 = tpu.vector_load %arg16[%parallel_loop3A_411, %parallel_loop3A_412] {strides = array<i32>} : memref<32x128xf32, #tpu.memory_space<vmem>>, vector<1x16xf32>,
          %parallel_loop3A_414 = vector.shape_cast %parallel_loop3A_413 : vector<1x16xf32> to vector<16xf32>
          %parallel_loop3A_415 = arith.addf %parallel_loop3A_410, %parallel_loop3A_414 : vector<16xf32>
          %parallel_loop3A_416 = arith.constant 0.000000e+00 : f32
          %parallel_loop3A_417 = vector.broadcast %parallel_loop3A_416 : f32 to vector<16xf32>
          %parallel_loop3A_418 = arith.maximumf %parallel_loop3A_415, %parallel_loop3A_417 : vector<16xf32>
          %parallel_loop3A_419 = arith.index_cast %parallel_loop3A_255 : i32 to index
          %parallel_loop3A_420 = arith.constant 96 : index
          %parallel_loop3A_421 = tpu.vector_load %arg18[%parallel_loop3A_419, %parallel_loop3A_420] {strides = array<i32>} : memref<32x144xf32, #tpu.memory_space<vmem>>, vector<1x16xf32>,
          %parallel_loop3A_422 = vector.shape_cast %parallel_loop3A_421 : vector<1x16xf32> to vector<16xf32>
          %parallel_loop3A_423 = vector.shape_cast %parallel_loop3A_418 : vector<16xf32> to vector<1x16xf32>
          tpu.vector_store %arg18[%parallel_loop3A_419, %parallel_loop3A_420], %parallel_loop3A_423 {strides = array<i32>} : memref<32x144xf32, #tpu.memory_space<vmem>>, vector<1x16xf32>,
          %parallel_loop3A_424 = arith.index_cast %parallel_loop3A_255 : i32 to index
          %parallel_loop3A_425 = arith.constant 112 : index
          %parallel_loop3A_426 = tpu.vector_load %arg14[%parallel_loop3A_424, %parallel_loop3A_425] {strides = array<i32>} : memref<64x128xf32, #tpu.memory_space<vmem>>, vector<1x16xf32>,
          %parallel_loop3A_427 = vector.shape_cast %parallel_loop3A_426 : vector<1x16xf32> to vector<16xf32>
          %parallel_loop3A_428 = arith.constant 32 : i32
          %parallel_loop3A_429 = arith.addi %parallel_loop3A_428, %parallel_loop3A_255 : i32
          %parallel_loop3A_430 = arith.index_cast %parallel_loop3A_429 : i32 to index
          %parallel_loop3A_431 = arith.constant 112 : index
          %parallel_loop3A_432 = tpu.vector_load %arg14[%parallel_loop3A_430, %parallel_loop3A_431] {strides = array<i32>} : memref<64x128xf32, #tpu.memory_space<vmem>>, vector<1x16xf32>,
          %parallel_loop3A_433 = vector.shape_cast %parallel_loop3A_432 : vector<1x16xf32> to vector<16xf32>
          %parallel_loop3A_434 = arith.addf %parallel_loop3A_427, %parallel_loop3A_433 : vector<16xf32>
          %parallel_loop3A_435 = arith.index_cast %parallel_loop3A_255 : i32 to index
          %parallel_loop3A_436 = arith.constant 112 : index
          %parallel_loop3A_437 = tpu.vector_load %arg16[%parallel_loop3A_435, %parallel_loop3A_436] {strides = array<i32>} : memref<32x128xf32, #tpu.memory_space<vmem>>, vector<1x16xf32>,
          %parallel_loop3A_438 = vector.shape_cast %parallel_loop3A_437 : vector<1x16xf32> to vector<16xf32>
          %parallel_loop3A_439 = arith.addf %parallel_loop3A_434, %parallel_loop3A_438 : vector<16xf32>
          %parallel_loop3A_440 = arith.constant 0.000000e+00 : f32
          %parallel_loop3A_441 = vector.broadcast %parallel_loop3A_440 : f32 to vector<16xf32>
          %parallel_loop3A_442 = arith.maximumf %parallel_loop3A_439, %parallel_loop3A_441 : vector<16xf32>
          %parallel_loop3A_443 = arith.index_cast %parallel_loop3A_255 : i32 to index
          %parallel_loop3A_444 = arith.constant 112 : index
          %parallel_loop3A_445 = tpu.vector_load %arg18[%parallel_loop3A_443, %parallel_loop3A_444] {strides = array<i32>} : memref<32x144xf32, #tpu.memory_space<vmem>>, vector<1x16xf32>,
          %parallel_loop3A_446 = vector.shape_cast %parallel_loop3A_445 : vector<1x16xf32> to vector<16xf32>
          %parallel_loop3A_447 = vector.shape_cast %parallel_loop3A_442 : vector<16xf32> to vector<1x16xf32>
          tpu.vector_store %arg18[%parallel_loop3A_443, %parallel_loop3A_444], %parallel_loop3A_447 {strides = array<i32>} : memref<32x144xf32, #tpu.memory_space<vmem>>, vector<1x16xf32>,
        } {sc.loop_unroll_factor = 4 : i64, sc.parallel_access}
        %dma_start3A_252 = arith.constant 0 : i32
        %dma_start3A_253 = arith.constant 0 : i32
        %dma_start3A_254 = tpu.memref_slice %arg20[%dma_start3A_252, %dma_start3A_253] : memref<10000x144xf32, #tpu.memory_space<vmem_shared>> -> memref<10000x144xf32, #tpu.memory_space<vmem_shared>>
        tpu.enqueue_indirect_dma source(%arg18 : memref<32x144xf32, #tpu.memory_space<vmem>>) target(%dma_start3A_254 : memref<10000x144xf32, #tpu.memory_space<vmem_shared>>) offsets(%arg10 : memref<32xi32, #tpu.memory_space<vmem>>) semaphore(%arg25 : memref<!tpu.dma_semaphore, #tpu.memory_space<semaphore_mem>>) {add = true}
      } else {
      }
      %rem3A_234 = arith.constant 2 : i32
      %rem3A_235 = arith.remsi %scan3A_148, %rem3A_234 : i32
      %eq3A_236 = arith.constant 1 : i32
      %eq3A_237 = arith.cmpi eq, %rem3A_235, %eq3A_236 : i32
      %convert_element_type3A_238 = arith.extui %eq3A_237 : i1 to i32
      %cond3A_239 = arith.constant 0 : i32
      %cond3A_240 = arith.cmpi ne, %convert_element_type3A_238, %cond3A_239 : i32
      scf.if %cond3A_240 {
        %dma_wait3A_241 = arith.constant 0 : i32
        %dma_wait3A_242 = arith.constant 0 : i32
        %dma_wait3A_243 = tpu.memref_slice %arg3[%dma_wait3A_241, %dma_wait3A_242] : memref<40000x128xf32, #tpu.memory_space<hbm>> -> memref<40000x128xf32, #tpu.memory_space<hbm>>
        tpu.wait_indirect_dma semaphore(%arg22 : memref<!tpu.dma_semaphore, #tpu.memory_space<semaphore_mem>>) src(%dma_wait3A_243 : memref<40000x128xf32, #tpu.memory_space<hbm>>) dst(%arg15 : memref<64x128xf32, #tpu.memory_space<vmem>>)
        %dma_wait3A_244 = arith.constant 0 : i32
        %dma_wait3A_245 = arith.constant 0 : i32
        %dma_wait3A_246 = tpu.memref_slice %arg4[%dma_wait3A_244, %dma_wait3A_245] : memref<256000x128xf32, #tpu.memory_space<hbm>> -> memref<32x128xf32, #tpu.memory_space<hbm>>
        %dma_wait3A_247 = arith.constant 0 : i32
        %dma_wait3A_248 = arith.constant 0 : i32
        %dma_wait3A_249 = tpu.memref_slice %arg4[%dma_wait3A_247, %dma_wait3A_248] : memref<256000x128xf32, #tpu.memory_space<hbm>> -> memref<32x128xf32, #tpu.memory_space<hbm>>
        tpu.wait_dma2 semaphore(%arg24 : memref<!tpu.dma_semaphore, #tpu.memory_space<semaphore_mem>>) src(%dma_wait3A_249 : memref<32x128xf32, #tpu.memory_space<hbm>>) dst(%arg17 : memref<32x128xf32, #tpu.memory_space<vmem>>)
        %parallel_loop3A = arith.constant 0 : i32
        %parallel_loop3A_250 = arith.constant 32 : i32
        %parallel_loop3A_251 = arith.constant 1 : i32
        scf.for %parallel_loop3A_255 = %parallel_loop3A to %parallel_loop3A_250 step %parallel_loop3A_251  : i32 {
          %parallel_loop3A_256 = arith.index_cast %parallel_loop3A_255 : i32 to index
          %parallel_loop3A_257 = arith.constant 0 : index
          %parallel_loop3A_258 = tpu.vector_load %arg15[%parallel_loop3A_256, %parallel_loop3A_257] {strides = array<i32>} : memref<64x128xf32, #tpu.memory_space<vmem>>, vector<1x16xf32>,
          %parallel_loop3A_259 = vector.shape_cast %parallel_loop3A_258 : vector<1x16xf32> to vector<16xf32>
          %parallel_loop3A_260 = arith.constant 32 : i32
          %parallel_loop3A_261 = arith.addi %parallel_loop3A_260, %parallel_loop3A_255 : i32
          %parallel_loop3A_262 = arith.index_cast %parallel_loop3A_261 : i32 to index
          %parallel_loop3A_263 = arith.constant 0 : index
          %parallel_loop3A_264 = tpu.vector_load %arg15[%parallel_loop3A_262, %parallel_loop3A_263] {strides = array<i32>} : memref<64x128xf32, #tpu.memory_space<vmem>>, vector<1x16xf32>,
          %parallel_loop3A_265 = vector.shape_cast %parallel_loop3A_264 : vector<1x16xf32> to vector<16xf32>
          %parallel_loop3A_266 = arith.addf %parallel_loop3A_259, %parallel_loop3A_265 : vector<16xf32>
          %parallel_loop3A_267 = arith.index_cast %parallel_loop3A_255 : i32 to index
          %parallel_loop3A_268 = arith.constant 0 : index
          %parallel_loop3A_269 = tpu.vector_load %arg17[%parallel_loop3A_267, %parallel_loop3A_268] {strides = array<i32>} : memref<32x128xf32, #tpu.memory_space<vmem>>, vector<1x16xf32>,
          %parallel_loop3A_270 = vector.shape_cast %parallel_loop3A_269 : vector<1x16xf32> to vector<16xf32>
          %parallel_loop3A_271 = arith.addf %parallel_loop3A_266, %parallel_loop3A_270 : vector<16xf32>
          %parallel_loop3A_272 = arith.constant 0.000000e+00 : f32
          %parallel_loop3A_273 = vector.broadcast %parallel_loop3A_272 : f32 to vector<16xf32>
          %parallel_loop3A_274 = arith.maximumf %parallel_loop3A_271, %parallel_loop3A_273 : vector<16xf32>
          %parallel_loop3A_275 = arith.index_cast %parallel_loop3A_255 : i32 to index
          %parallel_loop3A_276 = arith.constant 0 : index
          %parallel_loop3A_277 = tpu.vector_load %arg19[%parallel_loop3A_275, %parallel_loop3A_276] {strides = array<i32>} : memref<32x144xf32, #tpu.memory_space<vmem>>, vector<1x16xf32>,
          %parallel_loop3A_278 = vector.shape_cast %parallel_loop3A_277 : vector<1x16xf32> to vector<16xf32>
          %parallel_loop3A_279 = vector.shape_cast %parallel_loop3A_274 : vector<16xf32> to vector<1x16xf32>
          tpu.vector_store %arg19[%parallel_loop3A_275, %parallel_loop3A_276], %parallel_loop3A_279 {strides = array<i32>} : memref<32x144xf32, #tpu.memory_space<vmem>>, vector<1x16xf32>,
          %parallel_loop3A_280 = arith.index_cast %parallel_loop3A_255 : i32 to index
          %parallel_loop3A_281 = arith.constant 16 : index
          %parallel_loop3A_282 = tpu.vector_load %arg15[%parallel_loop3A_280, %parallel_loop3A_281] {strides = array<i32>} : memref<64x128xf32, #tpu.memory_space<vmem>>, vector<1x16xf32>,
          %parallel_loop3A_283 = vector.shape_cast %parallel_loop3A_282 : vector<1x16xf32> to vector<16xf32>
          %parallel_loop3A_284 = arith.constant 32 : i32
          %parallel_loop3A_285 = arith.addi %parallel_loop3A_284, %parallel_loop3A_255 : i32
          %parallel_loop3A_286 = arith.index_cast %parallel_loop3A_285 : i32 to index
          %parallel_loop3A_287 = arith.constant 16 : index
          %parallel_loop3A_288 = tpu.vector_load %arg15[%parallel_loop3A_286, %parallel_loop3A_287] {strides = array<i32>} : memref<64x128xf32, #tpu.memory_space<vmem>>, vector<1x16xf32>,
          %parallel_loop3A_289 = vector.shape_cast %parallel_loop3A_288 : vector<1x16xf32> to vector<16xf32>
          %parallel_loop3A_290 = arith.addf %parallel_loop3A_283, %parallel_loop3A_289 : vector<16xf32>
          %parallel_loop3A_291 = arith.index_cast %parallel_loop3A_255 : i32 to index
          %parallel_loop3A_292 = arith.constant 16 : index
          %parallel_loop3A_293 = tpu.vector_load %arg17[%parallel_loop3A_291, %parallel_loop3A_292] {strides = array<i32>} : memref<32x128xf32, #tpu.memory_space<vmem>>, vector<1x16xf32>,
          %parallel_loop3A_294 = vector.shape_cast %parallel_loop3A_293 : vector<1x16xf32> to vector<16xf32>
          %parallel_loop3A_295 = arith.addf %parallel_loop3A_290, %parallel_loop3A_294 : vector<16xf32>
          %parallel_loop3A_296 = arith.constant 0.000000e+00 : f32
          %parallel_loop3A_297 = vector.broadcast %parallel_loop3A_296 : f32 to vector<16xf32>
          %parallel_loop3A_298 = arith.maximumf %parallel_loop3A_295, %parallel_loop3A_297 : vector<16xf32>
          %parallel_loop3A_299 = arith.index_cast %parallel_loop3A_255 : i32 to index
          %parallel_loop3A_300 = arith.constant 16 : index
          %parallel_loop3A_301 = tpu.vector_load %arg19[%parallel_loop3A_299, %parallel_loop3A_300] {strides = array<i32>} : memref<32x144xf32, #tpu.memory_space<vmem>>, vector<1x16xf32>,
          %parallel_loop3A_302 = vector.shape_cast %parallel_loop3A_301 : vector<1x16xf32> to vector<16xf32>
          %parallel_loop3A_303 = vector.shape_cast %parallel_loop3A_298 : vector<16xf32> to vector<1x16xf32>
          tpu.vector_store %arg19[%parallel_loop3A_299, %parallel_loop3A_300], %parallel_loop3A_303 {strides = array<i32>} : memref<32x144xf32, #tpu.memory_space<vmem>>, vector<1x16xf32>,
          %parallel_loop3A_304 = arith.index_cast %parallel_loop3A_255 : i32 to index
          %parallel_loop3A_305 = arith.constant 32 : index
          %parallel_loop3A_306 = tpu.vector_load %arg15[%parallel_loop3A_304, %parallel_loop3A_305] {strides = array<i32>} : memref<64x128xf32, #tpu.memory_space<vmem>>, vector<1x16xf32>,
          %parallel_loop3A_307 = vector.shape_cast %parallel_loop3A_306 : vector<1x16xf32> to vector<16xf32>
          %parallel_loop3A_308 = arith.constant 32 : i32
          %parallel_loop3A_309 = arith.addi %parallel_loop3A_308, %parallel_loop3A_255 : i32
          %parallel_loop3A_310 = arith.index_cast %parallel_loop3A_309 : i32 to index
          %parallel_loop3A_311 = arith.constant 32 : index
          %parallel_loop3A_312 = tpu.vector_load %arg15[%parallel_loop3A_310, %parallel_loop3A_311] {strides = array<i32>} : memref<64x128xf32, #tpu.memory_space<vmem>>, vector<1x16xf32>,
          %parallel_loop3A_313 = vector.shape_cast %parallel_loop3A_312 : vector<1x16xf32> to vector<16xf32>
          %parallel_loop3A_314 = arith.addf %parallel_loop3A_307, %parallel_loop3A_313 : vector<16xf32>
          %parallel_loop3A_315 = arith.index_cast %parallel_loop3A_255 : i32 to index
          %parallel_loop3A_316 = arith.constant 32 : index
          %parallel_loop3A_317 = tpu.vector_load %arg17[%parallel_loop3A_315, %parallel_loop3A_316] {strides = array<i32>} : memref<32x128xf32, #tpu.memory_space<vmem>>, vector<1x16xf32>,
          %parallel_loop3A_318 = vector.shape_cast %parallel_loop3A_317 : vector<1x16xf32> to vector<16xf32>
          %parallel_loop3A_319 = arith.addf %parallel_loop3A_314, %parallel_loop3A_318 : vector<16xf32>
          %parallel_loop3A_320 = arith.constant 0.000000e+00 : f32
          %parallel_loop3A_321 = vector.broadcast %parallel_loop3A_320 : f32 to vector<16xf32>
          %parallel_loop3A_322 = arith.maximumf %parallel_loop3A_319, %parallel_loop3A_321 : vector<16xf32>
          %parallel_loop3A_323 = arith.index_cast %parallel_loop3A_255 : i32 to index
          %parallel_loop3A_324 = arith.constant 32 : index
          %parallel_loop3A_325 = tpu.vector_load %arg19[%parallel_loop3A_323, %parallel_loop3A_324] {strides = array<i32>} : memref<32x144xf32, #tpu.memory_space<vmem>>, vector<1x16xf32>,
          %parallel_loop3A_326 = vector.shape_cast %parallel_loop3A_325 : vector<1x16xf32> to vector<16xf32>
          %parallel_loop3A_327 = vector.shape_cast %parallel_loop3A_322 : vector<16xf32> to vector<1x16xf32>
          tpu.vector_store %arg19[%parallel_loop3A_323, %parallel_loop3A_324], %parallel_loop3A_327 {strides = array<i32>} : memref<32x144xf32, #tpu.memory_space<vmem>>, vector<1x16xf32>,
          %parallel_loop3A_328 = arith.index_cast %parallel_loop3A_255 : i32 to index
          %parallel_loop3A_329 = arith.constant 48 : index
          %parallel_loop3A_330 = tpu.vector_load %arg15[%parallel_loop3A_328, %parallel_loop3A_329] {strides = array<i32>} : memref<64x128xf32, #tpu.memory_space<vmem>>, vector<1x16xf32>,
          %parallel_loop3A_331 = vector.shape_cast %parallel_loop3A_330 : vector<1x16xf32> to vector<16xf32>
          %parallel_loop3A_332 = arith.constant 32 : i32
          %parallel_loop3A_333 = arith.addi %parallel_loop3A_332, %parallel_loop3A_255 : i32
          %parallel_loop3A_334 = arith.index_cast %parallel_loop3A_333 : i32 to index
          %parallel_loop3A_335 = arith.constant 48 : index
          %parallel_loop3A_336 = tpu.vector_load %arg15[%parallel_loop3A_334, %parallel_loop3A_335] {strides = array<i32>} : memref<64x128xf32, #tpu.memory_space<vmem>>, vector<1x16xf32>,
          %parallel_loop3A_337 = vector.shape_cast %parallel_loop3A_336 : vector<1x16xf32> to vector<16xf32>
          %parallel_loop3A_338 = arith.addf %parallel_loop3A_331, %parallel_loop3A_337 : vector<16xf32>
          %parallel_loop3A_339 = arith.index_cast %parallel_loop3A_255 : i32 to index
          %parallel_loop3A_340 = arith.constant 48 : index
          %parallel_loop3A_341 = tpu.vector_load %arg17[%parallel_loop3A_339, %parallel_loop3A_340] {strides = array<i32>} : memref<32x128xf32, #tpu.memory_space<vmem>>, vector<1x16xf32>,
          %parallel_loop3A_342 = vector.shape_cast %parallel_loop3A_341 : vector<1x16xf32> to vector<16xf32>
          %parallel_loop3A_343 = arith.addf %parallel_loop3A_338, %parallel_loop3A_342 : vector<16xf32>
          %parallel_loop3A_344 = arith.constant 0.000000e+00 : f32
          %parallel_loop3A_345 = vector.broadcast %parallel_loop3A_344 : f32 to vector<16xf32>
          %parallel_loop3A_346 = arith.maximumf %parallel_loop3A_343, %parallel_loop3A_345 : vector<16xf32>
          %parallel_loop3A_347 = arith.index_cast %parallel_loop3A_255 : i32 to index
          %parallel_loop3A_348 = arith.constant 48 : index
          %parallel_loop3A_349 = tpu.vector_load %arg19[%parallel_loop3A_347, %parallel_loop3A_348] {strides = array<i32>} : memref<32x144xf32, #tpu.memory_space<vmem>>, vector<1x16xf32>,
          %parallel_loop3A_350 = vector.shape_cast %parallel_loop3A_349 : vector<1x16xf32> to vector<16xf32>
          %parallel_loop3A_351 = vector.shape_cast %parallel_loop3A_346 : vector<16xf32> to vector<1x16xf32>
          tpu.vector_store %arg19[%parallel_loop3A_347, %parallel_loop3A_348], %parallel_loop3A_351 {strides = array<i32>} : memref<32x144xf32, #tpu.memory_space<vmem>>, vector<1x16xf32>,
          %parallel_loop3A_352 = arith.index_cast %parallel_loop3A_255 : i32 to index
          %parallel_loop3A_353 = arith.constant 64 : index
          %parallel_loop3A_354 = tpu.vector_load %arg15[%parallel_loop3A_352, %parallel_loop3A_353] {strides = array<i32>} : memref<64x128xf32, #tpu.memory_space<vmem>>, vector<1x16xf32>,
          %parallel_loop3A_355 = vector.shape_cast %parallel_loop3A_354 : vector<1x16xf32> to vector<16xf32>
          %parallel_loop3A_356 = arith.constant 32 : i32
          %parallel_loop3A_357 = arith.addi %parallel_loop3A_356, %parallel_loop3A_255 : i32
          %parallel_loop3A_358 = arith.index_cast %parallel_loop3A_357 : i32 to index
          %parallel_loop3A_359 = arith.constant 64 : index
          %parallel_loop3A_360 = tpu.vector_load %arg15[%parallel_loop3A_358, %parallel_loop3A_359] {strides = array<i32>} : memref<64x128xf32, #tpu.memory_space<vmem>>, vector<1x16xf32>,
          %parallel_loop3A_361 = vector.shape_cast %parallel_loop3A_360 : vector<1x16xf32> to vector<16xf32>
          %parallel_loop3A_362 = arith.addf %parallel_loop3A_355, %parallel_loop3A_361 : vector<16xf32>
          %parallel_loop3A_363 = arith.index_cast %parallel_loop3A_255 : i32 to index
          %parallel_loop3A_364 = arith.constant 64 : index
          %parallel_loop3A_365 = tpu.vector_load %arg17[%parallel_loop3A_363, %parallel_loop3A_364] {strides = array<i32>} : memref<32x128xf32, #tpu.memory_space<vmem>>, vector<1x16xf32>,
          %parallel_loop3A_366 = vector.shape_cast %parallel_loop3A_365 : vector<1x16xf32> to vector<16xf32>
          %parallel_loop3A_367 = arith.addf %parallel_loop3A_362, %parallel_loop3A_366 : vector<16xf32>
          %parallel_loop3A_368 = arith.constant 0.000000e+00 : f32
          %parallel_loop3A_369 = vector.broadcast %parallel_loop3A_368 : f32 to vector<16xf32>
          %parallel_loop3A_370 = arith.maximumf %parallel_loop3A_367, %parallel_loop3A_369 : vector<16xf32>
          %parallel_loop3A_371 = arith.index_cast %parallel_loop3A_255 : i32 to index
          %parallel_loop3A_372 = arith.constant 64 : index
          %parallel_loop3A_373 = tpu.vector_load %arg19[%parallel_loop3A_371, %parallel_loop3A_372] {strides = array<i32>} : memref<32x144xf32, #tpu.memory_space<vmem>>, vector<1x16xf32>,
          %parallel_loop3A_374 = vector.shape_cast %parallel_loop3A_373 : vector<1x16xf32> to vector<16xf32>
          %parallel_loop3A_375 = vector.shape_cast %parallel_loop3A_370 : vector<16xf32> to vector<1x16xf32>
          tpu.vector_store %arg19[%parallel_loop3A_371, %parallel_loop3A_372], %parallel_loop3A_375 {strides = array<i32>} : memref<32x144xf32, #tpu.memory_space<vmem>>, vector<1x16xf32>,
          %parallel_loop3A_376 = arith.index_cast %parallel_loop3A_255 : i32 to index
          %parallel_loop3A_377 = arith.constant 80 : index
          %parallel_loop3A_378 = tpu.vector_load %arg15[%parallel_loop3A_376, %parallel_loop3A_377] {strides = array<i32>} : memref<64x128xf32, #tpu.memory_space<vmem>>, vector<1x16xf32>,
          %parallel_loop3A_379 = vector.shape_cast %parallel_loop3A_378 : vector<1x16xf32> to vector<16xf32>
          %parallel_loop3A_380 = arith.constant 32 : i32
          %parallel_loop3A_381 = arith.addi %parallel_loop3A_380, %parallel_loop3A_255 : i32
          %parallel_loop3A_382 = arith.index_cast %parallel_loop3A_381 : i32 to index
          %parallel_loop3A_383 = arith.constant 80 : index
          %parallel_loop3A_384 = tpu.vector_load %arg15[%parallel_loop3A_382, %parallel_loop3A_383] {strides = array<i32>} : memref<64x128xf32, #tpu.memory_space<vmem>>, vector<1x16xf32>,
          %parallel_loop3A_385 = vector.shape_cast %parallel_loop3A_384 : vector<1x16xf32> to vector<16xf32>
          %parallel_loop3A_386 = arith.addf %parallel_loop3A_379, %parallel_loop3A_385 : vector<16xf32>
          %parallel_loop3A_387 = arith.index_cast %parallel_loop3A_255 : i32 to index
          %parallel_loop3A_388 = arith.constant 80 : index
          %parallel_loop3A_389 = tpu.vector_load %arg17[%parallel_loop3A_387, %parallel_loop3A_388] {strides = array<i32>} : memref<32x128xf32, #tpu.memory_space<vmem>>, vector<1x16xf32>,
          %parallel_loop3A_390 = vector.shape_cast %parallel_loop3A_389 : vector<1x16xf32> to vector<16xf32>
          %parallel_loop3A_391 = arith.addf %parallel_loop3A_386, %parallel_loop3A_390 : vector<16xf32>
          %parallel_loop3A_392 = arith.constant 0.000000e+00 : f32
          %parallel_loop3A_393 = vector.broadcast %parallel_loop3A_392 : f32 to vector<16xf32>
          %parallel_loop3A_394 = arith.maximumf %parallel_loop3A_391, %parallel_loop3A_393 : vector<16xf32>
          %parallel_loop3A_395 = arith.index_cast %parallel_loop3A_255 : i32 to index
          %parallel_loop3A_396 = arith.constant 80 : index
          %parallel_loop3A_397 = tpu.vector_load %arg19[%parallel_loop3A_395, %parallel_loop3A_396] {strides = array<i32>} : memref<32x144xf32, #tpu.memory_space<vmem>>, vector<1x16xf32>,
          %parallel_loop3A_398 = vector.shape_cast %parallel_loop3A_397 : vector<1x16xf32> to vector<16xf32>
          %parallel_loop3A_399 = vector.shape_cast %parallel_loop3A_394 : vector<16xf32> to vector<1x16xf32>
          tpu.vector_store %arg19[%parallel_loop3A_395, %parallel_loop3A_396], %parallel_loop3A_399 {strides = array<i32>} : memref<32x144xf32, #tpu.memory_space<vmem>>, vector<1x16xf32>,
          %parallel_loop3A_400 = arith.index_cast %parallel_loop3A_255 : i32 to index
          %parallel_loop3A_401 = arith.constant 96 : index
          %parallel_loop3A_402 = tpu.vector_load %arg15[%parallel_loop3A_400, %parallel_loop3A_401] {strides = array<i32>} : memref<64x128xf32, #tpu.memory_space<vmem>>, vector<1x16xf32>,
          %parallel_loop3A_403 = vector.shape_cast %parallel_loop3A_402 : vector<1x16xf32> to vector<16xf32>
          %parallel_loop3A_404 = arith.constant 32 : i32
          %parallel_loop3A_405 = arith.addi %parallel_loop3A_404, %parallel_loop3A_255 : i32
          %parallel_loop3A_406 = arith.index_cast %parallel_loop3A_405 : i32 to index
          %parallel_loop3A_407 = arith.constant 96 : index
          %parallel_loop3A_408 = tpu.vector_load %arg15[%parallel_loop3A_406, %parallel_loop3A_407] {strides = array<i32>} : memref<64x128xf32, #tpu.memory_space<vmem>>, vector<1x16xf32>,
          %parallel_loop3A_409 = vector.shape_cast %parallel_loop3A_408 : vector<1x16xf32> to vector<16xf32>
          %parallel_loop3A_410 = arith.addf %parallel_loop3A_403, %parallel_loop3A_409 : vector<16xf32>
          %parallel_loop3A_411 = arith.index_cast %parallel_loop3A_255 : i32 to index
          %parallel_loop3A_412 = arith.constant 96 : index
          %parallel_loop3A_413 = tpu.vector_load %arg17[%parallel_loop3A_411, %parallel_loop3A_412] {strides = array<i32>} : memref<32x128xf32, #tpu.memory_space<vmem>>, vector<1x16xf32>,
          %parallel_loop3A_414 = vector.shape_cast %parallel_loop3A_413 : vector<1x16xf32> to vector<16xf32>
          %parallel_loop3A_415 = arith.addf %parallel_loop3A_410, %parallel_loop3A_414 : vector<16xf32>
          %parallel_loop3A_416 = arith.constant 0.000000e+00 : f32
          %parallel_loop3A_417 = vector.broadcast %parallel_loop3A_416 : f32 to vector<16xf32>
          %parallel_loop3A_418 = arith.maximumf %parallel_loop3A_415, %parallel_loop3A_417 : vector<16xf32>
          %parallel_loop3A_419 = arith.index_cast %parallel_loop3A_255 : i32 to index
          %parallel_loop3A_420 = arith.constant 96 : index
          %parallel_loop3A_421 = tpu.vector_load %arg19[%parallel_loop3A_419, %parallel_loop3A_420] {strides = array<i32>} : memref<32x144xf32, #tpu.memory_space<vmem>>, vector<1x16xf32>,
          %parallel_loop3A_422 = vector.shape_cast %parallel_loop3A_421 : vector<1x16xf32> to vector<16xf32>
          %parallel_loop3A_423 = vector.shape_cast %parallel_loop3A_418 : vector<16xf32> to vector<1x16xf32>
          tpu.vector_store %arg19[%parallel_loop3A_419, %parallel_loop3A_420], %parallel_loop3A_423 {strides = array<i32>} : memref<32x144xf32, #tpu.memory_space<vmem>>, vector<1x16xf32>,
          %parallel_loop3A_424 = arith.index_cast %parallel_loop3A_255 : i32 to index
          %parallel_loop3A_425 = arith.constant 112 : index
          %parallel_loop3A_426 = tpu.vector_load %arg15[%parallel_loop3A_424, %parallel_loop3A_425] {strides = array<i32>} : memref<64x128xf32, #tpu.memory_space<vmem>>, vector<1x16xf32>,
          %parallel_loop3A_427 = vector.shape_cast %parallel_loop3A_426 : vector<1x16xf32> to vector<16xf32>
          %parallel_loop3A_428 = arith.constant 32 : i32
          %parallel_loop3A_429 = arith.addi %parallel_loop3A_428, %parallel_loop3A_255 : i32
          %parallel_loop3A_430 = arith.index_cast %parallel_loop3A_429 : i32 to index
          %parallel_loop3A_431 = arith.constant 112 : index
          %parallel_loop3A_432 = tpu.vector_load %arg15[%parallel_loop3A_430, %parallel_loop3A_431] {strides = array<i32>} : memref<64x128xf32, #tpu.memory_space<vmem>>, vector<1x16xf32>,
          %parallel_loop3A_433 = vector.shape_cast %parallel_loop3A_432 : vector<1x16xf32> to vector<16xf32>
          %parallel_loop3A_434 = arith.addf %parallel_loop3A_427, %parallel_loop3A_433 : vector<16xf32>
          %parallel_loop3A_435 = arith.index_cast %parallel_loop3A_255 : i32 to index
          %parallel_loop3A_436 = arith.constant 112 : index
          %parallel_loop3A_437 = tpu.vector_load %arg17[%parallel_loop3A_435, %parallel_loop3A_436] {strides = array<i32>} : memref<32x128xf32, #tpu.memory_space<vmem>>, vector<1x16xf32>,
          %parallel_loop3A_438 = vector.shape_cast %parallel_loop3A_437 : vector<1x16xf32> to vector<16xf32>
          %parallel_loop3A_439 = arith.addf %parallel_loop3A_434, %parallel_loop3A_438 : vector<16xf32>
          %parallel_loop3A_440 = arith.constant 0.000000e+00 : f32
          %parallel_loop3A_441 = vector.broadcast %parallel_loop3A_440 : f32 to vector<16xf32>
          %parallel_loop3A_442 = arith.maximumf %parallel_loop3A_439, %parallel_loop3A_441 : vector<16xf32>
          %parallel_loop3A_443 = arith.index_cast %parallel_loop3A_255 : i32 to index
          %parallel_loop3A_444 = arith.constant 112 : index
          %parallel_loop3A_445 = tpu.vector_load %arg19[%parallel_loop3A_443, %parallel_loop3A_444] {strides = array<i32>} : memref<32x144xf32, #tpu.memory_space<vmem>>, vector<1x16xf32>,
          %parallel_loop3A_446 = vector.shape_cast %parallel_loop3A_445 : vector<1x16xf32> to vector<16xf32>
          %parallel_loop3A_447 = vector.shape_cast %parallel_loop3A_442 : vector<16xf32> to vector<1x16xf32>
          tpu.vector_store %arg19[%parallel_loop3A_443, %parallel_loop3A_444], %parallel_loop3A_447 {strides = array<i32>} : memref<32x144xf32, #tpu.memory_space<vmem>>, vector<1x16xf32>,
        } {sc.loop_unroll_factor = 4 : i64, sc.parallel_access}
        %dma_start3A_252 = arith.constant 0 : i32
        %dma_start3A_253 = arith.constant 0 : i32
        %dma_start3A_254 = tpu.memref_slice %arg20[%dma_start3A_252, %dma_start3A_253] : memref<10000x144xf32, #tpu.memory_space<vmem_shared>> -> memref<10000x144xf32, #tpu.memory_space<vmem_shared>>
        tpu.enqueue_indirect_dma source(%arg19 : memref<32x144xf32, #tpu.memory_space<vmem>>) target(%dma_start3A_254 : memref<10000x144xf32, #tpu.memory_space<vmem_shared>>) offsets(%arg11 : memref<32xi32, #tpu.memory_space<vmem>>) semaphore(%arg26 : memref<!tpu.dma_semaphore, #tpu.memory_space<semaphore_mem>>) {add = true}
      } else {
      }
    }
    %scan3A_139 = arith.constant 250 : i32
    %dma_wait3A_140 = arith.constant 0 : i32
    %dma_wait3A_141 = arith.constant 0 : i32
    %dma_wait3A_142 = tpu.memref_slice %arg20[%dma_wait3A_140, %dma_wait3A_141] : memref<10000x144xf32, #tpu.memory_space<vmem_shared>> -> memref<10000x144xf32, #tpu.memory_space<vmem_shared>>
    tpu.wait_indirect_dma semaphore(%arg25 : memref<!tpu.dma_semaphore, #tpu.memory_space<semaphore_mem>>) src(%arg18 : memref<32x144xf32, #tpu.memory_space<vmem>>) dst(%dma_wait3A_142 : memref<10000x144xf32, #tpu.memory_space<vmem_shared>>)
    %dma_wait3A_143 = arith.constant 0 : i32
    %dma_wait3A_144 = arith.constant 0 : i32
    %dma_wait3A_145 = tpu.memref_slice %arg20[%dma_wait3A_143, %dma_wait3A_144] : memref<10000x144xf32, #tpu.memory_space<vmem_shared>> -> memref<10000x144xf32, #tpu.memory_space<vmem_shared>>
    tpu.wait_indirect_dma semaphore(%arg26 : memref<!tpu.dma_semaphore, #tpu.memory_space<semaphore_mem>>) src(%arg19 : memref<32x144xf32, #tpu.memory_space<vmem>>) dst(%dma_wait3A_145 : memref<10000x144xf32, #tpu.memory_space<vmem_shared>>)
    %barrier3A_146 = arith.constant 0 : index
    tpu.barrier barrier_id(%barrier3A_146)
    %add3A_147 = arith.addi %mul3A_0, %mul3A_5 : i32
    "tpu.region"() ({
      %run_scoped3A = tpu.sem_alloc : memref<!tpu.dma_semaphore, #tpu.memory_space<semaphore_mem>>
      %dma_start3A_148 = arith.constant 0 : i32
      %dma_start3A_149 = tpu.memref_slice %arg5[%add3A_147, %dma_start3A_148] : memref<20000x144xf32, #tpu.memory_space<hbm>> -> memref<625x144xf32, #tpu.memory_space<hbm>>
      %dma_start3A_150 = arith.constant 0 : i32
      %dma_start3A_151 = tpu.memref_slice %arg20[%mul3A_5, %dma_start3A_150] : memref<10000x144xf32, #tpu.memory_space<vmem_shared>> -> memref<625x144xf32, #tpu.memory_space<vmem_shared>>
      tpu.enqueue_dma source(%dma_start3A_151 : memref<625x144xf32, #tpu.memory_space<vmem_shared>>) target(%dma_start3A_149 : memref<625x144xf32, #tpu.memory_space<hbm>>) target_semaphore(%run_scoped3A : memref<!tpu.dma_semaphore, #tpu.memory_space<semaphore_mem>>)
      %dma_wait3A_152 = arith.constant 0 : i32
      %dma_wait3A_153 = tpu.memref_slice %arg5[%add3A_147, %dma_wait3A_152] : memref<20000x144xf32, #tpu.memory_space<hbm>> -> memref<625x144xf32, #tpu.memory_space<hbm>>
      %dma_wait3A_154 = arith.constant 0 : i32
      %dma_wait3A_155 = tpu.memref_slice %arg20[%mul3A_5, %dma_wait3A_154] : memref<10000x144xf32, #tpu.memory_space<vmem_shared>> -> memref<625x144xf32, #tpu.memory_space<vmem_shared>>
      tpu.wait_dma2 semaphore(%run_scoped3A : memref<!tpu.dma_semaphore, #tpu.memory_space<semaphore_mem>>) src(%dma_wait3A_155 : memref<625x144xf32, #tpu.memory_space<vmem_shared>>) dst(%dma_wait3A_153 : memref<625x144xf32, #tpu.memory_space<hbm>>)
      tpu.yield
    }) : () -> ()
    return
  }
}

#map = affine_map<(d0, d1) -> (0, 0)>
module attributes {stable_mosaic.version = 14 : i64} {
  func.func @sc_kernel(%arg0: i32, %arg1: i32, %arg2: memref<2x192000xi32, #tpu.memory_space<hbm>>, %arg3: memref<40000x128xf32, #tpu.memory_space<hbm>>, %arg4: memref<384000x128xf32, #tpu.memory_space<hbm>>, %arg5: memref<20000x144xf32, #tpu.memory_space<hbm>>, %arg6: memref<800xi32, #tpu.memory_space<vmem>>, %arg7: memref<800xi32, #tpu.memory_space<vmem>>, %arg8: memref<800xi32, #tpu.memory_space<vmem>>, %arg9: memref<800xi32, #tpu.memory_space<vmem>>, %arg10: memref<32xi32, #tpu.memory_space<vmem>>, %arg11: memref<32xi32, #tpu.memory_space<vmem>>, %arg12: memref<64xi32, #tpu.memory_space<vmem>>, %arg13: memref<64xi32, #tpu.memory_space<vmem>>, %arg14: memref<64x128xf32, #tpu.memory_space<vmem>>, %arg15: memref<64x128xf32, #tpu.memory_space<vmem>>, %arg16: memref<32x128xf32, #tpu.memory_space<vmem>>, %arg17: memref<32x128xf32, #tpu.memory_space<vmem>>, %arg18: memref<32x144xf32, #tpu.memory_space<vmem>>, %arg19: memref<32x144xf32, #tpu.memory_space<vmem>>, %arg20: memref<10000x144xf32, #tpu.memory_space<vmem_shared>>, %arg21: memref<!tpu.dma_semaphore, #tpu.memory_space<semaphore_mem>>, %arg22: memref<!tpu.dma_semaphore, #tpu.memory_space<semaphore_mem>>, %arg23: memref<!tpu.dma_semaphore, #tpu.memory_space<semaphore_mem>>, %arg24: memref<!tpu.dma_semaphore, #tpu.memory_space<semaphore_mem>>, %arg25: memref<!tpu.dma_semaphore, #tpu.memory_space<semaphore_mem>>, %arg26: memref<!tpu.dma_semaphore, #tpu.memory_space<semaphore_mem>>, %arg27: memref<!tpu.dma_semaphore, #tpu.memory_space<semaphore_mem>>, %arg28: memref<!tpu.dma_semaphore, #tpu.memory_space<semaphore_mem>>) attributes {dimension_semantics = [#tpu.dimension_semantics<core_parallel>, #tpu.dimension_semantics<subcore_parallel>], iteration_bounds = array<i64: 2, 16>, scalar_prefetch = 0 : i64, scratch_operands = 23 : i64, tpu.core_type = #tpu.core_type<sc_vector_subcore>, window_params = [{transform_indices = #map}, {transform_indices = #map}, {transform_indices = #map}, {transform_indices = #map}]} {
    %mul3A = arith.constant 10000 : i32
    %mul3A_0 = arith.muli %arg0, %mul3A : i32
    %add3A = arith.constant 20000 : i32
    %add3A_1 = arith.addi %mul3A_0, %add3A : i32
    %mul3A_2 = arith.constant 12000 : i32
    %mul3A_3 = arith.muli %arg1, %mul3A_2 : i32
    %mul3A_4 = arith.constant 625 : i32
    %mul3A_5 = arith.muli %arg1, %mul3A_4 : i32
    %broadcast_in_dim3A = arith.constant 0.000000e+00 : f32
    %broadcast_in_dim3A_6 = vector.broadcast %broadcast_in_dim3A : f32 to vector<16xf32>
    %scan3A = arith.constant 0 : i32
    %scan3A_7 = arith.constant 0 : i32
    %scan3A_8 = arith.constant 32 : i32
    %scan3A_9 = arith.addi %scan3A_7, %scan3A_8 : i32
    %scan3A_10 = arith.constant 1 : i32
    scf.for %scan3A_148 = %scan3A_7 to %scan3A_9 step %scan3A_10  : i32 {
      %swap3A_149 = arith.index_cast %scan3A_148 : i32 to index
      %swap3A_150 = arith.constant 0 : index
      %swap3A_151 = tpu.vector_load %arg18[%swap3A_149, %swap3A_150] {strides = array<i32>} : memref<32x144xf32, #tpu.memory_space<vmem>>, vector<1x16xf32>,
      %swap3A_152 = vector.shape_cast %swap3A_151 : vector<1x16xf32> to vector<16xf32>
      %swap3A_153 = vector.shape_cast %broadcast_in_dim3A_6 : vector<16xf32> to vector<1x16xf32>
      tpu.vector_store %arg18[%swap3A_149, %swap3A_150], %swap3A_153 {strides = array<i32>} : memref<32x144xf32, #tpu.memory_space<vmem>>, vector<1x16xf32>,
      %swap3A_154 = arith.index_cast %scan3A_148 : i32 to index
      %swap3A_155 = arith.constant 16 : index
      %swap3A_156 = tpu.vector_load %arg18[%swap3A_154, %swap3A_155] {strides = array<i32>} : memref<32x144xf32, #tpu.memory_space<vmem>>, vector<1x16xf32>,
      %swap3A_157 = vector.shape_cast %swap3A_156 : vector<1x16xf32> to vector<16xf32>
      %swap3A_158 = vector.shape_cast %broadcast_in_dim3A_6 : vector<16xf32> to vector<1x16xf32>
      tpu.vector_store %arg18[%swap3A_154, %swap3A_155], %swap3A_158 {strides = array<i32>} : memref<32x144xf32, #tpu.memory_space<vmem>>, vector<1x16xf32>,
      %swap3A_159 = arith.index_cast %scan3A_148 : i32 to index
      %swap3A_160 = arith.constant 32 : index
      %swap3A_161 = tpu.vector_load %arg18[%swap3A_159, %swap3A_160] {strides = array<i32>} : memref<32x144xf32, #tpu.memory_space<vmem>>, vector<1x16xf32>,
      %swap3A_162 = vector.shape_cast %swap3A_161 : vector<1x16xf32> to vector<16xf32>
      %swap3A_163 = vector.shape_cast %broadcast_in_dim3A_6 : vector<16xf32> to vector<1x16xf32>
      tpu.vector_store %arg18[%swap3A_159, %swap3A_160], %swap3A_163 {strides = array<i32>} : memref<32x144xf32, #tpu.memory_space<vmem>>, vector<1x16xf32>,
      %swap3A_164 = arith.index_cast %scan3A_148 : i32 to index
      %swap3A_165 = arith.constant 48 : index
      %swap3A_166 = tpu.vector_load %arg18[%swap3A_164, %swap3A_165] {strides = array<i32>} : memref<32x144xf32, #tpu.memory_space<vmem>>, vector<1x16xf32>,
      %swap3A_167 = vector.shape_cast %swap3A_166 : vector<1x16xf32> to vector<16xf32>
      %swap3A_168 = vector.shape_cast %broadcast_in_dim3A_6 : vector<16xf32> to vector<1x16xf32>
      tpu.vector_store %arg18[%swap3A_164, %swap3A_165], %swap3A_168 {strides = array<i32>} : memref<32x144xf32, #tpu.memory_space<vmem>>, vector<1x16xf32>,
      %swap3A_169 = arith.index_cast %scan3A_148 : i32 to index
      %swap3A_170 = arith.constant 64 : index
      %swap3A_171 = tpu.vector_load %arg18[%swap3A_169, %swap3A_170] {strides = array<i32>} : memref<32x144xf32, #tpu.memory_space<vmem>>, vector<1x16xf32>,
      %swap3A_172 = vector.shape_cast %swap3A_171 : vector<1x16xf32> to vector<16xf32>
      %swap3A_173 = vector.shape_cast %broadcast_in_dim3A_6 : vector<16xf32> to vector<1x16xf32>
      tpu.vector_store %arg18[%swap3A_169, %swap3A_170], %swap3A_173 {strides = array<i32>} : memref<32x144xf32, #tpu.memory_space<vmem>>, vector<1x16xf32>,
      %swap3A_174 = arith.index_cast %scan3A_148 : i32 to index
      %swap3A_175 = arith.constant 80 : index
      %swap3A_176 = tpu.vector_load %arg18[%swap3A_174, %swap3A_175] {strides = array<i32>} : memref<32x144xf32, #tpu.memory_space<vmem>>, vector<1x16xf32>,
      %swap3A_177 = vector.shape_cast %swap3A_176 : vector<1x16xf32> to vector<16xf32>
      %swap3A_178 = vector.shape_cast %broadcast_in_dim3A_6 : vector<16xf32> to vector<1x16xf32>
      tpu.vector_store %arg18[%swap3A_174, %swap3A_175], %swap3A_178 {strides = array<i32>} : memref<32x144xf32, #tpu.memory_space<vmem>>, vector<1x16xf32>,
      %swap3A_179 = arith.index_cast %scan3A_148 : i32 to index
      %swap3A_180 = arith.constant 96 : index
      %swap3A_181 = tpu.vector_load %arg18[%swap3A_179, %swap3A_180] {strides = array<i32>} : memref<32x144xf32, #tpu.memory_space<vmem>>, vector<1x16xf32>,
      %swap3A_182 = vector.shape_cast %swap3A_181 : vector<1x16xf32> to vector<16xf32>
      %swap3A_183 = vector.shape_cast %broadcast_in_dim3A_6 : vector<16xf32> to vector<1x16xf32>
      tpu.vector_store %arg18[%swap3A_179, %swap3A_180], %swap3A_183 {strides = array<i32>} : memref<32x144xf32, #tpu.memory_space<vmem>>, vector<1x16xf32>,
      %swap3A_184 = arith.index_cast %scan3A_148 : i32 to index
      %swap3A_185 = arith.constant 112 : index
      %swap3A_186 = tpu.vector_load %arg18[%swap3A_184, %swap3A_185] {strides = array<i32>} : memref<32x144xf32, #tpu.memory_space<vmem>>, vector<1x16xf32>,
      %swap3A_187 = vector.shape_cast %swap3A_186 : vector<1x16xf32> to vector<16xf32>
      %swap3A_188 = vector.shape_cast %broadcast_in_dim3A_6 : vector<16xf32> to vector<1x16xf32>
      tpu.vector_store %arg18[%swap3A_184, %swap3A_185], %swap3A_188 {strides = array<i32>} : memref<32x144xf32, #tpu.memory_space<vmem>>, vector<1x16xf32>,
      %swap3A_189 = arith.index_cast %scan3A_148 : i32 to index
      %swap3A_190 = arith.constant 128 : index
      %swap3A_191 = tpu.vector_load %arg18[%swap3A_189, %swap3A_190] {strides = array<i32>} : memref<32x144xf32, #tpu.memory_space<vmem>>, vector<1x16xf32>,
      %swap3A_192 = vector.shape_cast %swap3A_191 : vector<1x16xf32> to vector<16xf32>
      %swap3A_193 = vector.shape_cast %broadcast_in_dim3A_6 : vector<16xf32> to vector<1x16xf32>
      tpu.vector_store %arg18[%swap3A_189, %swap3A_190], %swap3A_193 {strides = array<i32>} : memref<32x144xf32, #tpu.memory_space<vmem>>, vector<1x16xf32>,
    }
    %scan3A_11 = arith.constant 32 : i32
    %scan3A_12 = arith.constant 0 : i32
    %scan3A_13 = arith.constant 0 : i32
    %scan3A_14 = arith.constant 25 : i32
    %scan3A_15 = arith.addi %scan3A_13, %scan3A_14 : i32
    %scan3A_16 = arith.constant 1 : i32
    scf.for %scan3A_148 = %scan3A_13 to %scan3A_15 step %scan3A_16  : i32 {
      %mul3A_149 = arith.constant 25 : i32
      %mul3A_150 = arith.muli %scan3A_148, %mul3A_149 : i32
      %add3A_151 = arith.addi %mul3A_5, %mul3A_150 : i32
      "tpu.region"() ({
        %run_scoped3A = tpu.sem_alloc : memref<!tpu.dma_semaphore, #tpu.memory_space<semaphore_mem>>
        %dma_start3A_152 = arith.constant 0 : i32
        %dma_start3A_153 = arith.constant 0 : i32
        %dma_start3A_154 = tpu.memref_slice %arg18[%dma_start3A_152, %dma_start3A_153] : memref<32x144xf32, #tpu.memory_space<vmem>> -> memref<25x144xf32, #tpu.memory_space<vmem>>
        %dma_start3A_155 = arith.constant 0 : i32
        %dma_start3A_156 = tpu.memref_slice %arg20[%add3A_151, %dma_start3A_155] : memref<10000x144xf32, #tpu.memory_space<vmem_shared>> -> memref<25x144xf32, #tpu.memory_space<vmem_shared>>
        %dma_start3A_157 = arith.constant 0 : i32
        %dma_start3A_158 = tpu.memref_slice %arg20[%add3A_151, %dma_start3A_157] : memref<10000x144xf32, #tpu.memory_space<vmem_shared>> -> memref<25x144xf32, #tpu.memory_space<vmem_shared>>
        %dma_start3A_159 = arith.constant 0 : i32
        %dma_start3A_160 = arith.constant 0 : i32
        %dma_start3A_161 = tpu.memref_slice %arg18[%dma_start3A_159, %dma_start3A_160] : memref<32x144xf32, #tpu.memory_space<vmem>> -> memref<25x144xf32, #tpu.memory_space<vmem>>
        tpu.enqueue_dma source(%dma_start3A_161 : memref<25x144xf32, #tpu.memory_space<vmem>>) target(%dma_start3A_158 : memref<25x144xf32, #tpu.memory_space<vmem_shared>>) target_semaphore(%run_scoped3A : memref<!tpu.dma_semaphore, #tpu.memory_space<semaphore_mem>>)
        %dma_wait3A_162 = arith.constant 0 : i32
        %dma_wait3A_163 = arith.constant 0 : i32
        %dma_wait3A_164 = tpu.memref_slice %arg18[%dma_wait3A_162, %dma_wait3A_163] : memref<32x144xf32, #tpu.memory_space<vmem>> -> memref<25x144xf32, #tpu.memory_space<vmem>>
        %dma_wait3A_165 = arith.constant 0 : i32
        %dma_wait3A_166 = tpu.memref_slice %arg20[%add3A_151, %dma_wait3A_165] : memref<10000x144xf32, #tpu.memory_space<vmem_shared>> -> memref<25x144xf32, #tpu.memory_space<vmem_shared>>
        %dma_wait3A_167 = arith.constant 0 : i32
        %dma_wait3A_168 = tpu.memref_slice %arg20[%add3A_151, %dma_wait3A_167] : memref<10000x144xf32, #tpu.memory_space<vmem_shared>> -> memref<25x144xf32, #tpu.memory_space<vmem_shared>>
        %dma_wait3A_169 = arith.constant 0 : i32
        %dma_wait3A_170 = arith.constant 0 : i32
        %dma_wait3A_171 = tpu.memref_slice %arg18[%dma_wait3A_169, %dma_wait3A_170] : memref<32x144xf32, #tpu.memory_space<vmem>> -> memref<25x144xf32, #tpu.memory_space<vmem>>
        tpu.wait_dma2 semaphore(%run_scoped3A : memref<!tpu.dma_semaphore, #tpu.memory_space<semaphore_mem>>) src(%dma_wait3A_171 : memref<25x144xf32, #tpu.memory_space<vmem>>) dst(%dma_wait3A_168 : memref<25x144xf32, #tpu.memory_space<vmem_shared>>)
        tpu.yield
      }) : () -> ()
    }
    %scan3A_17 = arith.constant 25 : i32
    %iota3A = tpu.iota {dimensions = array<i32: 0>} : vector<16xi32>
    %eq3A = arith.constant 0 : i32
    %eq3A_18 = vector.broadcast %eq3A : i32 to vector<16xi32>
    %eq3A_19 = arith.cmpi eq, %iota3A, %eq3A_18 : vector<16xi32>
    %broadcast_in_dim3A_20 = arith.constant 1.000000e+00 : f32
    %broadcast_in_dim3A_21 = vector.broadcast %broadcast_in_dim3A_20 : f32 to vector<16xf32>
    %select_n3A = arith.select %eq3A_19, %broadcast_in_dim3A_21, %broadcast_in_dim3A_6 : vector<16xi1>, vector<16xf32>
    %scan3A_22 = arith.constant 0 : i32
    %scan3A_23 = arith.constant 0 : i32
    %scan3A_24 = arith.constant 32 : i32
    %scan3A_25 = arith.addi %scan3A_23, %scan3A_24 : i32
    %scan3A_26 = arith.constant 1 : i32
    scf.for %scan3A_148 = %scan3A_23 to %scan3A_25 step %scan3A_26  : i32 {
      %swap3A_149 = arith.index_cast %scan3A_148 : i32 to index
      %swap3A_150 = arith.constant 128 : index
      %swap3A_151 = tpu.vector_load %arg18[%swap3A_149, %swap3A_150] {strides = array<i32>} : memref<32x144xf32, #tpu.memory_space<vmem>>, vector<1x16xf32>,
      %swap3A_152 = vector.shape_cast %swap3A_151 : vector<1x16xf32> to vector<16xf32>
      %swap3A_153 = vector.shape_cast %select_n3A : vector<16xf32> to vector<1x16xf32>
      tpu.vector_store %arg18[%swap3A_149, %swap3A_150], %swap3A_153 {strides = array<i32>} : memref<32x144xf32, #tpu.memory_space<vmem>>, vector<1x16xf32>,
      %swap3A_154 = arith.index_cast %scan3A_148 : i32 to index
      %swap3A_155 = arith.constant 128 : index
      %swap3A_156 = tpu.vector_load %arg19[%swap3A_154, %swap3A_155] {strides = array<i32>} : memref<32x144xf32, #tpu.memory_space<vmem>>, vector<1x16xf32>,
      %swap3A_157 = vector.shape_cast %swap3A_156 : vector<1x16xf32> to vector<16xf32>
      %swap3A_158 = vector.shape_cast %select_n3A : vector<16xf32> to vector<1x16xf32>
      tpu.vector_store %arg19[%swap3A_154, %swap3A_155], %swap3A_158 {strides = array<i32>} : memref<32x144xf32, #tpu.memory_space<vmem>>, vector<1x16xf32>,
    }
    %scan3A_27 = arith.constant 32 : i32
    %barrier3A = arith.constant 0 : index
    tpu.barrier barrier_id(%barrier3A)
    %sub3A = arith.constant 1 : i32
    %sub3A_28 = arith.subi %sub3A, %arg0 : i32
    %add3A_29 = arith.constant 0 : i32
    %add3A_30 = arith.addi %mul3A_3, %add3A_29 : i32
    %dma_start3A = tpu.memref_slice %arg2[%sub3A_28, %add3A_30] : memref<2x192000xi32, #tpu.memory_space<hbm>> -> memref<1x800xi32, #tpu.memory_space<hbm>>
    %dma_start3A_31 = tpu.memref_squeeze %dma_start3A : memref<1x800xi32, #tpu.memory_space<hbm>> -> memref<800xi32, #tpu.memory_space<hbm>>
    %dma_start3A_32 = tpu.memref_slice %arg2[%sub3A_28, %add3A_30] : memref<2x192000xi32, #tpu.memory_space<hbm>> -> memref<1x800xi32, #tpu.memory_space<hbm>>
    %dma_start3A_33 = tpu.memref_squeeze %dma_start3A_32 : memref<1x800xi32, #tpu.memory_space<hbm>> -> memref<800xi32, #tpu.memory_space<hbm>>
    tpu.enqueue_dma source(%dma_start3A_33 : memref<800xi32, #tpu.memory_space<hbm>>) target(%arg6 : memref<800xi32, #tpu.memory_space<vmem>>) target_semaphore(%arg27 : memref<!tpu.dma_semaphore, #tpu.memory_space<semaphore_mem>>)
    %add3A_34 = arith.constant 0 : i32
    %add3A_35 = arith.addi %mul3A_3, %add3A_34 : i32
    %dma_start3A_36 = tpu.memref_slice %arg2[%arg0, %add3A_35] : memref<2x192000xi32, #tpu.memory_space<hbm>> -> memref<1x800xi32, #tpu.memory_space<hbm>>
    %dma_start3A_37 = tpu.memref_squeeze %dma_start3A_36 : memref<1x800xi32, #tpu.memory_space<hbm>> -> memref<800xi32, #tpu.memory_space<hbm>>
    %dma_start3A_38 = tpu.memref_slice %arg2[%arg0, %add3A_35] : memref<2x192000xi32, #tpu.memory_space<hbm>> -> memref<1x800xi32, #tpu.memory_space<hbm>>
    %dma_start3A_39 = tpu.memref_squeeze %dma_start3A_38 : memref<1x800xi32, #tpu.memory_space<hbm>> -> memref<800xi32, #tpu.memory_space<hbm>>
    tpu.enqueue_dma source(%dma_start3A_39 : memref<800xi32, #tpu.memory_space<hbm>>) target(%arg8 : memref<800xi32, #tpu.memory_space<vmem>>) target_semaphore(%arg27 : memref<!tpu.dma_semaphore, #tpu.memory_space<semaphore_mem>>)
    %dma_wait3A = arith.constant 0 : i32
    %dma_wait3A_40 = arith.constant 0 : i32
    %dma_wait3A_41 = tpu.memref_slice %arg2[%dma_wait3A, %dma_wait3A_40] : memref<2x192000xi32, #tpu.memory_space<hbm>> -> memref<1x800xi32, #tpu.memory_space<hbm>>
    %dma_wait3A_42 = tpu.memref_squeeze %dma_wait3A_41 : memref<1x800xi32, #tpu.memory_space<hbm>> -> memref<800xi32, #tpu.memory_space<hbm>>
    %dma_wait3A_43 = arith.constant 0 : i32
    %dma_wait3A_44 = tpu.memref_slice %arg2[%dma_wait3A, %dma_wait3A_43] : memref<2x192000xi32, #tpu.memory_space<hbm>> -> memref<1x800xi32, #tpu.memory_space<hbm>>
    %dma_wait3A_45 = tpu.memref_squeeze %dma_wait3A_44 : memref<1x800xi32, #tpu.memory_space<hbm>> -> memref<800xi32, #tpu.memory_space<hbm>>
    tpu.wait_dma2 semaphore(%arg27 : memref<!tpu.dma_semaphore, #tpu.memory_space<semaphore_mem>>) src(%dma_wait3A_45 : memref<800xi32, #tpu.memory_space<hbm>>) dst(%arg6 : memref<800xi32, #tpu.memory_space<vmem>>)
    %dma_wait3A_46 = arith.constant 0 : i32
    %dma_wait3A_47 = arith.constant 0 : i32
    %dma_wait3A_48 = tpu.memref_slice %arg2[%dma_wait3A_46, %dma_wait3A_47] : memref<2x192000xi32, #tpu.memory_space<hbm>> -> memref<1x800xi32, #tpu.memory_space<hbm>>
    %dma_wait3A_49 = tpu.memref_squeeze %dma_wait3A_48 : memref<1x800xi32, #tpu.memory_space<hbm>> -> memref<800xi32, #tpu.memory_space<hbm>>
    %dma_wait3A_50 = arith.constant 0 : i32
    %dma_wait3A_51 = tpu.memref_slice %arg2[%dma_wait3A_46, %dma_wait3A_50] : memref<2x192000xi32, #tpu.memory_space<hbm>> -> memref<1x800xi32, #tpu.memory_space<hbm>>
    %dma_wait3A_52 = tpu.memref_squeeze %dma_wait3A_51 : memref<1x800xi32, #tpu.memory_space<hbm>> -> memref<800xi32, #tpu.memory_space<hbm>>
    tpu.wait_dma2 semaphore(%arg27 : memref<!tpu.dma_semaphore, #tpu.memory_space<semaphore_mem>>) src(%dma_wait3A_52 : memref<800xi32, #tpu.memory_space<hbm>>) dst(%arg8 : memref<800xi32, #tpu.memory_space<vmem>>)
    %sub3A_53 = arith.constant 1 : i32
    %sub3A_54 = arith.subi %sub3A_53, %arg0 : i32
    %add3A_55 = arith.constant 800 : i32
    %add3A_56 = arith.addi %mul3A_3, %add3A_55 : i32
    %dma_start3A_57 = tpu.memref_slice %arg2[%sub3A_54, %add3A_56] : memref<2x192000xi32, #tpu.memory_space<hbm>> -> memref<1x800xi32, #tpu.memory_space<hbm>>
    %dma_start3A_58 = tpu.memref_squeeze %dma_start3A_57 : memref<1x800xi32, #tpu.memory_space<hbm>> -> memref<800xi32, #tpu.memory_space<hbm>>
    %dma_start3A_59 = tpu.memref_slice %arg2[%sub3A_54, %add3A_56] : memref<2x192000xi32, #tpu.memory_space<hbm>> -> memref<1x800xi32, #tpu.memory_space<hbm>>
    %dma_start3A_60 = tpu.memref_squeeze %dma_start3A_59 : memref<1x800xi32, #tpu.memory_space<hbm>> -> memref<800xi32, #tpu.memory_space<hbm>>
    tpu.enqueue_dma source(%dma_start3A_60 : memref<800xi32, #tpu.memory_space<hbm>>) target(%arg7 : memref<800xi32, #tpu.memory_space<vmem>>) target_semaphore(%arg28 : memref<!tpu.dma_semaphore, #tpu.memory_space<semaphore_mem>>)
    %add3A_61 = arith.constant 800 : i32
    %add3A_62 = arith.addi %mul3A_3, %add3A_61 : i32
    %dma_start3A_63 = tpu.memref_slice %arg2[%arg0, %add3A_62] : memref<2x192000xi32, #tpu.memory_space<hbm>> -> memref<1x800xi32, #tpu.memory_space<hbm>>
    %dma_start3A_64 = tpu.memref_squeeze %dma_start3A_63 : memref<1x800xi32, #tpu.memory_space<hbm>> -> memref<800xi32, #tpu.memory_space<hbm>>
    %dma_start3A_65 = tpu.memref_slice %arg2[%arg0, %add3A_62] : memref<2x192000xi32, #tpu.memory_space<hbm>> -> memref<1x800xi32, #tpu.memory_space<hbm>>
    %dma_start3A_66 = tpu.memref_squeeze %dma_start3A_65 : memref<1x800xi32, #tpu.memory_space<hbm>> -> memref<800xi32, #tpu.memory_space<hbm>>
    tpu.enqueue_dma source(%dma_start3A_66 : memref<800xi32, #tpu.memory_space<hbm>>) target(%arg9 : memref<800xi32, #tpu.memory_space<vmem>>) target_semaphore(%arg28 : memref<!tpu.dma_semaphore, #tpu.memory_space<semaphore_mem>>)
    %ge3A = arith.constant 0 : i32
    %ge3A_67 = arith.constant 2 : i32
    %ge3A_68 = arith.cmpi sge, %ge3A, %ge3A_67 : i32
    %convert_element_type3A = arith.extui %ge3A_68 : i1 to i32
    %cond3A = arith.constant 0 : i32
    %cond3A_69 = arith.cmpi ne, %convert_element_type3A, %cond3A : i32
    scf.if %cond3A_69 {
      %dma_wait3A_148 = arith.constant 0 : i32
      %dma_wait3A_149 = arith.constant 0 : i32
      %dma_wait3A_150 = tpu.memref_slice %arg20[%dma_wait3A_148, %dma_wait3A_149] : memref<10000x144xf32, #tpu.memory_space<vmem_shared>> -> memref<10000x144xf32, #tpu.memory_space<vmem_shared>>
      tpu.wait_indirect_dma semaphore(%arg25 : memref<!tpu.dma_semaphore, #tpu.memory_space<semaphore_mem>>) src(%arg18 : memref<32x144xf32, #tpu.memory_space<vmem>>) dst(%dma_wait3A_150 : memref<10000x144xf32, #tpu.memory_space<vmem_shared>>)
    } else {
    }
    %rem3A = arith.constant 0 : i32
    %rem3A_70 = arith.constant 25 : i32
    %rem3A_71 = arith.remsi %rem3A, %rem3A_70 : i32
    %mul3A_72 = arith.constant 32 : i32
    %mul3A_73 = arith.muli %rem3A_71, %mul3A_72 : i32
    %add3A_74 = arith.constant 0 : i32
    %add3A_75 = arith.addi %mul3A_73, %add3A_74 : i32
    %get3A = arith.index_cast %add3A_75 : i32 to index
    %get3A_76 = tpu.vector_load %arg6[%get3A] {strides = array<i32>} : memref<800xi32, #tpu.memory_space<vmem>>, vector<16xi32>,
    %get3A_77 = vector.shape_cast %get3A_76 : vector<16xi32> to vector<16xi32>
    %swap3A = arith.constant 0 : index
    %swap3A_78 = tpu.vector_load %arg10[%swap3A] {strides = array<i32>} : memref<32xi32, #tpu.memory_space<vmem>>, vector<16xi32>,
    %swap3A_79 = vector.shape_cast %swap3A_78 : vector<16xi32> to vector<16xi32>
    %swap3A_80 = vector.shape_cast %get3A_77 : vector<16xi32> to vector<16xi32>
    tpu.vector_store %arg10[%swap3A], %swap3A_80 {strides = array<i32>} : memref<32xi32, #tpu.memory_space<vmem>>, vector<16xi32>,
    %add3A_81 = vector.broadcast %mul3A_0 : i32 to vector<16xi32>
    %add3A_82 = arith.addi %get3A_77, %add3A_81 : vector<16xi32>
    %swap3A_83 = arith.constant 0 : index
    %swap3A_84 = tpu.vector_load %arg12[%swap3A_83] {strides = array<i32>} : memref<64xi32, #tpu.memory_space<vmem>>, vector<16xi32>,
    %swap3A_85 = vector.shape_cast %swap3A_84 : vector<16xi32> to vector<16xi32>
    %swap3A_86 = vector.shape_cast %add3A_82 : vector<16xi32> to vector<16xi32>
    tpu.vector_store %arg12[%swap3A_83], %swap3A_86 {strides = array<i32>} : memref<64xi32, #tpu.memory_space<vmem>>, vector<16xi32>,
    %get3A_87 = arith.index_cast %add3A_75 : i32 to index
    %get3A_88 = tpu.vector_load %arg8[%get3A_87] {strides = array<i32>} : memref<800xi32, #tpu.memory_space<vmem>>, vector<16xi32>,
    %get3A_89 = vector.shape_cast %get3A_88 : vector<16xi32> to vector<16xi32>
    %add3A_90 = vector.broadcast %add3A_1 : i32 to vector<16xi32>
    %add3A_91 = arith.addi %get3A_89, %add3A_90 : vector<16xi32>
    %swap3A_92 = arith.constant 32 : index
    %swap3A_93 = tpu.vector_load %arg12[%swap3A_92] {strides = array<i32>} : memref<64xi32, #tpu.memory_space<vmem>>, vector<16xi32>,
    %swap3A_94 = vector.shape_cast %swap3A_93 : vector<16xi32> to vector<16xi32>
    %swap3A_95 = vector.shape_cast %add3A_91 : vector<16xi32> to vector<16xi32>
    tpu.vector_store %arg12[%swap3A_92], %swap3A_95 {strides = array<i32>} : memref<64xi32, #tpu.memory_space<vmem>>, vector<16xi32>,
    %add3A_96 = arith.constant 16 : i32
    %add3A_97 = arith.addi %mul3A_73, %add3A_96 : i32
    %get3A_98 = arith.index_cast %add3A_97 : i32 to index
    %get3A_99 = tpu.vector_load %arg6[%get3A_98] {strides = array<i32>} : memref<800xi32, #tpu.memory_space<vmem>>, vector<16xi32>,
    %get3A_100 = vector.shape_cast %get3A_99 : vector<16xi32> to vector<16xi32>
    %swap3A_101 = arith.constant 16 : index
    %swap3A_102 = tpu.vector_load %arg10[%swap3A_101] {strides = array<i32>} : memref<32xi32, #tpu.memory_space<vmem>>, vector<16xi32>,
    %swap3A_103 = vector.shape_cast %swap3A_102 : vector<16xi32> to vector<16xi32>
    %swap3A_104 = vector.shape_cast %get3A_100 : vector<16xi32> to vector<16xi32>
    tpu.vector_store %arg10[%swap3A_101], %swap3A_104 {strides = array<i32>} : memref<32xi32, #tpu.memory_space<vmem>>, vector<16xi32>,
    %add3A_105 = vector.broadcast %mul3A_0 : i32 to vector<16xi32>
    %add3A_106 = arith.addi %get3A_100, %add3A_105 : vector<16xi32>
    %swap3A_107 = arith.constant 16 : index
    %swap3A_108 = tpu.vector_load %arg12[%swap3A_107] {strides = array<i32>} : memref<64xi32, #tpu.memory_space<vmem>>, vector<16xi32>,
    %swap3A_109 = vector.shape_cast %swap3A_108 : vector<16xi32> to vector<16xi32>
    %swap3A_110 = vector.shape_cast %add3A_106 : vector<16xi32> to vector<16xi32>
    tpu.vector_store %arg12[%swap3A_107], %swap3A_110 {strides = array<i32>} : memref<64xi32, #tpu.memory_space<vmem>>, vector<16xi32>,
    %get3A_111 = arith.index_cast %add3A_97 : i32 to index
    %get3A_112 = tpu.vector_load %arg8[%get3A_111] {strides = array<i32>} : memref<800xi32, #tpu.memory_space<vmem>>, vector<16xi32>,
    %get3A_113 = vector.shape_cast %get3A_112 : vector<16xi32> to vector<16xi32>
    %add3A_114 = vector.broadcast %add3A_1 : i32 to vector<16xi32>
    %add3A_115 = arith.addi %get3A_113, %add3A_114 : vector<16xi32>
    %swap3A_116 = arith.constant 48 : index
    %swap3A_117 = tpu.vector_load %arg12[%swap3A_116] {strides = array<i32>} : memref<64xi32, #tpu.memory_space<vmem>>, vector<16xi32>,
    %swap3A_118 = vector.shape_cast %swap3A_117 : vector<16xi32> to vector<16xi32>
    %swap3A_119 = vector.shape_cast %add3A_115 : vector<16xi32> to vector<16xi32>
    tpu.vector_store %arg12[%swap3A_116], %swap3A_119 {strides = array<i32>} : memref<64xi32, #tpu.memory_space<vmem>>, vector<16xi32>,
    %dma_start3A_120 = arith.constant 0 : i32
    %dma_start3A_121 = arith.constant 0 : i32
    %dma_start3A_122 = tpu.memref_slice %arg3[%dma_start3A_120, %dma_start3A_121] : memref<40000x128xf32, #tpu.memory_space<hbm>> -> memref<40000x128xf32, #tpu.memory_space<hbm>>
    tpu.enqueue_indirect_dma source(%dma_start3A_122 : memref<40000x128xf32, #tpu.memory_space<hbm>>) target(%arg14 : memref<64x128xf32, #tpu.memory_space<vmem>>) offsets(%arg12 : memref<64xi32, #tpu.memory_space<vmem>>) semaphore(%arg21 : memref<!tpu.dma_semaphore, #tpu.memory_space<semaphore_mem>>)
    %mul3A_123 = arith.constant 192000 : i32
    %mul3A_124 = arith.muli %arg0, %mul3A_123 : i32
    %add3A_125 = arith.addi %mul3A_124, %mul3A_3 : i32
    %mul3A_126 = arith.constant 0 : i32
    %mul3A_127 = arith.constant 32 : i32
    %mul3A_128 = arith.muli %mul3A_126, %mul3A_127 : i32
    %add3A_129 = arith.addi %add3A_125, %mul3A_128 : i32
    %dma_start3A_130 = arith.constant 0 : i32
    %dma_start3A_131 = tpu.memref_slice %arg4[%add3A_129, %dma_start3A_130] : memref<384000x128xf32, #tpu.memory_space<hbm>> -> memref<32x128xf32, #tpu.memory_space<hbm>>
    %dma_start3A_132 = arith.constant 0 : i32
    %dma_start3A_133 = tpu.memref_slice %arg4[%add3A_129, %dma_start3A_132] : memref<384000x128xf32, #tpu.memory_space<hbm>> -> memref<32x128xf32, #tpu.memory_space<hbm>>
    tpu.enqueue_dma source(%dma_start3A_133 : memref<32x128xf32, #tpu.memory_space<hbm>>) target(%arg16 : memref<32x128xf32, #tpu.memory_space<vmem>>) target_semaphore(%arg23 : memref<!tpu.dma_semaphore, #tpu.memory_space<semaphore_mem>>)
    %scan3A_134 = arith.constant 0 : i32
    %scan3A_135 = arith.constant 0 : i32
    %scan3A_136 = arith.constant 375 : i32
    %scan3A_137 = arith.addi %scan3A_135, %scan3A_136 : i32
    %scan3A_138 = arith.constant 1 : i32
    scf.for %scan3A_148 = %scan3A_135 to %scan3A_137 step %scan3A_138  : i32 {
      %add3A_149 = arith.constant 1 : i32
      %add3A_150 = arith.addi %scan3A_148, %add3A_149 : i32
      %jit3A = arith.constant 25 : i32
      %div3A = arith.divsi %add3A_150, %jit3A : i32
      %sign3A = arith.constant 0 : i32
      %sign3A_151 = arith.cmpi sgt, %add3A_150, %sign3A : i32
      %sign3A_152 = arith.extui %sign3A_151 : i1 to i32
      %sign3A_153 = arith.constant 0 : i32
      %sign3A_154 = arith.cmpi slt, %add3A_150, %sign3A_153 : i32
      %sign3A_155 = arith.extui %sign3A_154 : i1 to i32
      %sign3A_156 = arith.subi %sign3A_152, %sign3A_155 : i32
      %sign3A_157 = arith.constant 0 : i32
      %sign3A_158 = arith.cmpi sgt, %jit3A, %sign3A_157 : i32
      %sign3A_159 = arith.extui %sign3A_158 : i1 to i32
      %sign3A_160 = arith.constant 0 : i32
      %sign3A_161 = arith.cmpi slt, %jit3A, %sign3A_160 : i32
      %sign3A_162 = arith.extui %sign3A_161 : i1 to i32
      %sign3A_163 = arith.subi %sign3A_159, %sign3A_162 : i32
      %ne3A = arith.cmpi ne, %sign3A_156, %sign3A_163 : i32
      %rem3A_164 = arith.remsi %add3A_150, %jit3A : i32
      %ne3A_165 = arith.constant 0 : i32
      %ne3A_166 = arith.cmpi ne, %rem3A_164, %ne3A_165 : i32
      %and3A = arith.andi %ne3A, %ne3A_166 : i1
      %sub3A_167 = arith.constant 1 : i32
      %sub3A_168 = arith.subi %div3A, %sub3A_167 : i32
      %select_n3A_169 = arith.select %and3A, %sub3A_168, %div3A : i32
      %rem3A_170 = arith.constant 25 : i32
      %rem3A_171 = arith.remsi %add3A_150, %rem3A_170 : i32
      %eq3A_172 = arith.constant 0 : i32
      %eq3A_173 = arith.cmpi eq, %rem3A_171, %eq3A_172 : i32
      %lt3A = arith.constant 375 : i32
      %lt3A_174 = arith.cmpi slt, %add3A_150, %lt3A : i32
      %and3A_175 = arith.andi %eq3A_173, %lt3A_174 : i1
      %convert_element_type3A_176 = arith.extui %and3A_175 : i1 to i32
      %cond3A_177 = arith.constant 0 : i32
      %cond3A_178 = arith.cmpi ne, %convert_element_type3A_176, %cond3A_177 : i32
      scf.if %cond3A_178 {
        %rem3A_241 = arith.constant 2 : i32
        %rem3A_242 = arith.remsi %select_n3A_169, %rem3A_241 : i32
        %eq3A_243 = arith.constant 0 : i32
        %eq3A_244 = arith.cmpi eq, %rem3A_242, %eq3A_243 : i32
        %convert_element_type3A_245 = arith.extui %eq3A_244 : i1 to i32
        %cond3A_246 = arith.constant 0 : i32
        %cond3A_247 = arith.cmpi ne, %convert_element_type3A_245, %cond3A_246 : i32
        scf.if %cond3A_247 {
          %dma_wait3A_283 = arith.constant 0 : i32
          %dma_wait3A_284 = arith.constant 0 : i32
          %dma_wait3A_285 = tpu.memref_slice %arg2[%dma_wait3A_283, %dma_wait3A_284] : memref<2x192000xi32, #tpu.memory_space<hbm>> -> memref<1x800xi32, #tpu.memory_space<hbm>>
          %dma_wait3A_286 = tpu.memref_squeeze %dma_wait3A_285 : memref<1x800xi32, #tpu.memory_space<hbm>> -> memref<800xi32, #tpu.memory_space<hbm>>
          %dma_wait3A_287 = arith.constant 0 : i32
          %dma_wait3A_288 = tpu.memref_slice %arg2[%dma_wait3A_283, %dma_wait3A_287] : memref<2x192000xi32, #tpu.memory_space<hbm>> -> memref<1x800xi32, #tpu.memory_space<hbm>>
          %dma_wait3A_289 = tpu.memref_squeeze %dma_wait3A_288 : memref<1x800xi32, #tpu.memory_space<hbm>> -> memref<800xi32, #tpu.memory_space<hbm>>
          tpu.wait_dma2 semaphore(%arg27 : memref<!tpu.dma_semaphore, #tpu.memory_space<semaphore_mem>>) src(%dma_wait3A_289 : memref<800xi32, #tpu.memory_space<hbm>>) dst(%arg6 : memref<800xi32, #tpu.memory_space<vmem>>)
          %dma_wait3A_290 = arith.constant 0 : i32
          %dma_wait3A_291 = arith.constant 0 : i32
          %dma_wait3A_292 = tpu.memref_slice %arg2[%dma_wait3A_290, %dma_wait3A_291] : memref<2x192000xi32, #tpu.memory_space<hbm>> -> memref<1x800xi32, #tpu.memory_space<hbm>>
          %dma_wait3A_293 = tpu.memref_squeeze %dma_wait3A_292 : memref<1x800xi32, #tpu.memory_space<hbm>> -> memref<800xi32, #tpu.memory_space<hbm>>
          %dma_wait3A_294 = arith.constant 0 : i32
          %dma_wait3A_295 = tpu.memref_slice %arg2[%dma_wait3A_290, %dma_wait3A_294] : memref<2x192000xi32, #tpu.memory_space<hbm>> -> memref<1x800xi32, #tpu.memory_space<hbm>>
          %dma_wait3A_296 = tpu.memref_squeeze %dma_wait3A_295 : memref<1x800xi32, #tpu.memory_space<hbm>> -> memref<800xi32, #tpu.memory_space<hbm>>
          tpu.wait_dma2 semaphore(%arg27 : memref<!tpu.dma_semaphore, #tpu.memory_space<semaphore_mem>>) src(%dma_wait3A_296 : memref<800xi32, #tpu.memory_space<hbm>>) dst(%arg8 : memref<800xi32, #tpu.memory_space<vmem>>)
        } else {
        }
        %rem3A_248 = arith.constant 2 : i32
        %rem3A_249 = arith.remsi %select_n3A_169, %rem3A_248 : i32
        %eq3A_250 = arith.constant 1 : i32
        %eq3A_251 = arith.cmpi eq, %rem3A_249, %eq3A_250 : i32
        %convert_element_type3A_252 = arith.extui %eq3A_251 : i1 to i32
        %cond3A_253 = arith.constant 0 : i32
        %cond3A_254 = arith.cmpi ne, %convert_element_type3A_252, %cond3A_253 : i32
        scf.if %cond3A_254 {
          %dma_wait3A_283 = arith.constant 0 : i32
          %dma_wait3A_284 = arith.constant 0 : i32
          %dma_wait3A_285 = tpu.memref_slice %arg2[%dma_wait3A_283, %dma_wait3A_284] : memref<2x192000xi32, #tpu.memory_space<hbm>> -> memref<1x800xi32, #tpu.memory_space<hbm>>
          %dma_wait3A_286 = tpu.memref_squeeze %dma_wait3A_285 : memref<1x800xi32, #tpu.memory_space<hbm>> -> memref<800xi32, #tpu.memory_space<hbm>>
          %dma_wait3A_287 = arith.constant 0 : i32
          %dma_wait3A_288 = tpu.memref_slice %arg2[%dma_wait3A_283, %dma_wait3A_287] : memref<2x192000xi32, #tpu.memory_space<hbm>> -> memref<1x800xi32, #tpu.memory_space<hbm>>
          %dma_wait3A_289 = tpu.memref_squeeze %dma_wait3A_288 : memref<1x800xi32, #tpu.memory_space<hbm>> -> memref<800xi32, #tpu.memory_space<hbm>>
          tpu.wait_dma2 semaphore(%arg28 : memref<!tpu.dma_semaphore, #tpu.memory_space<semaphore_mem>>) src(%dma_wait3A_289 : memref<800xi32, #tpu.memory_space<hbm>>) dst(%arg7 : memref<800xi32, #tpu.memory_space<vmem>>)
          %dma_wait3A_290 = arith.constant 0 : i32
          %dma_wait3A_291 = arith.constant 0 : i32
          %dma_wait3A_292 = tpu.memref_slice %arg2[%dma_wait3A_290, %dma_wait3A_291] : memref<2x192000xi32, #tpu.memory_space<hbm>> -> memref<1x800xi32, #tpu.memory_space<hbm>>
          %dma_wait3A_293 = tpu.memref_squeeze %dma_wait3A_292 : memref<1x800xi32, #tpu.memory_space<hbm>> -> memref<800xi32, #tpu.memory_space<hbm>>
          %dma_wait3A_294 = arith.constant 0 : i32
          %dma_wait3A_295 = tpu.memref_slice %arg2[%dma_wait3A_290, %dma_wait3A_294] : memref<2x192000xi32, #tpu.memory_space<hbm>> -> memref<1x800xi32, #tpu.memory_space<hbm>>
          %dma_wait3A_296 = tpu.memref_squeeze %dma_wait3A_295 : memref<1x800xi32, #tpu.memory_space<hbm>> -> memref<800xi32, #tpu.memory_space<hbm>>
          tpu.wait_dma2 semaphore(%arg28 : memref<!tpu.dma_semaphore, #tpu.memory_space<semaphore_mem>>) src(%dma_wait3A_296 : memref<800xi32, #tpu.memory_space<hbm>>) dst(%arg9 : memref<800xi32, #tpu.memory_space<vmem>>)
        } else {
        }
        %add3A_255 = arith.constant 1 : i32
        %add3A_256 = arith.addi %select_n3A_169, %add3A_255 : i32
        %lt3A_257 = arith.constant 15 : i32
        %lt3A_258 = arith.cmpi slt, %add3A_256, %lt3A_257 : i32
        %add3A_259 = arith.constant 1 : i32
        %add3A_260 = arith.addi %select_n3A_169, %add3A_259 : i32
        %rem3A_261 = arith.constant 2 : i32
        %rem3A_262 = arith.remsi %add3A_260, %rem3A_261 : i32
        %eq3A_263 = arith.constant 0 : i32
        %eq3A_264 = arith.cmpi eq, %rem3A_262, %eq3A_263 : i32
        %and3A_265 = arith.andi %lt3A_258, %eq3A_264 : i1
        %convert_element_type3A_266 = arith.extui %and3A_265 : i1 to i32
        %cond3A_267 = arith.constant 0 : i32
        %cond3A_268 = arith.cmpi ne, %convert_element_type3A_266, %cond3A_267 : i32
        scf.if %cond3A_268 {
          %add3A_283 = arith.constant 1 : i32
          %add3A_284 = arith.addi %select_n3A_169, %add3A_283 : i32
          %sub3A_285 = arith.constant 1 : i32
          %sub3A_286 = arith.subi %sub3A_285, %arg0 : i32
          %mul3A_287 = arith.constant 800 : i32
          %mul3A_288 = arith.muli %add3A_284, %mul3A_287 : i32
          %add3A_289 = arith.addi %mul3A_3, %mul3A_288 : i32
          %dma_start3A_290 = tpu.memref_slice %arg2[%sub3A_286, %add3A_289] : memref<2x192000xi32, #tpu.memory_space<hbm>> -> memref<1x800xi32, #tpu.memory_space<hbm>>
          %dma_start3A_291 = tpu.memref_squeeze %dma_start3A_290 : memref<1x800xi32, #tpu.memory_space<hbm>> -> memref<800xi32, #tpu.memory_space<hbm>>
          %dma_start3A_292 = tpu.memref_slice %arg2[%sub3A_286, %add3A_289] : memref<2x192000xi32, #tpu.memory_space<hbm>> -> memref<1x800xi32, #tpu.memory_space<hbm>>
          %dma_start3A_293 = tpu.memref_squeeze %dma_start3A_292 : memref<1x800xi32, #tpu.memory_space<hbm>> -> memref<800xi32, #tpu.memory_space<hbm>>
          tpu.enqueue_dma source(%dma_start3A_293 : memref<800xi32, #tpu.memory_space<hbm>>) target(%arg6 : memref<800xi32, #tpu.memory_space<vmem>>) target_semaphore(%arg27 : memref<!tpu.dma_semaphore, #tpu.memory_space<semaphore_mem>>)
          %mul3A_294 = arith.constant 800 : i32
          %mul3A_295 = arith.muli %add3A_284, %mul3A_294 : i32
          %add3A_296 = arith.addi %mul3A_3, %mul3A_295 : i32
          %dma_start3A_297 = tpu.memref_slice %arg2[%arg0, %add3A_296] : memref<2x192000xi32, #tpu.memory_space<hbm>> -> memref<1x800xi32, #tpu.memory_space<hbm>>
          %dma_start3A_298 = tpu.memref_squeeze %dma_start3A_297 : memref<1x800xi32, #tpu.memory_space<hbm>> -> memref<800xi32, #tpu.memory_space<hbm>>
          %dma_start3A_299 = tpu.memref_slice %arg2[%arg0, %add3A_296] : memref<2x192000xi32, #tpu.memory_space<hbm>> -> memref<1x800xi32, #tpu.memory_space<hbm>>
          %dma_start3A_300 = tpu.memref_squeeze %dma_start3A_299 : memref<1x800xi32, #tpu.memory_space<hbm>> -> memref<800xi32, #tpu.memory_space<hbm>>
          tpu.enqueue_dma source(%dma_start3A_300 : memref<800xi32, #tpu.memory_space<hbm>>) target(%arg8 : memref<800xi32, #tpu.memory_space<vmem>>) target_semaphore(%arg27 : memref<!tpu.dma_semaphore, #tpu.memory_space<semaphore_mem>>)
        } else {
        }
        %add3A_269 = arith.constant 1 : i32
        %add3A_270 = arith.addi %select_n3A_169, %add3A_269 : i32
        %lt3A_271 = arith.constant 15 : i32
        %lt3A_272 = arith.cmpi slt, %add3A_270, %lt3A_271 : i32
        %add3A_273 = arith.constant 1 : i32
        %add3A_274 = arith.addi %select_n3A_169, %add3A_273 : i32
        %rem3A_275 = arith.constant 2 : i32
        %rem3A_276 = arith.remsi %add3A_274, %rem3A_275 : i32
        %eq3A_277 = arith.constant 1 : i32
        %eq3A_278 = arith.cmpi eq, %rem3A_276, %eq3A_277 : i32
        %and3A_279 = arith.andi %lt3A_272, %eq3A_278 : i1
        %convert_element_type3A_280 = arith.extui %and3A_279 : i1 to i32
        %cond3A_281 = arith.constant 0 : i32
        %cond3A_282 = arith.cmpi ne, %convert_element_type3A_280, %cond3A_281 : i32
        scf.if %cond3A_282 {
          %add3A_283 = arith.constant 1 : i32
          %add3A_284 = arith.addi %select_n3A_169, %add3A_283 : i32
          %sub3A_285 = arith.constant 1 : i32
          %sub3A_286 = arith.subi %sub3A_285, %arg0 : i32
          %mul3A_287 = arith.constant 800 : i32
          %mul3A_288 = arith.muli %add3A_284, %mul3A_287 : i32
          %add3A_289 = arith.addi %mul3A_3, %mul3A_288 : i32
          %dma_start3A_290 = tpu.memref_slice %arg2[%sub3A_286, %add3A_289] : memref<2x192000xi32, #tpu.memory_space<hbm>> -> memref<1x800xi32, #tpu.memory_space<hbm>>
          %dma_start3A_291 = tpu.memref_squeeze %dma_start3A_290 : memref<1x800xi32, #tpu.memory_space<hbm>> -> memref<800xi32, #tpu.memory_space<hbm>>
          %dma_start3A_292 = tpu.memref_slice %arg2[%sub3A_286, %add3A_289] : memref<2x192000xi32, #tpu.memory_space<hbm>> -> memref<1x800xi32, #tpu.memory_space<hbm>>
          %dma_start3A_293 = tpu.memref_squeeze %dma_start3A_292 : memref<1x800xi32, #tpu.memory_space<hbm>> -> memref<800xi32, #tpu.memory_space<hbm>>
          tpu.enqueue_dma source(%dma_start3A_293 : memref<800xi32, #tpu.memory_space<hbm>>) target(%arg7 : memref<800xi32, #tpu.memory_space<vmem>>) target_semaphore(%arg28 : memref<!tpu.dma_semaphore, #tpu.memory_space<semaphore_mem>>)
          %mul3A_294 = arith.constant 800 : i32
          %mul3A_295 = arith.muli %add3A_284, %mul3A_294 : i32
          %add3A_296 = arith.addi %mul3A_3, %mul3A_295 : i32
          %dma_start3A_297 = tpu.memref_slice %arg2[%arg0, %add3A_296] : memref<2x192000xi32, #tpu.memory_space<hbm>> -> memref<1x800xi32, #tpu.memory_space<hbm>>
          %dma_start3A_298 = tpu.memref_squeeze %dma_start3A_297 : memref<1x800xi32, #tpu.memory_space<hbm>> -> memref<800xi32, #tpu.memory_space<hbm>>
          %dma_start3A_299 = tpu.memref_slice %arg2[%arg0, %add3A_296] : memref<2x192000xi32, #tpu.memory_space<hbm>> -> memref<1x800xi32, #tpu.memory_space<hbm>>
          %dma_start3A_300 = tpu.memref_squeeze %dma_start3A_299 : memref<1x800xi32, #tpu.memory_space<hbm>> -> memref<800xi32, #tpu.memory_space<hbm>>
          tpu.enqueue_dma source(%dma_start3A_300 : memref<800xi32, #tpu.memory_space<hbm>>) target(%arg9 : memref<800xi32, #tpu.memory_space<vmem>>) target_semaphore(%arg28 : memref<!tpu.dma_semaphore, #tpu.memory_space<semaphore_mem>>)
        } else {
        }
      } else {
      }
      %rem3A_179 = arith.constant 2 : i32
      %rem3A_180 = arith.remsi %select_n3A_169, %rem3A_179 : i32
      %rem3A_181 = arith.constant 2 : i32
      %rem3A_182 = arith.remsi %add3A_150, %rem3A_181 : i32
      %lt3A_183 = arith.constant 375 : i32
      %lt3A_184 = arith.cmpi slt, %add3A_150, %lt3A_183 : i32
      %eq3A_185 = arith.constant 0 : i32
      %eq3A_186 = arith.cmpi eq, %rem3A_180, %eq3A_185 : i32
      %eq3A_187 = arith.constant 0 : i32
      %eq3A_188 = arith.cmpi eq, %rem3A_182, %eq3A_187 : i32
      %and3A_189 = arith.andi %eq3A_186, %eq3A_188 : i1
      %and3A_190 = arith.andi %lt3A_184, %and3A_189 : i1
      %convert_element_type3A_191 = arith.extui %and3A_190 : i1 to i32
      %cond3A_192 = arith.constant 0 : i32
      %cond3A_193 = arith.cmpi ne, %convert_element_type3A_191, %cond3A_192 : i32
      scf.if %cond3A_193 {
        %ge3A_241 = arith.constant 2 : i32
        %ge3A_242 = arith.cmpi sge, %add3A_150, %ge3A_241 : i32
        %convert_element_type3A_243 = arith.extui %ge3A_242 : i1 to i32
        %cond3A_244 = arith.constant 0 : i32
        %cond3A_245 = arith.cmpi ne, %convert_element_type3A_243, %cond3A_244 : i32
        scf.if %cond3A_245 {
          %dma_wait3A_311 = arith.constant 0 : i32
          %dma_wait3A_312 = arith.constant 0 : i32
          %dma_wait3A_313 = tpu.memref_slice %arg20[%dma_wait3A_311, %dma_wait3A_312] : memref<10000x144xf32, #tpu.memory_space<vmem_shared>> -> memref<10000x144xf32, #tpu.memory_space<vmem_shared>>
          tpu.wait_indirect_dma semaphore(%arg25 : memref<!tpu.dma_semaphore, #tpu.memory_space<semaphore_mem>>) src(%arg18 : memref<32x144xf32, #tpu.memory_space<vmem>>) dst(%dma_wait3A_313 : memref<10000x144xf32, #tpu.memory_space<vmem_shared>>)
        } else {
        }
        %rem3A_246 = arith.constant 25 : i32
        %rem3A_247 = arith.remsi %add3A_150, %rem3A_246 : i32
        %mul3A_248 = arith.constant 32 : i32
        %mul3A_249 = arith.muli %rem3A_247, %mul3A_248 : i32
        %add3A_250 = arith.constant 0 : i32
        %add3A_251 = arith.addi %mul3A_249, %add3A_250 : i32
        %get3A_252 = arith.index_cast %add3A_251 : i32 to index
        %get3A_253 = tpu.vector_load %arg6[%get3A_252] {strides = array<i32>} : memref<800xi32, #tpu.memory_space<vmem>>, vector<16xi32>,
        %get3A_254 = vector.shape_cast %get3A_253 : vector<16xi32> to vector<16xi32>
        %swap3A_255 = arith.constant 0 : index
        %swap3A_256 = tpu.vector_load %arg10[%swap3A_255] {strides = array<i32>} : memref<32xi32, #tpu.memory_space<vmem>>, vector<16xi32>,
        %swap3A_257 = vector.shape_cast %swap3A_256 : vector<16xi32> to vector<16xi32>
        %swap3A_258 = vector.shape_cast %get3A_254 : vector<16xi32> to vector<16xi32>
        tpu.vector_store %arg10[%swap3A_255], %swap3A_258 {strides = array<i32>} : memref<32xi32, #tpu.memory_space<vmem>>, vector<16xi32>,
        %add3A_259 = vector.broadcast %mul3A_0 : i32 to vector<16xi32>
        %add3A_260 = arith.addi %get3A_254, %add3A_259 : vector<16xi32>
        %swap3A_261 = arith.constant 0 : index
        %swap3A_262 = tpu.vector_load %arg12[%swap3A_261] {strides = array<i32>} : memref<64xi32, #tpu.memory_space<vmem>>, vector<16xi32>,
        %swap3A_263 = vector.shape_cast %swap3A_262 : vector<16xi32> to vector<16xi32>
        %swap3A_264 = vector.shape_cast %add3A_260 : vector<16xi32> to vector<16xi32>
        tpu.vector_store %arg12[%swap3A_261], %swap3A_264 {strides = array<i32>} : memref<64xi32, #tpu.memory_space<vmem>>, vector<16xi32>,
        %get3A_265 = arith.index_cast %add3A_251 : i32 to index
        %get3A_266 = tpu.vector_load %arg8[%get3A_265] {strides = array<i32>} : memref<800xi32, #tpu.memory_space<vmem>>, vector<16xi32>,
        %get3A_267 = vector.shape_cast %get3A_266 : vector<16xi32> to vector<16xi32>
        %add3A_268 = vector.broadcast %add3A_1 : i32 to vector<16xi32>
        %add3A_269 = arith.addi %get3A_267, %add3A_268 : vector<16xi32>
        %swap3A_270 = arith.constant 32 : index
        %swap3A_271 = tpu.vector_load %arg12[%swap3A_270] {strides = array<i32>} : memref<64xi32, #tpu.memory_space<vmem>>, vector<16xi32>,
        %swap3A_272 = vector.shape_cast %swap3A_271 : vector<16xi32> to vector<16xi32>
        %swap3A_273 = vector.shape_cast %add3A_269 : vector<16xi32> to vector<16xi32>
        tpu.vector_store %arg12[%swap3A_270], %swap3A_273 {strides = array<i32>} : memref<64xi32, #tpu.memory_space<vmem>>, vector<16xi32>,
        %add3A_274 = arith.constant 16 : i32
        %add3A_275 = arith.addi %mul3A_249, %add3A_274 : i32
        %get3A_276 = arith.index_cast %add3A_275 : i32 to index
        %get3A_277 = tpu.vector_load %arg6[%get3A_276] {strides = array<i32>} : memref<800xi32, #tpu.memory_space<vmem>>, vector<16xi32>,
        %get3A_278 = vector.shape_cast %get3A_277 : vector<16xi32> to vector<16xi32>
        %swap3A_279 = arith.constant 16 : index
        %swap3A_280 = tpu.vector_load %arg10[%swap3A_279] {strides = array<i32>} : memref<32xi32, #tpu.memory_space<vmem>>, vector<16xi32>,
        %swap3A_281 = vector.shape_cast %swap3A_280 : vector<16xi32> to vector<16xi32>
        %swap3A_282 = vector.shape_cast %get3A_278 : vector<16xi32> to vector<16xi32>
        tpu.vector_store %arg10[%swap3A_279], %swap3A_282 {strides = array<i32>} : memref<32xi32, #tpu.memory_space<vmem>>, vector<16xi32>,
        %add3A_283 = vector.broadcast %mul3A_0 : i32 to vector<16xi32>
        %add3A_284 = arith.addi %get3A_278, %add3A_283 : vector<16xi32>
        %swap3A_285 = arith.constant 16 : index
        %swap3A_286 = tpu.vector_load %arg12[%swap3A_285] {strides = array<i32>} : memref<64xi32, #tpu.memory_space<vmem>>, vector<16xi32>,
        %swap3A_287 = vector.shape_cast %swap3A_286 : vector<16xi32> to vector<16xi32>
        %swap3A_288 = vector.shape_cast %add3A_284 : vector<16xi32> to vector<16xi32>
        tpu.vector_store %arg12[%swap3A_285], %swap3A_288 {strides = array<i32>} : memref<64xi32, #tpu.memory_space<vmem>>, vector<16xi32>,
        %get3A_289 = arith.index_cast %add3A_275 : i32 to index
        %get3A_290 = tpu.vector_load %arg8[%get3A_289] {strides = array<i32>} : memref<800xi32, #tpu.memory_space<vmem>>, vector<16xi32>,
        %get3A_291 = vector.shape_cast %get3A_290 : vector<16xi32> to vector<16xi32>
        %add3A_292 = vector.broadcast %add3A_1 : i32 to vector<16xi32>
        %add3A_293 = arith.addi %get3A_291, %add3A_292 : vector<16xi32>
        %swap3A_294 = arith.constant 48 : index
        %swap3A_295 = tpu.vector_load %arg12[%swap3A_294] {strides = array<i32>} : memref<64xi32, #tpu.memory_space<vmem>>, vector<16xi32>,
        %swap3A_296 = vector.shape_cast %swap3A_295 : vector<16xi32> to vector<16xi32>
        %swap3A_297 = vector.shape_cast %add3A_293 : vector<16xi32> to vector<16xi32>
        tpu.vector_store %arg12[%swap3A_294], %swap3A_297 {strides = array<i32>} : memref<64xi32, #tpu.memory_space<vmem>>, vector<16xi32>,
        %dma_start3A_298 = arith.constant 0 : i32
        %dma_start3A_299 = arith.constant 0 : i32
        %dma_start3A_300 = tpu.memref_slice %arg3[%dma_start3A_298, %dma_start3A_299] : memref<40000x128xf32, #tpu.memory_space<hbm>> -> memref<40000x128xf32, #tpu.memory_space<hbm>>
        tpu.enqueue_indirect_dma source(%dma_start3A_300 : memref<40000x128xf32, #tpu.memory_space<hbm>>) target(%arg14 : memref<64x128xf32, #tpu.memory_space<vmem>>) offsets(%arg12 : memref<64xi32, #tpu.memory_space<vmem>>) semaphore(%arg21 : memref<!tpu.dma_semaphore, #tpu.memory_space<semaphore_mem>>)
        %mul3A_301 = arith.constant 192000 : i32
        %mul3A_302 = arith.muli %arg0, %mul3A_301 : i32
        %add3A_303 = arith.addi %mul3A_302, %mul3A_3 : i32
        %mul3A_304 = arith.constant 32 : i32
        %mul3A_305 = arith.muli %add3A_150, %mul3A_304 : i32
        %add3A_306 = arith.addi %add3A_303, %mul3A_305 : i32
        %dma_start3A_307 = arith.constant 0 : i32
        %dma_start3A_308 = tpu.memref_slice %arg4[%add3A_306, %dma_start3A_307] : memref<384000x128xf32, #tpu.memory_space<hbm>> -> memref<32x128xf32, #tpu.memory_space<hbm>>
        %dma_start3A_309 = arith.constant 0 : i32
        %dma_start3A_310 = tpu.memref_slice %arg4[%add3A_306, %dma_start3A_309] : memref<384000x128xf32, #tpu.memory_space<hbm>> -> memref<32x128xf32, #tpu.memory_space<hbm>>
        tpu.enqueue_dma source(%dma_start3A_310 : memref<32x128xf32, #tpu.memory_space<hbm>>) target(%arg16 : memref<32x128xf32, #tpu.memory_space<vmem>>) target_semaphore(%arg23 : memref<!tpu.dma_semaphore, #tpu.memory_space<semaphore_mem>>)
      } else {
      }
      %lt3A_194 = arith.constant 375 : i32
      %lt3A_195 = arith.cmpi slt, %add3A_150, %lt3A_194 : i32
      %eq3A_196 = arith.constant 0 : i32
      %eq3A_197 = arith.cmpi eq, %rem3A_180, %eq3A_196 : i32
      %eq3A_198 = arith.constant 1 : i32
      %eq3A_199 = arith.cmpi eq, %rem3A_182, %eq3A_198 : i32
      %and3A_200 = arith.andi %eq3A_197, %eq3A_199 : i1
      %and3A_201 = arith.andi %lt3A_195, %and3A_200 : i1
      %convert_element_type3A_202 = arith.extui %and3A_201 : i1 to i32
      %cond3A_203 = arith.constant 0 : i32
      %cond3A_204 = arith.cmpi ne, %convert_element_type3A_202, %cond3A_203 : i32
      scf.if %cond3A_204 {
        %ge3A_241 = arith.constant 2 : i32
        %ge3A_242 = arith.cmpi sge, %add3A_150, %ge3A_241 : i32
        %convert_element_type3A_243 = arith.extui %ge3A_242 : i1 to i32
        %cond3A_244 = arith.constant 0 : i32
        %cond3A_245 = arith.cmpi ne, %convert_element_type3A_243, %cond3A_244 : i32
        scf.if %cond3A_245 {
          %dma_wait3A_311 = arith.constant 0 : i32
          %dma_wait3A_312 = arith.constant 0 : i32
          %dma_wait3A_313 = tpu.memref_slice %arg20[%dma_wait3A_311, %dma_wait3A_312] : memref<10000x144xf32, #tpu.memory_space<vmem_shared>> -> memref<10000x144xf32, #tpu.memory_space<vmem_shared>>
          tpu.wait_indirect_dma semaphore(%arg26 : memref<!tpu.dma_semaphore, #tpu.memory_space<semaphore_mem>>) src(%arg19 : memref<32x144xf32, #tpu.memory_space<vmem>>) dst(%dma_wait3A_313 : memref<10000x144xf32, #tpu.memory_space<vmem_shared>>)
        } else {
        }
        %rem3A_246 = arith.constant 25 : i32
        %rem3A_247 = arith.remsi %add3A_150, %rem3A_246 : i32
        %mul3A_248 = arith.constant 32 : i32
        %mul3A_249 = arith.muli %rem3A_247, %mul3A_248 : i32
        %add3A_250 = arith.constant 0 : i32
        %add3A_251 = arith.addi %mul3A_249, %add3A_250 : i32
        %get3A_252 = arith.index_cast %add3A_251 : i32 to index
        %get3A_253 = tpu.vector_load %arg6[%get3A_252] {strides = array<i32>} : memref<800xi32, #tpu.memory_space<vmem>>, vector<16xi32>,
        %get3A_254 = vector.shape_cast %get3A_253 : vector<16xi32> to vector<16xi32>
        %swap3A_255 = arith.constant 0 : index
        %swap3A_256 = tpu.vector_load %arg11[%swap3A_255] {strides = array<i32>} : memref<32xi32, #tpu.memory_space<vmem>>, vector<16xi32>,
        %swap3A_257 = vector.shape_cast %swap3A_256 : vector<16xi32> to vector<16xi32>
        %swap3A_258 = vector.shape_cast %get3A_254 : vector<16xi32> to vector<16xi32>
        tpu.vector_store %arg11[%swap3A_255], %swap3A_258 {strides = array<i32>} : memref<32xi32, #tpu.memory_space<vmem>>, vector<16xi32>,
        %add3A_259 = vector.broadcast %mul3A_0 : i32 to vector<16xi32>
        %add3A_260 = arith.addi %get3A_254, %add3A_259 : vector<16xi32>
        %swap3A_261 = arith.constant 0 : index
        %swap3A_262 = tpu.vector_load %arg13[%swap3A_261] {strides = array<i32>} : memref<64xi32, #tpu.memory_space<vmem>>, vector<16xi32>,
        %swap3A_263 = vector.shape_cast %swap3A_262 : vector<16xi32> to vector<16xi32>
        %swap3A_264 = vector.shape_cast %add3A_260 : vector<16xi32> to vector<16xi32>
        tpu.vector_store %arg13[%swap3A_261], %swap3A_264 {strides = array<i32>} : memref<64xi32, #tpu.memory_space<vmem>>, vector<16xi32>,
        %get3A_265 = arith.index_cast %add3A_251 : i32 to index
        %get3A_266 = tpu.vector_load %arg8[%get3A_265] {strides = array<i32>} : memref<800xi32, #tpu.memory_space<vmem>>, vector<16xi32>,
        %get3A_267 = vector.shape_cast %get3A_266 : vector<16xi32> to vector<16xi32>
        %add3A_268 = vector.broadcast %add3A_1 : i32 to vector<16xi32>
        %add3A_269 = arith.addi %get3A_267, %add3A_268 : vector<16xi32>
        %swap3A_270 = arith.constant 32 : index
        %swap3A_271 = tpu.vector_load %arg13[%swap3A_270] {strides = array<i32>} : memref<64xi32, #tpu.memory_space<vmem>>, vector<16xi32>,
        %swap3A_272 = vector.shape_cast %swap3A_271 : vector<16xi32> to vector<16xi32>
        %swap3A_273 = vector.shape_cast %add3A_269 : vector<16xi32> to vector<16xi32>
        tpu.vector_store %arg13[%swap3A_270], %swap3A_273 {strides = array<i32>} : memref<64xi32, #tpu.memory_space<vmem>>, vector<16xi32>,
        %add3A_274 = arith.constant 16 : i32
        %add3A_275 = arith.addi %mul3A_249, %add3A_274 : i32
        %get3A_276 = arith.index_cast %add3A_275 : i32 to index
        %get3A_277 = tpu.vector_load %arg6[%get3A_276] {strides = array<i32>} : memref<800xi32, #tpu.memory_space<vmem>>, vector<16xi32>,
        %get3A_278 = vector.shape_cast %get3A_277 : vector<16xi32> to vector<16xi32>
        %swap3A_279 = arith.constant 16 : index
        %swap3A_280 = tpu.vector_load %arg11[%swap3A_279] {strides = array<i32>} : memref<32xi32, #tpu.memory_space<vmem>>, vector<16xi32>,
        %swap3A_281 = vector.shape_cast %swap3A_280 : vector<16xi32> to vector<16xi32>
        %swap3A_282 = vector.shape_cast %get3A_278 : vector<16xi32> to vector<16xi32>
        tpu.vector_store %arg11[%swap3A_279], %swap3A_282 {strides = array<i32>} : memref<32xi32, #tpu.memory_space<vmem>>, vector<16xi32>,
        %add3A_283 = vector.broadcast %mul3A_0 : i32 to vector<16xi32>
        %add3A_284 = arith.addi %get3A_278, %add3A_283 : vector<16xi32>
        %swap3A_285 = arith.constant 16 : index
        %swap3A_286 = tpu.vector_load %arg13[%swap3A_285] {strides = array<i32>} : memref<64xi32, #tpu.memory_space<vmem>>, vector<16xi32>,
        %swap3A_287 = vector.shape_cast %swap3A_286 : vector<16xi32> to vector<16xi32>
        %swap3A_288 = vector.shape_cast %add3A_284 : vector<16xi32> to vector<16xi32>
        tpu.vector_store %arg13[%swap3A_285], %swap3A_288 {strides = array<i32>} : memref<64xi32, #tpu.memory_space<vmem>>, vector<16xi32>,
        %get3A_289 = arith.index_cast %add3A_275 : i32 to index
        %get3A_290 = tpu.vector_load %arg8[%get3A_289] {strides = array<i32>} : memref<800xi32, #tpu.memory_space<vmem>>, vector<16xi32>,
        %get3A_291 = vector.shape_cast %get3A_290 : vector<16xi32> to vector<16xi32>
        %add3A_292 = vector.broadcast %add3A_1 : i32 to vector<16xi32>
        %add3A_293 = arith.addi %get3A_291, %add3A_292 : vector<16xi32>
        %swap3A_294 = arith.constant 48 : index
        %swap3A_295 = tpu.vector_load %arg13[%swap3A_294] {strides = array<i32>} : memref<64xi32, #tpu.memory_space<vmem>>, vector<16xi32>,
        %swap3A_296 = vector.shape_cast %swap3A_295 : vector<16xi32> to vector<16xi32>
        %swap3A_297 = vector.shape_cast %add3A_293 : vector<16xi32> to vector<16xi32>
        tpu.vector_store %arg13[%swap3A_294], %swap3A_297 {strides = array<i32>} : memref<64xi32, #tpu.memory_space<vmem>>, vector<16xi32>,
        %dma_start3A_298 = arith.constant 0 : i32
        %dma_start3A_299 = arith.constant 0 : i32
        %dma_start3A_300 = tpu.memref_slice %arg3[%dma_start3A_298, %dma_start3A_299] : memref<40000x128xf32, #tpu.memory_space<hbm>> -> memref<40000x128xf32, #tpu.memory_space<hbm>>
        tpu.enqueue_indirect_dma source(%dma_start3A_300 : memref<40000x128xf32, #tpu.memory_space<hbm>>) target(%arg15 : memref<64x128xf32, #tpu.memory_space<vmem>>) offsets(%arg13 : memref<64xi32, #tpu.memory_space<vmem>>) semaphore(%arg22 : memref<!tpu.dma_semaphore, #tpu.memory_space<semaphore_mem>>)
        %mul3A_301 = arith.constant 192000 : i32
        %mul3A_302 = arith.muli %arg0, %mul3A_301 : i32
        %add3A_303 = arith.addi %mul3A_302, %mul3A_3 : i32
        %mul3A_304 = arith.constant 32 : i32
        %mul3A_305 = arith.muli %add3A_150, %mul3A_304 : i32
        %add3A_306 = arith.addi %add3A_303, %mul3A_305 : i32
        %dma_start3A_307 = arith.constant 0 : i32
        %dma_start3A_308 = tpu.memref_slice %arg4[%add3A_306, %dma_start3A_307] : memref<384000x128xf32, #tpu.memory_space<hbm>> -> memref<32x128xf32, #tpu.memory_space<hbm>>
        %dma_start3A_309 = arith.constant 0 : i32
        %dma_start3A_310 = tpu.memref_slice %arg4[%add3A_306, %dma_start3A_309] : memref<384000x128xf32, #tpu.memory_space<hbm>> -> memref<32x128xf32, #tpu.memory_space<hbm>>
        tpu.enqueue_dma source(%dma_start3A_310 : memref<32x128xf32, #tpu.memory_space<hbm>>) target(%arg17 : memref<32x128xf32, #tpu.memory_space<vmem>>) target_semaphore(%arg24 : memref<!tpu.dma_semaphore, #tpu.memory_space<semaphore_mem>>)
      } else {
      }
      %lt3A_205 = arith.constant 375 : i32
      %lt3A_206 = arith.cmpi slt, %add3A_150, %lt3A_205 : i32
      %eq3A_207 = arith.constant 1 : i32
      %eq3A_208 = arith.cmpi eq, %rem3A_180, %eq3A_207 : i32
      %eq3A_209 = arith.constant 0 : i32
      %eq3A_210 = arith.cmpi eq, %rem3A_182, %eq3A_209 : i32
      %and3A_211 = arith.andi %eq3A_208, %eq3A_210 : i1
      %and3A_212 = arith.andi %lt3A_206, %and3A_211 : i1
      %convert_element_type3A_213 = arith.extui %and3A_212 : i1 to i32
      %cond3A_214 = arith.constant 0 : i32
      %cond3A_215 = arith.cmpi ne, %convert_element_type3A_213, %cond3A_214 : i32
      scf.if %cond3A_215 {
        %ge3A_241 = arith.constant 2 : i32
        %ge3A_242 = arith.cmpi sge, %add3A_150, %ge3A_241 : i32
        %convert_element_type3A_243 = arith.extui %ge3A_242 : i1 to i32
        %cond3A_244 = arith.constant 0 : i32
        %cond3A_245 = arith.cmpi ne, %convert_element_type3A_243, %cond3A_244 : i32
        scf.if %cond3A_245 {
          %dma_wait3A_311 = arith.constant 0 : i32
          %dma_wait3A_312 = arith.constant 0 : i32
          %dma_wait3A_313 = tpu.memref_slice %arg20[%dma_wait3A_311, %dma_wait3A_312] : memref<10000x144xf32, #tpu.memory_space<vmem_shared>> -> memref<10000x144xf32, #tpu.memory_space<vmem_shared>>
          tpu.wait_indirect_dma semaphore(%arg25 : memref<!tpu.dma_semaphore, #tpu.memory_space<semaphore_mem>>) src(%arg18 : memref<32x144xf32, #tpu.memory_space<vmem>>) dst(%dma_wait3A_313 : memref<10000x144xf32, #tpu.memory_space<vmem_shared>>)
        } else {
        }
        %rem3A_246 = arith.constant 25 : i32
        %rem3A_247 = arith.remsi %add3A_150, %rem3A_246 : i32
        %mul3A_248 = arith.constant 32 : i32
        %mul3A_249 = arith.muli %rem3A_247, %mul3A_248 : i32
        %add3A_250 = arith.constant 0 : i32
        %add3A_251 = arith.addi %mul3A_249, %add3A_250 : i32
        %get3A_252 = arith.index_cast %add3A_251 : i32 to index
        %get3A_253 = tpu.vector_load %arg7[%get3A_252] {strides = array<i32>} : memref<800xi32, #tpu.memory_space<vmem>>, vector<16xi32>,
        %get3A_254 = vector.shape_cast %get3A_253 : vector<16xi32> to vector<16xi32>
        %swap3A_255 = arith.constant 0 : index
        %swap3A_256 = tpu.vector_load %arg10[%swap3A_255] {strides = array<i32>} : memref<32xi32, #tpu.memory_space<vmem>>, vector<16xi32>,
        %swap3A_257 = vector.shape_cast %swap3A_256 : vector<16xi32> to vector<16xi32>
        %swap3A_258 = vector.shape_cast %get3A_254 : vector<16xi32> to vector<16xi32>
        tpu.vector_store %arg10[%swap3A_255], %swap3A_258 {strides = array<i32>} : memref<32xi32, #tpu.memory_space<vmem>>, vector<16xi32>,
        %add3A_259 = vector.broadcast %mul3A_0 : i32 to vector<16xi32>
        %add3A_260 = arith.addi %get3A_254, %add3A_259 : vector<16xi32>
        %swap3A_261 = arith.constant 0 : index
        %swap3A_262 = tpu.vector_load %arg12[%swap3A_261] {strides = array<i32>} : memref<64xi32, #tpu.memory_space<vmem>>, vector<16xi32>,
        %swap3A_263 = vector.shape_cast %swap3A_262 : vector<16xi32> to vector<16xi32>
        %swap3A_264 = vector.shape_cast %add3A_260 : vector<16xi32> to vector<16xi32>
        tpu.vector_store %arg12[%swap3A_261], %swap3A_264 {strides = array<i32>} : memref<64xi32, #tpu.memory_space<vmem>>, vector<16xi32>,
        %get3A_265 = arith.index_cast %add3A_251 : i32 to index
        %get3A_266 = tpu.vector_load %arg9[%get3A_265] {strides = array<i32>} : memref<800xi32, #tpu.memory_space<vmem>>, vector<16xi32>,
        %get3A_267 = vector.shape_cast %get3A_266 : vector<16xi32> to vector<16xi32>
        %add3A_268 = vector.broadcast %add3A_1 : i32 to vector<16xi32>
        %add3A_269 = arith.addi %get3A_267, %add3A_268 : vector<16xi32>
        %swap3A_270 = arith.constant 32 : index
        %swap3A_271 = tpu.vector_load %arg12[%swap3A_270] {strides = array<i32>} : memref<64xi32, #tpu.memory_space<vmem>>, vector<16xi32>,
        %swap3A_272 = vector.shape_cast %swap3A_271 : vector<16xi32> to vector<16xi32>
        %swap3A_273 = vector.shape_cast %add3A_269 : vector<16xi32> to vector<16xi32>
        tpu.vector_store %arg12[%swap3A_270], %swap3A_273 {strides = array<i32>} : memref<64xi32, #tpu.memory_space<vmem>>, vector<16xi32>,
        %add3A_274 = arith.constant 16 : i32
        %add3A_275 = arith.addi %mul3A_249, %add3A_274 : i32
        %get3A_276 = arith.index_cast %add3A_275 : i32 to index
        %get3A_277 = tpu.vector_load %arg7[%get3A_276] {strides = array<i32>} : memref<800xi32, #tpu.memory_space<vmem>>, vector<16xi32>,
        %get3A_278 = vector.shape_cast %get3A_277 : vector<16xi32> to vector<16xi32>
        %swap3A_279 = arith.constant 16 : index
        %swap3A_280 = tpu.vector_load %arg10[%swap3A_279] {strides = array<i32>} : memref<32xi32, #tpu.memory_space<vmem>>, vector<16xi32>,
        %swap3A_281 = vector.shape_cast %swap3A_280 : vector<16xi32> to vector<16xi32>
        %swap3A_282 = vector.shape_cast %get3A_278 : vector<16xi32> to vector<16xi32>
        tpu.vector_store %arg10[%swap3A_279], %swap3A_282 {strides = array<i32>} : memref<32xi32, #tpu.memory_space<vmem>>, vector<16xi32>,
        %add3A_283 = vector.broadcast %mul3A_0 : i32 to vector<16xi32>
        %add3A_284 = arith.addi %get3A_278, %add3A_283 : vector<16xi32>
        %swap3A_285 = arith.constant 16 : index
        %swap3A_286 = tpu.vector_load %arg12[%swap3A_285] {strides = array<i32>} : memref<64xi32, #tpu.memory_space<vmem>>, vector<16xi32>,
        %swap3A_287 = vector.shape_cast %swap3A_286 : vector<16xi32> to vector<16xi32>
        %swap3A_288 = vector.shape_cast %add3A_284 : vector<16xi32> to vector<16xi32>
        tpu.vector_store %arg12[%swap3A_285], %swap3A_288 {strides = array<i32>} : memref<64xi32, #tpu.memory_space<vmem>>, vector<16xi32>,
        %get3A_289 = arith.index_cast %add3A_275 : i32 to index
        %get3A_290 = tpu.vector_load %arg9[%get3A_289] {strides = array<i32>} : memref<800xi32, #tpu.memory_space<vmem>>, vector<16xi32>,
        %get3A_291 = vector.shape_cast %get3A_290 : vector<16xi32> to vector<16xi32>
        %add3A_292 = vector.broadcast %add3A_1 : i32 to vector<16xi32>
        %add3A_293 = arith.addi %get3A_291, %add3A_292 : vector<16xi32>
        %swap3A_294 = arith.constant 48 : index
        %swap3A_295 = tpu.vector_load %arg12[%swap3A_294] {strides = array<i32>} : memref<64xi32, #tpu.memory_space<vmem>>, vector<16xi32>,
        %swap3A_296 = vector.shape_cast %swap3A_295 : vector<16xi32> to vector<16xi32>
        %swap3A_297 = vector.shape_cast %add3A_293 : vector<16xi32> to vector<16xi32>
        tpu.vector_store %arg12[%swap3A_294], %swap3A_297 {strides = array<i32>} : memref<64xi32, #tpu.memory_space<vmem>>, vector<16xi32>,
        %dma_start3A_298 = arith.constant 0 : i32
        %dma_start3A_299 = arith.constant 0 : i32
        %dma_start3A_300 = tpu.memref_slice %arg3[%dma_start3A_298, %dma_start3A_299] : memref<40000x128xf32, #tpu.memory_space<hbm>> -> memref<40000x128xf32, #tpu.memory_space<hbm>>
        tpu.enqueue_indirect_dma source(%dma_start3A_300 : memref<40000x128xf32, #tpu.memory_space<hbm>>) target(%arg14 : memref<64x128xf32, #tpu.memory_space<vmem>>) offsets(%arg12 : memref<64xi32, #tpu.memory_space<vmem>>) semaphore(%arg21 : memref<!tpu.dma_semaphore, #tpu.memory_space<semaphore_mem>>)
        %mul3A_301 = arith.constant 192000 : i32
        %mul3A_302 = arith.muli %arg0, %mul3A_301 : i32
        %add3A_303 = arith.addi %mul3A_302, %mul3A_3 : i32
        %mul3A_304 = arith.constant 32 : i32
        %mul3A_305 = arith.muli %add3A_150, %mul3A_304 : i32
        %add3A_306 = arith.addi %add3A_303, %mul3A_305 : i32
        %dma_start3A_307 = arith.constant 0 : i32
        %dma_start3A_308 = tpu.memref_slice %arg4[%add3A_306, %dma_start3A_307] : memref<384000x128xf32, #tpu.memory_space<hbm>> -> memref<32x128xf32, #tpu.memory_space<hbm>>
        %dma_start3A_309 = arith.constant 0 : i32
        %dma_start3A_310 = tpu.memref_slice %arg4[%add3A_306, %dma_start3A_309] : memref<384000x128xf32, #tpu.memory_space<hbm>> -> memref<32x128xf32, #tpu.memory_space<hbm>>
        tpu.enqueue_dma source(%dma_start3A_310 : memref<32x128xf32, #tpu.memory_space<hbm>>) target(%arg16 : memref<32x128xf32, #tpu.memory_space<vmem>>) target_semaphore(%arg23 : memref<!tpu.dma_semaphore, #tpu.memory_space<semaphore_mem>>)
      } else {
      }
      %lt3A_216 = arith.constant 375 : i32
      %lt3A_217 = arith.cmpi slt, %add3A_150, %lt3A_216 : i32
      %eq3A_218 = arith.constant 1 : i32
      %eq3A_219 = arith.cmpi eq, %rem3A_180, %eq3A_218 : i32
      %eq3A_220 = arith.constant 1 : i32
      %eq3A_221 = arith.cmpi eq, %rem3A_182, %eq3A_220 : i32
      %and3A_222 = arith.andi %eq3A_219, %eq3A_221 : i1
      %and3A_223 = arith.andi %lt3A_217, %and3A_222 : i1
      %convert_element_type3A_224 = arith.extui %and3A_223 : i1 to i32
      %cond3A_225 = arith.constant 0 : i32
      %cond3A_226 = arith.cmpi ne, %convert_element_type3A_224, %cond3A_225 : i32
      scf.if %cond3A_226 {
        %ge3A_241 = arith.constant 2 : i32
        %ge3A_242 = arith.cmpi sge, %add3A_150, %ge3A_241 : i32
        %convert_element_type3A_243 = arith.extui %ge3A_242 : i1 to i32
        %cond3A_244 = arith.constant 0 : i32
        %cond3A_245 = arith.cmpi ne, %convert_element_type3A_243, %cond3A_244 : i32
        scf.if %cond3A_245 {
          %dma_wait3A_311 = arith.constant 0 : i32
          %dma_wait3A_312 = arith.constant 0 : i32
          %dma_wait3A_313 = tpu.memref_slice %arg20[%dma_wait3A_311, %dma_wait3A_312] : memref<10000x144xf32, #tpu.memory_space<vmem_shared>> -> memref<10000x144xf32, #tpu.memory_space<vmem_shared>>
          tpu.wait_indirect_dma semaphore(%arg26 : memref<!tpu.dma_semaphore, #tpu.memory_space<semaphore_mem>>) src(%arg19 : memref<32x144xf32, #tpu.memory_space<vmem>>) dst(%dma_wait3A_313 : memref<10000x144xf32, #tpu.memory_space<vmem_shared>>)
        } else {
        }
        %rem3A_246 = arith.constant 25 : i32
        %rem3A_247 = arith.remsi %add3A_150, %rem3A_246 : i32
        %mul3A_248 = arith.constant 32 : i32
        %mul3A_249 = arith.muli %rem3A_247, %mul3A_248 : i32
        %add3A_250 = arith.constant 0 : i32
        %add3A_251 = arith.addi %mul3A_249, %add3A_250 : i32
        %get3A_252 = arith.index_cast %add3A_251 : i32 to index
        %get3A_253 = tpu.vector_load %arg7[%get3A_252] {strides = array<i32>} : memref<800xi32, #tpu.memory_space<vmem>>, vector<16xi32>,
        %get3A_254 = vector.shape_cast %get3A_253 : vector<16xi32> to vector<16xi32>
        %swap3A_255 = arith.constant 0 : index
        %swap3A_256 = tpu.vector_load %arg11[%swap3A_255] {strides = array<i32>} : memref<32xi32, #tpu.memory_space<vmem>>, vector<16xi32>,
        %swap3A_257 = vector.shape_cast %swap3A_256 : vector<16xi32> to vector<16xi32>
        %swap3A_258 = vector.shape_cast %get3A_254 : vector<16xi32> to vector<16xi32>
        tpu.vector_store %arg11[%swap3A_255], %swap3A_258 {strides = array<i32>} : memref<32xi32, #tpu.memory_space<vmem>>, vector<16xi32>,
        %add3A_259 = vector.broadcast %mul3A_0 : i32 to vector<16xi32>
        %add3A_260 = arith.addi %get3A_254, %add3A_259 : vector<16xi32>
        %swap3A_261 = arith.constant 0 : index
        %swap3A_262 = tpu.vector_load %arg13[%swap3A_261] {strides = array<i32>} : memref<64xi32, #tpu.memory_space<vmem>>, vector<16xi32>,
        %swap3A_263 = vector.shape_cast %swap3A_262 : vector<16xi32> to vector<16xi32>
        %swap3A_264 = vector.shape_cast %add3A_260 : vector<16xi32> to vector<16xi32>
        tpu.vector_store %arg13[%swap3A_261], %swap3A_264 {strides = array<i32>} : memref<64xi32, #tpu.memory_space<vmem>>, vector<16xi32>,
        %get3A_265 = arith.index_cast %add3A_251 : i32 to index
        %get3A_266 = tpu.vector_load %arg9[%get3A_265] {strides = array<i32>} : memref<800xi32, #tpu.memory_space<vmem>>, vector<16xi32>,
        %get3A_267 = vector.shape_cast %get3A_266 : vector<16xi32> to vector<16xi32>
        %add3A_268 = vector.broadcast %add3A_1 : i32 to vector<16xi32>
        %add3A_269 = arith.addi %get3A_267, %add3A_268 : vector<16xi32>
        %swap3A_270 = arith.constant 32 : index
        %swap3A_271 = tpu.vector_load %arg13[%swap3A_270] {strides = array<i32>} : memref<64xi32, #tpu.memory_space<vmem>>, vector<16xi32>,
        %swap3A_272 = vector.shape_cast %swap3A_271 : vector<16xi32> to vector<16xi32>
        %swap3A_273 = vector.shape_cast %add3A_269 : vector<16xi32> to vector<16xi32>
        tpu.vector_store %arg13[%swap3A_270], %swap3A_273 {strides = array<i32>} : memref<64xi32, #tpu.memory_space<vmem>>, vector<16xi32>,
        %add3A_274 = arith.constant 16 : i32
        %add3A_275 = arith.addi %mul3A_249, %add3A_274 : i32
        %get3A_276 = arith.index_cast %add3A_275 : i32 to index
        %get3A_277 = tpu.vector_load %arg7[%get3A_276] {strides = array<i32>} : memref<800xi32, #tpu.memory_space<vmem>>, vector<16xi32>,
        %get3A_278 = vector.shape_cast %get3A_277 : vector<16xi32> to vector<16xi32>
        %swap3A_279 = arith.constant 16 : index
        %swap3A_280 = tpu.vector_load %arg11[%swap3A_279] {strides = array<i32>} : memref<32xi32, #tpu.memory_space<vmem>>, vector<16xi32>,
        %swap3A_281 = vector.shape_cast %swap3A_280 : vector<16xi32> to vector<16xi32>
        %swap3A_282 = vector.shape_cast %get3A_278 : vector<16xi32> to vector<16xi32>
        tpu.vector_store %arg11[%swap3A_279], %swap3A_282 {strides = array<i32>} : memref<32xi32, #tpu.memory_space<vmem>>, vector<16xi32>,
        %add3A_283 = vector.broadcast %mul3A_0 : i32 to vector<16xi32>
        %add3A_284 = arith.addi %get3A_278, %add3A_283 : vector<16xi32>
        %swap3A_285 = arith.constant 16 : index
        %swap3A_286 = tpu.vector_load %arg13[%swap3A_285] {strides = array<i32>} : memref<64xi32, #tpu.memory_space<vmem>>, vector<16xi32>,
        %swap3A_287 = vector.shape_cast %swap3A_286 : vector<16xi32> to vector<16xi32>
        %swap3A_288 = vector.shape_cast %add3A_284 : vector<16xi32> to vector<16xi32>
        tpu.vector_store %arg13[%swap3A_285], %swap3A_288 {strides = array<i32>} : memref<64xi32, #tpu.memory_space<vmem>>, vector<16xi32>,
        %get3A_289 = arith.index_cast %add3A_275 : i32 to index
        %get3A_290 = tpu.vector_load %arg9[%get3A_289] {strides = array<i32>} : memref<800xi32, #tpu.memory_space<vmem>>, vector<16xi32>,
        %get3A_291 = vector.shape_cast %get3A_290 : vector<16xi32> to vector<16xi32>
        %add3A_292 = vector.broadcast %add3A_1 : i32 to vector<16xi32>
        %add3A_293 = arith.addi %get3A_291, %add3A_292 : vector<16xi32>
        %swap3A_294 = arith.constant 48 : index
        %swap3A_295 = tpu.vector_load %arg13[%swap3A_294] {strides = array<i32>} : memref<64xi32, #tpu.memory_space<vmem>>, vector<16xi32>,
        %swap3A_296 = vector.shape_cast %swap3A_295 : vector<16xi32> to vector<16xi32>
        %swap3A_297 = vector.shape_cast %add3A_293 : vector<16xi32> to vector<16xi32>
        tpu.vector_store %arg13[%swap3A_294], %swap3A_297 {strides = array<i32>} : memref<64xi32, #tpu.memory_space<vmem>>, vector<16xi32>,
        %dma_start3A_298 = arith.constant 0 : i32
        %dma_start3A_299 = arith.constant 0 : i32
        %dma_start3A_300 = tpu.memref_slice %arg3[%dma_start3A_298, %dma_start3A_299] : memref<40000x128xf32, #tpu.memory_space<hbm>> -> memref<40000x128xf32, #tpu.memory_space<hbm>>
        tpu.enqueue_indirect_dma source(%dma_start3A_300 : memref<40000x128xf32, #tpu.memory_space<hbm>>) target(%arg15 : memref<64x128xf32, #tpu.memory_space<vmem>>) offsets(%arg13 : memref<64xi32, #tpu.memory_space<vmem>>) semaphore(%arg22 : memref<!tpu.dma_semaphore, #tpu.memory_space<semaphore_mem>>)
        %mul3A_301 = arith.constant 192000 : i32
        %mul3A_302 = arith.muli %arg0, %mul3A_301 : i32
        %add3A_303 = arith.addi %mul3A_302, %mul3A_3 : i32
        %mul3A_304 = arith.constant 32 : i32
        %mul3A_305 = arith.muli %add3A_150, %mul3A_304 : i32
        %add3A_306 = arith.addi %add3A_303, %mul3A_305 : i32
        %dma_start3A_307 = arith.constant 0 : i32
        %dma_start3A_308 = tpu.memref_slice %arg4[%add3A_306, %dma_start3A_307] : memref<384000x128xf32, #tpu.memory_space<hbm>> -> memref<32x128xf32, #tpu.memory_space<hbm>>
        %dma_start3A_309 = arith.constant 0 : i32
        %dma_start3A_310 = tpu.memref_slice %arg4[%add3A_306, %dma_start3A_309] : memref<384000x128xf32, #tpu.memory_space<hbm>> -> memref<32x128xf32, #tpu.memory_space<hbm>>
        tpu.enqueue_dma source(%dma_start3A_310 : memref<32x128xf32, #tpu.memory_space<hbm>>) target(%arg17 : memref<32x128xf32, #tpu.memory_space<vmem>>) target_semaphore(%arg24 : memref<!tpu.dma_semaphore, #tpu.memory_space<semaphore_mem>>)
      } else {
      }
      %rem3A_227 = arith.constant 2 : i32
      %rem3A_228 = arith.remsi %scan3A_148, %rem3A_227 : i32
      %eq3A_229 = arith.constant 0 : i32
      %eq3A_230 = arith.cmpi eq, %rem3A_228, %eq3A_229 : i32
      %convert_element_type3A_231 = arith.extui %eq3A_230 : i1 to i32
      %cond3A_232 = arith.constant 0 : i32
      %cond3A_233 = arith.cmpi ne, %convert_element_type3A_231, %cond3A_232 : i32
      scf.if %cond3A_233 {
        %dma_wait3A_241 = arith.constant 0 : i32
        %dma_wait3A_242 = arith.constant 0 : i32
        %dma_wait3A_243 = tpu.memref_slice %arg3[%dma_wait3A_241, %dma_wait3A_242] : memref<40000x128xf32, #tpu.memory_space<hbm>> -> memref<40000x128xf32, #tpu.memory_space<hbm>>
        tpu.wait_indirect_dma semaphore(%arg21 : memref<!tpu.dma_semaphore, #tpu.memory_space<semaphore_mem>>) src(%dma_wait3A_243 : memref<40000x128xf32, #tpu.memory_space<hbm>>) dst(%arg14 : memref<64x128xf32, #tpu.memory_space<vmem>>)
        %dma_wait3A_244 = arith.constant 0 : i32
        %dma_wait3A_245 = arith.constant 0 : i32
        %dma_wait3A_246 = tpu.memref_slice %arg4[%dma_wait3A_244, %dma_wait3A_245] : memref<384000x128xf32, #tpu.memory_space<hbm>> -> memref<32x128xf32, #tpu.memory_space<hbm>>
        %dma_wait3A_247 = arith.constant 0 : i32
        %dma_wait3A_248 = arith.constant 0 : i32
        %dma_wait3A_249 = tpu.memref_slice %arg4[%dma_wait3A_247, %dma_wait3A_248] : memref<384000x128xf32, #tpu.memory_space<hbm>> -> memref<32x128xf32, #tpu.memory_space<hbm>>
        tpu.wait_dma2 semaphore(%arg23 : memref<!tpu.dma_semaphore, #tpu.memory_space<semaphore_mem>>) src(%dma_wait3A_249 : memref<32x128xf32, #tpu.memory_space<hbm>>) dst(%arg16 : memref<32x128xf32, #tpu.memory_space<vmem>>)
        %parallel_loop3A = arith.constant 0 : i32
        %parallel_loop3A_250 = arith.constant 32 : i32
        %parallel_loop3A_251 = arith.constant 1 : i32
        scf.for %parallel_loop3A_255 = %parallel_loop3A to %parallel_loop3A_250 step %parallel_loop3A_251  : i32 {
          %parallel_loop3A_256 = arith.index_cast %parallel_loop3A_255 : i32 to index
          %parallel_loop3A_257 = arith.constant 0 : index
          %parallel_loop3A_258 = tpu.vector_load %arg14[%parallel_loop3A_256, %parallel_loop3A_257] {strides = array<i32>} : memref<64x128xf32, #tpu.memory_space<vmem>>, vector<1x16xf32>,
          %parallel_loop3A_259 = vector.shape_cast %parallel_loop3A_258 : vector<1x16xf32> to vector<16xf32>
          %parallel_loop3A_260 = arith.constant 32 : i32
          %parallel_loop3A_261 = arith.addi %parallel_loop3A_260, %parallel_loop3A_255 : i32
          %parallel_loop3A_262 = arith.index_cast %parallel_loop3A_261 : i32 to index
          %parallel_loop3A_263 = arith.constant 0 : index
          %parallel_loop3A_264 = tpu.vector_load %arg14[%parallel_loop3A_262, %parallel_loop3A_263] {strides = array<i32>} : memref<64x128xf32, #tpu.memory_space<vmem>>, vector<1x16xf32>,
          %parallel_loop3A_265 = vector.shape_cast %parallel_loop3A_264 : vector<1x16xf32> to vector<16xf32>
          %parallel_loop3A_266 = arith.addf %parallel_loop3A_259, %parallel_loop3A_265 : vector<16xf32>
          %parallel_loop3A_267 = arith.index_cast %parallel_loop3A_255 : i32 to index
          %parallel_loop3A_268 = arith.constant 0 : index
          %parallel_loop3A_269 = tpu.vector_load %arg16[%parallel_loop3A_267, %parallel_loop3A_268] {strides = array<i32>} : memref<32x128xf32, #tpu.memory_space<vmem>>, vector<1x16xf32>,
          %parallel_loop3A_270 = vector.shape_cast %parallel_loop3A_269 : vector<1x16xf32> to vector<16xf32>
          %parallel_loop3A_271 = arith.addf %parallel_loop3A_266, %parallel_loop3A_270 : vector<16xf32>
          %parallel_loop3A_272 = arith.constant 0.000000e+00 : f32
          %parallel_loop3A_273 = vector.broadcast %parallel_loop3A_272 : f32 to vector<16xf32>
          %parallel_loop3A_274 = arith.maximumf %parallel_loop3A_271, %parallel_loop3A_273 : vector<16xf32>
          %parallel_loop3A_275 = arith.index_cast %parallel_loop3A_255 : i32 to index
          %parallel_loop3A_276 = arith.constant 0 : index
          %parallel_loop3A_277 = tpu.vector_load %arg18[%parallel_loop3A_275, %parallel_loop3A_276] {strides = array<i32>} : memref<32x144xf32, #tpu.memory_space<vmem>>, vector<1x16xf32>,
          %parallel_loop3A_278 = vector.shape_cast %parallel_loop3A_277 : vector<1x16xf32> to vector<16xf32>
          %parallel_loop3A_279 = vector.shape_cast %parallel_loop3A_274 : vector<16xf32> to vector<1x16xf32>
          tpu.vector_store %arg18[%parallel_loop3A_275, %parallel_loop3A_276], %parallel_loop3A_279 {strides = array<i32>} : memref<32x144xf32, #tpu.memory_space<vmem>>, vector<1x16xf32>,
          %parallel_loop3A_280 = arith.index_cast %parallel_loop3A_255 : i32 to index
          %parallel_loop3A_281 = arith.constant 16 : index
          %parallel_loop3A_282 = tpu.vector_load %arg14[%parallel_loop3A_280, %parallel_loop3A_281] {strides = array<i32>} : memref<64x128xf32, #tpu.memory_space<vmem>>, vector<1x16xf32>,
          %parallel_loop3A_283 = vector.shape_cast %parallel_loop3A_282 : vector<1x16xf32> to vector<16xf32>
          %parallel_loop3A_284 = arith.constant 32 : i32
          %parallel_loop3A_285 = arith.addi %parallel_loop3A_284, %parallel_loop3A_255 : i32
          %parallel_loop3A_286 = arith.index_cast %parallel_loop3A_285 : i32 to index
          %parallel_loop3A_287 = arith.constant 16 : index
          %parallel_loop3A_288 = tpu.vector_load %arg14[%parallel_loop3A_286, %parallel_loop3A_287] {strides = array<i32>} : memref<64x128xf32, #tpu.memory_space<vmem>>, vector<1x16xf32>,
          %parallel_loop3A_289 = vector.shape_cast %parallel_loop3A_288 : vector<1x16xf32> to vector<16xf32>
          %parallel_loop3A_290 = arith.addf %parallel_loop3A_283, %parallel_loop3A_289 : vector<16xf32>
          %parallel_loop3A_291 = arith.index_cast %parallel_loop3A_255 : i32 to index
          %parallel_loop3A_292 = arith.constant 16 : index
          %parallel_loop3A_293 = tpu.vector_load %arg16[%parallel_loop3A_291, %parallel_loop3A_292] {strides = array<i32>} : memref<32x128xf32, #tpu.memory_space<vmem>>, vector<1x16xf32>,
          %parallel_loop3A_294 = vector.shape_cast %parallel_loop3A_293 : vector<1x16xf32> to vector<16xf32>
          %parallel_loop3A_295 = arith.addf %parallel_loop3A_290, %parallel_loop3A_294 : vector<16xf32>
          %parallel_loop3A_296 = arith.constant 0.000000e+00 : f32
          %parallel_loop3A_297 = vector.broadcast %parallel_loop3A_296 : f32 to vector<16xf32>
          %parallel_loop3A_298 = arith.maximumf %parallel_loop3A_295, %parallel_loop3A_297 : vector<16xf32>
          %parallel_loop3A_299 = arith.index_cast %parallel_loop3A_255 : i32 to index
          %parallel_loop3A_300 = arith.constant 16 : index
          %parallel_loop3A_301 = tpu.vector_load %arg18[%parallel_loop3A_299, %parallel_loop3A_300] {strides = array<i32>} : memref<32x144xf32, #tpu.memory_space<vmem>>, vector<1x16xf32>,
          %parallel_loop3A_302 = vector.shape_cast %parallel_loop3A_301 : vector<1x16xf32> to vector<16xf32>
          %parallel_loop3A_303 = vector.shape_cast %parallel_loop3A_298 : vector<16xf32> to vector<1x16xf32>
          tpu.vector_store %arg18[%parallel_loop3A_299, %parallel_loop3A_300], %parallel_loop3A_303 {strides = array<i32>} : memref<32x144xf32, #tpu.memory_space<vmem>>, vector<1x16xf32>,
          %parallel_loop3A_304 = arith.index_cast %parallel_loop3A_255 : i32 to index
          %parallel_loop3A_305 = arith.constant 32 : index
          %parallel_loop3A_306 = tpu.vector_load %arg14[%parallel_loop3A_304, %parallel_loop3A_305] {strides = array<i32>} : memref<64x128xf32, #tpu.memory_space<vmem>>, vector<1x16xf32>,
          %parallel_loop3A_307 = vector.shape_cast %parallel_loop3A_306 : vector<1x16xf32> to vector<16xf32>
          %parallel_loop3A_308 = arith.constant 32 : i32
          %parallel_loop3A_309 = arith.addi %parallel_loop3A_308, %parallel_loop3A_255 : i32
          %parallel_loop3A_310 = arith.index_cast %parallel_loop3A_309 : i32 to index
          %parallel_loop3A_311 = arith.constant 32 : index
          %parallel_loop3A_312 = tpu.vector_load %arg14[%parallel_loop3A_310, %parallel_loop3A_311] {strides = array<i32>} : memref<64x128xf32, #tpu.memory_space<vmem>>, vector<1x16xf32>,
          %parallel_loop3A_313 = vector.shape_cast %parallel_loop3A_312 : vector<1x16xf32> to vector<16xf32>
          %parallel_loop3A_314 = arith.addf %parallel_loop3A_307, %parallel_loop3A_313 : vector<16xf32>
          %parallel_loop3A_315 = arith.index_cast %parallel_loop3A_255 : i32 to index
          %parallel_loop3A_316 = arith.constant 32 : index
          %parallel_loop3A_317 = tpu.vector_load %arg16[%parallel_loop3A_315, %parallel_loop3A_316] {strides = array<i32>} : memref<32x128xf32, #tpu.memory_space<vmem>>, vector<1x16xf32>,
          %parallel_loop3A_318 = vector.shape_cast %parallel_loop3A_317 : vector<1x16xf32> to vector<16xf32>
          %parallel_loop3A_319 = arith.addf %parallel_loop3A_314, %parallel_loop3A_318 : vector<16xf32>
          %parallel_loop3A_320 = arith.constant 0.000000e+00 : f32
          %parallel_loop3A_321 = vector.broadcast %parallel_loop3A_320 : f32 to vector<16xf32>
          %parallel_loop3A_322 = arith.maximumf %parallel_loop3A_319, %parallel_loop3A_321 : vector<16xf32>
          %parallel_loop3A_323 = arith.index_cast %parallel_loop3A_255 : i32 to index
          %parallel_loop3A_324 = arith.constant 32 : index
          %parallel_loop3A_325 = tpu.vector_load %arg18[%parallel_loop3A_323, %parallel_loop3A_324] {strides = array<i32>} : memref<32x144xf32, #tpu.memory_space<vmem>>, vector<1x16xf32>,
          %parallel_loop3A_326 = vector.shape_cast %parallel_loop3A_325 : vector<1x16xf32> to vector<16xf32>
          %parallel_loop3A_327 = vector.shape_cast %parallel_loop3A_322 : vector<16xf32> to vector<1x16xf32>
          tpu.vector_store %arg18[%parallel_loop3A_323, %parallel_loop3A_324], %parallel_loop3A_327 {strides = array<i32>} : memref<32x144xf32, #tpu.memory_space<vmem>>, vector<1x16xf32>,
          %parallel_loop3A_328 = arith.index_cast %parallel_loop3A_255 : i32 to index
          %parallel_loop3A_329 = arith.constant 48 : index
          %parallel_loop3A_330 = tpu.vector_load %arg14[%parallel_loop3A_328, %parallel_loop3A_329] {strides = array<i32>} : memref<64x128xf32, #tpu.memory_space<vmem>>, vector<1x16xf32>,
          %parallel_loop3A_331 = vector.shape_cast %parallel_loop3A_330 : vector<1x16xf32> to vector<16xf32>
          %parallel_loop3A_332 = arith.constant 32 : i32
          %parallel_loop3A_333 = arith.addi %parallel_loop3A_332, %parallel_loop3A_255 : i32
          %parallel_loop3A_334 = arith.index_cast %parallel_loop3A_333 : i32 to index
          %parallel_loop3A_335 = arith.constant 48 : index
          %parallel_loop3A_336 = tpu.vector_load %arg14[%parallel_loop3A_334, %parallel_loop3A_335] {strides = array<i32>} : memref<64x128xf32, #tpu.memory_space<vmem>>, vector<1x16xf32>,
          %parallel_loop3A_337 = vector.shape_cast %parallel_loop3A_336 : vector<1x16xf32> to vector<16xf32>
          %parallel_loop3A_338 = arith.addf %parallel_loop3A_331, %parallel_loop3A_337 : vector<16xf32>
          %parallel_loop3A_339 = arith.index_cast %parallel_loop3A_255 : i32 to index
          %parallel_loop3A_340 = arith.constant 48 : index
          %parallel_loop3A_341 = tpu.vector_load %arg16[%parallel_loop3A_339, %parallel_loop3A_340] {strides = array<i32>} : memref<32x128xf32, #tpu.memory_space<vmem>>, vector<1x16xf32>,
          %parallel_loop3A_342 = vector.shape_cast %parallel_loop3A_341 : vector<1x16xf32> to vector<16xf32>
          %parallel_loop3A_343 = arith.addf %parallel_loop3A_338, %parallel_loop3A_342 : vector<16xf32>
          %parallel_loop3A_344 = arith.constant 0.000000e+00 : f32
          %parallel_loop3A_345 = vector.broadcast %parallel_loop3A_344 : f32 to vector<16xf32>
          %parallel_loop3A_346 = arith.maximumf %parallel_loop3A_343, %parallel_loop3A_345 : vector<16xf32>
          %parallel_loop3A_347 = arith.index_cast %parallel_loop3A_255 : i32 to index
          %parallel_loop3A_348 = arith.constant 48 : index
          %parallel_loop3A_349 = tpu.vector_load %arg18[%parallel_loop3A_347, %parallel_loop3A_348] {strides = array<i32>} : memref<32x144xf32, #tpu.memory_space<vmem>>, vector<1x16xf32>,
          %parallel_loop3A_350 = vector.shape_cast %parallel_loop3A_349 : vector<1x16xf32> to vector<16xf32>
          %parallel_loop3A_351 = vector.shape_cast %parallel_loop3A_346 : vector<16xf32> to vector<1x16xf32>
          tpu.vector_store %arg18[%parallel_loop3A_347, %parallel_loop3A_348], %parallel_loop3A_351 {strides = array<i32>} : memref<32x144xf32, #tpu.memory_space<vmem>>, vector<1x16xf32>,
          %parallel_loop3A_352 = arith.index_cast %parallel_loop3A_255 : i32 to index
          %parallel_loop3A_353 = arith.constant 64 : index
          %parallel_loop3A_354 = tpu.vector_load %arg14[%parallel_loop3A_352, %parallel_loop3A_353] {strides = array<i32>} : memref<64x128xf32, #tpu.memory_space<vmem>>, vector<1x16xf32>,
          %parallel_loop3A_355 = vector.shape_cast %parallel_loop3A_354 : vector<1x16xf32> to vector<16xf32>
          %parallel_loop3A_356 = arith.constant 32 : i32
          %parallel_loop3A_357 = arith.addi %parallel_loop3A_356, %parallel_loop3A_255 : i32
          %parallel_loop3A_358 = arith.index_cast %parallel_loop3A_357 : i32 to index
          %parallel_loop3A_359 = arith.constant 64 : index
          %parallel_loop3A_360 = tpu.vector_load %arg14[%parallel_loop3A_358, %parallel_loop3A_359] {strides = array<i32>} : memref<64x128xf32, #tpu.memory_space<vmem>>, vector<1x16xf32>,
          %parallel_loop3A_361 = vector.shape_cast %parallel_loop3A_360 : vector<1x16xf32> to vector<16xf32>
          %parallel_loop3A_362 = arith.addf %parallel_loop3A_355, %parallel_loop3A_361 : vector<16xf32>
          %parallel_loop3A_363 = arith.index_cast %parallel_loop3A_255 : i32 to index
          %parallel_loop3A_364 = arith.constant 64 : index
          %parallel_loop3A_365 = tpu.vector_load %arg16[%parallel_loop3A_363, %parallel_loop3A_364] {strides = array<i32>} : memref<32x128xf32, #tpu.memory_space<vmem>>, vector<1x16xf32>,
          %parallel_loop3A_366 = vector.shape_cast %parallel_loop3A_365 : vector<1x16xf32> to vector<16xf32>
          %parallel_loop3A_367 = arith.addf %parallel_loop3A_362, %parallel_loop3A_366 : vector<16xf32>
          %parallel_loop3A_368 = arith.constant 0.000000e+00 : f32
          %parallel_loop3A_369 = vector.broadcast %parallel_loop3A_368 : f32 to vector<16xf32>
          %parallel_loop3A_370 = arith.maximumf %parallel_loop3A_367, %parallel_loop3A_369 : vector<16xf32>
          %parallel_loop3A_371 = arith.index_cast %parallel_loop3A_255 : i32 to index
          %parallel_loop3A_372 = arith.constant 64 : index
          %parallel_loop3A_373 = tpu.vector_load %arg18[%parallel_loop3A_371, %parallel_loop3A_372] {strides = array<i32>} : memref<32x144xf32, #tpu.memory_space<vmem>>, vector<1x16xf32>,
          %parallel_loop3A_374 = vector.shape_cast %parallel_loop3A_373 : vector<1x16xf32> to vector<16xf32>
          %parallel_loop3A_375 = vector.shape_cast %parallel_loop3A_370 : vector<16xf32> to vector<1x16xf32>
          tpu.vector_store %arg18[%parallel_loop3A_371, %parallel_loop3A_372], %parallel_loop3A_375 {strides = array<i32>} : memref<32x144xf32, #tpu.memory_space<vmem>>, vector<1x16xf32>,
          %parallel_loop3A_376 = arith.index_cast %parallel_loop3A_255 : i32 to index
          %parallel_loop3A_377 = arith.constant 80 : index
          %parallel_loop3A_378 = tpu.vector_load %arg14[%parallel_loop3A_376, %parallel_loop3A_377] {strides = array<i32>} : memref<64x128xf32, #tpu.memory_space<vmem>>, vector<1x16xf32>,
          %parallel_loop3A_379 = vector.shape_cast %parallel_loop3A_378 : vector<1x16xf32> to vector<16xf32>
          %parallel_loop3A_380 = arith.constant 32 : i32
          %parallel_loop3A_381 = arith.addi %parallel_loop3A_380, %parallel_loop3A_255 : i32
          %parallel_loop3A_382 = arith.index_cast %parallel_loop3A_381 : i32 to index
          %parallel_loop3A_383 = arith.constant 80 : index
          %parallel_loop3A_384 = tpu.vector_load %arg14[%parallel_loop3A_382, %parallel_loop3A_383] {strides = array<i32>} : memref<64x128xf32, #tpu.memory_space<vmem>>, vector<1x16xf32>,
          %parallel_loop3A_385 = vector.shape_cast %parallel_loop3A_384 : vector<1x16xf32> to vector<16xf32>
          %parallel_loop3A_386 = arith.addf %parallel_loop3A_379, %parallel_loop3A_385 : vector<16xf32>
          %parallel_loop3A_387 = arith.index_cast %parallel_loop3A_255 : i32 to index
          %parallel_loop3A_388 = arith.constant 80 : index
          %parallel_loop3A_389 = tpu.vector_load %arg16[%parallel_loop3A_387, %parallel_loop3A_388] {strides = array<i32>} : memref<32x128xf32, #tpu.memory_space<vmem>>, vector<1x16xf32>,
          %parallel_loop3A_390 = vector.shape_cast %parallel_loop3A_389 : vector<1x16xf32> to vector<16xf32>
          %parallel_loop3A_391 = arith.addf %parallel_loop3A_386, %parallel_loop3A_390 : vector<16xf32>
          %parallel_loop3A_392 = arith.constant 0.000000e+00 : f32
          %parallel_loop3A_393 = vector.broadcast %parallel_loop3A_392 : f32 to vector<16xf32>
          %parallel_loop3A_394 = arith.maximumf %parallel_loop3A_391, %parallel_loop3A_393 : vector<16xf32>
          %parallel_loop3A_395 = arith.index_cast %parallel_loop3A_255 : i32 to index
          %parallel_loop3A_396 = arith.constant 80 : index
          %parallel_loop3A_397 = tpu.vector_load %arg18[%parallel_loop3A_395, %parallel_loop3A_396] {strides = array<i32>} : memref<32x144xf32, #tpu.memory_space<vmem>>, vector<1x16xf32>,
          %parallel_loop3A_398 = vector.shape_cast %parallel_loop3A_397 : vector<1x16xf32> to vector<16xf32>
          %parallel_loop3A_399 = vector.shape_cast %parallel_loop3A_394 : vector<16xf32> to vector<1x16xf32>
          tpu.vector_store %arg18[%parallel_loop3A_395, %parallel_loop3A_396], %parallel_loop3A_399 {strides = array<i32>} : memref<32x144xf32, #tpu.memory_space<vmem>>, vector<1x16xf32>,
          %parallel_loop3A_400 = arith.index_cast %parallel_loop3A_255 : i32 to index
          %parallel_loop3A_401 = arith.constant 96 : index
          %parallel_loop3A_402 = tpu.vector_load %arg14[%parallel_loop3A_400, %parallel_loop3A_401] {strides = array<i32>} : memref<64x128xf32, #tpu.memory_space<vmem>>, vector<1x16xf32>,
          %parallel_loop3A_403 = vector.shape_cast %parallel_loop3A_402 : vector<1x16xf32> to vector<16xf32>
          %parallel_loop3A_404 = arith.constant 32 : i32
          %parallel_loop3A_405 = arith.addi %parallel_loop3A_404, %parallel_loop3A_255 : i32
          %parallel_loop3A_406 = arith.index_cast %parallel_loop3A_405 : i32 to index
          %parallel_loop3A_407 = arith.constant 96 : index
          %parallel_loop3A_408 = tpu.vector_load %arg14[%parallel_loop3A_406, %parallel_loop3A_407] {strides = array<i32>} : memref<64x128xf32, #tpu.memory_space<vmem>>, vector<1x16xf32>,
          %parallel_loop3A_409 = vector.shape_cast %parallel_loop3A_408 : vector<1x16xf32> to vector<16xf32>
          %parallel_loop3A_410 = arith.addf %parallel_loop3A_403, %parallel_loop3A_409 : vector<16xf32>
          %parallel_loop3A_411 = arith.index_cast %parallel_loop3A_255 : i32 to index
          %parallel_loop3A_412 = arith.constant 96 : index
          %parallel_loop3A_413 = tpu.vector_load %arg16[%parallel_loop3A_411, %parallel_loop3A_412] {strides = array<i32>} : memref<32x128xf32, #tpu.memory_space<vmem>>, vector<1x16xf32>,
          %parallel_loop3A_414 = vector.shape_cast %parallel_loop3A_413 : vector<1x16xf32> to vector<16xf32>
          %parallel_loop3A_415 = arith.addf %parallel_loop3A_410, %parallel_loop3A_414 : vector<16xf32>
          %parallel_loop3A_416 = arith.constant 0.000000e+00 : f32
          %parallel_loop3A_417 = vector.broadcast %parallel_loop3A_416 : f32 to vector<16xf32>
          %parallel_loop3A_418 = arith.maximumf %parallel_loop3A_415, %parallel_loop3A_417 : vector<16xf32>
          %parallel_loop3A_419 = arith.index_cast %parallel_loop3A_255 : i32 to index
          %parallel_loop3A_420 = arith.constant 96 : index
          %parallel_loop3A_421 = tpu.vector_load %arg18[%parallel_loop3A_419, %parallel_loop3A_420] {strides = array<i32>} : memref<32x144xf32, #tpu.memory_space<vmem>>, vector<1x16xf32>,
          %parallel_loop3A_422 = vector.shape_cast %parallel_loop3A_421 : vector<1x16xf32> to vector<16xf32>
          %parallel_loop3A_423 = vector.shape_cast %parallel_loop3A_418 : vector<16xf32> to vector<1x16xf32>
          tpu.vector_store %arg18[%parallel_loop3A_419, %parallel_loop3A_420], %parallel_loop3A_423 {strides = array<i32>} : memref<32x144xf32, #tpu.memory_space<vmem>>, vector<1x16xf32>,
          %parallel_loop3A_424 = arith.index_cast %parallel_loop3A_255 : i32 to index
          %parallel_loop3A_425 = arith.constant 112 : index
          %parallel_loop3A_426 = tpu.vector_load %arg14[%parallel_loop3A_424, %parallel_loop3A_425] {strides = array<i32>} : memref<64x128xf32, #tpu.memory_space<vmem>>, vector<1x16xf32>,
          %parallel_loop3A_427 = vector.shape_cast %parallel_loop3A_426 : vector<1x16xf32> to vector<16xf32>
          %parallel_loop3A_428 = arith.constant 32 : i32
          %parallel_loop3A_429 = arith.addi %parallel_loop3A_428, %parallel_loop3A_255 : i32
          %parallel_loop3A_430 = arith.index_cast %parallel_loop3A_429 : i32 to index
          %parallel_loop3A_431 = arith.constant 112 : index
          %parallel_loop3A_432 = tpu.vector_load %arg14[%parallel_loop3A_430, %parallel_loop3A_431] {strides = array<i32>} : memref<64x128xf32, #tpu.memory_space<vmem>>, vector<1x16xf32>,
          %parallel_loop3A_433 = vector.shape_cast %parallel_loop3A_432 : vector<1x16xf32> to vector<16xf32>
          %parallel_loop3A_434 = arith.addf %parallel_loop3A_427, %parallel_loop3A_433 : vector<16xf32>
          %parallel_loop3A_435 = arith.index_cast %parallel_loop3A_255 : i32 to index
          %parallel_loop3A_436 = arith.constant 112 : index
          %parallel_loop3A_437 = tpu.vector_load %arg16[%parallel_loop3A_435, %parallel_loop3A_436] {strides = array<i32>} : memref<32x128xf32, #tpu.memory_space<vmem>>, vector<1x16xf32>,
          %parallel_loop3A_438 = vector.shape_cast %parallel_loop3A_437 : vector<1x16xf32> to vector<16xf32>
          %parallel_loop3A_439 = arith.addf %parallel_loop3A_434, %parallel_loop3A_438 : vector<16xf32>
          %parallel_loop3A_440 = arith.constant 0.000000e+00 : f32
          %parallel_loop3A_441 = vector.broadcast %parallel_loop3A_440 : f32 to vector<16xf32>
          %parallel_loop3A_442 = arith.maximumf %parallel_loop3A_439, %parallel_loop3A_441 : vector<16xf32>
          %parallel_loop3A_443 = arith.index_cast %parallel_loop3A_255 : i32 to index
          %parallel_loop3A_444 = arith.constant 112 : index
          %parallel_loop3A_445 = tpu.vector_load %arg18[%parallel_loop3A_443, %parallel_loop3A_444] {strides = array<i32>} : memref<32x144xf32, #tpu.memory_space<vmem>>, vector<1x16xf32>,
          %parallel_loop3A_446 = vector.shape_cast %parallel_loop3A_445 : vector<1x16xf32> to vector<16xf32>
          %parallel_loop3A_447 = vector.shape_cast %parallel_loop3A_442 : vector<16xf32> to vector<1x16xf32>
          tpu.vector_store %arg18[%parallel_loop3A_443, %parallel_loop3A_444], %parallel_loop3A_447 {strides = array<i32>} : memref<32x144xf32, #tpu.memory_space<vmem>>, vector<1x16xf32>,
        } {sc.loop_unroll_factor = 4 : i64, sc.parallel_access}
        %dma_start3A_252 = arith.constant 0 : i32
        %dma_start3A_253 = arith.constant 0 : i32
        %dma_start3A_254 = tpu.memref_slice %arg20[%dma_start3A_252, %dma_start3A_253] : memref<10000x144xf32, #tpu.memory_space<vmem_shared>> -> memref<10000x144xf32, #tpu.memory_space<vmem_shared>>
        tpu.enqueue_indirect_dma source(%arg18 : memref<32x144xf32, #tpu.memory_space<vmem>>) target(%dma_start3A_254 : memref<10000x144xf32, #tpu.memory_space<vmem_shared>>) offsets(%arg10 : memref<32xi32, #tpu.memory_space<vmem>>) semaphore(%arg25 : memref<!tpu.dma_semaphore, #tpu.memory_space<semaphore_mem>>) {add = true}
      } else {
      }
      %rem3A_234 = arith.constant 2 : i32
      %rem3A_235 = arith.remsi %scan3A_148, %rem3A_234 : i32
      %eq3A_236 = arith.constant 1 : i32
      %eq3A_237 = arith.cmpi eq, %rem3A_235, %eq3A_236 : i32
      %convert_element_type3A_238 = arith.extui %eq3A_237 : i1 to i32
      %cond3A_239 = arith.constant 0 : i32
      %cond3A_240 = arith.cmpi ne, %convert_element_type3A_238, %cond3A_239 : i32
      scf.if %cond3A_240 {
        %dma_wait3A_241 = arith.constant 0 : i32
        %dma_wait3A_242 = arith.constant 0 : i32
        %dma_wait3A_243 = tpu.memref_slice %arg3[%dma_wait3A_241, %dma_wait3A_242] : memref<40000x128xf32, #tpu.memory_space<hbm>> -> memref<40000x128xf32, #tpu.memory_space<hbm>>
        tpu.wait_indirect_dma semaphore(%arg22 : memref<!tpu.dma_semaphore, #tpu.memory_space<semaphore_mem>>) src(%dma_wait3A_243 : memref<40000x128xf32, #tpu.memory_space<hbm>>) dst(%arg15 : memref<64x128xf32, #tpu.memory_space<vmem>>)
        %dma_wait3A_244 = arith.constant 0 : i32
        %dma_wait3A_245 = arith.constant 0 : i32
        %dma_wait3A_246 = tpu.memref_slice %arg4[%dma_wait3A_244, %dma_wait3A_245] : memref<384000x128xf32, #tpu.memory_space<hbm>> -> memref<32x128xf32, #tpu.memory_space<hbm>>
        %dma_wait3A_247 = arith.constant 0 : i32
        %dma_wait3A_248 = arith.constant 0 : i32
        %dma_wait3A_249 = tpu.memref_slice %arg4[%dma_wait3A_247, %dma_wait3A_248] : memref<384000x128xf32, #tpu.memory_space<hbm>> -> memref<32x128xf32, #tpu.memory_space<hbm>>
        tpu.wait_dma2 semaphore(%arg24 : memref<!tpu.dma_semaphore, #tpu.memory_space<semaphore_mem>>) src(%dma_wait3A_249 : memref<32x128xf32, #tpu.memory_space<hbm>>) dst(%arg17 : memref<32x128xf32, #tpu.memory_space<vmem>>)
        %parallel_loop3A = arith.constant 0 : i32
        %parallel_loop3A_250 = arith.constant 32 : i32
        %parallel_loop3A_251 = arith.constant 1 : i32
        scf.for %parallel_loop3A_255 = %parallel_loop3A to %parallel_loop3A_250 step %parallel_loop3A_251  : i32 {
          %parallel_loop3A_256 = arith.index_cast %parallel_loop3A_255 : i32 to index
          %parallel_loop3A_257 = arith.constant 0 : index
          %parallel_loop3A_258 = tpu.vector_load %arg15[%parallel_loop3A_256, %parallel_loop3A_257] {strides = array<i32>} : memref<64x128xf32, #tpu.memory_space<vmem>>, vector<1x16xf32>,
          %parallel_loop3A_259 = vector.shape_cast %parallel_loop3A_258 : vector<1x16xf32> to vector<16xf32>
          %parallel_loop3A_260 = arith.constant 32 : i32
          %parallel_loop3A_261 = arith.addi %parallel_loop3A_260, %parallel_loop3A_255 : i32
          %parallel_loop3A_262 = arith.index_cast %parallel_loop3A_261 : i32 to index
          %parallel_loop3A_263 = arith.constant 0 : index
          %parallel_loop3A_264 = tpu.vector_load %arg15[%parallel_loop3A_262, %parallel_loop3A_263] {strides = array<i32>} : memref<64x128xf32, #tpu.memory_space<vmem>>, vector<1x16xf32>,
          %parallel_loop3A_265 = vector.shape_cast %parallel_loop3A_264 : vector<1x16xf32> to vector<16xf32>
          %parallel_loop3A_266 = arith.addf %parallel_loop3A_259, %parallel_loop3A_265 : vector<16xf32>
          %parallel_loop3A_267 = arith.index_cast %parallel_loop3A_255 : i32 to index
          %parallel_loop3A_268 = arith.constant 0 : index
          %parallel_loop3A_269 = tpu.vector_load %arg17[%parallel_loop3A_267, %parallel_loop3A_268] {strides = array<i32>} : memref<32x128xf32, #tpu.memory_space<vmem>>, vector<1x16xf32>,
          %parallel_loop3A_270 = vector.shape_cast %parallel_loop3A_269 : vector<1x16xf32> to vector<16xf32>
          %parallel_loop3A_271 = arith.addf %parallel_loop3A_266, %parallel_loop3A_270 : vector<16xf32>
          %parallel_loop3A_272 = arith.constant 0.000000e+00 : f32
          %parallel_loop3A_273 = vector.broadcast %parallel_loop3A_272 : f32 to vector<16xf32>
          %parallel_loop3A_274 = arith.maximumf %parallel_loop3A_271, %parallel_loop3A_273 : vector<16xf32>
          %parallel_loop3A_275 = arith.index_cast %parallel_loop3A_255 : i32 to index
          %parallel_loop3A_276 = arith.constant 0 : index
          %parallel_loop3A_277 = tpu.vector_load %arg19[%parallel_loop3A_275, %parallel_loop3A_276] {strides = array<i32>} : memref<32x144xf32, #tpu.memory_space<vmem>>, vector<1x16xf32>,
          %parallel_loop3A_278 = vector.shape_cast %parallel_loop3A_277 : vector<1x16xf32> to vector<16xf32>
          %parallel_loop3A_279 = vector.shape_cast %parallel_loop3A_274 : vector<16xf32> to vector<1x16xf32>
          tpu.vector_store %arg19[%parallel_loop3A_275, %parallel_loop3A_276], %parallel_loop3A_279 {strides = array<i32>} : memref<32x144xf32, #tpu.memory_space<vmem>>, vector<1x16xf32>,
          %parallel_loop3A_280 = arith.index_cast %parallel_loop3A_255 : i32 to index
          %parallel_loop3A_281 = arith.constant 16 : index
          %parallel_loop3A_282 = tpu.vector_load %arg15[%parallel_loop3A_280, %parallel_loop3A_281] {strides = array<i32>} : memref<64x128xf32, #tpu.memory_space<vmem>>, vector<1x16xf32>,
          %parallel_loop3A_283 = vector.shape_cast %parallel_loop3A_282 : vector<1x16xf32> to vector<16xf32>
          %parallel_loop3A_284 = arith.constant 32 : i32
          %parallel_loop3A_285 = arith.addi %parallel_loop3A_284, %parallel_loop3A_255 : i32
          %parallel_loop3A_286 = arith.index_cast %parallel_loop3A_285 : i32 to index
          %parallel_loop3A_287 = arith.constant 16 : index
          %parallel_loop3A_288 = tpu.vector_load %arg15[%parallel_loop3A_286, %parallel_loop3A_287] {strides = array<i32>} : memref<64x128xf32, #tpu.memory_space<vmem>>, vector<1x16xf32>,
          %parallel_loop3A_289 = vector.shape_cast %parallel_loop3A_288 : vector<1x16xf32> to vector<16xf32>
          %parallel_loop3A_290 = arith.addf %parallel_loop3A_283, %parallel_loop3A_289 : vector<16xf32>
          %parallel_loop3A_291 = arith.index_cast %parallel_loop3A_255 : i32 to index
          %parallel_loop3A_292 = arith.constant 16 : index
          %parallel_loop3A_293 = tpu.vector_load %arg17[%parallel_loop3A_291, %parallel_loop3A_292] {strides = array<i32>} : memref<32x128xf32, #tpu.memory_space<vmem>>, vector<1x16xf32>,
          %parallel_loop3A_294 = vector.shape_cast %parallel_loop3A_293 : vector<1x16xf32> to vector<16xf32>
          %parallel_loop3A_295 = arith.addf %parallel_loop3A_290, %parallel_loop3A_294 : vector<16xf32>
          %parallel_loop3A_296 = arith.constant 0.000000e+00 : f32
          %parallel_loop3A_297 = vector.broadcast %parallel_loop3A_296 : f32 to vector<16xf32>
          %parallel_loop3A_298 = arith.maximumf %parallel_loop3A_295, %parallel_loop3A_297 : vector<16xf32>
          %parallel_loop3A_299 = arith.index_cast %parallel_loop3A_255 : i32 to index
          %parallel_loop3A_300 = arith.constant 16 : index
          %parallel_loop3A_301 = tpu.vector_load %arg19[%parallel_loop3A_299, %parallel_loop3A_300] {strides = array<i32>} : memref<32x144xf32, #tpu.memory_space<vmem>>, vector<1x16xf32>,
          %parallel_loop3A_302 = vector.shape_cast %parallel_loop3A_301 : vector<1x16xf32> to vector<16xf32>
          %parallel_loop3A_303 = vector.shape_cast %parallel_loop3A_298 : vector<16xf32> to vector<1x16xf32>
          tpu.vector_store %arg19[%parallel_loop3A_299, %parallel_loop3A_300], %parallel_loop3A_303 {strides = array<i32>} : memref<32x144xf32, #tpu.memory_space<vmem>>, vector<1x16xf32>,
          %parallel_loop3A_304 = arith.index_cast %parallel_loop3A_255 : i32 to index
          %parallel_loop3A_305 = arith.constant 32 : index
          %parallel_loop3A_306 = tpu.vector_load %arg15[%parallel_loop3A_304, %parallel_loop3A_305] {strides = array<i32>} : memref<64x128xf32, #tpu.memory_space<vmem>>, vector<1x16xf32>,
          %parallel_loop3A_307 = vector.shape_cast %parallel_loop3A_306 : vector<1x16xf32> to vector<16xf32>
          %parallel_loop3A_308 = arith.constant 32 : i32
          %parallel_loop3A_309 = arith.addi %parallel_loop3A_308, %parallel_loop3A_255 : i32
          %parallel_loop3A_310 = arith.index_cast %parallel_loop3A_309 : i32 to index
          %parallel_loop3A_311 = arith.constant 32 : index
          %parallel_loop3A_312 = tpu.vector_load %arg15[%parallel_loop3A_310, %parallel_loop3A_311] {strides = array<i32>} : memref<64x128xf32, #tpu.memory_space<vmem>>, vector<1x16xf32>,
          %parallel_loop3A_313 = vector.shape_cast %parallel_loop3A_312 : vector<1x16xf32> to vector<16xf32>
          %parallel_loop3A_314 = arith.addf %parallel_loop3A_307, %parallel_loop3A_313 : vector<16xf32>
          %parallel_loop3A_315 = arith.index_cast %parallel_loop3A_255 : i32 to index
          %parallel_loop3A_316 = arith.constant 32 : index
          %parallel_loop3A_317 = tpu.vector_load %arg17[%parallel_loop3A_315, %parallel_loop3A_316] {strides = array<i32>} : memref<32x128xf32, #tpu.memory_space<vmem>>, vector<1x16xf32>,
          %parallel_loop3A_318 = vector.shape_cast %parallel_loop3A_317 : vector<1x16xf32> to vector<16xf32>
          %parallel_loop3A_319 = arith.addf %parallel_loop3A_314, %parallel_loop3A_318 : vector<16xf32>
          %parallel_loop3A_320 = arith.constant 0.000000e+00 : f32
          %parallel_loop3A_321 = vector.broadcast %parallel_loop3A_320 : f32 to vector<16xf32>
          %parallel_loop3A_322 = arith.maximumf %parallel_loop3A_319, %parallel_loop3A_321 : vector<16xf32>
          %parallel_loop3A_323 = arith.index_cast %parallel_loop3A_255 : i32 to index
          %parallel_loop3A_324 = arith.constant 32 : index
          %parallel_loop3A_325 = tpu.vector_load %arg19[%parallel_loop3A_323, %parallel_loop3A_324] {strides = array<i32>} : memref<32x144xf32, #tpu.memory_space<vmem>>, vector<1x16xf32>,
          %parallel_loop3A_326 = vector.shape_cast %parallel_loop3A_325 : vector<1x16xf32> to vector<16xf32>
          %parallel_loop3A_327 = vector.shape_cast %parallel_loop3A_322 : vector<16xf32> to vector<1x16xf32>
          tpu.vector_store %arg19[%parallel_loop3A_323, %parallel_loop3A_324], %parallel_loop3A_327 {strides = array<i32>} : memref<32x144xf32, #tpu.memory_space<vmem>>, vector<1x16xf32>,
          %parallel_loop3A_328 = arith.index_cast %parallel_loop3A_255 : i32 to index
          %parallel_loop3A_329 = arith.constant 48 : index
          %parallel_loop3A_330 = tpu.vector_load %arg15[%parallel_loop3A_328, %parallel_loop3A_329] {strides = array<i32>} : memref<64x128xf32, #tpu.memory_space<vmem>>, vector<1x16xf32>,
          %parallel_loop3A_331 = vector.shape_cast %parallel_loop3A_330 : vector<1x16xf32> to vector<16xf32>
          %parallel_loop3A_332 = arith.constant 32 : i32
          %parallel_loop3A_333 = arith.addi %parallel_loop3A_332, %parallel_loop3A_255 : i32
          %parallel_loop3A_334 = arith.index_cast %parallel_loop3A_333 : i32 to index
          %parallel_loop3A_335 = arith.constant 48 : index
          %parallel_loop3A_336 = tpu.vector_load %arg15[%parallel_loop3A_334, %parallel_loop3A_335] {strides = array<i32>} : memref<64x128xf32, #tpu.memory_space<vmem>>, vector<1x16xf32>,
          %parallel_loop3A_337 = vector.shape_cast %parallel_loop3A_336 : vector<1x16xf32> to vector<16xf32>
          %parallel_loop3A_338 = arith.addf %parallel_loop3A_331, %parallel_loop3A_337 : vector<16xf32>
          %parallel_loop3A_339 = arith.index_cast %parallel_loop3A_255 : i32 to index
          %parallel_loop3A_340 = arith.constant 48 : index
          %parallel_loop3A_341 = tpu.vector_load %arg17[%parallel_loop3A_339, %parallel_loop3A_340] {strides = array<i32>} : memref<32x128xf32, #tpu.memory_space<vmem>>, vector<1x16xf32>,
          %parallel_loop3A_342 = vector.shape_cast %parallel_loop3A_341 : vector<1x16xf32> to vector<16xf32>
          %parallel_loop3A_343 = arith.addf %parallel_loop3A_338, %parallel_loop3A_342 : vector<16xf32>
          %parallel_loop3A_344 = arith.constant 0.000000e+00 : f32
          %parallel_loop3A_345 = vector.broadcast %parallel_loop3A_344 : f32 to vector<16xf32>
          %parallel_loop3A_346 = arith.maximumf %parallel_loop3A_343, %parallel_loop3A_345 : vector<16xf32>
          %parallel_loop3A_347 = arith.index_cast %parallel_loop3A_255 : i32 to index
          %parallel_loop3A_348 = arith.constant 48 : index
          %parallel_loop3A_349 = tpu.vector_load %arg19[%parallel_loop3A_347, %parallel_loop3A_348] {strides = array<i32>} : memref<32x144xf32, #tpu.memory_space<vmem>>, vector<1x16xf32>,
          %parallel_loop3A_350 = vector.shape_cast %parallel_loop3A_349 : vector<1x16xf32> to vector<16xf32>
          %parallel_loop3A_351 = vector.shape_cast %parallel_loop3A_346 : vector<16xf32> to vector<1x16xf32>
          tpu.vector_store %arg19[%parallel_loop3A_347, %parallel_loop3A_348], %parallel_loop3A_351 {strides = array<i32>} : memref<32x144xf32, #tpu.memory_space<vmem>>, vector<1x16xf32>,
          %parallel_loop3A_352 = arith.index_cast %parallel_loop3A_255 : i32 to index
          %parallel_loop3A_353 = arith.constant 64 : index
          %parallel_loop3A_354 = tpu.vector_load %arg15[%parallel_loop3A_352, %parallel_loop3A_353] {strides = array<i32>} : memref<64x128xf32, #tpu.memory_space<vmem>>, vector<1x16xf32>,
          %parallel_loop3A_355 = vector.shape_cast %parallel_loop3A_354 : vector<1x16xf32> to vector<16xf32>
          %parallel_loop3A_356 = arith.constant 32 : i32
          %parallel_loop3A_357 = arith.addi %parallel_loop3A_356, %parallel_loop3A_255 : i32
          %parallel_loop3A_358 = arith.index_cast %parallel_loop3A_357 : i32 to index
          %parallel_loop3A_359 = arith.constant 64 : index
          %parallel_loop3A_360 = tpu.vector_load %arg15[%parallel_loop3A_358, %parallel_loop3A_359] {strides = array<i32>} : memref<64x128xf32, #tpu.memory_space<vmem>>, vector<1x16xf32>,
          %parallel_loop3A_361 = vector.shape_cast %parallel_loop3A_360 : vector<1x16xf32> to vector<16xf32>
          %parallel_loop3A_362 = arith.addf %parallel_loop3A_355, %parallel_loop3A_361 : vector<16xf32>
          %parallel_loop3A_363 = arith.index_cast %parallel_loop3A_255 : i32 to index
          %parallel_loop3A_364 = arith.constant 64 : index
          %parallel_loop3A_365 = tpu.vector_load %arg17[%parallel_loop3A_363, %parallel_loop3A_364] {strides = array<i32>} : memref<32x128xf32, #tpu.memory_space<vmem>>, vector<1x16xf32>,
          %parallel_loop3A_366 = vector.shape_cast %parallel_loop3A_365 : vector<1x16xf32> to vector<16xf32>
          %parallel_loop3A_367 = arith.addf %parallel_loop3A_362, %parallel_loop3A_366 : vector<16xf32>
          %parallel_loop3A_368 = arith.constant 0.000000e+00 : f32
          %parallel_loop3A_369 = vector.broadcast %parallel_loop3A_368 : f32 to vector<16xf32>
          %parallel_loop3A_370 = arith.maximumf %parallel_loop3A_367, %parallel_loop3A_369 : vector<16xf32>
          %parallel_loop3A_371 = arith.index_cast %parallel_loop3A_255 : i32 to index
          %parallel_loop3A_372 = arith.constant 64 : index
          %parallel_loop3A_373 = tpu.vector_load %arg19[%parallel_loop3A_371, %parallel_loop3A_372] {strides = array<i32>} : memref<32x144xf32, #tpu.memory_space<vmem>>, vector<1x16xf32>,
          %parallel_loop3A_374 = vector.shape_cast %parallel_loop3A_373 : vector<1x16xf32> to vector<16xf32>
          %parallel_loop3A_375 = vector.shape_cast %parallel_loop3A_370 : vector<16xf32> to vector<1x16xf32>
          tpu.vector_store %arg19[%parallel_loop3A_371, %parallel_loop3A_372], %parallel_loop3A_375 {strides = array<i32>} : memref<32x144xf32, #tpu.memory_space<vmem>>, vector<1x16xf32>,
          %parallel_loop3A_376 = arith.index_cast %parallel_loop3A_255 : i32 to index
          %parallel_loop3A_377 = arith.constant 80 : index
          %parallel_loop3A_378 = tpu.vector_load %arg15[%parallel_loop3A_376, %parallel_loop3A_377] {strides = array<i32>} : memref<64x128xf32, #tpu.memory_space<vmem>>, vector<1x16xf32>,
          %parallel_loop3A_379 = vector.shape_cast %parallel_loop3A_378 : vector<1x16xf32> to vector<16xf32>
          %parallel_loop3A_380 = arith.constant 32 : i32
          %parallel_loop3A_381 = arith.addi %parallel_loop3A_380, %parallel_loop3A_255 : i32
          %parallel_loop3A_382 = arith.index_cast %parallel_loop3A_381 : i32 to index
          %parallel_loop3A_383 = arith.constant 80 : index
          %parallel_loop3A_384 = tpu.vector_load %arg15[%parallel_loop3A_382, %parallel_loop3A_383] {strides = array<i32>} : memref<64x128xf32, #tpu.memory_space<vmem>>, vector<1x16xf32>,
          %parallel_loop3A_385 = vector.shape_cast %parallel_loop3A_384 : vector<1x16xf32> to vector<16xf32>
          %parallel_loop3A_386 = arith.addf %parallel_loop3A_379, %parallel_loop3A_385 : vector<16xf32>
          %parallel_loop3A_387 = arith.index_cast %parallel_loop3A_255 : i32 to index
          %parallel_loop3A_388 = arith.constant 80 : index
          %parallel_loop3A_389 = tpu.vector_load %arg17[%parallel_loop3A_387, %parallel_loop3A_388] {strides = array<i32>} : memref<32x128xf32, #tpu.memory_space<vmem>>, vector<1x16xf32>,
          %parallel_loop3A_390 = vector.shape_cast %parallel_loop3A_389 : vector<1x16xf32> to vector<16xf32>
          %parallel_loop3A_391 = arith.addf %parallel_loop3A_386, %parallel_loop3A_390 : vector<16xf32>
          %parallel_loop3A_392 = arith.constant 0.000000e+00 : f32
          %parallel_loop3A_393 = vector.broadcast %parallel_loop3A_392 : f32 to vector<16xf32>
          %parallel_loop3A_394 = arith.maximumf %parallel_loop3A_391, %parallel_loop3A_393 : vector<16xf32>
          %parallel_loop3A_395 = arith.index_cast %parallel_loop3A_255 : i32 to index
          %parallel_loop3A_396 = arith.constant 80 : index
          %parallel_loop3A_397 = tpu.vector_load %arg19[%parallel_loop3A_395, %parallel_loop3A_396] {strides = array<i32>} : memref<32x144xf32, #tpu.memory_space<vmem>>, vector<1x16xf32>,
          %parallel_loop3A_398 = vector.shape_cast %parallel_loop3A_397 : vector<1x16xf32> to vector<16xf32>
          %parallel_loop3A_399 = vector.shape_cast %parallel_loop3A_394 : vector<16xf32> to vector<1x16xf32>
          tpu.vector_store %arg19[%parallel_loop3A_395, %parallel_loop3A_396], %parallel_loop3A_399 {strides = array<i32>} : memref<32x144xf32, #tpu.memory_space<vmem>>, vector<1x16xf32>,
          %parallel_loop3A_400 = arith.index_cast %parallel_loop3A_255 : i32 to index
          %parallel_loop3A_401 = arith.constant 96 : index
          %parallel_loop3A_402 = tpu.vector_load %arg15[%parallel_loop3A_400, %parallel_loop3A_401] {strides = array<i32>} : memref<64x128xf32, #tpu.memory_space<vmem>>, vector<1x16xf32>,
          %parallel_loop3A_403 = vector.shape_cast %parallel_loop3A_402 : vector<1x16xf32> to vector<16xf32>
          %parallel_loop3A_404 = arith.constant 32 : i32
          %parallel_loop3A_405 = arith.addi %parallel_loop3A_404, %parallel_loop3A_255 : i32
          %parallel_loop3A_406 = arith.index_cast %parallel_loop3A_405 : i32 to index
          %parallel_loop3A_407 = arith.constant 96 : index
          %parallel_loop3A_408 = tpu.vector_load %arg15[%parallel_loop3A_406, %parallel_loop3A_407] {strides = array<i32>} : memref<64x128xf32, #tpu.memory_space<vmem>>, vector<1x16xf32>,
          %parallel_loop3A_409 = vector.shape_cast %parallel_loop3A_408 : vector<1x16xf32> to vector<16xf32>
          %parallel_loop3A_410 = arith.addf %parallel_loop3A_403, %parallel_loop3A_409 : vector<16xf32>
          %parallel_loop3A_411 = arith.index_cast %parallel_loop3A_255 : i32 to index
          %parallel_loop3A_412 = arith.constant 96 : index
          %parallel_loop3A_413 = tpu.vector_load %arg17[%parallel_loop3A_411, %parallel_loop3A_412] {strides = array<i32>} : memref<32x128xf32, #tpu.memory_space<vmem>>, vector<1x16xf32>,
          %parallel_loop3A_414 = vector.shape_cast %parallel_loop3A_413 : vector<1x16xf32> to vector<16xf32>
          %parallel_loop3A_415 = arith.addf %parallel_loop3A_410, %parallel_loop3A_414 : vector<16xf32>
          %parallel_loop3A_416 = arith.constant 0.000000e+00 : f32
          %parallel_loop3A_417 = vector.broadcast %parallel_loop3A_416 : f32 to vector<16xf32>
          %parallel_loop3A_418 = arith.maximumf %parallel_loop3A_415, %parallel_loop3A_417 : vector<16xf32>
          %parallel_loop3A_419 = arith.index_cast %parallel_loop3A_255 : i32 to index
          %parallel_loop3A_420 = arith.constant 96 : index
          %parallel_loop3A_421 = tpu.vector_load %arg19[%parallel_loop3A_419, %parallel_loop3A_420] {strides = array<i32>} : memref<32x144xf32, #tpu.memory_space<vmem>>, vector<1x16xf32>,
          %parallel_loop3A_422 = vector.shape_cast %parallel_loop3A_421 : vector<1x16xf32> to vector<16xf32>
          %parallel_loop3A_423 = vector.shape_cast %parallel_loop3A_418 : vector<16xf32> to vector<1x16xf32>
          tpu.vector_store %arg19[%parallel_loop3A_419, %parallel_loop3A_420], %parallel_loop3A_423 {strides = array<i32>} : memref<32x144xf32, #tpu.memory_space<vmem>>, vector<1x16xf32>,
          %parallel_loop3A_424 = arith.index_cast %parallel_loop3A_255 : i32 to index
          %parallel_loop3A_425 = arith.constant 112 : index
          %parallel_loop3A_426 = tpu.vector_load %arg15[%parallel_loop3A_424, %parallel_loop3A_425] {strides = array<i32>} : memref<64x128xf32, #tpu.memory_space<vmem>>, vector<1x16xf32>,
          %parallel_loop3A_427 = vector.shape_cast %parallel_loop3A_426 : vector<1x16xf32> to vector<16xf32>
          %parallel_loop3A_428 = arith.constant 32 : i32
          %parallel_loop3A_429 = arith.addi %parallel_loop3A_428, %parallel_loop3A_255 : i32
          %parallel_loop3A_430 = arith.index_cast %parallel_loop3A_429 : i32 to index
          %parallel_loop3A_431 = arith.constant 112 : index
          %parallel_loop3A_432 = tpu.vector_load %arg15[%parallel_loop3A_430, %parallel_loop3A_431] {strides = array<i32>} : memref<64x128xf32, #tpu.memory_space<vmem>>, vector<1x16xf32>,
          %parallel_loop3A_433 = vector.shape_cast %parallel_loop3A_432 : vector<1x16xf32> to vector<16xf32>
          %parallel_loop3A_434 = arith.addf %parallel_loop3A_427, %parallel_loop3A_433 : vector<16xf32>
          %parallel_loop3A_435 = arith.index_cast %parallel_loop3A_255 : i32 to index
          %parallel_loop3A_436 = arith.constant 112 : index
          %parallel_loop3A_437 = tpu.vector_load %arg17[%parallel_loop3A_435, %parallel_loop3A_436] {strides = array<i32>} : memref<32x128xf32, #tpu.memory_space<vmem>>, vector<1x16xf32>,
          %parallel_loop3A_438 = vector.shape_cast %parallel_loop3A_437 : vector<1x16xf32> to vector<16xf32>
          %parallel_loop3A_439 = arith.addf %parallel_loop3A_434, %parallel_loop3A_438 : vector<16xf32>
          %parallel_loop3A_440 = arith.constant 0.000000e+00 : f32
          %parallel_loop3A_441 = vector.broadcast %parallel_loop3A_440 : f32 to vector<16xf32>
          %parallel_loop3A_442 = arith.maximumf %parallel_loop3A_439, %parallel_loop3A_441 : vector<16xf32>
          %parallel_loop3A_443 = arith.index_cast %parallel_loop3A_255 : i32 to index
          %parallel_loop3A_444 = arith.constant 112 : index
          %parallel_loop3A_445 = tpu.vector_load %arg19[%parallel_loop3A_443, %parallel_loop3A_444] {strides = array<i32>} : memref<32x144xf32, #tpu.memory_space<vmem>>, vector<1x16xf32>,
          %parallel_loop3A_446 = vector.shape_cast %parallel_loop3A_445 : vector<1x16xf32> to vector<16xf32>
          %parallel_loop3A_447 = vector.shape_cast %parallel_loop3A_442 : vector<16xf32> to vector<1x16xf32>
          tpu.vector_store %arg19[%parallel_loop3A_443, %parallel_loop3A_444], %parallel_loop3A_447 {strides = array<i32>} : memref<32x144xf32, #tpu.memory_space<vmem>>, vector<1x16xf32>,
        } {sc.loop_unroll_factor = 4 : i64, sc.parallel_access}
        %dma_start3A_252 = arith.constant 0 : i32
        %dma_start3A_253 = arith.constant 0 : i32
        %dma_start3A_254 = tpu.memref_slice %arg20[%dma_start3A_252, %dma_start3A_253] : memref<10000x144xf32, #tpu.memory_space<vmem_shared>> -> memref<10000x144xf32, #tpu.memory_space<vmem_shared>>
        tpu.enqueue_indirect_dma source(%arg19 : memref<32x144xf32, #tpu.memory_space<vmem>>) target(%dma_start3A_254 : memref<10000x144xf32, #tpu.memory_space<vmem_shared>>) offsets(%arg11 : memref<32xi32, #tpu.memory_space<vmem>>) semaphore(%arg26 : memref<!tpu.dma_semaphore, #tpu.memory_space<semaphore_mem>>) {add = true}
      } else {
      }
    }
    %scan3A_139 = arith.constant 375 : i32
    %dma_wait3A_140 = arith.constant 0 : i32
    %dma_wait3A_141 = arith.constant 0 : i32
    %dma_wait3A_142 = tpu.memref_slice %arg20[%dma_wait3A_140, %dma_wait3A_141] : memref<10000x144xf32, #tpu.memory_space<vmem_shared>> -> memref<10000x144xf32, #tpu.memory_space<vmem_shared>>
    tpu.wait_indirect_dma semaphore(%arg25 : memref<!tpu.dma_semaphore, #tpu.memory_space<semaphore_mem>>) src(%arg18 : memref<32x144xf32, #tpu.memory_space<vmem>>) dst(%dma_wait3A_142 : memref<10000x144xf32, #tpu.memory_space<vmem_shared>>)
    %dma_wait3A_143 = arith.constant 0 : i32
    %dma_wait3A_144 = arith.constant 0 : i32
    %dma_wait3A_145 = tpu.memref_slice %arg20[%dma_wait3A_143, %dma_wait3A_144] : memref<10000x144xf32, #tpu.memory_space<vmem_shared>> -> memref<10000x144xf32, #tpu.memory_space<vmem_shared>>
    tpu.wait_indirect_dma semaphore(%arg26 : memref<!tpu.dma_semaphore, #tpu.memory_space<semaphore_mem>>) src(%arg19 : memref<32x144xf32, #tpu.memory_space<vmem>>) dst(%dma_wait3A_145 : memref<10000x144xf32, #tpu.memory_space<vmem_shared>>)
    %barrier3A_146 = arith.constant 0 : index
    tpu.barrier barrier_id(%barrier3A_146)
    %add3A_147 = arith.addi %mul3A_0, %mul3A_5 : i32
    "tpu.region"() ({
      %run_scoped3A = tpu.sem_alloc : memref<!tpu.dma_semaphore, #tpu.memory_space<semaphore_mem>>
      %dma_start3A_148 = arith.constant 0 : i32
      %dma_start3A_149 = tpu.memref_slice %arg5[%add3A_147, %dma_start3A_148] : memref<20000x144xf32, #tpu.memory_space<hbm>> -> memref<625x144xf32, #tpu.memory_space<hbm>>
      %dma_start3A_150 = arith.constant 0 : i32
      %dma_start3A_151 = tpu.memref_slice %arg20[%mul3A_5, %dma_start3A_150] : memref<10000x144xf32, #tpu.memory_space<vmem_shared>> -> memref<625x144xf32, #tpu.memory_space<vmem_shared>>
      tpu.enqueue_dma source(%dma_start3A_151 : memref<625x144xf32, #tpu.memory_space<vmem_shared>>) target(%dma_start3A_149 : memref<625x144xf32, #tpu.memory_space<hbm>>) target_semaphore(%run_scoped3A : memref<!tpu.dma_semaphore, #tpu.memory_space<semaphore_mem>>)
      %dma_wait3A_152 = arith.constant 0 : i32
      %dma_wait3A_153 = tpu.memref_slice %arg5[%add3A_147, %dma_wait3A_152] : memref<20000x144xf32, #tpu.memory_space<hbm>> -> memref<625x144xf32, #tpu.memory_space<hbm>>
      %dma_wait3A_154 = arith.constant 0 : i32
      %dma_wait3A_155 = tpu.memref_slice %arg20[%mul3A_5, %dma_wait3A_154] : memref<10000x144xf32, #tpu.memory_space<vmem_shared>> -> memref<625x144xf32, #tpu.memory_space<vmem_shared>>
      tpu.wait_dma2 semaphore(%run_scoped3A : memref<!tpu.dma_semaphore, #tpu.memory_space<semaphore_mem>>) src(%dma_wait3A_155 : memref<625x144xf32, #tpu.memory_space<vmem_shared>>) dst(%dma_wait3A_153 : memref<625x144xf32, #tpu.memory_space<hbm>>)
      tpu.yield
    }) : () -> ()
    return
  }
}

module attributes {stable_mosaic.version = 14 : i64} {
  func.func @node_body(%arg0: i32, %arg1: i32, %arg2: memref<2000x128xf32, #tpu.memory_space<vmem>>, %arg3: memref<1x128x128xf32, #tpu.memory_space<vmem>>, %arg4: memref<2000x128xf32, #tpu.memory_space<vmem>>) attributes {dimension_semantics = [#tpu.dimension_semantics<arbitrary>, #tpu.dimension_semantics<arbitrary>], iteration_bounds = array<i64: 4, 5>, scalar_prefetch = 0 : i64, scratch_operands = 0 : i64, tpu.core_type = #tpu.core_type<tc>, window_params = [{transform_indices = @transform_0, window_bounds = array<i64: 2000, 128>}, {transform_indices = @transform_1, window_bounds = array<i64: 1, 128, 128>}, {transform_indices = @transform_2, window_bounds = array<i64: 2000, 128>}]} {
    %get3A = arith.constant 0 : index
    %get3A_0 = arith.constant 0 : index
    %get3A_1 = vector.load %arg2[%get3A, %get3A_0] : memref<2000x128xf32, #tpu.memory_space<vmem>>, vector<2000x128xf32>
    %get3A_2 = arith.constant 0 : index
    %get3A_3 = arith.constant 0 : index
    %get3A_4 = arith.constant 0 : index
    %get3A_5 = vector.load %arg3[%get3A_2, %get3A_3, %get3A_4] : memref<1x128x128xf32, #tpu.memory_space<vmem>>, vector<1x128x128xf32>
    %get3A_6 = vector.shape_cast %get3A_5 : vector<1x128x128xf32> to vector<128x128xf32>
    %dot_general3A = arith.constant dense<0.000000e+00> : vector<2000x128xf32>
    %dot_general3A_7 = tpu.matmul %get3A_1, %get3A_6, %dot_general3A {dimension_numbers = #tpu.dot_dimension_numbers<[1], [0], [0], [1], [0, 0, 1, 1], [], []>, precision = #tpu.contract_precision<fp32>, transpose_lhs_hint = false} : vector<2000x128xf32>, vector<128x128xf32>, vector<2000x128xf32> -> vector<2000x128xf32>
    %swap3A = arith.constant 0 : index
    %swap3A_8 = arith.constant 0 : index
    %swap3A_9 = vector.load %arg4[%swap3A, %swap3A_8] : memref<2000x128xf32, #tpu.memory_space<vmem>>, vector<2000x128xf32>
    tpu.vector_store %arg4[%swap3A, %swap3A_8], %dot_general3A_7 {strides = array<i32>} : memref<2000x128xf32, #tpu.memory_space<vmem>>, vector<2000x128xf32>,
    return
  }
  func.func @transform_0(%arg0: i32, %arg1: i32) -> (i32, i32) {
    %c0_i32 = arith.constant 0 : i32
    %c0_i32_0 = arith.constant 0 : i32
    return %arg1, %c0_i32 : i32, i32
  }
  func.func @transform_1(%arg0: i32, %arg1: i32) -> (i32, i32, i32) {
    %c0_i32 = arith.constant 0 : i32
    %c0_i32_0 = arith.constant 0 : i32
    %c0_i32_1 = arith.constant 0 : i32
    return %arg0, %c0_i32, %c0_i32_0 : i32, i32, i32
  }
  func.func @transform_2(%arg0: i32, %arg1: i32) -> (i32, i32) {
    %mul3A = arith.constant 5 : i32
    %mul3A_0 = arith.muli %arg0, %mul3A : i32
    %add3A = arith.addi %mul3A_0, %arg1 : i32
    %c0_i32 = arith.constant 0 : i32
    %c0_i32_1 = arith.constant 0 : i32
    return %add3A, %c0_i32 : i32, i32
  }
}

module attributes {stable_mosaic.version = 14 : i64} {
  func.func @edge_body(%arg0: i32, %arg1: i32, %arg2: memref<16000x16xf32, #tpu.memory_space<vmem>>, %arg3: memref<1x16x128xf32, #tpu.memory_space<vmem>>, %arg4: memref<1x1x128xf32, #tpu.memory_space<vmem>>, %arg5: memref<16000x128xf32, #tpu.memory_space<vmem>>) attributes {dimension_semantics = [#tpu.dimension_semantics<arbitrary>, #tpu.dimension_semantics<arbitrary>], iteration_bounds = array<i64: 2, 12>, scalar_prefetch = 0 : i64, scratch_operands = 0 : i64, tpu.core_type = #tpu.core_type<tc>, window_params = [{transform_indices = @transform_0, window_bounds = array<i64: 16000, 16>}, {transform_indices = @transform_1, window_bounds = array<i64: 1, 16, 128>}, {transform_indices = @transform_2, window_bounds = array<i64: 1, 1, 128>}, {transform_indices = @transform_3, window_bounds = array<i64: 16000, 128>}]} {
    %get3A = arith.constant 0 : index
    %get3A_0 = arith.constant 0 : index
    %get3A_1 = vector.load %arg2[%get3A, %get3A_0] : memref<16000x16xf32, #tpu.memory_space<vmem>>, vector<16000x16xf32>
    %get3A_2 = arith.constant 0 : index
    %get3A_3 = arith.constant 0 : index
    %get3A_4 = arith.constant 0 : index
    %get3A_5 = vector.load %arg3[%get3A_2, %get3A_3, %get3A_4] : memref<1x16x128xf32, #tpu.memory_space<vmem>>, vector<1x16x128xf32>
    %get3A_6 = vector.shape_cast %get3A_5 : vector<1x16x128xf32> to vector<16x128xf32>
    %dot_general3A = arith.constant dense<0.000000e+00> : vector<16000x128xf32>
    %dot_general3A_7 = tpu.matmul %get3A_1, %get3A_6, %dot_general3A {dimension_numbers = #tpu.dot_dimension_numbers<[1], [0], [0], [1], [0, 0, 1, 1], [], []>, transpose_lhs_hint = false} : vector<16000x16xf32>, vector<16x128xf32>, vector<16000x128xf32> -> vector<16000x128xf32>
    %get3A_8 = arith.constant 0 : index
    %get3A_9 = arith.constant 0 : index
    %get3A_10 = arith.constant 0 : index
    %get3A_11 = vector.load %arg4[%get3A_8, %get3A_9, %get3A_10] : memref<1x1x128xf32, #tpu.memory_space<vmem>>, vector<1x1x128xf32>
    %get3A_12 = vector.shape_cast %get3A_11 : vector<1x1x128xf32> to vector<1x128xf32>
    %add3A = vector.broadcast %get3A_12 : vector<1x128xf32> to vector<16000x128xf32>
    %add3A_13 = arith.addf %dot_general3A_7, %add3A : vector<16000x128xf32>
    %swap3A = arith.constant 0 : index
    %swap3A_14 = arith.constant 0 : index
    %swap3A_15 = vector.load %arg5[%swap3A, %swap3A_14] : memref<16000x128xf32, #tpu.memory_space<vmem>>, vector<16000x128xf32>
    tpu.vector_store %arg5[%swap3A, %swap3A_14], %add3A_13 {strides = array<i32>} : memref<16000x128xf32, #tpu.memory_space<vmem>>, vector<16000x128xf32>,
    return
  }
  func.func @transform_0(%arg0: i32, %arg1: i32) -> (i32, i32) {
    %c0_i32 = arith.constant 0 : i32
    %c0_i32_0 = arith.constant 0 : i32
    return %arg1, %c0_i32 : i32, i32
  }
  func.func @transform_1(%arg0: i32, %arg1: i32) -> (i32, i32, i32) {
    %c0_i32 = arith.constant 0 : i32
    %c0_i32_0 = arith.constant 0 : i32
    %c0_i32_1 = arith.constant 0 : i32
    return %arg0, %c0_i32, %c0_i32_0 : i32, i32, i32
  }
  func.func @transform_2(%arg0: i32, %arg1: i32) -> (i32, i32, i32) {
    %c0_i32 = arith.constant 0 : i32
    %c0_i32_0 = arith.constant 0 : i32
    %c0_i32_1 = arith.constant 0 : i32
    return %arg0, %c0_i32, %c0_i32_0 : i32, i32, i32
  }
  func.func @transform_3(%arg0: i32, %arg1: i32) -> (i32, i32) {
    %mul3A = arith.constant 12 : i32
    %mul3A_0 = arith.muli %arg0, %mul3A : i32
    %add3A = arith.addi %mul3A_0, %arg1 : i32
    %c0_i32 = arith.constant 0 : i32
    %c0_i32_1 = arith.constant 0 : i32
    return %add3A, %c0_i32 : i32, i32
  }
}

module attributes {stable_mosaic.version = 14 : i64} {
  func.func @edge_body(%arg0: i32, %arg1: i32, %arg2: memref<16000x16xf32, #tpu.memory_space<vmem>>, %arg3: memref<1x16x128xf32, #tpu.memory_space<vmem>>, %arg4: memref<1x1x128xf32, #tpu.memory_space<vmem>>, %arg5: memref<16000x128xf32, #tpu.memory_space<vmem>>) attributes {dimension_semantics = [#tpu.dimension_semantics<arbitrary>, #tpu.dimension_semantics<arbitrary>], iteration_bounds = array<i64: 2, 8>, scalar_prefetch = 0 : i64, scratch_operands = 0 : i64, tpu.core_type = #tpu.core_type<tc>, window_params = [{transform_indices = @transform_0, window_bounds = array<i64: 16000, 16>}, {transform_indices = @transform_1, window_bounds = array<i64: 1, 16, 128>}, {transform_indices = @transform_2, window_bounds = array<i64: 1, 1, 128>}, {transform_indices = @transform_3, window_bounds = array<i64: 16000, 128>}]} {
    %get3A = arith.constant 0 : index
    %get3A_0 = arith.constant 0 : index
    %get3A_1 = vector.load %arg2[%get3A, %get3A_0] : memref<16000x16xf32, #tpu.memory_space<vmem>>, vector<16000x16xf32>
    %get3A_2 = arith.constant 0 : index
    %get3A_3 = arith.constant 0 : index
    %get3A_4 = arith.constant 0 : index
    %get3A_5 = vector.load %arg3[%get3A_2, %get3A_3, %get3A_4] : memref<1x16x128xf32, #tpu.memory_space<vmem>>, vector<1x16x128xf32>
    %get3A_6 = vector.shape_cast %get3A_5 : vector<1x16x128xf32> to vector<16x128xf32>
    %dot_general3A = arith.constant dense<0.000000e+00> : vector<16000x128xf32>
    %dot_general3A_7 = tpu.matmul %get3A_1, %get3A_6, %dot_general3A {dimension_numbers = #tpu.dot_dimension_numbers<[1], [0], [0], [1], [0, 0, 1, 1], [], []>, transpose_lhs_hint = false} : vector<16000x16xf32>, vector<16x128xf32>, vector<16000x128xf32> -> vector<16000x128xf32>
    %get3A_8 = arith.constant 0 : index
    %get3A_9 = arith.constant 0 : index
    %get3A_10 = arith.constant 0 : index
    %get3A_11 = vector.load %arg4[%get3A_8, %get3A_9, %get3A_10] : memref<1x1x128xf32, #tpu.memory_space<vmem>>, vector<1x1x128xf32>
    %get3A_12 = vector.shape_cast %get3A_11 : vector<1x1x128xf32> to vector<1x128xf32>
    %add3A = vector.broadcast %get3A_12 : vector<1x128xf32> to vector<16000x128xf32>
    %add3A_13 = arith.addf %dot_general3A_7, %add3A : vector<16000x128xf32>
    %swap3A = arith.constant 0 : index
    %swap3A_14 = arith.constant 0 : index
    %swap3A_15 = vector.load %arg5[%swap3A, %swap3A_14] : memref<16000x128xf32, #tpu.memory_space<vmem>>, vector<16000x128xf32>
    tpu.vector_store %arg5[%swap3A, %swap3A_14], %add3A_13 {strides = array<i32>} : memref<16000x128xf32, #tpu.memory_space<vmem>>, vector<16000x128xf32>,
    return
  }
  func.func @transform_0(%arg0: i32, %arg1: i32) -> (i32, i32) {
    %c0_i32 = arith.constant 0 : i32
    %c0_i32_0 = arith.constant 0 : i32
    return %arg1, %c0_i32 : i32, i32
  }
  func.func @transform_1(%arg0: i32, %arg1: i32) -> (i32, i32, i32) {
    %c0_i32 = arith.constant 0 : i32
    %c0_i32_0 = arith.constant 0 : i32
    %c0_i32_1 = arith.constant 0 : i32
    return %arg0, %c0_i32, %c0_i32_0 : i32, i32, i32
  }
  func.func @transform_2(%arg0: i32, %arg1: i32) -> (i32, i32, i32) {
    %c0_i32 = arith.constant 0 : i32
    %c0_i32_0 = arith.constant 0 : i32
    %c0_i32_1 = arith.constant 0 : i32
    return %arg0, %c0_i32, %c0_i32_0 : i32, i32, i32
  }
  func.func @transform_3(%arg0: i32, %arg1: i32) -> (i32, i32) {
    %mul3A = arith.constant 8 : i32
    %mul3A_0 = arith.muli %arg0, %mul3A : i32
    %add3A = arith.addi %mul3A_0, %arg1 : i32
    %c0_i32 = arith.constant 0 : i32
    %c0_i32_1 = arith.constant 0 : i32
    return %add3A, %c0_i32 : i32, i32
  }
}

module attributes {stable_mosaic.version = 14 : i64} {
  func.func @body(%arg0: i32, %arg1: memref<2000x144xf32, #tpu.memory_space<vmem>>, %arg2: memref<2000x144xf32, #tpu.memory_space<vmem>>, %arg3: memref<2000x144xf32, #tpu.memory_space<vmem>>, %arg4: memref<2000x144xf32, #tpu.memory_space<vmem>>, %arg5: memref<1x144x128xf32, #tpu.memory_space<vmem>>, %arg6: memref<1x144x128xf32, #tpu.memory_space<vmem>>, %arg7: memref<128x128xf32, #tpu.memory_space<vmem>>, %arg8: memref<128x128xf32, #tpu.memory_space<vmem>>, %arg9: memref<1x128xf32, #tpu.memory_space<vmem>>, %arg10: memref<128x128xf32, #tpu.memory_space<vmem>>, %arg11: memref<1x128xf32, #tpu.memory_space<vmem>>, %arg12: memref<2000x128xf32, #tpu.memory_space<vmem>>) attributes {dimension_semantics = [#tpu.dimension_semantics<arbitrary>], iteration_bounds = array<i64: 5>, scalar_prefetch = 0 : i64, scratch_operands = 0 : i64, tpu.core_type = #tpu.core_type<tc>, window_params = [{transform_indices = @transform_0, window_bounds = array<i64: 2000, 144>}, {transform_indices = @transform_1, window_bounds = array<i64: 2000, 144>}, {transform_indices = @transform_2, window_bounds = array<i64: 2000, 144>}, {transform_indices = @transform_3, window_bounds = array<i64: 2000, 144>}, {transform_indices = @transform_4, window_bounds = array<i64: 1, 144, 128>}, {transform_indices = @transform_5, window_bounds = array<i64: 1, 144, 128>}, {pipeline_mode = #tpu.pipeline_mode<synchronous>, transform_indices = @transform_6, window_bounds = array<i64: 128, 128>}, {pipeline_mode = #tpu.pipeline_mode<synchronous>, transform_indices = @transform_7, window_bounds = array<i64: 128, 128>}, {pipeline_mode = #tpu.pipeline_mode<synchronous>, transform_indices = @transform_8, window_bounds = array<i64: 1, 128>}, {pipeline_mode = #tpu.pipeline_mode<synchronous>, transform_indices = @transform_9, window_bounds = array<i64: 128, 128>}, {pipeline_mode = #tpu.pipeline_mode<synchronous>, transform_indices = @transform_10, window_bounds = array<i64: 1, 128>}, {transform_indices = @transform_11, window_bounds = array<i64: 2000, 128>}]} {
    %get3A = arith.constant 0 : index
    %get3A_0 = arith.constant 0 : index
    %get3A_1 = vector.load %arg1[%get3A, %get3A_0] : memref<2000x144xf32, #tpu.memory_space<vmem>>, vector<2000x144xf32>
    %get3A_2 = arith.constant 0 : index
    %get3A_3 = arith.constant 0 : index
    %get3A_4 = vector.load %arg3[%get3A_2, %get3A_3] : memref<2000x144xf32, #tpu.memory_space<vmem>>, vector<2000x144xf32>
    %add3A = arith.addf %get3A_1, %get3A_4 : vector<2000x144xf32>
    %get3A_5 = arith.constant 0 : index
    %get3A_6 = arith.constant 0 : index
    %get3A_7 = arith.constant 0 : index
    %get3A_8 = vector.load %arg5[%get3A_5, %get3A_6, %get3A_7] : memref<1x144x128xf32, #tpu.memory_space<vmem>>, vector<1x144x128xf32>
    %get3A_9 = vector.shape_cast %get3A_8 : vector<1x144x128xf32> to vector<144x128xf32>
    %dot_general3A = arith.constant dense<0.000000e+00> : vector<2000x128xf32>
    %dot_general3A_10 = tpu.matmul %add3A, %get3A_9, %dot_general3A {dimension_numbers = #tpu.dot_dimension_numbers<[1], [0], [0], [1], [0, 0, 1, 1], [], []>, precision = #tpu.contract_precision<fp32>, transpose_lhs_hint = false} : vector<2000x144xf32>, vector<144x128xf32>, vector<2000x128xf32> -> vector<2000x128xf32>
    %get3A_11 = arith.constant 0 : index
    %get3A_12 = arith.constant 0 : index
    %get3A_13 = vector.load %arg2[%get3A_11, %get3A_12] : memref<2000x144xf32, #tpu.memory_space<vmem>>, vector<2000x144xf32>
    %get3A_14 = arith.constant 0 : index
    %get3A_15 = arith.constant 0 : index
    %get3A_16 = vector.load %arg4[%get3A_14, %get3A_15] : memref<2000x144xf32, #tpu.memory_space<vmem>>, vector<2000x144xf32>
    %add3A_17 = arith.addf %get3A_13, %get3A_16 : vector<2000x144xf32>
    %get3A_18 = arith.constant 0 : index
    %get3A_19 = arith.constant 0 : index
    %get3A_20 = arith.constant 0 : index
    %get3A_21 = vector.load %arg6[%get3A_18, %get3A_19, %get3A_20] : memref<1x144x128xf32, #tpu.memory_space<vmem>>, vector<1x144x128xf32>
    %get3A_22 = vector.shape_cast %get3A_21 : vector<1x144x128xf32> to vector<144x128xf32>
    %dot_general3A_23 = arith.constant dense<0.000000e+00> : vector<2000x128xf32>
    %dot_general3A_24 = tpu.matmul %add3A_17, %get3A_22, %dot_general3A_23 {dimension_numbers = #tpu.dot_dimension_numbers<[1], [0], [0], [1], [0, 0, 1, 1], [], []>, precision = #tpu.contract_precision<fp32>, transpose_lhs_hint = false} : vector<2000x144xf32>, vector<144x128xf32>, vector<2000x128xf32> -> vector<2000x128xf32>
    %get3A_25 = arith.constant 0 : index
    %get3A_26 = arith.constant 0 : index
    %get3A_27 = vector.load %arg7[%get3A_25, %get3A_26] : memref<128x128xf32, #tpu.memory_space<vmem>>, vector<128x128xf32>
    %dot_general3A_28 = arith.constant dense<0.000000e+00> : vector<2000x128xf32>
    %dot_general3A_29 = tpu.matmul %dot_general3A_10, %get3A_27, %dot_general3A_28 {dimension_numbers = #tpu.dot_dimension_numbers<[1], [0], [0], [1], [0, 0, 1, 1], [], []>, precision = #tpu.contract_precision<fp32>, transpose_lhs_hint = false} : vector<2000x128xf32>, vector<128x128xf32>, vector<2000x128xf32> -> vector<2000x128xf32>
    %get3A_30 = arith.constant 0 : index
    %get3A_31 = arith.constant 0 : index
    %get3A_32 = vector.load %arg8[%get3A_30, %get3A_31] : memref<128x128xf32, #tpu.memory_space<vmem>>, vector<128x128xf32>
    %dot_general3A_33 = arith.constant dense<0.000000e+00> : vector<2000x128xf32>
    %dot_general3A_34 = tpu.matmul %dot_general3A_24, %get3A_32, %dot_general3A_33 {dimension_numbers = #tpu.dot_dimension_numbers<[1], [0], [0], [1], [0, 0, 1, 1], [], []>, precision = #tpu.contract_precision<fp32>, transpose_lhs_hint = false} : vector<2000x128xf32>, vector<128x128xf32>, vector<2000x128xf32> -> vector<2000x128xf32>
    %add3A_35 = arith.addf %dot_general3A_29, %dot_general3A_34 : vector<2000x128xf32>
    %get3A_36 = arith.constant 0 : index
    %get3A_37 = arith.constant 0 : index
    %get3A_38 = vector.load %arg9[%get3A_36, %get3A_37] : memref<1x128xf32, #tpu.memory_space<vmem>>, vector<1x128xf32>
    %add3A_39 = vector.broadcast %get3A_38 : vector<1x128xf32> to vector<2000x128xf32>
    %add3A_40 = arith.addf %add3A_35, %add3A_39 : vector<2000x128xf32>
    %max3A = arith.constant 0.000000e+00 : f32
    %max3A_41 = vector.broadcast %max3A : f32 to vector<2000x128xf32>
    %max3A_42 = arith.maximumf %add3A_40, %max3A_41 : vector<2000x128xf32>
    %get3A_43 = arith.constant 0 : index
    %get3A_44 = arith.constant 0 : index
    %get3A_45 = vector.load %arg10[%get3A_43, %get3A_44] : memref<128x128xf32, #tpu.memory_space<vmem>>, vector<128x128xf32>
    %dot_general3A_46 = arith.constant dense<0.000000e+00> : vector<2000x128xf32>
    %dot_general3A_47 = tpu.matmul %max3A_42, %get3A_45, %dot_general3A_46 {dimension_numbers = #tpu.dot_dimension_numbers<[1], [0], [0], [1], [0, 0, 1, 1], [], []>, precision = #tpu.contract_precision<fp32>, transpose_lhs_hint = false} : vector<2000x128xf32>, vector<128x128xf32>, vector<2000x128xf32> -> vector<2000x128xf32>
    %get3A_48 = arith.constant 0 : index
    %get3A_49 = arith.constant 0 : index
    %get3A_50 = vector.load %arg11[%get3A_48, %get3A_49] : memref<1x128xf32, #tpu.memory_space<vmem>>, vector<1x128xf32>
    %add3A_51 = vector.broadcast %get3A_50 : vector<1x128xf32> to vector<2000x128xf32>
    %add3A_52 = arith.addf %dot_general3A_47, %add3A_51 : vector<2000x128xf32>
    %swap3A = arith.constant 0 : index
    %swap3A_53 = arith.constant 0 : index
    %swap3A_54 = vector.load %arg12[%swap3A, %swap3A_53] : memref<2000x128xf32, #tpu.memory_space<vmem>>, vector<2000x128xf32>
    tpu.vector_store %arg12[%swap3A, %swap3A_53], %add3A_52 {strides = array<i32>} : memref<2000x128xf32, #tpu.memory_space<vmem>>, vector<2000x128xf32>,
    return
  }
  func.func @transform_0(%arg0: i32) -> (i32, i32) {
    %c0_i32 = arith.constant 0 : i32
    %c0_i32_0 = arith.constant 0 : i32
    return %arg0, %c0_i32 : i32, i32
  }
  func.func @transform_1(%arg0: i32) -> (i32, i32) {
    %add3A = arith.constant 5 : i32
    %add3A_0 = arith.addi %add3A, %arg0 : i32
    %c0_i32 = arith.constant 0 : i32
    %c0_i32_1 = arith.constant 0 : i32
    return %add3A_0, %c0_i32 : i32, i32
  }
  func.func @transform_2(%arg0: i32) -> (i32, i32) {
    %c0_i32 = arith.constant 0 : i32
    %c0_i32_0 = arith.constant 0 : i32
    return %arg0, %c0_i32 : i32, i32
  }
  func.func @transform_3(%arg0: i32) -> (i32, i32) {
    %add3A = arith.constant 5 : i32
    %add3A_0 = arith.addi %add3A, %arg0 : i32
    %c0_i32 = arith.constant 0 : i32
    %c0_i32_1 = arith.constant 0 : i32
    return %add3A_0, %c0_i32 : i32, i32
  }
  func.func @transform_4(%arg0: i32) -> (i32, i32, i32) {
    %c0_i32 = arith.constant 0 : i32
    %c0_i32_0 = arith.constant 0 : i32
    %c0_i32_1 = arith.constant 0 : i32
    %c0_i32_2 = arith.constant 0 : i32
    return %c0_i32, %c0_i32_0, %c0_i32_1 : i32, i32, i32
  }
  func.func @transform_5(%arg0: i32) -> (i32, i32, i32) {
    %c1_i32 = arith.constant 1 : i32
    %c0_i32 = arith.constant 0 : i32
    %c0_i32_0 = arith.constant 0 : i32
    %c0_i32_1 = arith.constant 0 : i32
    return %c1_i32, %c0_i32, %c0_i32_0 : i32, i32, i32
  }
  func.func @transform_6(%arg0: i32) -> (i32, i32) {
    %c0_i32 = arith.constant 0 : i32
    %c0_i32_0 = arith.constant 0 : i32
    %c0_i32_1 = arith.constant 0 : i32
    return %c0_i32, %c0_i32_0 : i32, i32
  }
  func.func @transform_7(%arg0: i32) -> (i32, i32) {
    %c0_i32 = arith.constant 0 : i32
    %c0_i32_0 = arith.constant 0 : i32
    %c0_i32_1 = arith.constant 0 : i32
    return %c0_i32, %c0_i32_0 : i32, i32
  }
  func.func @transform_8(%arg0: i32) -> (i32, i32) {
    %c0_i32 = arith.constant 0 : i32
    %c0_i32_0 = arith.constant 0 : i32
    %c0_i32_1 = arith.constant 0 : i32
    return %c0_i32, %c0_i32_0 : i32, i32
  }
  func.func @transform_9(%arg0: i32) -> (i32, i32) {
    %c0_i32 = arith.constant 0 : i32
    %c0_i32_0 = arith.constant 0 : i32
    %c0_i32_1 = arith.constant 0 : i32
    return %c0_i32, %c0_i32_0 : i32, i32
  }
  func.func @transform_10(%arg0: i32) -> (i32, i32) {
    %c0_i32 = arith.constant 0 : i32
    %c0_i32_0 = arith.constant 0 : i32
    %c0_i32_1 = arith.constant 0 : i32
    return %c0_i32, %c0_i32_0 : i32, i32
  }
  func.func @transform_11(%arg0: i32) -> (i32, i32) {
    %c0_i32 = arith.constant 0 : i32
    %c0_i32_0 = arith.constant 0 : i32
    return %arg0, %c0_i32 : i32, i32
  }
}

</mosaic_0001>

<sc_bundles>
// kernel: kernel.11.cloned.1.call-start
scs
__scs_entry_jumppad:
0x0: {  	(pc) =	sbr.rel $0x88, $3  }
0x1: {  	(tag) =	ssettag $0x0;
	lr =	simm.s32 $0x1  }
0x2: {  	[smem:$0x3F92] =	sst lr;
	_ =	strace $0xD0000000  }
0x3: {  	_ = 	snop  }
0x4: {  	_ = 	snop  }
0x5: {  	_ = 	snop  }
0x6: {  	_ = 	snop  }
0x7: {  	_ = 	snop  }
__scs_overlays_trampoline_lowered:
0x8: {  	[smem:$0x3FA1] =	sst s0  }
0x9: {  	[smem:$0x3FA2] =	sst s1  }
0xa: {  	[smem:$0x3FA3] =	sst s2  }
0xb: {  	[smem:$0x3FA4] =	sst s3  }
0xc: {  	[smem:$0x3FA5] =	sst s4  }
0xd: {  	[smem:$0x3FA6] =	sst s5  }
0xe: {  	[smem:$0x3FA7] =	sst s6  }
0xf: {  	[smem:$0x3FA8] =	sst s7  }
0x10: {  	[smem:$0x3FA9] =	sst s8  }
0x11: {  	[smem:$0x3FAA] =	sst s9;
	s0 =	simm.s32 @!p0 $0x0  }
0x12: {  	s1 =	sld [smem:$0x3F90];
	s0 =	simm.s32 @p0 $0x1  }
0x13: {  	[smem:$0x3FAB] =	sst s0;
	s0 =	simm.s32 @!p1 $0x0  }
0x14: {  	s2 =	sld [smem:$0x3F8F];
	s0 =	simm.s32 @p1 $0x1  }
0x15: {  	[smem:$0x3FAC] =	sst s0;
	s0 =	simm.s32 @!p2 $0x0  }
0x16: {  	s3 =	sld [smem:$0x3FDB];
	s0 =	simm.s32 @p2 $0x1  }
0x17: {  	s4 =	simm.s32 $0x1BF5;
	[smem:$0x3FAE] =	sst s0  }
0x18: {  	s0 =	sld [smem:$0x3F91];
	_ =	swait.ge [sflag:s4], $0x0  }
0x19: {  	s7 =	sld [smem:$0x3F92]  }
0x1a: {  	s8 =	sadd.s32 $0xFFFFE003, lr  }
0x1b: {  	s9 =	sadd.s32 $0xFFFFFEF7, lr;
	s5 =	simm.s32 $0xFFFFFFFF;
	p2 =	slt.u32 s8, $0xFFFFF086  }
0x1c: {  	p1 =	slt.u32 s9, $0xF7A;
	s5 =	simm.s32 @!p2 $0x0  }
0x1d: {  	s5 =	simm.s32 @p1 $0x1;
	p0 =	seq.s32 s7, s2  }
0x1e: {  	s7 =	smul.u32 @!p0 $0xF7A, s2;
	p2 =	seq.s32 @!p0 s5, $0x0  }
0x1f: {  	s9 =	smul.u32 $0xF7A, s1;
	s8 =	simm.s32 @!p0 $0x1BF5;
	p2 =	por !p2, p0  }
0x20: {  	[sflag:s8] =	ssyncset.s32 @!p0 $0xFFFFF086;
	s6 =	sadd.s32 @!p0 s3, s7;
	s7 =	simm.s32 @!p0 $0x108  }
0x21: {  	s3 =	sadd.s32 s3, s9;
	s6 =	sadd.s32 @!p0 $0x88, s6;
	s7 =	simm.s32 @p2 $0x1082  }
0x22: {  	[simem:s7], [sflag:s8] =	dma.local @!p0 [hbm:s6], $0xF7A  }
0x23: {  	s9 =	sor.u32 $0xD0000000, s2;
	s6 =	simm.s32 $0x108;
	_ =	swait.ge @!p0 [sflag:s8], $0x0  }
0x24: {  	s3 =	sadd.s32 $0x88, s3;
	s6 =	simm.s32 @!p1 $0x1082;
	[sflag:s4] =	ssyncset.s32 $0xFFFFF086  }
0x25: {  	[simem:s6], [sflag:s4] =	dma.local [hbm:s3], $0xF7A  }
0x26: {  	[smem:$0x3F92] =	sst s1;
	(tag) =	ssettag s2;
	_ =	strace s9  }
0x27: {  	s1 =	sld [smem:$0x3FA2]  }
0x28: {  	s2 =	sld [smem:$0x3FA3]  }
0x29: {  	s4 =	sld [smem:$0x3FA5]  }
0x2a: {  	p0 =	seq.s32 s5, $0x0;
	s5 =	sld [smem:$0x3FA6]  }
0x2b: {  	s6 =	sld [smem:$0x3FA7]  }
0x2c: {  	s7 =	sld [smem:$0x3FA8]  }
0x2d: {  	s3 =	simm.s32 $0x108;
	s8 =	sld [smem:$0x3FA9]  }
0x2e: {  	s3 =	simm.s32 @!p0 $0x1082;
	s9 =	sld [smem:$0x3FAA]  }
0x2f: {  	lr =	sadd.s32 s0, s3;
	s0 =	sld [smem:$0x3FA1]  }
0x30: {  	s3 =	sld [smem:$0x3FA4]  }
0x31: {  	[smem:$0x3FAD] =	sst s10  }
0x32: {  	s10 =	sld [smem:$0x3FAB];
	_ =	sdelay $0x3  }
0x33: {  	p0 =	seq.s32 s10, $0x1;
	s10 =	sld [smem:$0x3FAD];
	_ =	sdelay $0x3  }
0x34: {  	[smem:$0x3FAD] =	sst s10  }
0x35: {  	s10 =	sld [smem:$0x3FAC];
	_ =	sdelay $0x3  }
0x36: {  	p1 =	seq.s32 s10, $0x1;
	s10 =	sld [smem:$0x3FAD];
	_ =	sdelay $0x3  }
0x37: {  	[smem:$0x3FAD] =	sst s10  }
0x38: {  	s10 =	sld [smem:$0x3FAE]  }
0x39: {  	_ = 	snop;
	(pc) =	sbr.ind lr, $3  }
0x3a: {  	_ = 	snop  }
0x3b: {  	_ = 	snop  }
0x3c: {  	p2 =	seq.s32 s10, $0x1;
	s10 =	sld [smem:$0x3FAD]  }
0x3d: {  	_ =	shalt  }
0x3e: {  	_ =	shalt  }
0x3f: {  	_ =	shalt  }
0x40: {  	_ =	shalt  }
0x41: {  	_ =	shalt  }
0x42: {  	_ =	shalt  }
0x43: {  	_ =	shalt  }
0x44: {  	_ =	shalt  }
0x45: {  	_ =	shalt  }
0x46: {  	_ =	shalt  }
0x47: {  	_ =	shalt  }
0x48: {  	_ =	shalt  }
0x49: {  	_ =	shalt  }
0x4a: {  	_ =	shalt  }
0x4b: {  	_ =	shalt  }
0x4c: {  	_ =	shalt  }
0x4d: {  	_ =	shalt  }
0x4e: {  	_ =	shalt  }
0x4f: {  	_ =	shalt  }
0x50: {  	_ =	shalt  }
0x51: {  	_ =	shalt  }
0x52: {  	_ =	shalt  }
0x53: {  	_ =	shalt  }
0x54: {  	_ =	shalt  }
0x55: {  	_ =	shalt  }
0x56: {  	_ =	shalt  }
0x57: {  	_ =	shalt  }
0x58: {  	_ =	shalt  }
0x59: {  	_ =	shalt  }
0x5a: {  	_ =	shalt  }
0x5b: {  	_ =	shalt  }
0x5c: {  	_ =	shalt  }
0x5d: {  	_ =	shalt  }
0x5e: {  	_ =	shalt  }
0x5f: {  	_ =	shalt  }
0x60: {  	_ =	shalt  }
0x61: {  	_ =	shalt  }
0x62: {  	_ =	shalt  }
0x63: {  	_ =	shalt  }
0x64: {  	_ =	shalt  }
0x65: {  	_ =	shalt  }
0x66: {  	_ =	shalt  }
0x67: {  	_ =	shalt  }
0x68: {  	_ =	shalt  }
0x69: {  	_ =	shalt  }
0x6a: {  	_ =	shalt  }
0x6b: {  	_ =	shalt  }
0x6c: {  	_ =	shalt  }
0x6d: {  	_ =	shalt  }
0x6e: {  	_ =	shalt  }
0x6f: {  	_ =	shalt  }
0x70: {  	_ =	shalt  }
0x71: {  	_ =	shalt  }
0x72: {  	_ =	shalt  }
0x73: {  	_ =	shalt  }
0x74: {  	_ =	shalt  }
0x75: {  	_ =	shalt  }
0x76: {  	_ =	shalt  }
0x77: {  	_ =	shalt  }
0x78: {  	_ =	shalt  }
0x79: {  	_ =	shalt  }
0x7a: {  	_ =	shalt  }
0x7b: {  	_ =	shalt  }
0x7c: {  	_ =	shalt  }
0x7d: {  	_ =	shalt  }
0x7e: {  	_ =	shalt  }
0x7f: {  	_ =	shalt  }
0x80: {  	_ =	shalt  }
0x81: {  	_ =	shalt  }
0x82: {  	_ =	shalt  }
0x83: {  	_ =	shalt  }
0x84: {  	_ =	shalt  }
0x85: {  	_ =	shalt  }
0x86: {  	_ =	shalt  }
0x87: {  	_ =	shalt  }
.Lfunc_end0:
.L_simem_size_0:
called_computation.1_lowered:
.L_overlay_start_0:
0x88: {  	s2 =	sld [smem:$0x3FD9]  }
0x89: {  	s3 =	sld [smem:$0x3FFE];
	_ =	sdelay $0x1  }
0x8a: {  	s1 =	srdreg.scid  }
0x8b: {  	s0 =	sand.u32 $0x1, s1  }
0x8c: {  	s17 =	sshll.u32 s0, $0xA;
	s2 =	sadd.s32 s3, s2  }
0x8d: {  	s2 =	sadd.s32 s2, s17  }
0x8e: {  	[smem:$0x3FB9] =	sst s2  }
0x8f: {  	_ = 	snop  }
0x90: {  	(tm) =	ssettm $0x1  }
0x91: {  	s18 =	sld [smem:$0x3FFB];
	_ =	sdelay $0x3  }
0x92: {  	_ =	strace s18  }
0x93: {  	s2 =	sld [smem:$0x3FFC];
	_ =	sdelay $0x3  }
0x94: {  	_ =	strace s2  }
0x95: {  	s2 =	sld [smem:$0x3FFD];
	_ =	sdelay $0x3  }
0x96: {  	_ =	strace s2  }
0x97: {  	_ =	strace $0x8FFFFFFF  }
0x98: {  	s19 =	sld [smem:$0x3FDB];
	_ =	sdelay $0x1  }
0x99: {  	s20 =	simm.s32 $_scs_section_size  }
0x9a: {  	s4 =	simm.s32 $_size__tile_overlayer_lowered;
	s5 =	simm.s32 $_tile_overlayer_lowered  }
0x9b: {  	s6 =	simm.s32 $0x1BFF;
	s21 =	sshll.u32 s5, $0x1;
	s3 =	sadd.s32 s20, s19  }
0x9c: {  	s22 =	simm.s32 $0x0;
	s4 =	sshll.u32 s4, $0x1;
	s5 =	sadd.s32 s21, s3  }
0x9d: {  	[timem:s22], [sflag:s6] =	dma.local [hbm:s5], s4  }
0x9e: {  	_ =	swait.ge [sflag:s6], s4  }
0x9f: {  	s4 =	ssub.s32 $0x0, s4;
	[sflag:s6] =	ssyncset.done $0x0  }
0xa0: {  	[sflag:s6] =	ssyncadd.s32 s4;
	_ =	sdelay $0x1  }
0xa1: {  	s23 =	simm.s32 $0x1B8B  }
0xa2: {  	_ =	swait.ge [sflag:s23], $0x1  }
0xa3: {  	[sflag:s23] =	ssyncset.done $0x0  }
0xa4: {  	[sflag:s23] =	ssyncadd.s32 $0xFFFFFFFF  }
0xa5: {  	s4 =	sld [smem:$0x0]  }
0xa6: {  	s5 =	sand.u32 $0xFFFFFFFE, s1  }
0xa7: {  	p0 =	sne.s32 s1, s5  }
0xa8: {  	s5 =	sshll.u32 @p0 s5, $0xE  }
0xa9: {  	s5 =	sadd.s32 @p0 $0x11B8D, s5;
	s6 =	sshll.u32 @p0 s4, $0x11  }
0xaa: {  	s5 =	sor.u32 @p0 s6, s5  }
0xab: {  	[sflag:s5] =	ssyncadd.remote.s32 @p0 $0x1;
	_ =	sdelay $0x1  }
0xac: {  	s5 =	simm.s32 @p0 $0x1B8D  }
0xad: {  	_ =	swait.eq @p0 [sflag:s5], $0x1  }
0xae: {  	[sflag:s5] =	ssyncadd.s32 @p0 $0xFFFFFFFF  }
0xaf: {  	s6 =	sshll.u32 @!p0 s1, $0xE  }
0xb0: {  	s6 =	sor.u32 @!p0 $0x4000, s6;
	s5 =	simm.s32 @!p0 $0x1B8D  }
0xb1: {  	s4 =	sshll.u32 @!p0 s4, $0x11;
	s6 =	sadd.s32 @!p0 $0x11B8D, s6;
	_ =	swait.eq @!p0 [sflag:s5], $0x1  }
0xb2: {  	s4 =	sor.u32 @!p0 s4, s6;
	[sflag:s5] =	ssyncadd.s32 @!p0 $0xFFFFFFFF  }
0xb3: {  	s25 =	simm.s32 $0x1B8E;
	s24 =	sld [smem:$0x3FFE];
	[sflag:s4] =	ssyncadd.remote.s32 @!p0 $0x1  }
0xb4: {  	s26 =	simm.s32 $execute0_lowered;
	[smem:$0x3FD2] =	sst s25  }
0xb5: {  	s5 =	sshll.u32 s26, $0x1;
	_ =	strace $0x80000049;
	[dreg:$0x1] =	wrdreg $0xFFFFFFFF  }
0xb6: {  	s28 =	simm.s32 $_size_execute0_lowered;
	s3 =	sadd.s32 s3, s5;
	[dreg:$0x0] =	wrdreg $0x0  }
0xb7: {  	s5 =	sshll.u32 s28, $0x1;
	[dreg:$0x2] =	wrdreg s3  }
0xb8: {  	[dreg:$0x3] =	wrdreg s5  }
0xb9: {  	[dreg:$0x4] =	wrdreg $0xC0  }
0xba: {  	_ =	task [dreg:s22], $0x5FFFF  }
0xbb: {  	[dreg:$0x1] =	wrdreg $0xFFFFFFFF  }
0xbc: {  	[dreg:$0x0] =	wrdreg $0x60  }
0xbd: {  	[dreg:$0x2] =	wrdreg s24  }
0xbe: {  	[dreg:$0x3] =	wrdreg $0x91400  }
0xbf: {  	[dreg:$0x4] =	wrdreg $0xA  }
0xc0: {  	_ =	task.clear_ibuf [dreg:s22], $0x5FFFF;
	_ =	strace $0x90000049  }
0xc1: {  	s29 =	simm.s32 $0xA;
	_ =	strace $0x8000004B  }
0xc2: {  	_ =	swait.ge [sflag:s29], $0x1  }
0xc3: {  	[sflag:s29] =	ssyncadd.s32 $0xFFFFFFFF  }
0xc4: {  	_ =	strace $0x9000004B  }
0xc5: {  	_ =	sfence  }
0xc6: {  	s30 =	sld [smem:$0x0];
	_ =	sdelay $0x2  }
0xc7: {  	s31 =	sshll.u32 s1, $0xD;
	s1 =	sshrl.u32 s1, $0x2  }
0xc8: {  	s4 =	sand.u32 $0x4000, s31;
	s1 =	sadd.s32 s1, s30  }
0xc9: {  	s0 =	sor.u32 s4, s0;
	s1 =	sshll.u32 s1, $0x11  }
0xca: {  	s0 =	sor.u32 s1, s0  }
0xcb: {  	s0 =	sadd.s32 $0x8F2B, s0  }
0xcc: {  	[sflag:s0] =	ssyncadd.remote.s32 $0x1  }
0xcd: {  	_ =	sfence.sel $0xFFFF  }
0xce: {  	[dreg:$0x0] =	wrdreg $0xFFFFFFFF;
	(pc) =	sbr.abs _section_cstart, $3  }
0xcf: {  	[dreg:$0x1] =	wrdreg $0xFFFFFFFF  }
0xd0: {  	_ =	task.clear_ibuf [dreg:s22], $0x2FFFF;
	_ =	strace $0x9FFFFFFF  }
0xd1: {  	(tm) =	ssettm $0x7FFFFFFF  }
tec
execute0_lowered:
.L_overlay_start_1:
0x0: {  	(tag) =	ssettag $0x1  }
0x1: {  	s0 =	rddreg [dreg:$0x0];
	s1 =	srdreg.scid  }
0x2: {  	s15 =	stileid.u32;
	s2 =	rddreg [dreg:$0x1]  }
0x3: {  	s4 =	simm.s32 $0x0;
	s20 =	simm.s32 $0x7;
	s3 =	smul.u32 $0x1F40, s15  }
0x4: {  	s28 =	simm.s32 $0x8;
	s29 =	simm.s32 $0x2;
	s8 =	smul.u32 $0x271, s15  }
0x5: {  	s30 =	simm.s32 $0x4;
	s1 =	sand.u32 $0x1, s1;
	s15 =	smul.u32 $0x57E40, s15  }
0x6: {  	s31 =	simm.s32 $0x20;
	[smem:$0x7FF] =	sst s4;
	s5 =	smul.u32 $0x1F400, s1  }
0x7: {  	s6 =	sadd.s32 $0x5C200, s0;
	s7 =	sadd.s32 $0x2F2200, s0;
	s9 =	smul.u32 $0x2710, s1  }
0x8: {  	_ =	strace $0x8000004A;
	s10 =	sxor.u32 $0x1, s1;
	s1 =	ssub.s32 $0x2, s1  }
0x9: {  	s13 =	sshrl.u32 s1, $0x1;
	s21 =	sadd.s32 $0x320, s3;
	s25 =	sshrl.u32 s15, $0x2  }
0xa: {  	s11 =	sadd.s32 s3, s5;
	s12 =	sadd.s32 s8, s9;
	s8 =	smul.u32 $0x1F400, s10  }
0xb: {  	s1 =	ssub.s32 s1, s13;
	s19 =	sadd.s32 $0x4E20, s9;
	s15 =	sadd.s32 s25, s2  }
0xc: {  	s25 =	simm.s32 $0x3;
	s17 =	sshll.u32 s11, $0x4;
	s12 =	smul.u32 $0x12, s12  }
0xd: {  	s11 =	sshrl.u32 s11, $0x3;
	s26 =	smax.u32 s1, $0x1;
	s1 =	simm.s32 $0xCA0  }
0xe: {  	s10 =	sadd.s32 s17, s0;
	s14 =	sadd.s32 s3, s8;
	s22 =	sadd.s32 s21, s8  }
0xf: {  	s11 =	sadd.s32 s6, s11;
	[dreg:$0x8] =	wrdreg s26;
	s17 =	simm.s32 $0x6D40  }
0x10: {  	s26 =	simm.s32 $0xC80;
	s0 =	sadd.s32 s12, s0;
	s18 =	sshrl.u32 s14, $0x3  }
0x11: {  	s13 =	sshrl.u32 s22, $0x3;
	[dreg:$0x4] =	wrdreg s11;
	s12 =	sadd.s32 s6, s18  }
.Ltmp0:
0x12: {  	s23 =	sadd.s32 s6, s13;
	s13 =	sadd.s32 $0x96AA00, s10;
	(pc) =	sbr.rel .LBB2_1-.Ltmp0, $4  }
0x13: {  	s0 =	sadd.s32 $0x64000, s0;
	[dreg:$0x3] =	wrdreg s12;
	s12 =	sadd.s32 s5, s21  }
0x14: {  	s18 =	simm.s32 $0x9;
	[dreg:$0x5] =	wrdreg s23;
	s12 =	sshrl.u32 s12, $0x3  }
0x15: {  	v0 =	vimm.f32 $0.0e+00;
	vm0 =	vcmask $0x300;
	[dreg:$0x7] =	wrdreg s0;
	s21 =	simm.s32 $0x7F40;
	s24 =	sadd.s32 s6, s12  }
0x16: {  	v3 =	vsel vm0, $0x3F800000, v0;
	v1 =	vmov s9;
	v2 =	vmov s19;
	s0 =	simm.s32 $0x0;
	[dreg:$0x6] =	wrdreg s24;
	s24 =	simm.s32 $0x1  }
.LBB2_22:
0x17: {  	s9 =	simm.s32 $0x5  }
0x18: {  	_ =	swait.ge [sflag:s9], $0x1200  }
0x19: {  	[sflag:s9] =	ssyncset.done $0x0  }
0x1a: {  	s19 =	simm.s32 $0x6;
	[sflag:s9] =	ssyncadd.s32 $0xFFFFEE00  }
0x1b: {  	_ =	swait.ge [sflag:s19], $0x1200  }
0x1c: {  	[sflag:s19] =	ssyncset.done $0x0  }
0x1d: {  	s22 =	stileid.u32;
	[sflag:s19] =	ssyncadd.s32 $0xFFFFEE00  }
0x1e: {  	s9 =	sshll.u32 s22, $0x6;
	[bflag:$0x0] =	sbarrier.arrive $0xFFFF  }
0x1f: {  	s10 =	sshrl.u32 s15, $0x3;
	s9 =	sor.u32 $0x1C09, s9;
	s11 =	rddreg [dreg:$0x7]  }
0x20: {  	[hbm:s11], [sflag:s9] =	dma.local [spmem:s10], $0x2BF2  }
0x21: {  	_ =	swait.ge [sflag:s18], $0x2BF2  }
0x22: {  	s0 =	sadd.s32 $0x1, s0;
	s23 =	rddreg [dreg:$0x8]  }
0x23: {  	p0 =	sne.s32 s0, s23  }
.Ltmp1:
0x24: {  	_ = 	snop;
	(pc) =	sbr.rel @!p0 .LBB2_23-.Ltmp1, $3  }
0x25: {  	_ =	sdelay $0x1  }
0x26: {  	[sflag:s18] =	ssyncset.done $0x0  }
0x27: {  	[sflag:s18] =	ssyncadd.s32 $0xFFFFD40E  }
.LBB2_1:
0x28: {  	s9 =	simm.s32 $0x0;
	s10 =	simm.s32 $0x240  }
.LBB2_2:
0x29: {  	p0 =	sne.s32 s10, $0x45C0;
	[tilespmem:s9+$0x6DC0] =	vst v0  }
0x2a: {  	[tilespmem:s9+$0x6D40] =	vst v0  }
0x2b: {  	[tilespmem:s9+$0x6D50] =	vst v0  }
0x2c: {  	[tilespmem:s9+$0x6D60] =	vst v0  }
.Ltmp2:
0x2d: {  	[tilespmem:s9+$0x6D70] =	vst v0;
	(pc) =	sbr.rel @p0 .LBB2_2-.Ltmp2, $4  }
0x2e: {  	[tilespmem:s9+$0x6D80] =	vst v0  }
0x2f: {  	[tilespmem:s9+$0x6D90] =	vst v0  }
0x30: {  	[tilespmem:s9+$0x6DA0] =	vst v0  }
0x31: {  	[tilespmem:s9+$0x6DB0] =	vst v0;
	s9 =	sshra.s32 s10, $0x2;
	s10 =	sadd.s32 $0x240, s10  }
0x32: {  	[tilespmem:s9+$0x6DC0] =	vst v0  }
0x33: {  	[tilespmem:s9+$0x6D40] =	vst v0  }
0x34: {  	[tilespmem:s9+$0x6D50] =	vst v0  }
0x35: {  	[tilespmem:s9+$0x6D60] =	vst v0  }
0x36: {  	[tilespmem:s9+$0x6D70] =	vst v0  }
0x37: {  	[tilespmem:s9+$0x6D80] =	vst v0  }
0x38: {  	[tilespmem:s9+$0x6D90] =	vst v0  }
0x39: {  	[tilespmem:s9+$0x6DA0] =	vst v0  }
0x3a: {  	[tilespmem:s9+$0x6DB0] =	vst v0;
	s23 =	sadd.s32 $0x0, s15  }
0x3b: {  	[spmem:s23] =	stream.linear.scatter [tilespmem:s17], [sflag:$0x9], $0xE10, $0x38;
	[tilespmem:$0x1F0D0] =	vst v63  }
0x3c: {  	s9 =	simm.s32 $0x3840;
	_ =	swait.ge [sflag:s18], $0xE10  }
.LBB2_4:
0x3d: {  	s10 =	sshra.s32 s9, $0x2;
	[sflag:s18] =	ssyncset.done $0x0;
	p0 =	sne.s32 s9, $0x54600  }
.Ltmp3:
0x3e: {  	s10 =	sadd.s32 s10, s15;
	[sflag:s18] =	ssyncadd.s32 $0xFFFFF1F0;
	(pc) =	sbr.rel @p0 .LBB2_4-.Ltmp3, $3  }
0x3f: {  	[spmem:s10] =	stream.linear.scatter [tilespmem:s17], [sflag:$0x9], $0xE10, $0x38;
	[tilespmem:$0x1F0D0] =	vst v63  }
0x40: {  	s9 =	sadd.s32 $0x3840, s9;
	_ =	sdelay $0x1  }
0x41: {  	_ =	swait.ge [sflag:s18], $0xE10  }
0x42: {  	[sflag:s18] =	ssyncset.done $0x0  }
0x43: {  	s9 =	simm.s32 $0x440;
	s10 =	simm.s32 $0x80;
	[sflag:s18] =	ssyncadd.s32 $0xFFFFF1F0  }
.LBB2_6:
0x44: {  	p0 =	sne.s32 s9, $0x47C0;
	[tilespmem:s10+$0x6D40] =	vst v3;
	s11 =	smov.u32 s9;
	s9 =	sadd.s32 $0x240, s9  }
.Ltmp4:
0x45: {  	[tilespmem:s10+$0x7F40] =	vst v3;
	(pc) =	sbr.rel @p0 .LBB2_6-.Ltmp4, $2  }
0x46: {  	_ =	sdelay $0x2  }
0x47: {  	s10 =	sshra.s32 s11, $0x2  }
0x48: {  	[tilespmem:s10+$0x6D40] =	vst v3  }
0x49: {  	[tilespmem:s10+$0x7F40] =	vst v3  }
0x4a: {  	[bflag:$0x0] =	sbarrier.arrive $0xFFFF  }
0x4b: {  	s10 =	simm.s32 $0x0;
	s9 =	rddreg [dreg:$0x3]  }
0x4c: {  	[tilespmem:s10], [sflag:$0x7] =	stream.linear.gather [hbm4b:s9+s10], $0x320, $0x38;
	[tilespmem:$0x1F0D0] =	vst v63  }
0x4d: {  	s11 =	simm.s32 $0x640;
	s23 =	rddreg [dreg:$0x4]  }
0x4e: {  	[tilespmem:s11], [sflag:$0x7] =	stream.linear.gather [hbm4b:s23+s10], $0x320, $0x38;
	[tilespmem:$0x1F0D0] =	vst v63  }
0x4f: {  	_ =	swait.ge [sflag:s20], $0x320  }
0x50: {  	[sflag:s20] =	ssyncset.done $0x0  }
0x51: {  	[sflag:s20] =	ssyncadd.s32 $0xFFFFFCE0  }
0x52: {  	_ =	swait.ge [sflag:s20], $0x320  }
0x53: {  	[sflag:s20] =	ssyncset.done $0x0  }
0x54: {  	s12 =	simm.s32 $0x320;
	s11 =	rddreg [dreg:$0x5];
	[sflag:s20] =	ssyncadd.s32 $0xFFFFFCE0  }
0x55: {  	[tilespmem:s12], [sflag:$0x8] =	stream.linear.gather [hbm4b:s11+s10], $0x320, $0x38;
	[tilespmem:$0x1F0D0] =	vst v63  }
0x56: {  	s16 =	simm.s32 $0x960;
	s14 =	rddreg [dreg:$0x6]  }
0x57: {  	[tilespmem:s16], [sflag:$0x8] =	stream.linear.gather [hbm4b:s14+s10], $0x320, $0x38;
	[tilespmem:$0x1F0D0] =	vst v63  }
0x58: {  	v4 =	vld [tilespmem:$0x0]  }
0x59: {  	v6 =	vld [tilespmem:$0x10]  }
0x5a: {  	v5 =	vld [tilespmem:$0x640];
	_ =	sdelay $0x1  }
0x5b: {  	v7 =	vld [tilespmem:$0x650]  }
0x5c: {  	[tilespmem:$0xC80] =	vst v4  }
0x5d: {  	v4 =	vadd.s32 v1, v4;
	[tilespmem:$0xC90] =	vst v6  }
0x5e: {  	[tilespmem:$0xCC0] =	vst v4;
	v4 =	vadd.s32 v2, v5  }
0x5f: {  	[tilespmem:$0xCE0] =	vst v4;
	v4 =	vadd.s32 v1, v6  }
.Ltmp5:
0x60: {  	[tilespmem:$0xCD0] =	vst v4;
	v4 =	vadd.s32 v2, v7;
	(pc) =	sbr.rel .LBB2_8-.Ltmp5, $4  }
0x61: {  	s19 =	simm.s32 $0x40;
	s22 =	simm.s32 $0xCC0;
	s12 =	simm.s32 $0xD40;
	[tilespmem:$0xCF0] =	vst v4  }
0x62: {  	[tilespmem:s12], [sflag:$0x1] =	stream.indirect.gather [hbm4b:s7+s19], $0x80, s22, s19, $0xb8;
	[tilespmem:$0x1F0D0] =	vst v63  }
0x63: {  	s23 =	simm.s32 $0x4D40  }
0x64: {  	[tilespmem:s23], [sflag:$0x3] =	stream.linear.gather [hbm4b:s13+s10], $0x1000, $0x38;
	[tilespmem:$0x1F0D0] =	vst v63  }
.LBB2_17:
0x65: {  	v11 =	vld [tilespmem:s16+$0xFFFFFFD0];
	_ =	sdelay $0x1  }
0x66: {  	v12 =	vld [tilespmem:s16+$0x50];
	v46 =	vadd.f32 v10, v9  }
0x67: {  	v5 =	vadd.f32 v7, v5  }
0x68: {  	v7 =	vmax.f32 v46, $0.0e+00  }
0x69: {  	v6 =	vadd.f32 v8, v6;
	[tilespmem:s11+$0xFFFFFF30] =	vst v7;
	v5 =	vadd.f32 v11, v5  }
0x6a: {  	v7 =	vld [tilespmem:s12+$0xFFFFF060]  }
0x6b: {  	v47 =	vld [tilespmem:s12+$0x60];
	v6 =	vadd.f32 v12, v6;
	v5 =	vmax.f32 v5, $0.0e+00  }
0x6c: {  	v50 =	vld [tilespmem:s16+$0xFFFFFF60];
	[tilespmem:s11+$0xFFFFFFC0] =	vst v5  }
0x6d: {  	v5 =	vmax.f32 v6, $0.0e+00;
	v48 =	vld [tilespmem:s12+$0xFFFFF0E0]  }
0x6e: {  	[tilespmem:s11+$0x50] =	vst v5;
	v5 =	vld [tilespmem:s12+$0xE0]  }
0x6f: {  	v52 =	vld [tilespmem:s16+$0xFFFFFFE0]  }
0x70: {  	v49 =	vld [tilespmem:s12+$0xFFFFF160]  }
0x71: {  	v7 =	vadd.f32 v47, v7;
	v51 =	vld [tilespmem:s12+$0x160];
	_ =	sdelay $0x1  }
0x72: {  	v53 =	vld [tilespmem:s16+$0x60];
	v54 =	vadd.f32 v50, v7  }
0x73: {  	v5 =	vadd.f32 v5, v48  }
0x74: {  	v6 =	vmax.f32 v54, $0.0e+00  }
0x75: {  	[tilespmem:s11+$0xFFFFFF40] =	vst v6;
	v55 =	vadd.f32 v51, v49;
	v5 =	vadd.f32 v52, v5  }
0x76: {  	v6 =	vld [tilespmem:s12+$0xFFFFF070]  }
0x77: {  	v60 =	vld [tilespmem:s16+$0xFFFFFF70];
	v7 =	vadd.f32 v53, v55;
	v5 =	vmax.f32 v5, $0.0e+00  }
0x78: {  	[tilespmem:s11+$0xFFFFFFD0] =	vst v5;
	v5 =	vld [tilespmem:s12+$0x70]  }
0x79: {  	v7 =	vmax.f32 v7, $0.0e+00;
	v56 =	vld [tilespmem:s12+$0xFFFFF0F0]  }
0x7a: {  	[tilespmem:s11+$0x60] =	vst v7;
	v57 =	vld [tilespmem:s12+$0xF0]  }
0x7b: {  	v58 =	vld [tilespmem:s12+$0xFFFFF170]  }
0x7c: {  	v59 =	vld [tilespmem:s12+$0x170]  }
0x7d: {  	v61 =	vld [tilespmem:s16+$0xFFFFFFF0]  }
0x7e: {  	v13 =	vld [tilespmem:s16+$0x70]  }
0x7f: {  	v5 =	vadd.f32 v5, v6  }
0x80: {  	v62 =	vadd.f32 v57, v56  }
0x81: {  	v63 =	vadd.f32 v59, v58;
	v5 =	vadd.f32 v60, v5  }
0x82: {  	v6 =	vadd.f32 v61, v62  }
0x83: {  	[tilespmem:s10+$0x70] =	vst v4;
	v4 =	vmax.f32 v5, $0.0e+00;
	v5 =	vadd.f32 v13, v63  }
0x84: {  	[tilespmem:s11+$0xFFFFFF50] =	vst v4;
	v4 =	vmax.f32 v6, $0.0e+00  }
0x85: {  	[tilespmem:s11+$0xFFFFFFE0] =	vst v4;
	v4 =	vmax.f32 v5, $0.0e+00  }
0x86: {  	[tilespmem:s11+$0x70] =	vst v4  }
0x87: {  	[spmem:s2] =	stream.indirect.scatter.add.f32 [tilespmem:s17], [sflag:$0x5], $0x90, s26, s31, $0xb8;
	[tilespmem:$0x1F0D0] =	vst v63  }
.LBB2_21:
0x88: {  	p0 =	sne.s32 s9, $0xFA  }
.Ltmp6:
0x89: {  	_ = 	snop;
	(pc) =	sbr.rel @!p0 .LBB2_22-.Ltmp6, $2  }
0x8a: {  	_ =	sdelay $0x2  }
0x8b: {  	s10 =	smov.u32 s9  }
.LBB2_8:
0x8c: {  	s9 =	sadd.s32 $0x1, s10  }
0x8d: {  	s11 =	sand.u32 $0xFF, s9  }
0x8e: {  	s11 =	smul.u32 $0x29, s11;
	_ =	sdelay $0x1  }
0x8f: {  	s11 =	sshrl.u32 s11, $0xA  }
0x90: {  	s12 =	smul.u32 $0x19, s11;
	_ =	sdelay $0x1  }
0x91: {  	p0 =	seq.s32 s10, $0xF9;
	s12 =	ssub.s32 s9, s12  }
0x92: {  	s14 =	sand.u32 @!p0 $0xFF, s12  }
0x93: {  	p1 =	sne.s32 @!p0 s14, $0x0  }
0x94: {  	p2 =	por p0, p1  }
.Ltmp7:
0x95: {  	_ = 	snop;
	(pc) =	sbr.rel @p2 .LBB2_14-.Ltmp7, $3  }
0x96: {  	_ =	sdelay $0x1  }
0x97: {  	s14 =	sand.u32 $0x1, s11  }
0x98: {  	p1 =	seq.s32 s14, $0x1  }
.Ltmp8:
0x99: {  	(pc) =	sbr.rel @!p1 .LBB2_10-.Ltmp8, $1  }
0x9a: {  	_ =	sdelay $0x3  }
0x9b: {  	_ =	swait.ge [sflag:s28], $0x320;
	p2 =	sgt.u32 s10, $0xDF  }
.Ltmp9:
0x9c: {  	[sflag:s28] =	ssyncset.done $0x0;
	(pc) =	sbr.rel @p2 .LBB2_14-.Ltmp9, $4  }
0x9d: {  	[sflag:s28] =	ssyncadd.s32 $0xFFFFFCE0  }
0x9e: {  	_ =	swait.ge [sflag:s28], $0x320  }
0x9f: {  	[sflag:s28] =	ssyncset.done $0x0  }
0xa0: {  	[sflag:s28] =	ssyncadd.s32 $0xFFFFFCE0  }
0xa1: {  	s16 =	sadd.s32 $0x1, s11  }
0xa2: {  	s22 =	smul.u32 $0x320, s16;
	_ =	sdelay $0x1  }
0xa3: {  	s22 =	sadd.s32 s3, s22  }
0xa4: {  	s23 =	sadd.s32 s8, s22  }
.Ltmp10:
0xa5: {  	s22 =	sadd.s32 s5, s22;
	s23 =	sshrl.u32 s23, $0x3;
	(pc) =	sbr.rel .LBB2_13-.Ltmp10, $4  }
0xa6: {  	s22 =	sshrl.u32 s22, $0x3;
	s23 =	sadd.s32 s6, s23  }
0xa7: {  	[tilespmem:s4], [sflag:$0x7] =	stream.linear.gather [hbm4b:s23+s4], $0x320, $0x38;
	[tilespmem:$0x1F0D0] =	vst v63  }
0xa8: {  	s19 =	simm.s32 $0x640;
	p2 =	por $0x1, $0x1;
	s22 =	sadd.s32 s6, s22  }
0xa9: {  	[tilespmem:s19], [sflag:$0x7] =	stream.linear.gather [hbm4b:s22+s4], $0x320, $0x38;
	[tilespmem:$0x1F0D0] =	vst v63  }
.LBB2_10:
0xaa: {  	_ =	swait.ge [sflag:s20], $0x320  }
0xab: {  	[sflag:s20] =	ssyncset.done $0x0  }
0xac: {  	[sflag:s20] =	ssyncadd.s32 $0xFFFFFCE0  }
0xad: {  	_ =	swait.ge [sflag:s20], $0x320  }
0xae: {  	[sflag:s20] =	ssyncset.done $0x0  }
0xaf: {  	p2 =	slt.u32 s10, $0xE0;
	s16 =	sor.u32 $0x1, s11;
	[sflag:s20] =	ssyncadd.s32 $0xFFFFFCE0  }
.LBB2_13:
0xb0: {  	s22 =	sand.u32 $0x1, s16  }
0xb1: {  	p3 =	seq.s32 s22, $0x1  }
0xb2: {  	p2 =	por !p3, !p2  }
0xb3: {  	s16 =	smul.u32 @!p2 $0x320, s16;
	_ =	sdelay $0x1  }
0xb4: {  	s16 =	sadd.s32 @!p2 s3, s16  }
0xb5: {  	s22 =	sadd.s32 @!p2 s8, s16  }
0xb6: {  	s23 =	simm.s32 @!p2 $0x0;
	s16 =	sadd.s32 @!p2 s5, s16;
	s22 =	sshrl.u32 @!p2 s22, $0x3  }
0xb7: {  	s19 =	simm.s32 @!p2 $0x320;
	s16 =	sshrl.u32 @!p2 s16, $0x3;
	s22 =	sadd.s32 @!p2 s6, s22  }
0xb8: {  	[tilespmem:s19], [sflag:$0x8] =	stream.linear.gather @!p2 [hbm4b:s22+s23], $0x320, $0x38;
	[tilespmem:$0x1F0D0] =	vst v63  }
0xb9: {  	s16 =	sadd.s32 @!p2 s6, s16;
	s19 =	simm.s32 @!p2 $0x960  }
0xba: {  	[tilespmem:s19], [sflag:$0x8] =	stream.linear.gather @!p2 [hbm4b:s16+s23], $0x320, $0x38;
	[tilespmem:$0x1F0D0] =	vst v63  }
.LBB2_14:
0xbb: {  	s16 =	sand.u32 $0x1, s9  }
0xbc: {  	s19 =	sor.u32 s16, s14  }
0xbd: {  	p3 =	sne.s32 @!p0 s19, $0x0  }
0xbe: {  	p2 =	por p3, p0  }
0xbf: {  	p4 =	seq.s32 @!p2 s10, $0x0  }
0xc0: {  	p3 =	por @!p0 p4, p3  }
0xc1: {  	p3 =	por p3, p0  }
0xc2: {  	s19 =	simm.s32 @!p3 $0x5  }
0xc3: {  	_ =	swait.ge @!p3 [sflag:s19], $0x1200  }
0xc4: {  	s12 =	sand.u32 $0xFF, s12;
	[sflag:s19] =	ssyncset.done @!p3 $0x0  }
0xc5: {  	[sflag:s19] =	ssyncadd.s32 @!p3 $0xFFFFEE00;
	s19 =	sshll.u32 @!p2 s12, $0x5  }
0xc6: {  	v4 =	vld @!p2 [tilespmem:s19+$0x0];
	_ =	sdelay $0x4  }
0xc7: {  	[tilespmem:$0xC80] =	vst @!p2 v4;
	v4 =	vadd.s32 @!p2 v1, v4  }
0xc8: {  	[tilespmem:$0xCC0] =	vst @!p2 v4  }
0xc9: {  	v4 =	vld @!p2 [tilespmem:s19+$0x640];
	_ =	sdelay $0x4  }
0xca: {  	v4 =	vadd.s32 @!p2 v2, v4  }
0xcb: {  	[tilespmem:$0xCE0] =	vst @!p2 v4  }
0xcc: {  	v4 =	vld @!p2 [tilespmem:s19+$0x10];
	_ =	sdelay $0x4  }
0xcd: {  	[tilespmem:$0xC90] =	vst @!p2 v4;
	v4 =	vadd.s32 @!p2 v1, v4  }
0xce: {  	[tilespmem:$0xCD0] =	vst @!p2 v4  }
0xcf: {  	v4 =	vld @!p2 [tilespmem:s19+$0x650];
	_ =	sdelay $0x4  }
0xd0: {  	v4 =	vadd.s32 @!p2 v2, v4  }
0xd1: {  	s22 =	simm.s32 @!p2 $0xCC0;
	s23 =	simm.s32 @!p2 $0xD40;
	s19 =	simm.s32 @!p2 $0x40;
	[tilespmem:$0xCF0] =	vst @!p2 v4  }
0xd2: {  	[tilespmem:s23], [sflag:$0x1] =	stream.indirect.gather @!p2 [hbm4b:s7+s19], $0x80, s22, s19, $0xb8;
	[tilespmem:$0x1F0D0] =	vst v63  }
0xd3: {  	p4 =	seq.s32 s16, $0x1;
	p3 =	sne.s32 s14, $0x0;
	s19 =	sshll.u32 @!p2 s9, $0x9  }
0xd4: {  	s22 =	simm.s32 @!p2 $0x0;
	s23 =	simm.s32 @!p2 $0x4D40;
	s19 =	sadd.s32 @!p2 s19, s13  }
0xd5: {  	[tilespmem:s23], [sflag:$0x3] =	stream.linear.gather @!p2 [hbm4b:s19+s22], $0x1000, $0x38;
	[tilespmem:$0x1F0D0] =	vst v63  }
0xd6: {  	p2 =	por !p4, p3  }
0xd7: {  	p5 =	seq.s32 @!p2 s10, $0x0  }
0xd8: {  	p4 =	por @!p3 p5, !p4  }
0xd9: {  	p3 =	por p4, p3  }
0xda: {  	s14 =	simm.s32 @!p3 $0x6  }
0xdb: {  	_ =	swait.ge @!p3 [sflag:s14], $0x1200  }
0xdc: {  	[sflag:s14] =	ssyncset.done @!p3 $0x0  }
0xdd: {  	[sflag:s14] =	ssyncadd.s32 @!p3 $0xFFFFEE00;
	s14 =	sshll.u32 @!p2 s12, $0x5  }
0xde: {  	v4 =	vld @!p2 [tilespmem:s14+$0x0];
	_ =	sdelay $0x4  }
0xdf: {  	[tilespmem:$0xCA0] =	vst @!p2 v4;
	v4 =	vadd.s32 @!p2 v1, v4  }
0xe0: {  	[tilespmem:$0xD00] =	vst @!p2 v4  }
0xe1: {  	v4 =	vld @!p2 [tilespmem:s14+$0x640];
	_ =	sdelay $0x4  }
0xe2: {  	v4 =	vadd.s32 @!p2 v2, v4  }
0xe3: {  	[tilespmem:$0xD20] =	vst @!p2 v4  }
0xe4: {  	v4 =	vld @!p2 [tilespmem:s14+$0x10];
	_ =	sdelay $0x4  }
0xe5: {  	[tilespmem:$0xCB0] =	vst @!p2 v4;
	v4 =	vadd.s32 @!p2 v1, v4  }
0xe6: {  	[tilespmem:$0xD10] =	vst @!p2 v4  }
0xe7: {  	v4 =	vld @!p2 [tilespmem:s14+$0x650];
	_ =	sdelay $0x4  }
0xe8: {  	v4 =	vadd.s32 @!p2 v2, v4  }
0xe9: {  	s19 =	simm.s32 @!p2 $0xD00;
	s22 =	simm.s32 @!p2 $0x2D40;
	s14 =	simm.s32 @!p2 $0x40;
	[tilespmem:$0xD30] =	vst @!p2 v4  }
0xea: {  	[tilespmem:s22], [sflag:$0x2] =	stream.indirect.gather @!p2 [hbm4b:s7+s14], $0x80, s19, s14, $0xb8;
	[tilespmem:$0x1F0D0] =	vst v63  }
0xeb: {  	p3 =	sne.s32 s16, $0x0;
	s14 =	sshll.u32 @!p2 s9, $0x9  }
0xec: {  	s19 =	simm.s32 @!p2 $0x0;
	s22 =	simm.s32 @!p2 $0x5D40;
	s14 =	sadd.s32 @!p2 s14, s13  }
0xed: {  	[tilespmem:s22], [sflag:$0x4] =	stream.linear.gather @!p2 [hbm4b:s14+s19], $0x1000, $0x38;
	[tilespmem:$0x1F0D0] =	vst v63  }
0xee: {  	p2 =	por !p1, p3  }
0xef: {  	p4 =	seq.s32 @!p2 s10, $0x0  }
0xf0: {  	p1 =	por @!p3 p4, !p1  }
0xf1: {  	p1 =	por p1, p3  }
0xf2: {  	s14 =	simm.s32 @!p1 $0x5  }
0xf3: {  	_ =	swait.ge @!p1 [sflag:s14], $0x1200  }
0xf4: {  	[sflag:s14] =	ssyncset.done @!p1 $0x0  }
0xf5: {  	[sflag:s14] =	ssyncadd.s32 @!p1 $0xFFFFEE00;
	s14 =	sshll.u32 @!p2 s12, $0x5  }
0xf6: {  	v4 =	vld @!p2 [tilespmem:s14+$0x320];
	_ =	sdelay $0x4  }
0xf7: {  	[tilespmem:$0xC80] =	vst @!p2 v4;
	v4 =	vadd.s32 @!p2 v1, v4  }
0xf8: {  	[tilespmem:$0xCC0] =	vst @!p2 v4  }
0xf9: {  	v4 =	vld @!p2 [tilespmem:s14+$0x960];
	_ =	sdelay $0x4  }
0xfa: {  	v4 =	vadd.s32 @!p2 v2, v4  }
0xfb: {  	[tilespmem:$0xCE0] =	vst @!p2 v4  }
0xfc: {  	v4 =	vld @!p2 [tilespmem:s14+$0x330];
	_ =	sdelay $0x4  }
0xfd: {  	[tilespmem:$0xC90] =	vst @!p2 v4;
	v4 =	vadd.s32 @!p2 v1, v4  }
0xfe: {  	[tilespmem:$0xCD0] =	vst @!p2 v4  }
0xff: {  	v4 =	vld @!p2 [tilespmem:s14+$0x970];
	_ =	sdelay $0x4  }
0x100: {  	s11 =	sand.u32 s11, s9;
	v4 =	vadd.s32 @!p2 v2, v4  }
0x101: {  	s16 =	simm.s32 @!p2 $0xCC0;
	s19 =	simm.s32 @!p2 $0xD40;
	s14 =	simm.s32 @!p2 $0x40;
	[tilespmem:$0xCF0] =	vst @!p2 v4  }
0x102: {  	[tilespmem:s19], [sflag:$0x1] =	stream.indirect.gather @!p2 [hbm4b:s7+s14], $0x80, s16, s14, $0xb8;
	[tilespmem:$0x1F0D0] =	vst v63  }
0x103: {  	s11 =	sand.u32 $0x1, s11;
	s14 =	sshll.u32 @!p2 s9, $0x9  }
0x104: {  	s16 =	simm.s32 @!p2 $0x0;
	s19 =	simm.s32 @!p2 $0x4D40;
	s14 =	sadd.s32 @!p2 s14, s13  }
0x105: {  	[tilespmem:s19], [sflag:$0x3] =	stream.linear.gather @!p2 [hbm4b:s14+s16], $0x1000, $0x38;
	[tilespmem:$0x1F0D0] =	vst v63  }
0x106: {  	p2 =	seq.s32 s11, $0x1  }
0x107: {  	p1 =	por !p2, p0  }
0x108: {  	p3 =	seq.s32 @!p1 s10, $0x0  }
0x109: {  	p2 =	por @!p0 p3, !p2  }
0x10a: {  	p0 =	por p2, p0  }
0x10b: {  	s11 =	simm.s32 @!p0 $0x6  }
0x10c: {  	_ =	swait.ge @!p0 [sflag:s11], $0x1200  }
0x10d: {  	[sflag:s11] =	ssyncset.done @!p0 $0x0  }
0x10e: {  	[sflag:s11] =	ssyncadd.s32 @!p0 $0xFFFFEE00;
	s11 =	sshll.u32 @!p1 s12, $0x5  }
0x10f: {  	v4 =	vld @!p1 [tilespmem:s11+$0x320];
	_ =	sdelay $0x4  }
0x110: {  	[tilespmem:$0xCA0] =	vst @!p1 v4;
	v4 =	vadd.s32 @!p1 v1, v4  }
0x111: {  	[tilespmem:$0xD00] =	vst @!p1 v4  }
0x112: {  	v4 =	vld @!p1 [tilespmem:s11+$0x960];
	_ =	sdelay $0x4  }
0x113: {  	v4 =	vadd.s32 @!p1 v2, v4  }
0x114: {  	[tilespmem:$0xD20] =	vst @!p1 v4  }
0x115: {  	v4 =	vld @!p1 [tilespmem:s11+$0x330];
	_ =	sdelay $0x4  }
0x116: {  	[tilespmem:$0xCB0] =	vst @!p1 v4;
	v4 =	vadd.s32 @!p1 v1, v4  }
0x117: {  	[tilespmem:$0xD10] =	vst @!p1 v4  }
0x118: {  	v4 =	vld @!p1 [tilespmem:s11+$0x970];
	_ =	sdelay $0x3  }
0x119: {  	s23 =	sand.u32 $0x1, s10  }
0x11a: {  	s14 =	simm.s32 @!p1 $0x2D40;
	p0 =	seq.s32 s23, $0x1;
	v4 =	vadd.s32 @!p1 v2, v4  }
.Ltmp11:
0x11b: {  	s12 =	simm.s32 @!p1 $0xD00;
	s11 =	simm.s32 @!p1 $0x40;
	[tilespmem:$0xD30] =	vst @!p1 v4;
	(pc) =	sbr.rel @!p0 .LBB2_15-.Ltmp11, $4  }
0x11c: {  	[tilespmem:s14], [sflag:$0x2] =	stream.indirect.gather @!p1 [hbm4b:s7+s11], $0x80, s12, s11, $0xb8;
	[tilespmem:$0x1F0D0] =	vst v63  }
0x11d: {  	s11 =	sshll.u32 @!p1 s9, $0x9  }
0x11e: {  	s12 =	simm.s32 @!p1 $0x0;
	s14 =	simm.s32 @!p1 $0x5D40;
	s11 =	sadd.s32 @!p1 s11, s13  }
0x11f: {  	[tilespmem:s14], [sflag:$0x4] =	stream.linear.gather @!p1 [hbm4b:s11+s12], $0x1000, $0x38;
	[tilespmem:$0x1F0D0] =	vst v63  }
0x120: {  	_ =	swait.ge [sflag:s29], $0x2000  }
0x121: {  	[sflag:s29] =	ssyncset.done $0x0  }
0x122: {  	[sflag:s29] =	ssyncadd.s32 $0xFFFFE000  }
0x123: {  	_ =	swait.ge [sflag:s30], $0x1000  }
0x124: {  	[sflag:s30] =	ssyncset.done $0x0  }
0x125: {  	s22 =	simm.s32 $0x3D40;
	[sflag:s30] =	ssyncadd.s32 $0xFFFFF000  }
0x126: {  	v4 =	vld [tilespmem:s22+$0xFFFFF180]  }
0x127: {  	v5 =	vld [tilespmem:s22+$0x180]  }
0x128: {  	s16 =	simm.s32 $0x5E40  }
0x129: {  	v6 =	vld [tilespmem:s16+$0x80];
	_ =	sdelay $0x2  }
0x12a: {  	v4 =	vadd.f32 v5, v4;
	_ =	sdelay $0x1  }
0x12b: {  	v7 =	vld [tilespmem:s22+$0x0];
	v4 =	vadd.f32 v6, v4  }
0x12c: {  	v8 =	vld [tilespmem:s22+$0xFFFFF080]  }
0x12d: {  	s10 =	simm.s32 $0x8060;
	v9 =	vld [tilespmem:s22+$0x80];
	v4 =	vmax.f32 v4, $0.0e+00  }
0x12e: {  	v10 =	vld [tilespmem:s16+$0xFFFFFF80];
	[tilespmem:s10+$0x90] =	vst v4  }
0x12f: {  	v4 =	vld [tilespmem:s22+$0xFFFFF190]  }
0x130: {  	v5 =	vld [tilespmem:s22+$0x190]  }
0x131: {  	v11 =	vld [tilespmem:s22+$0xFFFFF100]  }
0x132: {  	s12 =	simm.s32 $0x3F40;
	v6 =	vld [tilespmem:s16+$0x90]  }
0x133: {  	v14 =	vld [tilespmem:s12+$0xFFFFF180]  }
0x134: {  	v15 =	vld [tilespmem:s12+$0x180]  }
0x135: {  	v4 =	vadd.f32 v5, v4;
	v5 =	vld [tilespmem:s22+$0xFFFFF000]  }
0x136: {  	v16 =	vld [tilespmem:s12+$0x0]  }
0x137: {  	s14 =	simm.s32 $0x6040;
	v4 =	vadd.f32 v6, v4;
	v6 =	vld [tilespmem:s16+$0xFFFFFF00]  }
0x138: {  	v17 =	vld [tilespmem:s14+$0x80]  }
0x139: {  	v18 =	vld [tilespmem:s12+$0xFFFFF080];
	v4 =	vmax.f32 v4, $0.0e+00  }
0x13a: {  	v19 =	vld [tilespmem:s12+$0x80];
	[tilespmem:s10+$0xA0] =	vst v4;
	v4 =	vadd.f32 v7, v5  }
0x13b: {  	v5 =	vld [tilespmem:s22+$0xFFFFF1A0]  }
0x13c: {  	v8 =	vadd.f32 v9, v8;
	v7 =	vld [tilespmem:s22+$0x1A0];
	v4 =	vadd.f32 v6, v4  }
0x13d: {  	v9 =	vld [tilespmem:s22+$0x100]  }
0x13e: {  	v8 =	vadd.f32 v10, v8;
	v6 =	vld [tilespmem:s16+$0xA0];
	v4 =	vmax.f32 v4, $0.0e+00  }
0x13f: {  	v10 =	vld [tilespmem:s16+$0x0];
	[tilespmem:s10+$0xFFFFFEE0] =	vst v4  }
0x140: {  	v4 =	vmax.f32 v8, $0.0e+00;
	v8 =	vld [tilespmem:s22+$0xFFFFF010]  }
0x141: {  	v5 =	vadd.f32 v7, v5;
	[tilespmem:s10+$0xFFFFFF70] =	vst v4;
	v4 =	vld [tilespmem:s22+$0x10]  }
0x142: {  	v9 =	vadd.f32 v9, v11;
	v11 =	vld [tilespmem:s16+$0xFFFFFF10]  }
0x143: {  	v7 =	vld [tilespmem:s22+$0xFFFFF090];
	v5 =	vadd.f32 v6, v5  }
0x144: {  	v6 =	vld [tilespmem:s22+$0x90]  }
0x145: {  	v20 =	vld [tilespmem:s12+$0xFFFFF100];
	v5 =	vmax.f32 v5, $0.0e+00  }
0x146: {  	v12 =	vld [tilespmem:s16+$0xFFFFFF90];
	[tilespmem:s10+$0xB0] =	vst v5;
	v5 =	vadd.f32 v10, v9  }
0x147: {  	v4 =	vadd.f32 v4, v8;
	v9 =	vld [tilespmem:s22+$0xFFFFF1B0]  }
0x148: {  	v8 =	vld [tilespmem:s22+$0x1B0];
	v5 =	vmax.f32 v5, $0.0e+00  }
0x149: {  	v4 =	vadd.f32 v11, v4;
	[tilespmem:s10+$0x0] =	vst v5;
	v5 =	vadd.f32 v6, v7;
	v6 =	vld [tilespmem:s16+$0xB0]  }
0x14a: {  	v7 =	vld [tilespmem:s22+$0xFFFFF110]  }
0x14b: {  	v10 =	vld [tilespmem:s22+$0x110];
	v4 =	vmax.f32 v4, $0.0e+00;
	v5 =	vadd.f32 v12, v5  }
0x14c: {  	v11 =	vld [tilespmem:s16+$0x10];
	[tilespmem:s10+$0xFFFFFEF0] =	vst v4  }
0x14d: {  	v4 =	vadd.f32 v8, v9;
	v8 =	vld [tilespmem:s22+$0xFFFFF020];
	v5 =	vmax.f32 v5, $0.0e+00  }
0x14e: {  	[tilespmem:s10+$0xFFFFFF80] =	vst v5;
	v5 =	vld [tilespmem:s22+$0x20]  }
0x14f: {  	v4 =	vadd.f32 v6, v4;
	v6 =	vld [tilespmem:s22+$0xFFFFF0A0]  }
0x150: {  	v9 =	vld [tilespmem:s22+$0xA0];
	v7 =	vadd.f32 v10, v7  }
0x151: {  	v10 =	vld [tilespmem:s16+$0xFFFFFF20];
	v4 =	vmax.f32 v4, $0.0e+00  }
0x152: {  	v39 =	vld [tilespmem:s16+$0xFFFFFFA0];
	[tilespmem:s10+$0xC0] =	vst v4;
	v7 =	vadd.f32 v11, v7  }
0x153: {  	v4 =	vld [tilespmem:s22+$0xFFFFF1C0]  }
0x154: {  	v11 =	vld [tilespmem:s22+$0x1C0];
	v7 =	vmax.f32 v7, $0.0e+00  }
0x155: {  	v5 =	vadd.f32 v5, v8;
	v8 =	vld [tilespmem:s16+$0xC0];
	[tilespmem:s10+$0x10] =	vst v7  }
0x156: {  	v7 =	vld [tilespmem:s22+$0xFFFFF120]  }
0x157: {  	v6 =	vadd.f32 v9, v6;
	v5 =	vadd.f32 v10, v5;
	v9 =	vld [tilespmem:s22+$0x120]  }
0x158: {  	v43 =	vld [tilespmem:s12+$0x100]  }
0x159: {  	v10 =	vld [tilespmem:s16+$0x20];
	v6 =	vadd.f32 v39, v6;
	v4 =	vadd.f32 v11, v4;
	v5 =	vmax.f32 v5, $0.0e+00  }
0x15a: {  	v21 =	vld [tilespmem:s12+$0xFFFFF000];
	[tilespmem:s10+$0xFFFFFF00] =	vst v5  }
0x15b: {  	v5 =	vmax.f32 v6, $0.0e+00;
	v4 =	vadd.f32 v8, v4;
	v6 =	vld [tilespmem:s22+$0xFFFFF030]  }
0x15c: {  	[tilespmem:s10+$0xFFFFFF90] =	vst v5;
	v5 =	vld [tilespmem:s22+$0x30];
	v7 =	vadd.f32 v9, v7  }
0x15d: {  	v8 =	vld [tilespmem:s22+$0xFFFFF0B0];
	v4 =	vmax.f32 v4, $0.0e+00  }
0x15e: {  	[tilespmem:s10+$0xD0] =	vst v4;
	v7 =	vadd.f32 v10, v7;
	v10 =	vld [tilespmem:s16+$0xFFFFFF30]  }
0x15f: {  	v4 =	vld [tilespmem:s22+$0xFFFFF1D0]  }
0x160: {  	v9 =	vld [tilespmem:s22+$0x1D0]  }
0x161: {  	v11 =	vld [tilespmem:s16+$0xD0];
	v7 =	vmax.f32 v7, $0.0e+00  }
0x162: {  	[tilespmem:s10+$0x20] =	vst v7;
	v7 =	vld [tilespmem:s22+$0xB0]  }
0x163: {  	v5 =	vadd.f32 v5, v6;
	v40 =	vld [tilespmem:s22+$0xFFFFF130]  }
0x164: {  	v6 =	vld [tilespmem:s22+$0x130]  }
0x165: {  	v5 =	vadd.f32 v10, v5;
	v4 =	vadd.f32 v9, v4;
	v9 =	vld [tilespmem:s16+$0xFFFFFFB0]  }
0x166: {  	v44 =	vld [tilespmem:s14+$0xFFFFFF00]  }
0x167: {  	v10 =	vld [tilespmem:s16+$0x30];
	v5 =	vmax.f32 v5, $0.0e+00;
	v4 =	vadd.f32 v11, v4  }
0x168: {  	v22 =	vld [tilespmem:s14+$0xFFFFFF80];
	v7 =	vadd.f32 v7, v8;
	[tilespmem:s10+$0xFFFFFF10] =	vst v5  }
0x169: {  	v5 =	vld [tilespmem:s22+$0xFFFFF040];
	v4 =	vmax.f32 v4, $0.0e+00  }
0x16a: {  	[tilespmem:s10+$0xE0] =	vst v4;
	v4 =	vadd.f32 v6, v40;
	v6 =	vadd.f32 v9, v7;
	v9 =	vld [tilespmem:s22+$0x40]  }
0x16b: {  	v7 =	vld [tilespmem:s22+$0xFFFFF1E0]  }
0x16c: {  	v8 =	vld [tilespmem:s22+$0x1E0];
	v4 =	vadd.f32 v10, v4;
	v6 =	vmax.f32 v6, $0.0e+00  }
0x16d: {  	[tilespmem:s10+$0xFFFFFFA0] =	vst v6;
	v6 =	vld [tilespmem:s16+$0xE0]  }
0x16e: {  	v14 =	vadd.f32 v15, v14;
	v4 =	vmax.f32 v4, $0.0e+00;
	v10 =	vld [tilespmem:s22+$0xFFFFF0C0]  }
0x16f: {  	[tilespmem:s10+$0x30] =	vst v4;
	v4 =	vld [tilespmem:s22+$0xC0]  }
0x170: {  	v14 =	vadd.f32 v17, v14;
	v11 =	vld [tilespmem:s22+$0xFFFFF140]  }
0x171: {  	v7 =	vadd.f32 v8, v7;
	v8 =	vld [tilespmem:s16+$0xFFFFFF40]  }
0x172: {  	s11 =	simm.s32 $0x82A0;
	v18 =	vadd.f32 v19, v18;
	v14 =	vmax.f32 v14, $0.0e+00;
	v41 =	vld [tilespmem:s22+$0x140]  }
0x173: {  	[tilespmem:s11+$0x90] =	vst v14;
	v6 =	vadd.f32 v6, v7;
	v7 =	vld [tilespmem:s16+$0xFFFFFFC0]  }
0x174: {  	v18 =	vadd.f32 v22, v18;
	v14 =	vld [tilespmem:s12+$0xFFFFF190];
	v5 =	vadd.f32 v9, v5  }
0x175: {  	v9 =	vld [tilespmem:s16+$0x40]  }
0x176: {  	v52 =	vmax.f32 v18, $0.0e+00;
	v46 =	vld [tilespmem:s12+$0x190];
	v4 =	vadd.f32 v4, v10;
	v8 =	vadd.f32 v8, v5  }
0x177: {  	[tilespmem:s11+$0xFFFFFF70] =	vst v52;
	v48 =	vld [tilespmem:s14+$0x90];
	v6 =	vmax.f32 v6, $0.0e+00  }
0x178: {  	v55 =	vld [tilespmem:s12+$0xFFFFF090];
	[tilespmem:s10+$0xF0] =	vst v6;
	v10 =	vadd.f32 v41, v11;
	v7 =	vadd.f32 v7, v4;
	v8 =	vmax.f32 v8, $0.0e+00  }
0x179: {  	v5 =	vld [tilespmem:s22+$0xFFFFF1F0];
	[tilespmem:s10+$0xFFFFFF20] =	vst v8  }
0x17a: {  	v8 =	vadd.f32 v9, v10;
	v7 =	vmax.f32 v7, $0.0e+00;
	v9 =	vld [tilespmem:s22+$0xFFFFF050]  }
0x17b: {  	[tilespmem:s10+$0xFFFFFFB0] =	vst v7;
	v7 =	vld [tilespmem:s22+$0x50]  }
0x17c: {  	v6 =	vld [tilespmem:s22+$0x1F0]  }
0x17d: {  	v13 =	vld [tilespmem:s16+$0xFFFFFF50]  }
0x17e: {  	v4 =	vld [tilespmem:s16+$0xF0]  }
0x17f: {  	v8 =	vmax.f32 v8, $0.0e+00;
	v10 =	vld [tilespmem:s22+$0xFFFFF0D0]  }
0x180: {  	[tilespmem:s10+$0x40] =	vst v8;
	v8 =	vld [tilespmem:s22+$0xD0];
	v7 =	vadd.f32 v7, v9  }
0x181: {  	v47 =	vld [tilespmem:s16+$0xFFFFFFD0]  }
0x182: {  	v45 =	vadd.f32 v16, v21;
	v11 =	vld [tilespmem:s22+$0xFFFFF150];
	v7 =	vadd.f32 v13, v7  }
0x183: {  	v42 =	vld [tilespmem:s22+$0x150]  }
0x184: {  	v9 =	vld [tilespmem:s14+$0x0];
	v13 =	vadd.f32 v44, v45;
	v7 =	vmax.f32 v7, $0.0e+00  }
0x185: {  	v8 =	vadd.f32 v8, v10;
	[tilespmem:s10+$0xFFFFFF30] =	vst v7;
	v7 =	vld [tilespmem:s16+$0x50]  }
0x186: {  	v50 =	vadd.f32 v46, v14;
	v13 =	vmax.f32 v13, $0.0e+00;
	v49 =	vld [tilespmem:s22+$0xFFFFF060]  }
0x187: {  	v8 =	vadd.f32 v47, v8;
	[tilespmem:s11+$0xFFFFFEE0] =	vst v13;
	v51 =	vld [tilespmem:s22+$0x60]  }
0x188: {  	v13 =	vadd.f32 v48, v50;
	v53 =	vld [tilespmem:s12+$0xFFFFF010]  }
0x189: {  	v8 =	vmax.f32 v8, $0.0e+00;
	v54 =	vld [tilespmem:s12+$0x10]  }
0x18a: {  	v59 =	vld [tilespmem:s14+$0xFFFFFF10];
	[tilespmem:s10+$0xFFFFFFC0] =	vst v8;
	v13 =	vmax.f32 v13, $0.0e+00  }
0x18b: {  	v60 =	vld [tilespmem:s22+$0xFFFFF0E0];
	[tilespmem:s11+$0xA0] =	vst v13  }
0x18c: {  	v15 =	vadd.f32 v43, v20;
	v13 =	vld [tilespmem:s12+$0xFFFFF1A0]  }
0x18d: {  	v10 =	vld [tilespmem:s12+$0x1A0]  }
0x18e: {  	v9 =	vadd.f32 v9, v15;
	v61 =	vld [tilespmem:s22+$0xE0]  }
0x18f: {  	v11 =	vadd.f32 v42, v11;
	v58 =	vld [tilespmem:s14+$0xA0]  }
0x190: {  	v9 =	vmax.f32 v9, $0.0e+00;
	v32 =	vld [tilespmem:s16+$0xFFFFFFE0]  }
0x191: {  	[tilespmem:s11+$0x0] =	vst v9;
	v9 =	vld [tilespmem:s12+$0x90];
	v7 =	vadd.f32 v7, v11  }
0x192: {  	v56 =	vld [tilespmem:s12+$0xFFFFF110];
	v10 =	vadd.f32 v10, v13  }
0x193: {  	v57 =	vld [tilespmem:s12+$0x110];
	v7 =	vmax.f32 v7, $0.0e+00  }
0x194: {  	v8 =	vld [tilespmem:s14+$0x10];
	[tilespmem:s10+$0x50] =	vst v7;
	v7 =	vadd.f32 v54, v53;
	v10 =	vadd.f32 v58, v10  }
0x195: {  	v11 =	vld [tilespmem:s14+$0xFFFFFF90]  }
0x196: {  	v12 =	vadd.f32 v61, v60;
	v62 =	vld [tilespmem:s22+$0xFFFFF160];
	v7 =	vadd.f32 v59, v7;
	v10 =	vmax.f32 v10, $0.0e+00  }
0x197: {  	v63 =	vld [tilespmem:s22+$0x160];
	[tilespmem:s11+$0xB0] =	vst v10  }
0x198: {  	v12 =	vadd.f32 v32, v12;
	v7 =	vmax.f32 v7, $0.0e+00;
	v24 =	vld [tilespmem:s12+$0xFFFFF1B0]  }
0x199: {  	[tilespmem:s11+$0xFFFFFEF0] =	vst v7;
	v7 =	vld [tilespmem:s12+$0x1B0]  }
0x19a: {  	v9 =	vadd.f32 v9, v55;
	v34 =	vld [tilespmem:s16+$0x60];
	v12 =	vmax.f32 v12, $0.0e+00  }
0x19b: {  	[tilespmem:s10+$0xFFFFFFD0] =	vst v12;
	v25 =	vld [tilespmem:s14+$0xB0]  }
0x19c: {  	v9 =	vadd.f32 v11, v9;
	v45 =	vld [tilespmem:s22+$0xFFFFF0F0]  }
0x19d: {  	v18 =	vadd.f32 v57, v56;
	v46 =	vld [tilespmem:s22+$0xF0]  }
0x19e: {  	v9 =	vmax.f32 v9, $0.0e+00;
	v11 =	vld [tilespmem:s12+$0xFFFFF020];
	v7 =	vadd.f32 v7, v24  }
0x19f: {  	v8 =	vadd.f32 v8, v18;
	[tilespmem:s11+$0xFFFFFF80] =	vst v9;
	v9 =	vld [tilespmem:s12+$0x20]  }
0x1a0: {  	v10 =	vld [tilespmem:s16+$0xFFFFFF60];
	v7 =	vadd.f32 v25, v7  }
0x1a1: {  	v8 =	vmax.f32 v8, $0.0e+00;
	v26 =	vld [tilespmem:s12+$0xFFFFF0A0]  }
0x1a2: {  	[tilespmem:s11+$0x10] =	vst v8;
	v8 =	vld [tilespmem:s12+$0xA0];
	v7 =	vmax.f32 v7, $0.0e+00  }
0x1a3: {  	v29 =	vld [tilespmem:s14+$0xFFFFFF20];
	[tilespmem:s11+$0xC0] =	vst v7  }
0x1a4: {  	v7 =	vadd.f32 v9, v11;
	v9 =	vld [tilespmem:s12+$0xFFFFF1C0]  }
0x1a5: {  	v11 =	vld [tilespmem:s12+$0x1C0]  }
0x1a6: {  	v30 =	vld [tilespmem:s14+$0xFFFFFFA0];
	v15 =	vadd.f32 v63, v62  }
0x1a7: {  	v14 =	vadd.f32 v51, v49;
	v33 =	vld [tilespmem:s14+$0xC0]  }
0x1a8: {  	v5 =	vadd.f32 v6, v5;
	v6 =	vld [tilespmem:s16+$0xFFFFFFF0];
	v15 =	vadd.f32 v34, v15  }
0x1a9: {  	v27 =	vld [tilespmem:s12+$0xFFFFF120];
	v10 =	vadd.f32 v10, v14;
	v8 =	vadd.f32 v8, v26  }
0x1aa: {  	v28 =	vld [tilespmem:s12+$0x120];
	v44 =	vmax.f32 v15, $0.0e+00;
	v7 =	vadd.f32 v29, v7;
	v9 =	vadd.f32 v11, v9  }
0x1ab: {  	v31 =	vld [tilespmem:s14+$0x20];
	[tilespmem:s10+$0x60] =	vst v44;
	v10 =	vmax.f32 v10, $0.0e+00;
	v8 =	vadd.f32 v30, v8  }
0x1ac: {  	v47 =	vld [tilespmem:s22+$0xFFFFF170];
	[tilespmem:s10+$0xFFFFFF40] =	vst v10;
	v7 =	vmax.f32 v7, $0.0e+00;
	v9 =	vadd.f32 v33, v9  }
0x1ad: {  	v8 =	vmax.f32 v8, $0.0e+00;
	v43 =	vld [tilespmem:s22+$0x70];
	[tilespmem:s11+$0xFFFFFF00] =	vst v7  }
0x1ae: {  	[tilespmem:s11+$0xFFFFFF90] =	vst v8;
	v35 =	vld [tilespmem:s12+$0xFFFFF030];
	v9 =	vmax.f32 v9, $0.0e+00  }
0x1af: {  	v10 =	vadd.f32 v28, v27;
	v8 =	vld [tilespmem:s12+$0x30];
	[tilespmem:s11+$0xD0] =	vst v9  }
0x1b0: {  	v9 =	vld [tilespmem:s12+$0xFFFFF1D0]  }
0x1b1: {  	v10 =	vadd.f32 v31, v10;
	v38 =	vld [tilespmem:s12+$0x1D0]  }
0x1b2: {  	v39 =	vld [tilespmem:s14+$0xFFFFFF30]  }
0x1b3: {  	v10 =	vmax.f32 v10, $0.0e+00;
	v40 =	vld [tilespmem:s14+$0xD0]  }
0x1b4: {  	[tilespmem:s11+$0x20] =	vst v10;
	v10 =	vld [tilespmem:s12+$0xB0]  }
0x1b5: {  	v11 =	vld [tilespmem:s12+$0xFFFFF0B0];
	v8 =	vadd.f32 v8, v35  }
0x1b6: {  	v41 =	vld [tilespmem:s14+$0xFFFFFFB0];
	v9 =	vadd.f32 v38, v9  }
0x1b7: {  	v36 =	vld [tilespmem:s12+$0xFFFFF130];
	v8 =	vadd.f32 v39, v8  }
0x1b8: {  	v37 =	vld [tilespmem:s12+$0x130];
	v9 =	vadd.f32 v40, v9  }
0x1b9: {  	v42 =	vld [tilespmem:s14+$0x30];
	v8 =	vmax.f32 v8, $0.0e+00  }
0x1ba: {  	v7 =	vld [tilespmem:s22+$0xFFFFF070];
	v10 =	vadd.f32 v10, v11;
	[tilespmem:s11+$0xFFFFFF10] =	vst v8;
	v8 =	vmax.f32 v9, $0.0e+00  }
0x1bb: {  	v11 =	vld [tilespmem:s12+$0xFFFFF040];
	[tilespmem:s11+$0xE0] =	vst v8  }
0x1bc: {  	v10 =	vadd.f32 v41, v10;
	v48 =	vld [tilespmem:s12+$0xFFFFF1E0]  }
0x1bd: {  	v49 =	vld [tilespmem:s12+$0x1E0]  }
0x1be: {  	v10 =	vmax.f32 v10, $0.0e+00;
	v50 =	vld [tilespmem:s12+$0x40];
	v8 =	vadd.f32 v37, v36  }
0x1bf: {  	[tilespmem:s11+$0xFFFFFFA0] =	vst v10;
	v10 =	vld [tilespmem:s14+$0xE0]  }
0x1c0: {  	v51 =	vld [tilespmem:s12+$0xFFFFF0C0];
	v8 =	vadd.f32 v42, v8  }
0x1c1: {  	v54 =	vld [tilespmem:s14+$0xFFFFFF40]  }
0x1c2: {  	v55 =	vld [tilespmem:s14+$0xFFFFFFC0];
	v8 =	vmax.f32 v8, $0.0e+00;
	v16 =	vadd.f32 v49, v48  }
0x1c3: {  	[tilespmem:s11+$0x30] =	vst v8;
	v8 =	vld [tilespmem:s12+$0xC0]  }
0x1c4: {  	v52 =	vld [tilespmem:s12+$0xFFFFF140];
	v10 =	vadd.f32 v10, v16  }
0x1c5: {  	v53 =	vld [tilespmem:s12+$0x140]  }
0x1c6: {  	v56 =	vld [tilespmem:s14+$0x40];
	v10 =	vmax.f32 v10, $0.0e+00  }
0x1c7: {  	v11 =	vadd.f32 v50, v11;
	[tilespmem:s11+$0xF0] =	vst v10;
	v10 =	vld [tilespmem:s16+$0xFFFFFF70]  }
0x1c8: {  	v57 =	vld [tilespmem:s12+$0xFFFFF1F0]  }
0x1c9: {  	v11 =	vadd.f32 v54, v11;
	v8 =	vadd.f32 v8, v51;
	v58 =	vld [tilespmem:s12+$0x1F0]  }
0x1ca: {  	v9 =	vld [tilespmem:s22+$0x170]  }
0x1cb: {  	v11 =	vmax.f32 v11, $0.0e+00;
	v18 =	vadd.f32 v53, v52;
	v8 =	vadd.f32 v55, v8;
	v59 =	vld [tilespmem:s14+$0xF0]  }
0x1cc: {  	v4 =	vadd.f32 v4, v5;
	v5 =	vadd.f32 v43, v7;
	[tilespmem:s11+$0xFFFFFF20] =	vst v11;
	v11 =	vld [tilespmem:s16+$0x70]  }
0x1cd: {  	v7 =	vadd.f32 v46, v45;
	v61 =	vld [tilespmem:s12+$0xFFFFF050];
	v60 =	vadd.f32 v56, v18;
	v8 =	vmax.f32 v8, $0.0e+00  }
0x1ce: {  	v4 =	vmax.f32 v4, $0.0e+00;
	v62 =	vld [tilespmem:s12+$0x50];
	[tilespmem:s11+$0xFFFFFFB0] =	vst v8;
	v10 =	vadd.f32 v10, v5;
	v8 =	vadd.f32 v58, v57  }
0x1cf: {  	[tilespmem:s10+$0x100] =	vst v4;
	v63 =	vadd.f32 v6, v7;
	v4 =	vadd.f32 v9, v47;
	v9 =	vmax.f32 v60, $0.0e+00;
	v5 =	vld [tilespmem:s12+$0xFFFFF0D0]  }
0x1d0: {  	[tilespmem:s11+$0x40] =	vst v9;
	v7 =	vld [tilespmem:s12+$0xD0];
	v6 =	vmax.f32 v10, $0.0e+00;
	v9 =	vadd.f32 v59, v8  }
0x1d1: {  	v4 =	vadd.f32 v11, v4;
	v10 =	vmax.f32 v63, $0.0e+00;
	[tilespmem:s10+$0xFFFFFF50] =	vst v6;
	v6 =	vld [tilespmem:s12+$0xFFFFF150]  }
0x1d2: {  	v8 =	vld [tilespmem:s12+$0x150];
	[tilespmem:s10+$0xFFFFFFE0] =	vst v10;
	v11 =	vmax.f32 v9, $0.0e+00  }
0x1d3: {  	s23 =	simm.s32 $0x4140;
	s22 =	simm.s32 $0x4;
	s16 =	simm.s32 $0x6040;
	v4 =	vmax.f32 v4, $0.0e+00;
	v10 =	vld [tilespmem:s14+$0xFFFFFF50];
	v9 =	vadd.f32 v62, v61;
	[tilespmem:s11+$0x100] =	vst v11  }
.LBB2_19:
0x1d4: {  	v11 =	vld [tilespmem:s23+$0xFFFFF180];
	[tilespmem:s10+$0x70] =	vst v4;
	s10 =	smov.u32 s11  }
0x1d5: {  	v4 =	vld [tilespmem:s23+$0x180];
	v5 =	vadd.f32 v7, v5  }
0x1d6: {  	s14 =	sadd.s32 $0x200, s14;
	v7 =	vld [tilespmem:s23+$0x0]  }
0x1d7: {  	v12 =	vld [tilespmem:s14+$0x80];
	v6 =	vadd.f32 v8, v6  }
0x1d8: {  	v8 =	vld [tilespmem:s23+$0xFFFFF080];
	v9 =	vadd.f32 v10, v9  }
0x1d9: {  	v10 =	vld [tilespmem:s23+$0x80]  }
0x1da: {  	v13 =	vld [tilespmem:s23+$0xFFFFF100];
	v4 =	vadd.f32 v4, v11;
	v9 =	vmax.f32 v9, $0.0e+00  }
0x1db: {  	v11 =	vld [tilespmem:s23+$0x100];
	[tilespmem:s11+$0xFFFFFF30] =	vst v9  }
0x1dc: {  	s22 =	sadd.s32 $0x4, s22;
	v9 =	vld [tilespmem:s23+$0xFFFFF000];
	v4 =	vadd.f32 v12, v4  }
0x1dd: {  	p0 =	slt.u32 s22, $0x1C;
	v12 =	vld [tilespmem:s14+$0xFFFFFF00]  }
0x1de: {  	s11 =	sadd.s32 $0x240, s11;
	v8 =	vadd.f32 v10, v8;
	v10 =	vld [tilespmem:s14+$0xFFFFFF80];
	v4 =	vmax.f32 v4, $0.0e+00  }
0x1df: {  	v14 =	vld [tilespmem:s14+$0x0];
	[tilespmem:s11+$0x90] =	vst v4  }
0x1e0: {  	v4 =	vadd.f32 v11, v13;
	v11 =	vld [tilespmem:s23+$0xFFFFF190]  }
0x1e1: {  	v7 =	vadd.f32 v7, v9;
	v9 =	vld [tilespmem:s23+$0x190]  }
0x1e2: {  	v13 =	vld [tilespmem:s16+$0xFFFFFFD0]  }
0x1e3: {  	v7 =	vadd.f32 v12, v7;
	v8 =	vadd.f32 v10, v8;
	v10 =	vld [tilespmem:s14+$0x90]  }
0x1e4: {  	v4 =	vadd.f32 v14, v4;
	v12 =	vld [tilespmem:s16+$0x50]  }
0x1e5: {  	v7 =	vmax.f32 v7, $0.0e+00;
	v8 =	vmax.f32 v8, $0.0e+00;
	v14 =	vld [tilespmem:s12+$0xFFFFF060]  }
0x1e6: {  	[tilespmem:s11+$0xFFFFFEE0] =	vst v7;
	v4 =	vmax.f32 v4, $0.0e+00;
	v7 =	vadd.f32 v9, v11;
	v9 =	vld [tilespmem:s12+$0x60]  }
0x1e7: {  	v11 =	vld [tilespmem:s23+$0xFFFFF010];
	[tilespmem:s11+$0xFFFFFF70] =	vst v8;
	v5 =	vadd.f32 v13, v5  }
0x1e8: {  	v8 =	vld [tilespmem:s23+$0x10];
	[tilespmem:s11+$0x0] =	vst v4;
	v4 =	vadd.f32 v10, v7  }
0x1e9: {  	v7 =	vld [tilespmem:s23+$0xFFFFF090];
	v5 =	vmax.f32 v5, $0.0e+00;
	v6 =	vadd.f32 v12, v6  }
0x1ea: {  	v10 =	vld [tilespmem:s23+$0x90];
	v4 =	vmax.f32 v4, $0.0e+00;
	[tilespmem:s10+$0xFFFFFFC0] =	vst v5  }
0x1eb: {  	v5 =	vld [tilespmem:s23+$0xFFFFF110];
	[tilespmem:s11+$0xA0] =	vst v4;
	v4 =	vadd.f32 v9, v14;
	v6 =	vmax.f32 v6, $0.0e+00  }
0x1ec: {  	v9 =	vld [tilespmem:s23+$0xFFFFF1A0];
	[tilespmem:s10+$0x50] =	vst v6  }
0x1ed: {  	v6 =	vadd.f32 v8, v11;
	v8 =	vld [tilespmem:s23+$0x1A0]  }
0x1ee: {  	v11 =	vld [tilespmem:s23+$0x110]  }
0x1ef: {  	v7 =	vadd.f32 v10, v7;
	v10 =	vld [tilespmem:s14+$0xA0]  }
0x1f0: {  	v12 =	vld [tilespmem:s14+$0xFFFFFF10]  }
0x1f1: {  	v13 =	vld [tilespmem:s14+$0xFFFFFF90]  }
0x1f2: {  	v14 =	vld [tilespmem:s14+$0x10];
	v8 =	vadd.f32 v8, v9  }
0x1f3: {  	v5 =	vadd.f32 v11, v5;
	v9 =	vld [tilespmem:s12+$0xFFFFF0E0]  }
0x1f4: {  	v8 =	vadd.f32 v10, v8;
	v10 =	vld [tilespmem:s12+$0xE0]  }
0x1f5: {  	v6 =	vadd.f32 v12, v6;
	v11 =	vld [tilespmem:s12+$0xFFFFF160]  }
0x1f6: {  	v7 =	vadd.f32 v13, v7;
	v8 =	vmax.f32 v8, $0.0e+00;
	v12 =	vld [tilespmem:s12+$0x160]  }
0x1f7: {  	v6 =	vmax.f32 v6, $0.0e+00;
	v5 =	vadd.f32 v14, v5;
	[tilespmem:s11+$0xB0] =	vst v8;
	v8 =	vld [tilespmem:s16+$0xFFFFFF60]  }
0x1f8: {  	[tilespmem:s11+$0xFFFFFEF0] =	vst v6;
	v6 =	vmax.f32 v7, $0.0e+00;
	v7 =	vld [tilespmem:s23+$0xFFFFF1B0]  }
0x1f9: {  	[tilespmem:s11+$0xFFFFFF80] =	vst v6;
	v5 =	vmax.f32 v5, $0.0e+00;
	v6 =	vld [tilespmem:s23+$0x1B0];
	v9 =	vadd.f32 v10, v9  }
0x1fa: {  	v10 =	vld [tilespmem:s23+$0xFFFFF020];
	[tilespmem:s11+$0x10] =	vst v5  }
0x1fb: {  	v5 =	vld [tilespmem:s14+$0xB0];
	v11 =	vadd.f32 v12, v11  }
0x1fc: {  	v12 =	vld [tilespmem:s23+$0x20];
	v4 =	vadd.f32 v8, v4  }
0x1fd: {  	v8 =	vld [tilespmem:s23+$0xFFFFF0A0]  }
0x1fe: {  	v13 =	vld [tilespmem:s23+$0xA0];
	v6 =	vadd.f32 v6, v7;
	v4 =	vmax.f32 v4, $0.0e+00  }
0x1ff: {  	v7 =	vld [tilespmem:s23+$0xFFFFF120];
	[tilespmem:s10+$0xFFFFFF40] =	vst v4  }
0x200: {  	v4 =	vld [tilespmem:s23+$0x120];
	v5 =	vadd.f32 v5, v6  }
0x201: {  	v6 =	vadd.f32 v12, v10;
	v10 =	vld [tilespmem:s14+$0xFFFFFF20]  }
0x202: {  	v12 =	vld [tilespmem:s14+$0xFFFFFFA0];
	v5 =	vmax.f32 v5, $0.0e+00  }
0x203: {  	v8 =	vadd.f32 v13, v8;
	v13 =	vld [tilespmem:s14+$0x20];
	[tilespmem:s11+$0xC0] =	vst v5  }
0x204: {  	v5 =	vld [tilespmem:s23+$0xFFFFF1C0]  }
0x205: {  	v4 =	vadd.f32 v4, v7;
	v7 =	vld [tilespmem:s23+$0x1C0]  }
0x206: {  	v6 =	vadd.f32 v10, v6;
	v10 =	vld [tilespmem:s16+$0xFFFFFFE0]  }
0x207: {  	v8 =	vadd.f32 v12, v8;
	v12 =	vld [tilespmem:s14+$0xC0]  }
0x208: {  	v6 =	vmax.f32 v6, $0.0e+00;
	v4 =	vadd.f32 v13, v4;
	v13 =	vld [tilespmem:s16+$0x60]  }
0x209: {  	[tilespmem:s11+$0xFFFFFF00] =	vst v6;
	v6 =	vmax.f32 v8, $0.0e+00;
	v8 =	vld [tilespmem:s12+$0xFFFFF070]  }
0x20a: {  	v14 =	vld [tilespmem:s23+$0xFFFFF030];
	[tilespmem:s11+$0xFFFFFF90] =	vst v6;
	v4 =	vmax.f32 v4, $0.0e+00;
	v5 =	vadd.f32 v7, v5  }
0x20b: {  	v6 =	vld [tilespmem:s23+$0x30];
	[tilespmem:s11+$0x20] =	vst v4;
	v4 =	vadd.f32 v10, v9  }
0x20c: {  	v7 =	vld [tilespmem:s23+$0xFFFFF0B0];
	v5 =	vadd.f32 v12, v5  }
0x20d: {  	v9 =	vld [tilespmem:s23+$0xB0];
	v4 =	vmax.f32 v4, $0.0e+00;
	v10 =	vadd.f32 v13, v11  }
0x20e: {  	v11 =	vld [tilespmem:s23+$0xFFFFF130];
	v5 =	vmax.f32 v5, $0.0e+00;
	[tilespmem:s10+$0xFFFFFFD0] =	vst v4  }
0x20f: {  	v4 =	vld [tilespmem:s23+$0x130];
	[tilespmem:s11+$0xD0] =	vst v5;
	v5 =	vmax.f32 v10, $0.0e+00  }
0x210: {  	v6 =	vadd.f32 v6, v14;
	v10 =	vld [tilespmem:s23+$0xFFFFF1D0];
	[tilespmem:s10+$0x60] =	vst v5  }
0x211: {  	v5 =	vld [tilespmem:s23+$0x1D0]  }
0x212: {  	v12 =	vld [tilespmem:s14+$0xFFFFFF30];
	v7 =	vadd.f32 v9, v7  }
0x213: {  	v9 =	vld [tilespmem:s14+$0xD0]  }
0x214: {  	v13 =	vld [tilespmem:s14+$0xFFFFFFB0];
	v4 =	vadd.f32 v4, v11  }
0x215: {  	v11 =	vld [tilespmem:s14+$0x30]  }
0x216: {  	v5 =	vadd.f32 v5, v10;
	v10 =	vld [tilespmem:s12+$0x70]  }
0x217: {  	v6 =	vadd.f32 v12, v6;
	v12 =	vld [tilespmem:s12+$0xFFFFF0F0]  }
0x218: {  	v5 =	vadd.f32 v9, v5;
	v9 =	vld [tilespmem:s12+$0xF0]  }
0x219: {  	v6 =	vmax.f32 v6, $0.0e+00;
	v7 =	vadd.f32 v13, v7;
	v13 =	vld [tilespmem:s12+$0xFFFFF170]  }
0x21a: {  	[tilespmem:s11+$0xFFFFFF10] =	vst v6;
	v4 =	vadd.f32 v11, v4;
	v5 =	vmax.f32 v5, $0.0e+00;
	v6 =	vld [tilespmem:s12+$0x170];
	s12 =	smov.u32 s23  }
0x21b: {  	v11 =	vld [tilespmem:s23+$0xFFFFF040];
	v7 =	vmax.f32 v7, $0.0e+00;
	[tilespmem:s11+$0xE0] =	vst v5;
	v5 =	vadd.f32 v10, v8  }
0x21c: {  	[tilespmem:s11+$0xFFFFFFA0] =	vst v7;
	v4 =	vmax.f32 v4, $0.0e+00;
	v7 =	vld [tilespmem:s23+$0xFFFFF1E0]  }
0x21d: {  	[tilespmem:s11+$0x30] =	vst v4;
	v4 =	vld [tilespmem:s23+$0x1E0];
	v8 =	vadd.f32 v9, v12  }
0x21e: {  	v9 =	vld [tilespmem:s23+$0x40]  }
0x21f: {  	v10 =	vld [tilespmem:s14+$0xE0];
	v12 =	vadd.f32 v6, v13  }
0x220: {  	v6 =	vld [tilespmem:s23+$0xFFFFF0C0]  }
0x221: {  	v13 =	vld [tilespmem:s23+$0xC0]  }
0x222: {  	v14 =	vld [tilespmem:s23+$0xFFFFF140];
	v4 =	vadd.f32 v4, v7  }
0x223: {  	v7 =	vadd.f32 v9, v11;
	v9 =	vld [tilespmem:s23+$0x140]  }
0x224: {  	v11 =	vld [tilespmem:s14+$0xFFFFFF40];
	v4 =	vadd.f32 v10, v4  }
0x225: {  	v10 =	vld [tilespmem:s14+$0xFFFFFFC0]  }
0x226: {  	v6 =	vadd.f32 v13, v6;
	v13 =	vld [tilespmem:s14+$0x40];
	v4 =	vmax.f32 v4, $0.0e+00  }
0x227: {  	[tilespmem:s11+$0xF0] =	vst v4;
	v4 =	vld [tilespmem:s16+$0xFFFFFF70]  }
0x228: {  	v9 =	vadd.f32 v9, v14;
	v14 =	vld [tilespmem:s23+$0xFFFFF1F0]  }
0x229: {  	v7 =	vadd.f32 v11, v7;
	v11 =	vld [tilespmem:s23+$0x1F0]  }
0x22a: {  	v6 =	vadd.f32 v10, v6;
	v10 =	vld [tilespmem:s16+$0xFFFFFFF0]  }
0x22b: {  	v7 =	vmax.f32 v7, $0.0e+00;
	v9 =	vadd.f32 v13, v9;
	v13 =	vld [tilespmem:s14+$0xF0]  }
0x22c: {  	[tilespmem:s11+$0xFFFFFF20] =	vst v7;
	v6 =	vmax.f32 v6, $0.0e+00;
	v4 =	vadd.f32 v4, v5;
	v15 =	vld [tilespmem:s16+$0x70];
	s16 =	smov.u32 s14  }
0x22d: {  	v16 =	vld [tilespmem:s23+$0xFFFFF050];
	[tilespmem:s11+$0xFFFFFFB0] =	vst v6;
	v5 =	vmax.f32 v9, $0.0e+00  }
0x22e: {  	v9 =	vld [tilespmem:s23+$0x50];
	[tilespmem:s11+$0x40] =	vst v5;
	v6 =	vadd.f32 v11, v14;
	v4 =	vmax.f32 v4, $0.0e+00  }
.Ltmp12:
0x22f: {  	v5 =	vld [tilespmem:s23+$0xFFFFF0D0];
	[tilespmem:s10+$0xFFFFFF50] =	vst v4;
	v4 =	vadd.f32 v10, v8;
	(pc) =	sbr.rel @p0 .LBB2_19-.Ltmp12, $4  }
0x230: {  	v7 =	vld [tilespmem:s23+$0xD0];
	v10 =	vadd.f32 v13, v6  }
0x231: {  	v6 =	vld [tilespmem:s23+$0xFFFFF150];
	v4 =	vmax.f32 v4, $0.0e+00;
	v11 =	vadd.f32 v15, v12  }
0x232: {  	v8 =	vld [tilespmem:s23+$0x150];
	v12 =	vmax.f32 v10, $0.0e+00;
	[tilespmem:s10+$0xFFFFFFE0] =	vst v4  }
0x233: {  	s23 =	sadd.s32 $0x200, s23;
	v9 =	vadd.f32 v9, v16;
	v10 =	vld [tilespmem:s14+$0xFFFFFF50];
	[tilespmem:s11+$0x100] =	vst v12;
	v4 =	vmax.f32 v11, $0.0e+00  }
0x234: {  	_ =	sdelay $0x1  }
0x235: {  	v11 =	vld [tilespmem:s16+$0xFFFFFFD0];
	_ =	sdelay $0x1  }
0x236: {  	v12 =	vld [tilespmem:s16+$0x50];
	v46 =	vadd.f32 v10, v9  }
0x237: {  	v5 =	vadd.f32 v7, v5  }
0x238: {  	v7 =	vmax.f32 v46, $0.0e+00  }
0x239: {  	v6 =	vadd.f32 v8, v6;
	v5 =	vadd.f32 v11, v5;
	[tilespmem:s11+$0xFFFFFF30] =	vst v7  }
0x23a: {  	v7 =	vld [tilespmem:s12+$0xFFFFF060]  }
0x23b: {  	v6 =	vadd.f32 v12, v6;
	v5 =	vmax.f32 v5, $0.0e+00;
	v47 =	vld [tilespmem:s12+$0x60]  }
0x23c: {  	[tilespmem:s11+$0xFFFFFFC0] =	vst v5;
	v50 =	vld [tilespmem:s16+$0xFFFFFF60]  }
0x23d: {  	v5 =	vmax.f32 v6, $0.0e+00;
	v48 =	vld [tilespmem:s12+$0xFFFFF0E0]  }
0x23e: {  	[tilespmem:s11+$0x50] =	vst v5;
	v5 =	vld [tilespmem:s12+$0xE0]  }
0x23f: {  	v52 =	vld [tilespmem:s16+$0xFFFFFFE0]  }
0x240: {  	v49 =	vld [tilespmem:s12+$0xFFFFF160]  }
0x241: {  	v51 =	vld [tilespmem:s12+$0x160];
	v7 =	vadd.f32 v47, v7;
	_ =	sdelay $0x1  }
0x242: {  	v53 =	vld [tilespmem:s16+$0x60];
	v5 =	vadd.f32 v5, v48;
	v54 =	vadd.f32 v50, v7;
	_ =	sdelay $0x1  }
0x243: {  	v5 =	vadd.f32 v52, v5;
	v6 =	vmax.f32 v54, $0.0e+00  }
0x244: {  	v55 =	vadd.f32 v51, v49;
	[tilespmem:s11+$0xFFFFFF40] =	vst v6  }
0x245: {  	v5 =	vmax.f32 v5, $0.0e+00;
	v6 =	vld [tilespmem:s12+$0xFFFFF070]  }
0x246: {  	v7 =	vadd.f32 v53, v55;
	[tilespmem:s11+$0xFFFFFFD0] =	vst v5;
	v5 =	vld [tilespmem:s12+$0x70]  }
0x247: {  	v60 =	vld [tilespmem:s16+$0xFFFFFF70]  }
0x248: {  	v7 =	vmax.f32 v7, $0.0e+00;
	v56 =	vld [tilespmem:s12+$0xFFFFF0F0]  }
0x249: {  	[tilespmem:s11+$0x60] =	vst v7;
	v57 =	vld [tilespmem:s12+$0xF0]  }
0x24a: {  	v58 =	vld [tilespmem:s12+$0xFFFFF170]  }
0x24b: {  	v59 =	vld [tilespmem:s12+$0x170]  }
0x24c: {  	v61 =	vld [tilespmem:s16+$0xFFFFFFF0]  }
0x24d: {  	v13 =	vld [tilespmem:s16+$0x70]  }
0x24e: {  	v5 =	vadd.f32 v5, v6  }
0x24f: {  	v62 =	vadd.f32 v57, v56  }
0x250: {  	v63 =	vadd.f32 v59, v58;
	v5 =	vadd.f32 v60, v5  }
0x251: {  	v6 =	vadd.f32 v61, v62  }
.Ltmp13:
0x252: {  	[tilespmem:s10+$0x70] =	vst v4;
	v4 =	vmax.f32 v5, $0.0e+00;
	v5 =	vadd.f32 v13, v63;
	(pc) =	sbr.rel .LBB2_21-.Ltmp13, $4  }
0x253: {  	[tilespmem:s11+$0xFFFFFF50] =	vst v4;
	v4 =	vmax.f32 v6, $0.0e+00  }
0x254: {  	[tilespmem:s11+$0xFFFFFFE0] =	vst v4;
	v4 =	vmax.f32 v5, $0.0e+00  }
0x255: {  	[tilespmem:s11+$0x70] =	vst v4  }
0x256: {  	[spmem:s2] =	stream.indirect.scatter.add.f32 [tilespmem:s21], [sflag:$0x6], $0x90, s1, s31, $0xb8;
	[tilespmem:$0x1F0D0] =	vst v63  }
.LBB2_15:
0x257: {  	_ =	swait.ge [sflag:s24], $0x2000  }
0x258: {  	[sflag:s24] =	ssyncset.done $0x0  }
0x259: {  	[sflag:s24] =	ssyncadd.s32 $0xFFFFE000  }
0x25a: {  	_ =	swait.ge [sflag:s25], $0x1000  }
0x25b: {  	[sflag:s25] =	ssyncset.done $0x0  }
0x25c: {  	s22 =	simm.s32 $0x1D40;
	[sflag:s25] =	ssyncadd.s32 $0xFFFFF000  }
0x25d: {  	v4 =	vld [tilespmem:s22+$0xFFFFF180]  }
0x25e: {  	v5 =	vld [tilespmem:s22+$0x180]  }
0x25f: {  	s16 =	simm.s32 $0x4E40  }
0x260: {  	v6 =	vld [tilespmem:s16+$0x80];
	_ =	sdelay $0x2  }
0x261: {  	v4 =	vadd.f32 v5, v4;
	_ =	sdelay $0x1  }
0x262: {  	v7 =	vld [tilespmem:s22+$0x0];
	v4 =	vadd.f32 v6, v4  }
0x263: {  	v8 =	vld [tilespmem:s22+$0xFFFFF080]  }
0x264: {  	s10 =	simm.s32 $0x6E60;
	v9 =	vld [tilespmem:s22+$0x80];
	v4 =	vmax.f32 v4, $0.0e+00  }
0x265: {  	v10 =	vld [tilespmem:s16+$0xFFFFFF80];
	[tilespmem:s10+$0x90] =	vst v4  }
0x266: {  	v4 =	vld [tilespmem:s22+$0xFFFFF190]  }
0x267: {  	v5 =	vld [tilespmem:s22+$0x190]  }
0x268: {  	v11 =	vld [tilespmem:s22+$0xFFFFF100]  }
0x269: {  	s12 =	simm.s32 $0x1F40;
	v6 =	vld [tilespmem:s16+$0x90]  }
0x26a: {  	v14 =	vld [tilespmem:s12+$0xFFFFF180]  }
0x26b: {  	v15 =	vld [tilespmem:s12+$0x180]  }
0x26c: {  	v4 =	vadd.f32 v5, v4;
	v5 =	vld [tilespmem:s22+$0xFFFFF000]  }
0x26d: {  	v16 =	vld [tilespmem:s12+$0x0]  }
0x26e: {  	s14 =	simm.s32 $0x5040;
	v4 =	vadd.f32 v6, v4;
	v6 =	vld [tilespmem:s16+$0xFFFFFF00]  }
0x26f: {  	v17 =	vld [tilespmem:s14+$0x80]  }
0x270: {  	v18 =	vld [tilespmem:s12+$0xFFFFF080];
	v4 =	vmax.f32 v4, $0.0e+00  }
0x271: {  	v19 =	vld [tilespmem:s12+$0x80];
	[tilespmem:s10+$0xA0] =	vst v4;
	v4 =	vadd.f32 v7, v5  }
0x272: {  	v5 =	vld [tilespmem:s22+$0xFFFFF1A0]  }
0x273: {  	v8 =	vadd.f32 v9, v8;
	v7 =	vld [tilespmem:s22+$0x1A0];
	v4 =	vadd.f32 v6, v4  }
0x274: {  	v9 =	vld [tilespmem:s22+$0x100]  }
0x275: {  	v8 =	vadd.f32 v10, v8;
	v6 =	vld [tilespmem:s16+$0xA0];
	v4 =	vmax.f32 v4, $0.0e+00  }
0x276: {  	v10 =	vld [tilespmem:s16+$0x0];
	[tilespmem:s10+$0xFFFFFEE0] =	vst v4  }
0x277: {  	v4 =	vmax.f32 v8, $0.0e+00;
	v8 =	vld [tilespmem:s22+$0xFFFFF010]  }
0x278: {  	v5 =	vadd.f32 v7, v5;
	[tilespmem:s10+$0xFFFFFF70] =	vst v4;
	v4 =	vld [tilespmem:s22+$0x10]  }
0x279: {  	v9 =	vadd.f32 v9, v11;
	v11 =	vld [tilespmem:s16+$0xFFFFFF10]  }
0x27a: {  	v7 =	vld [tilespmem:s22+$0xFFFFF090];
	v5 =	vadd.f32 v6, v5  }
0x27b: {  	v6 =	vld [tilespmem:s22+$0x90]  }
0x27c: {  	v20 =	vld [tilespmem:s12+$0xFFFFF100];
	v5 =	vmax.f32 v5, $0.0e+00  }
0x27d: {  	v12 =	vld [tilespmem:s16+$0xFFFFFF90];
	[tilespmem:s10+$0xB0] =	vst v5;
	v5 =	vadd.f32 v10, v9  }
0x27e: {  	v4 =	vadd.f32 v4, v8;
	v9 =	vld [tilespmem:s22+$0xFFFFF1B0]  }
0x27f: {  	v8 =	vld [tilespmem:s22+$0x1B0];
	v5 =	vmax.f32 v5, $0.0e+00  }
0x280: {  	v4 =	vadd.f32 v11, v4;
	[tilespmem:s10+$0x0] =	vst v5;
	v5 =	vadd.f32 v6, v7;
	v6 =	vld [tilespmem:s16+$0xB0]  }
0x281: {  	v7 =	vld [tilespmem:s22+$0xFFFFF110]  }
0x282: {  	v10 =	vld [tilespmem:s22+$0x110];
	v4 =	vmax.f32 v4, $0.0e+00;
	v5 =	vadd.f32 v12, v5  }
0x283: {  	v11 =	vld [tilespmem:s16+$0x10];
	[tilespmem:s10+$0xFFFFFEF0] =	vst v4  }
0x284: {  	v4 =	vadd.f32 v8, v9;
	v8 =	vld [tilespmem:s22+$0xFFFFF020];
	v5 =	vmax.f32 v5, $0.0e+00  }
0x285: {  	[tilespmem:s10+$0xFFFFFF80] =	vst v5;
	v5 =	vld [tilespmem:s22+$0x20]  }
0x286: {  	v4 =	vadd.f32 v6, v4;
	v6 =	vld [tilespmem:s22+$0xFFFFF0A0]  }
0x287: {  	v9 =	vld [tilespmem:s22+$0xA0];
	v7 =	vadd.f32 v10, v7  }
0x288: {  	v10 =	vld [tilespmem:s16+$0xFFFFFF20];
	v4 =	vmax.f32 v4, $0.0e+00  }
0x289: {  	v39 =	vld [tilespmem:s16+$0xFFFFFFA0];
	[tilespmem:s10+$0xC0] =	vst v4;
	v7 =	vadd.f32 v11, v7  }
0x28a: {  	v4 =	vld [tilespmem:s22+$0xFFFFF1C0]  }
0x28b: {  	v11 =	vld [tilespmem:s22+$0x1C0];
	v7 =	vmax.f32 v7, $0.0e+00  }
0x28c: {  	v5 =	vadd.f32 v5, v8;
	v8 =	vld [tilespmem:s16+$0xC0];
	[tilespmem:s10+$0x10] =	vst v7  }
0x28d: {  	v7 =	vld [tilespmem:s22+$0xFFFFF120]  }
0x28e: {  	v6 =	vadd.f32 v9, v6;
	v5 =	vadd.f32 v10, v5;
	v9 =	vld [tilespmem:s22+$0x120]  }
0x28f: {  	v43 =	vld [tilespmem:s12+$0x100]  }
0x290: {  	v10 =	vld [tilespmem:s16+$0x20];
	v6 =	vadd.f32 v39, v6;
	v4 =	vadd.f32 v11, v4;
	v5 =	vmax.f32 v5, $0.0e+00  }
0x291: {  	v21 =	vld [tilespmem:s12+$0xFFFFF000];
	[tilespmem:s10+$0xFFFFFF00] =	vst v5  }
0x292: {  	v5 =	vmax.f32 v6, $0.0e+00;
	v4 =	vadd.f32 v8, v4;
	v6 =	vld [tilespmem:s22+$0xFFFFF030]  }
0x293: {  	[tilespmem:s10+$0xFFFFFF90] =	vst v5;
	v5 =	vld [tilespmem:s22+$0x30];
	v7 =	vadd.f32 v9, v7  }
0x294: {  	v8 =	vld [tilespmem:s22+$0xFFFFF0B0];
	v4 =	vmax.f32 v4, $0.0e+00  }
0x295: {  	[tilespmem:s10+$0xD0] =	vst v4;
	v7 =	vadd.f32 v10, v7;
	v10 =	vld [tilespmem:s16+$0xFFFFFF30]  }
0x296: {  	v4 =	vld [tilespmem:s22+$0xFFFFF1D0]  }
0x297: {  	v9 =	vld [tilespmem:s22+$0x1D0]  }
0x298: {  	v11 =	vld [tilespmem:s16+$0xD0];
	v7 =	vmax.f32 v7, $0.0e+00  }
0x299: {  	[tilespmem:s10+$0x20] =	vst v7;
	v7 =	vld [tilespmem:s22+$0xB0]  }
0x29a: {  	v5 =	vadd.f32 v5, v6;
	v40 =	vld [tilespmem:s22+$0xFFFFF130]  }
0x29b: {  	v6 =	vld [tilespmem:s22+$0x130]  }
0x29c: {  	v5 =	vadd.f32 v10, v5;
	v4 =	vadd.f32 v9, v4;
	v9 =	vld [tilespmem:s16+$0xFFFFFFB0]  }
0x29d: {  	v44 =	vld [tilespmem:s14+$0xFFFFFF00]  }
0x29e: {  	v10 =	vld [tilespmem:s16+$0x30];
	v5 =	vmax.f32 v5, $0.0e+00;
	v4 =	vadd.f32 v11, v4  }
0x29f: {  	v22 =	vld [tilespmem:s14+$0xFFFFFF80];
	v7 =	vadd.f32 v7, v8;
	[tilespmem:s10+$0xFFFFFF10] =	vst v5  }
0x2a0: {  	v5 =	vld [tilespmem:s22+$0xFFFFF040];
	v4 =	vmax.f32 v4, $0.0e+00  }
0x2a1: {  	[tilespmem:s10+$0xE0] =	vst v4;
	v4 =	vadd.f32 v6, v40;
	v6 =	vadd.f32 v9, v7;
	v9 =	vld [tilespmem:s22+$0x40]  }
0x2a2: {  	v7 =	vld [tilespmem:s22+$0xFFFFF1E0]  }
0x2a3: {  	v8 =	vld [tilespmem:s22+$0x1E0];
	v4 =	vadd.f32 v10, v4;
	v6 =	vmax.f32 v6, $0.0e+00  }
0x2a4: {  	[tilespmem:s10+$0xFFFFFFA0] =	vst v6;
	v6 =	vld [tilespmem:s16+$0xE0]  }
0x2a5: {  	v14 =	vadd.f32 v15, v14;
	v4 =	vmax.f32 v4, $0.0e+00;
	v10 =	vld [tilespmem:s22+$0xFFFFF0C0]  }
0x2a6: {  	[tilespmem:s10+$0x30] =	vst v4;
	v4 =	vld [tilespmem:s22+$0xC0]  }
0x2a7: {  	v14 =	vadd.f32 v17, v14;
	v11 =	vld [tilespmem:s22+$0xFFFFF140]  }
0x2a8: {  	v7 =	vadd.f32 v8, v7;
	v8 =	vld [tilespmem:s16+$0xFFFFFF40]  }
0x2a9: {  	s11 =	simm.s32 $0x70A0;
	v18 =	vadd.f32 v19, v18;
	v14 =	vmax.f32 v14, $0.0e+00;
	v41 =	vld [tilespmem:s22+$0x140]  }
0x2aa: {  	[tilespmem:s11+$0x90] =	vst v14;
	v6 =	vadd.f32 v6, v7;
	v7 =	vld [tilespmem:s16+$0xFFFFFFC0]  }
0x2ab: {  	v18 =	vadd.f32 v22, v18;
	v14 =	vld [tilespmem:s12+$0xFFFFF190];
	v5 =	vadd.f32 v9, v5  }
0x2ac: {  	v9 =	vld [tilespmem:s16+$0x40]  }
0x2ad: {  	v52 =	vmax.f32 v18, $0.0e+00;
	v46 =	vld [tilespmem:s12+$0x190];
	v4 =	vadd.f32 v4, v10;
	v8 =	vadd.f32 v8, v5  }
0x2ae: {  	[tilespmem:s11+$0xFFFFFF70] =	vst v52;
	v48 =	vld [tilespmem:s14+$0x90];
	v6 =	vmax.f32 v6, $0.0e+00  }
0x2af: {  	v55 =	vld [tilespmem:s12+$0xFFFFF090];
	[tilespmem:s10+$0xF0] =	vst v6;
	v10 =	vadd.f32 v41, v11;
	v7 =	vadd.f32 v7, v4;
	v8 =	vmax.f32 v8, $0.0e+00  }
0x2b0: {  	v5 =	vld [tilespmem:s22+$0xFFFFF1F0];
	[tilespmem:s10+$0xFFFFFF20] =	vst v8  }
0x2b1: {  	v8 =	vadd.f32 v9, v10;
	v7 =	vmax.f32 v7, $0.0e+00;
	v9 =	vld [tilespmem:s22+$0xFFFFF050]  }
0x2b2: {  	[tilespmem:s10+$0xFFFFFFB0] =	vst v7;
	v7 =	vld [tilespmem:s22+$0x50]  }
0x2b3: {  	v6 =	vld [tilespmem:s22+$0x1F0]  }
0x2b4: {  	v13 =	vld [tilespmem:s16+$0xFFFFFF50]  }
0x2b5: {  	v4 =	vld [tilespmem:s16+$0xF0]  }
0x2b6: {  	v8 =	vmax.f32 v8, $0.0e+00;
	v10 =	vld [tilespmem:s22+$0xFFFFF0D0]  }
0x2b7: {  	[tilespmem:s10+$0x40] =	vst v8;
	v8 =	vld [tilespmem:s22+$0xD0];
	v7 =	vadd.f32 v7, v9  }
0x2b8: {  	v47 =	vld [tilespmem:s16+$0xFFFFFFD0]  }
0x2b9: {  	v45 =	vadd.f32 v16, v21;
	v11 =	vld [tilespmem:s22+$0xFFFFF150];
	v7 =	vadd.f32 v13, v7  }
0x2ba: {  	v42 =	vld [tilespmem:s22+$0x150]  }
0x2bb: {  	v9 =	vld [tilespmem:s14+$0x0];
	v13 =	vadd.f32 v44, v45;
	v7 =	vmax.f32 v7, $0.0e+00  }
0x2bc: {  	v8 =	vadd.f32 v8, v10;
	[tilespmem:s10+$0xFFFFFF30] =	vst v7;
	v7 =	vld [tilespmem:s16+$0x50]  }
0x2bd: {  	v50 =	vadd.f32 v46, v14;
	v13 =	vmax.f32 v13, $0.0e+00;
	v49 =	vld [tilespmem:s22+$0xFFFFF060]  }
0x2be: {  	v8 =	vadd.f32 v47, v8;
	[tilespmem:s11+$0xFFFFFEE0] =	vst v13;
	v51 =	vld [tilespmem:s22+$0x60]  }
0x2bf: {  	v13 =	vadd.f32 v48, v50;
	v53 =	vld [tilespmem:s12+$0xFFFFF010]  }
0x2c0: {  	v8 =	vmax.f32 v8, $0.0e+00;
	v54 =	vld [tilespmem:s12+$0x10]  }
0x2c1: {  	v59 =	vld [tilespmem:s14+$0xFFFFFF10];
	[tilespmem:s10+$0xFFFFFFC0] =	vst v8;
	v13 =	vmax.f32 v13, $0.0e+00  }
0x2c2: {  	v60 =	vld [tilespmem:s22+$0xFFFFF0E0];
	[tilespmem:s11+$0xA0] =	vst v13  }
0x2c3: {  	v15 =	vadd.f32 v43, v20;
	v13 =	vld [tilespmem:s12+$0xFFFFF1A0]  }
0x2c4: {  	v10 =	vld [tilespmem:s12+$0x1A0]  }
0x2c5: {  	v9 =	vadd.f32 v9, v15;
	v61 =	vld [tilespmem:s22+$0xE0]  }
0x2c6: {  	v11 =	vadd.f32 v42, v11;
	v58 =	vld [tilespmem:s14+$0xA0]  }
0x2c7: {  	v9 =	vmax.f32 v9, $0.0e+00;
	v32 =	vld [tilespmem:s16+$0xFFFFFFE0]  }
0x2c8: {  	[tilespmem:s11+$0x0] =	vst v9;
	v9 =	vld [tilespmem:s12+$0x90];
	v7 =	vadd.f32 v7, v11  }
0x2c9: {  	v56 =	vld [tilespmem:s12+$0xFFFFF110];
	v10 =	vadd.f32 v10, v13  }
0x2ca: {  	v57 =	vld [tilespmem:s12+$0x110];
	v7 =	vmax.f32 v7, $0.0e+00  }
0x2cb: {  	v8 =	vld [tilespmem:s14+$0x10];
	[tilespmem:s10+$0x50] =	vst v7;
	v7 =	vadd.f32 v54, v53;
	v10 =	vadd.f32 v58, v10  }
0x2cc: {  	v11 =	vld [tilespmem:s14+$0xFFFFFF90]  }
0x2cd: {  	v12 =	vadd.f32 v61, v60;
	v62 =	vld [tilespmem:s22+$0xFFFFF160];
	v7 =	vadd.f32 v59, v7;
	v10 =	vmax.f32 v10, $0.0e+00  }
0x2ce: {  	v63 =	vld [tilespmem:s22+$0x160];
	[tilespmem:s11+$0xB0] =	vst v10  }
0x2cf: {  	v12 =	vadd.f32 v32, v12;
	v7 =	vmax.f32 v7, $0.0e+00;
	v24 =	vld [tilespmem:s12+$0xFFFFF1B0]  }
0x2d0: {  	[tilespmem:s11+$0xFFFFFEF0] =	vst v7;
	v7 =	vld [tilespmem:s12+$0x1B0]  }
0x2d1: {  	v9 =	vadd.f32 v9, v55;
	v34 =	vld [tilespmem:s16+$0x60];
	v12 =	vmax.f32 v12, $0.0e+00  }
0x2d2: {  	[tilespmem:s10+$0xFFFFFFD0] =	vst v12;
	v25 =	vld [tilespmem:s14+$0xB0]  }
0x2d3: {  	v9 =	vadd.f32 v11, v9;
	v45 =	vld [tilespmem:s22+$0xFFFFF0F0]  }
0x2d4: {  	v18 =	vadd.f32 v57, v56;
	v46 =	vld [tilespmem:s22+$0xF0]  }
0x2d5: {  	v9 =	vmax.f32 v9, $0.0e+00;
	v11 =	vld [tilespmem:s12+$0xFFFFF020];
	v7 =	vadd.f32 v7, v24  }
0x2d6: {  	v8 =	vadd.f32 v8, v18;
	[tilespmem:s11+$0xFFFFFF80] =	vst v9;
	v9 =	vld [tilespmem:s12+$0x20]  }
0x2d7: {  	v10 =	vld [tilespmem:s16+$0xFFFFFF60];
	v7 =	vadd.f32 v25, v7  }
0x2d8: {  	v8 =	vmax.f32 v8, $0.0e+00;
	v26 =	vld [tilespmem:s12+$0xFFFFF0A0]  }
0x2d9: {  	[tilespmem:s11+$0x10] =	vst v8;
	v8 =	vld [tilespmem:s12+$0xA0];
	v7 =	vmax.f32 v7, $0.0e+00  }
0x2da: {  	v29 =	vld [tilespmem:s14+$0xFFFFFF20];
	[tilespmem:s11+$0xC0] =	vst v7  }
0x2db: {  	v7 =	vadd.f32 v9, v11;
	v9 =	vld [tilespmem:s12+$0xFFFFF1C0]  }
0x2dc: {  	v11 =	vld [tilespmem:s12+$0x1C0]  }
0x2dd: {  	v30 =	vld [tilespmem:s14+$0xFFFFFFA0];
	v15 =	vadd.f32 v63, v62  }
0x2de: {  	v14 =	vadd.f32 v51, v49;
	v33 =	vld [tilespmem:s14+$0xC0]  }
0x2df: {  	v5 =	vadd.f32 v6, v5;
	v6 =	vld [tilespmem:s16+$0xFFFFFFF0];
	v15 =	vadd.f32 v34, v15  }
0x2e0: {  	v27 =	vld [tilespmem:s12+$0xFFFFF120];
	v10 =	vadd.f32 v10, v14;
	v8 =	vadd.f32 v8, v26  }
0x2e1: {  	v28 =	vld [tilespmem:s12+$0x120];
	v44 =	vmax.f32 v15, $0.0e+00;
	v7 =	vadd.f32 v29, v7;
	v9 =	vadd.f32 v11, v9  }
0x2e2: {  	v31 =	vld [tilespmem:s14+$0x20];
	[tilespmem:s10+$0x60] =	vst v44;
	v10 =	vmax.f32 v10, $0.0e+00;
	v8 =	vadd.f32 v30, v8  }
0x2e3: {  	v47 =	vld [tilespmem:s22+$0xFFFFF170];
	[tilespmem:s10+$0xFFFFFF40] =	vst v10;
	v7 =	vmax.f32 v7, $0.0e+00;
	v9 =	vadd.f32 v33, v9  }
0x2e4: {  	v8 =	vmax.f32 v8, $0.0e+00;
	v43 =	vld [tilespmem:s22+$0x70];
	[tilespmem:s11+$0xFFFFFF00] =	vst v7  }
0x2e5: {  	[tilespmem:s11+$0xFFFFFF90] =	vst v8;
	v35 =	vld [tilespmem:s12+$0xFFFFF030];
	v9 =	vmax.f32 v9, $0.0e+00  }
0x2e6: {  	v10 =	vadd.f32 v28, v27;
	v8 =	vld [tilespmem:s12+$0x30];
	[tilespmem:s11+$0xD0] =	vst v9  }
0x2e7: {  	v9 =	vld [tilespmem:s12+$0xFFFFF1D0]  }
0x2e8: {  	v10 =	vadd.f32 v31, v10;
	v38 =	vld [tilespmem:s12+$0x1D0]  }
0x2e9: {  	v39 =	vld [tilespmem:s14+$0xFFFFFF30]  }
0x2ea: {  	v10 =	vmax.f32 v10, $0.0e+00;
	v40 =	vld [tilespmem:s14+$0xD0]  }
0x2eb: {  	[tilespmem:s11+$0x20] =	vst v10;
	v10 =	vld [tilespmem:s12+$0xB0]  }
0x2ec: {  	v11 =	vld [tilespmem:s12+$0xFFFFF0B0];
	v8 =	vadd.f32 v8, v35  }
0x2ed: {  	v41 =	vld [tilespmem:s14+$0xFFFFFFB0];
	v9 =	vadd.f32 v38, v9  }
0x2ee: {  	v36 =	vld [tilespmem:s12+$0xFFFFF130];
	v8 =	vadd.f32 v39, v8  }
0x2ef: {  	v37 =	vld [tilespmem:s12+$0x130];
	v9 =	vadd.f32 v40, v9  }
0x2f0: {  	v42 =	vld [tilespmem:s14+$0x30];
	v8 =	vmax.f32 v8, $0.0e+00  }
0x2f1: {  	v7 =	vld [tilespmem:s22+$0xFFFFF070];
	v10 =	vadd.f32 v10, v11;
	[tilespmem:s11+$0xFFFFFF10] =	vst v8;
	v8 =	vmax.f32 v9, $0.0e+00  }
0x2f2: {  	v11 =	vld [tilespmem:s12+$0xFFFFF040];
	[tilespmem:s11+$0xE0] =	vst v8  }
0x2f3: {  	v10 =	vadd.f32 v41, v10;
	v48 =	vld [tilespmem:s12+$0xFFFFF1E0]  }
0x2f4: {  	v49 =	vld [tilespmem:s12+$0x1E0]  }
0x2f5: {  	v10 =	vmax.f32 v10, $0.0e+00;
	v50 =	vld [tilespmem:s12+$0x40];
	v8 =	vadd.f32 v37, v36  }
0x2f6: {  	[tilespmem:s11+$0xFFFFFFA0] =	vst v10;
	v10 =	vld [tilespmem:s14+$0xE0]  }
0x2f7: {  	v51 =	vld [tilespmem:s12+$0xFFFFF0C0];
	v8 =	vadd.f32 v42, v8  }
0x2f8: {  	v54 =	vld [tilespmem:s14+$0xFFFFFF40]  }
0x2f9: {  	v55 =	vld [tilespmem:s14+$0xFFFFFFC0];
	v8 =	vmax.f32 v8, $0.0e+00;
	v16 =	vadd.f32 v49, v48  }
0x2fa: {  	[tilespmem:s11+$0x30] =	vst v8;
	v8 =	vld [tilespmem:s12+$0xC0]  }
0x2fb: {  	v52 =	vld [tilespmem:s12+$0xFFFFF140];
	v10 =	vadd.f32 v10, v16  }
0x2fc: {  	v53 =	vld [tilespmem:s12+$0x140]  }
0x2fd: {  	v56 =	vld [tilespmem:s14+$0x40];
	v10 =	vmax.f32 v10, $0.0e+00  }
0x2fe: {  	v11 =	vadd.f32 v50, v11;
	[tilespmem:s11+$0xF0] =	vst v10;
	v10 =	vld [tilespmem:s16+$0xFFFFFF70]  }
0x2ff: {  	v57 =	vld [tilespmem:s12+$0xFFFFF1F0]  }
0x300: {  	v11 =	vadd.f32 v54, v11;
	v8 =	vadd.f32 v8, v51;
	v58 =	vld [tilespmem:s12+$0x1F0]  }
0x301: {  	v9 =	vld [tilespmem:s22+$0x170]  }
0x302: {  	v11 =	vmax.f32 v11, $0.0e+00;
	v18 =	vadd.f32 v53, v52;
	v8 =	vadd.f32 v55, v8;
	v59 =	vld [tilespmem:s14+$0xF0]  }
0x303: {  	v4 =	vadd.f32 v4, v5;
	v5 =	vadd.f32 v43, v7;
	[tilespmem:s11+$0xFFFFFF20] =	vst v11;
	v11 =	vld [tilespmem:s16+$0x70]  }
0x304: {  	v7 =	vadd.f32 v46, v45;
	v61 =	vld [tilespmem:s12+$0xFFFFF050];
	v60 =	vadd.f32 v56, v18;
	v8 =	vmax.f32 v8, $0.0e+00  }
0x305: {  	v4 =	vmax.f32 v4, $0.0e+00;
	v62 =	vld [tilespmem:s12+$0x50];
	[tilespmem:s11+$0xFFFFFFB0] =	vst v8;
	v10 =	vadd.f32 v10, v5;
	v8 =	vadd.f32 v58, v57  }
0x306: {  	[tilespmem:s10+$0x100] =	vst v4;
	v63 =	vadd.f32 v6, v7;
	v4 =	vadd.f32 v9, v47;
	v9 =	vmax.f32 v60, $0.0e+00;
	v5 =	vld [tilespmem:s12+$0xFFFFF0D0]  }
0x307: {  	[tilespmem:s11+$0x40] =	vst v9;
	v7 =	vld [tilespmem:s12+$0xD0];
	v6 =	vmax.f32 v10, $0.0e+00;
	v9 =	vadd.f32 v59, v8  }
0x308: {  	v4 =	vadd.f32 v11, v4;
	v10 =	vmax.f32 v63, $0.0e+00;
	[tilespmem:s10+$0xFFFFFF50] =	vst v6;
	v6 =	vld [tilespmem:s12+$0xFFFFF150]  }
0x309: {  	v8 =	vld [tilespmem:s12+$0x150];
	[tilespmem:s10+$0xFFFFFFE0] =	vst v10;
	v11 =	vmax.f32 v9, $0.0e+00  }
0x30a: {  	s23 =	simm.s32 $0x2140;
	s22 =	simm.s32 $0x4;
	s16 =	simm.s32 $0x5040;
	v4 =	vmax.f32 v4, $0.0e+00;
	v10 =	vld [tilespmem:s14+$0xFFFFFF50];
	v9 =	vadd.f32 v62, v61;
	[tilespmem:s11+$0x100] =	vst v11  }
.LBB2_16:
0x30b: {  	v11 =	vld [tilespmem:s23+$0xFFFFF180];
	[tilespmem:s10+$0x70] =	vst v4;
	s10 =	smov.u32 s11  }
0x30c: {  	v5 =	vadd.f32 v7, v5;
	v4 =	vld [tilespmem:s23+$0x180]  }
0x30d: {  	s14 =	sadd.s32 $0x200, s14;
	v7 =	vld [tilespmem:s23+$0x0]  }
0x30e: {  	v6 =	vadd.f32 v8, v6;
	v12 =	vld [tilespmem:s14+$0x80]  }
0x30f: {  	v9 =	vadd.f32 v10, v9;
	v8 =	vld [tilespmem:s23+$0xFFFFF080]  }
0x310: {  	v10 =	vld [tilespmem:s23+$0x80]  }
0x311: {  	v9 =	vmax.f32 v9, $0.0e+00;
	v13 =	vld [tilespmem:s23+$0xFFFFF100];
	v4 =	vadd.f32 v4, v11  }
0x312: {  	v11 =	vld [tilespmem:s23+$0x100];
	[tilespmem:s11+$0xFFFFFF30] =	vst v9  }
0x313: {  	s22 =	sadd.s32 $0x4, s22;
	v9 =	vld [tilespmem:s23+$0xFFFFF000];
	v4 =	vadd.f32 v12, v4  }
0x314: {  	p0 =	slt.u32 s22, $0x1C;
	v12 =	vld [tilespmem:s14+$0xFFFFFF00]  }
0x315: {  	s11 =	sadd.s32 $0x240, s11;
	v8 =	vadd.f32 v10, v8;
	v10 =	vld [tilespmem:s14+$0xFFFFFF80];
	v4 =	vmax.f32 v4, $0.0e+00  }
0x316: {  	v14 =	vld [tilespmem:s14+$0x0];
	[tilespmem:s11+$0x90] =	vst v4  }
0x317: {  	v4 =	vadd.f32 v11, v13;
	v11 =	vld [tilespmem:s23+$0xFFFFF190]  }
0x318: {  	v7 =	vadd.f32 v7, v9;
	v9 =	vld [tilespmem:s23+$0x190]  }
0x319: {  	v13 =	vld [tilespmem:s16+$0xFFFFFFD0]  }
0x31a: {  	v7 =	vadd.f32 v12, v7;
	v8 =	vadd.f32 v10, v8;
	v10 =	vld [tilespmem:s14+$0x90]  }
0x31b: {  	v4 =	vadd.f32 v14, v4;
	v12 =	vld [tilespmem:s16+$0x50]  }
0x31c: {  	v7 =	vmax.f32 v7, $0.0e+00;
	v8 =	vmax.f32 v8, $0.0e+00;
	v14 =	vld [tilespmem:s12+$0xFFFFF060]  }
0x31d: {  	[tilespmem:s11+$0xFFFFFEE0] =	vst v7;
	v4 =	vmax.f32 v4, $0.0e+00;
	v7 =	vadd.f32 v9, v11;
	v9 =	vld [tilespmem:s12+$0x60]  }
0x31e: {  	v11 =	vld [tilespmem:s23+$0xFFFFF010];
	[tilespmem:s11+$0xFFFFFF70] =	vst v8;
	v5 =	vadd.f32 v13, v5  }
0x31f: {  	v8 =	vld [tilespmem:s23+$0x10];
	[tilespmem:s11+$0x0] =	vst v4;
	v4 =	vadd.f32 v10, v7  }
0x320: {  	v7 =	vld [tilespmem:s23+$0xFFFFF090];
	v5 =	vmax.f32 v5, $0.0e+00;
	v6 =	vadd.f32 v12, v6  }
0x321: {  	v10 =	vld [tilespmem:s23+$0x90];
	v4 =	vmax.f32 v4, $0.0e+00;
	[tilespmem:s10+$0xFFFFFFC0] =	vst v5  }
0x322: {  	v5 =	vld [tilespmem:s23+$0xFFFFF110];
	[tilespmem:s11+$0xA0] =	vst v4;
	v4 =	vadd.f32 v9, v14;
	v6 =	vmax.f32 v6, $0.0e+00  }
0x323: {  	v9 =	vld [tilespmem:s23+$0xFFFFF1A0];
	[tilespmem:s10+$0x50] =	vst v6  }
0x324: {  	v6 =	vadd.f32 v8, v11;
	v8 =	vld [tilespmem:s23+$0x1A0]  }
0x325: {  	v11 =	vld [tilespmem:s23+$0x110]  }
0x326: {  	v7 =	vadd.f32 v10, v7;
	v10 =	vld [tilespmem:s14+$0xA0]  }
0x327: {  	v12 =	vld [tilespmem:s14+$0xFFFFFF10]  }
0x328: {  	v13 =	vld [tilespmem:s14+$0xFFFFFF90]  }
0x329: {  	v14 =	vld [tilespmem:s14+$0x10];
	v8 =	vadd.f32 v8, v9  }
0x32a: {  	v5 =	vadd.f32 v11, v5;
	v9 =	vld [tilespmem:s12+$0xFFFFF0E0]  }
0x32b: {  	v8 =	vadd.f32 v10, v8;
	v10 =	vld [tilespmem:s12+$0xE0]  }
0x32c: {  	v6 =	vadd.f32 v12, v6;
	v11 =	vld [tilespmem:s12+$0xFFFFF160]  }
0x32d: {  	v7 =	vadd.f32 v13, v7;
	v8 =	vmax.f32 v8, $0.0e+00;
	v12 =	vld [tilespmem:s12+$0x160]  }
0x32e: {  	v6 =	vmax.f32 v6, $0.0e+00;
	v5 =	vadd.f32 v14, v5;
	[tilespmem:s11+$0xB0] =	vst v8;
	v8 =	vld [tilespmem:s16+$0xFFFFFF60]  }
0x32f: {  	[tilespmem:s11+$0xFFFFFEF0] =	vst v6;
	v6 =	vmax.f32 v7, $0.0e+00;
	v7 =	vld [tilespmem:s23+$0xFFFFF1B0]  }
0x330: {  	[tilespmem:s11+$0xFFFFFF80] =	vst v6;
	v5 =	vmax.f32 v5, $0.0e+00;
	v6 =	vld [tilespmem:s23+$0x1B0];
	v9 =	vadd.f32 v10, v9  }
0x331: {  	v10 =	vld [tilespmem:s23+$0xFFFFF020];
	[tilespmem:s11+$0x10] =	vst v5  }
0x332: {  	v5 =	vld [tilespmem:s14+$0xB0];
	v11 =	vadd.f32 v12, v11  }
0x333: {  	v12 =	vld [tilespmem:s23+$0x20];
	v4 =	vadd.f32 v8, v4  }
0x334: {  	v8 =	vld [tilespmem:s23+$0xFFFFF0A0]  }
0x335: {  	v13 =	vld [tilespmem:s23+$0xA0];
	v6 =	vadd.f32 v6, v7;
	v4 =	vmax.f32 v4, $0.0e+00  }
0x336: {  	v7 =	vld [tilespmem:s23+$0xFFFFF120];
	[tilespmem:s10+$0xFFFFFF40] =	vst v4  }
0x337: {  	v4 =	vld [tilespmem:s23+$0x120];
	v5 =	vadd.f32 v5, v6  }
0x338: {  	v6 =	vadd.f32 v12, v10;
	v10 =	vld [tilespmem:s14+$0xFFFFFF20]  }
0x339: {  	v12 =	vld [tilespmem:s14+$0xFFFFFFA0];
	v5 =	vmax.f32 v5, $0.0e+00  }
0x33a: {  	v8 =	vadd.f32 v13, v8;
	v13 =	vld [tilespmem:s14+$0x20];
	[tilespmem:s11+$0xC0] =	vst v5  }
0x33b: {  	v5 =	vld [tilespmem:s23+$0xFFFFF1C0]  }
0x33c: {  	v4 =	vadd.f32 v4, v7;
	v7 =	vld [tilespmem:s23+$0x1C0]  }
0x33d: {  	v6 =	vadd.f32 v10, v6;
	v10 =	vld [tilespmem:s16+$0xFFFFFFE0]  }
0x33e: {  	v8 =	vadd.f32 v12, v8;
	v12 =	vld [tilespmem:s14+$0xC0]  }
0x33f: {  	v6 =	vmax.f32 v6, $0.0e+00;
	v4 =	vadd.f32 v13, v4;
	v13 =	vld [tilespmem:s16+$0x60]  }
0x340: {  	[tilespmem:s11+$0xFFFFFF00] =	vst v6;
	v6 =	vmax.f32 v8, $0.0e+00;
	v8 =	vld [tilespmem:s12+$0xFFFFF070]  }
0x341: {  	v14 =	vld [tilespmem:s23+$0xFFFFF030];
	[tilespmem:s11+$0xFFFFFF90] =	vst v6;
	v4 =	vmax.f32 v4, $0.0e+00;
	v5 =	vadd.f32 v7, v5  }
0x342: {  	v6 =	vld [tilespmem:s23+$0x30];
	[tilespmem:s11+$0x20] =	vst v4;
	v4 =	vadd.f32 v10, v9  }
0x343: {  	v7 =	vld [tilespmem:s23+$0xFFFFF0B0];
	v5 =	vadd.f32 v12, v5  }
0x344: {  	v9 =	vld [tilespmem:s23+$0xB0];
	v4 =	vmax.f32 v4, $0.0e+00;
	v10 =	vadd.f32 v13, v11  }
0x345: {  	v11 =	vld [tilespmem:s23+$0xFFFFF130];
	v5 =	vmax.f32 v5, $0.0e+00;
	[tilespmem:s10+$0xFFFFFFD0] =	vst v4  }
0x346: {  	v4 =	vld [tilespmem:s23+$0x130];
	[tilespmem:s11+$0xD0] =	vst v5;
	v5 =	vmax.f32 v10, $0.0e+00  }
0x347: {  	v6 =	vadd.f32 v6, v14;
	v10 =	vld [tilespmem:s23+$0xFFFFF1D0];
	[tilespmem:s10+$0x60] =	vst v5  }
0x348: {  	v5 =	vld [tilespmem:s23+$0x1D0]  }
0x349: {  	v12 =	vld [tilespmem:s14+$0xFFFFFF30];
	v7 =	vadd.f32 v9, v7  }
0x34a: {  	v9 =	vld [tilespmem:s14+$0xD0]  }
0x34b: {  	v13 =	vld [tilespmem:s14+$0xFFFFFFB0];
	v4 =	vadd.f32 v4, v11  }
0x34c: {  	v11 =	vld [tilespmem:s14+$0x30]  }
0x34d: {  	v5 =	vadd.f32 v5, v10;
	v10 =	vld [tilespmem:s12+$0x70]  }
0x34e: {  	v6 =	vadd.f32 v12, v6;
	v12 =	vld [tilespmem:s12+$0xFFFFF0F0]  }
0x34f: {  	v5 =	vadd.f32 v9, v5;
	v9 =	vld [tilespmem:s12+$0xF0]  }
0x350: {  	v6 =	vmax.f32 v6, $0.0e+00;
	v7 =	vadd.f32 v13, v7;
	v13 =	vld [tilespmem:s12+$0xFFFFF170]  }
0x351: {  	[tilespmem:s11+$0xFFFFFF10] =	vst v6;
	v4 =	vadd.f32 v11, v4;
	v5 =	vmax.f32 v5, $0.0e+00;
	v6 =	vld [tilespmem:s12+$0x170];
	s12 =	smov.u32 s23  }
0x352: {  	v11 =	vld [tilespmem:s23+$0xFFFFF040];
	v7 =	vmax.f32 v7, $0.0e+00;
	[tilespmem:s11+$0xE0] =	vst v5;
	v5 =	vadd.f32 v10, v8  }
0x353: {  	[tilespmem:s11+$0xFFFFFFA0] =	vst v7;
	v4 =	vmax.f32 v4, $0.0e+00;
	v7 =	vld [tilespmem:s23+$0xFFFFF1E0]  }
0x354: {  	[tilespmem:s11+$0x30] =	vst v4;
	v4 =	vld [tilespmem:s23+$0x1E0];
	v8 =	vadd.f32 v9, v12  }
0x355: {  	v9 =	vld [tilespmem:s23+$0x40]  }
0x356: {  	v10 =	vld [tilespmem:s14+$0xE0];
	v12 =	vadd.f32 v6, v13  }
0x357: {  	v6 =	vld [tilespmem:s23+$0xFFFFF0C0]  }
0x358: {  	v13 =	vld [tilespmem:s23+$0xC0]  }
0x359: {  	v14 =	vld [tilespmem:s23+$0xFFFFF140];
	v4 =	vadd.f32 v4, v7  }
0x35a: {  	v7 =	vadd.f32 v9, v11;
	v9 =	vld [tilespmem:s23+$0x140]  }
0x35b: {  	v11 =	vld [tilespmem:s14+$0xFFFFFF40];
	v4 =	vadd.f32 v10, v4  }
0x35c: {  	v10 =	vld [tilespmem:s14+$0xFFFFFFC0]  }
0x35d: {  	v6 =	vadd.f32 v13, v6;
	v13 =	vld [tilespmem:s14+$0x40];
	v4 =	vmax.f32 v4, $0.0e+00  }
0x35e: {  	[tilespmem:s11+$0xF0] =	vst v4;
	v4 =	vld [tilespmem:s16+$0xFFFFFF70]  }
0x35f: {  	v9 =	vadd.f32 v9, v14;
	v14 =	vld [tilespmem:s23+$0xFFFFF1F0]  }
0x360: {  	v7 =	vadd.f32 v11, v7;
	v11 =	vld [tilespmem:s23+$0x1F0]  }
0x361: {  	v6 =	vadd.f32 v10, v6;
	v10 =	vld [tilespmem:s16+$0xFFFFFFF0]  }
0x362: {  	v7 =	vmax.f32 v7, $0.0e+00;
	v9 =	vadd.f32 v13, v9;
	v13 =	vld [tilespmem:s14+$0xF0]  }
0x363: {  	[tilespmem:s11+$0xFFFFFF20] =	vst v7;
	v6 =	vmax.f32 v6, $0.0e+00;
	v4 =	vadd.f32 v4, v5;
	v15 =	vld [tilespmem:s16+$0x70];
	s16 =	smov.u32 s14  }
0x364: {  	v16 =	vld [tilespmem:s23+$0xFFFFF050];
	[tilespmem:s11+$0xFFFFFFB0] =	vst v6;
	v5 =	vmax.f32 v9, $0.0e+00  }
0x365: {  	v9 =	vld [tilespmem:s23+$0x50];
	[tilespmem:s11+$0x40] =	vst v5;
	v6 =	vadd.f32 v11, v14;
	v4 =	vmax.f32 v4, $0.0e+00  }
.Ltmp14:
0x366: {  	v5 =	vld [tilespmem:s23+$0xFFFFF0D0];
	[tilespmem:s10+$0xFFFFFF50] =	vst v4;
	v4 =	vadd.f32 v10, v8;
	(pc) =	sbr.rel @p0 .LBB2_16-.Ltmp14, $4  }
0x367: {  	v7 =	vld [tilespmem:s23+$0xD0];
	v10 =	vadd.f32 v13, v6  }
0x368: {  	v6 =	vld [tilespmem:s23+$0xFFFFF150];
	v4 =	vmax.f32 v4, $0.0e+00;
	v11 =	vadd.f32 v15, v12  }
0x369: {  	v8 =	vld [tilespmem:s23+$0x150];
	v12 =	vmax.f32 v10, $0.0e+00;
	[tilespmem:s10+$0xFFFFFFE0] =	vst v4  }
0x36a: {  	s23 =	sadd.s32 $0x200, s23;
	v9 =	vadd.f32 v9, v16;
	v10 =	vld [tilespmem:s14+$0xFFFFFF50];
	[tilespmem:s11+$0x100] =	vst v12;
	v4 =	vmax.f32 v11, $0.0e+00  }
.Ltmp15:
0x36b: {  	_ = 	snop;
	(pc) =	sbr.rel .LBB2_17-.Ltmp15, $1  }
0x36c: {  	_ =	sdelay $0x3  }
.LBB2_23:
0x36d: {  	_ =	sfence.sel $0x180000  }
0x36e: {  	[bflag:$0x0] =	sbarrier.arrive $0xFFFF  }
0x36f: {  	_ =	strace $0x9000004A  }
0x370: {  	s0 =	stileid.u32;
	[bflag:$0x2] =	sbarrier.arrive $0xFFFF  }
0x371: {  	p0 =	sne.s32 s0, $0x0;
	s0 =	rddreg [dreg:$0x2]  }
0x372: {  	s0 =	sadd.s32 @!p0 $0x100000, s0  }
0x373: {  	[sflag:s0] =	ssyncadd.tile.s32 @!p0 $0x1;
	_ =	shalt  }
.Lfunc_end2:
_tile_overlayer_lowered:
.L_overlay_start_2:
0x374: {  	(tag) =	ssettag $0x2  }
0x375: {  	s0 =	rddreg [dreg:$0x0];
	s2 =	stileid.u32  }
0x376: {  	s1 =	rddreg [dreg:$0x1];
	p0 =	sne.s32 s2, $0x0  }
0x377: {  	s3 =	rddreg [dreg:$0x2];
	[bflag:$0x3] =	sbarrier.arrive $0xFFFF;
	s2 =	simm.s32 @!p0 $0x1C09  }
0x378: {  	[timem:s3], [sflag:s2] =	dma.local @!p0 [hbm:s0], s1  }
0x379: {  	s0 =	simm.s32 @!p0 $0x9  }
0x37a: {  	_ =	swait.ge @!p0 [sflag:s0], s1  }
0x37b: {  	s1 =	ssub.s32 @!p0 $0x0, s1;
	[sflag:s0] =	ssyncset.done @!p0 $0x0  }
0x37c: {  	[sflag:s0] =	ssyncadd.s32 @!p0 s1  }
0x37d: {  	[bflag:$0x3] =	sbarrier.arrive $0xFFFF  }
0x37e: {  	_ =	shalt  }

// kernel: kernel.8.cloned.1.call-start
scs
__scs_entry_jumppad:
0x0: {  	(pc) =	sbr.rel $0x88, $3  }
0x1: {  	(tag) =	ssettag $0x0;
	lr =	simm.s32 $0x1  }
0x2: {  	[smem:$0x3F92] =	sst lr;
	_ =	strace $0xD0000000  }
0x3: {  	_ = 	snop  }
0x4: {  	_ = 	snop  }
0x5: {  	_ = 	snop  }
0x6: {  	_ = 	snop  }
0x7: {  	_ = 	snop  }
__scs_overlays_trampoline_lowered:
0x8: {  	[smem:$0x3FA1] =	sst s0  }
0x9: {  	[smem:$0x3FA2] =	sst s1  }
0xa: {  	[smem:$0x3FA3] =	sst s2  }
0xb: {  	[smem:$0x3FA4] =	sst s3  }
0xc: {  	[smem:$0x3FA5] =	sst s4  }
0xd: {  	[smem:$0x3FA6] =	sst s5  }
0xe: {  	[smem:$0x3FA7] =	sst s6  }
0xf: {  	[smem:$0x3FA8] =	sst s7  }
0x10: {  	[smem:$0x3FA9] =	sst s8  }
0x11: {  	[smem:$0x3FAA] =	sst s9;
	s0 =	simm.s32 @!p0 $0x0  }
0x12: {  	s1 =	sld [smem:$0x3F90];
	s0 =	simm.s32 @p0 $0x1  }
0x13: {  	[smem:$0x3FAB] =	sst s0;
	s0 =	simm.s32 @!p1 $0x0  }
0x14: {  	s2 =	sld [smem:$0x3F8F];
	s0 =	simm.s32 @p1 $0x1  }
0x15: {  	[smem:$0x3FAC] =	sst s0;
	s0 =	simm.s32 @!p2 $0x0  }
0x16: {  	s3 =	sld [smem:$0x3FDB];
	s0 =	simm.s32 @p2 $0x1  }
0x17: {  	s4 =	simm.s32 $0x1BF5;
	[smem:$0x3FAE] =	sst s0  }
0x18: {  	s0 =	sld [smem:$0x3F91];
	_ =	swait.ge [sflag:s4], $0x0  }
0x19: {  	s7 =	sld [smem:$0x3F92]  }
0x1a: {  	s8 =	sadd.s32 $0xFFFFE003, lr  }
0x1b: {  	s9 =	sadd.s32 $0xFFFFFEF7, lr;
	s5 =	simm.s32 $0xFFFFFFFF;
	p2 =	slt.u32 s8, $0xFFFFF086  }
0x1c: {  	p1 =	slt.u32 s9, $0xF7A;
	s5 =	simm.s32 @!p2 $0x0  }
0x1d: {  	s5 =	simm.s32 @p1 $0x1;
	p0 =	seq.s32 s7, s2  }
0x1e: {  	s7 =	smul.u32 @!p0 $0xF7A, s2;
	p2 =	seq.s32 @!p0 s5, $0x0  }
0x1f: {  	s9 =	smul.u32 $0xF7A, s1;
	s8 =	simm.s32 @!p0 $0x1BF5;
	p2 =	por !p2, p0  }
0x20: {  	[sflag:s8] =	ssyncset.s32 @!p0 $0xFFFFF086;
	s6 =	sadd.s32 @!p0 s3, s7;
	s7 =	simm.s32 @!p0 $0x108  }
0x21: {  	s3 =	sadd.s32 s3, s9;
	s6 =	sadd.s32 @!p0 $0x88, s6;
	s7 =	simm.s32 @p2 $0x1082  }
0x22: {  	[simem:s7], [sflag:s8] =	dma.local @!p0 [hbm:s6], $0xF7A  }
0x23: {  	s9 =	sor.u32 $0xD0000000, s2;
	s6 =	simm.s32 $0x108;
	_ =	swait.ge @!p0 [sflag:s8], $0x0  }
0x24: {  	s3 =	sadd.s32 $0x88, s3;
	s6 =	simm.s32 @!p1 $0x1082;
	[sflag:s4] =	ssyncset.s32 $0xFFFFF086  }
0x25: {  	[simem:s6], [sflag:s4] =	dma.local [hbm:s3], $0xF7A  }
0x26: {  	[smem:$0x3F92] =	sst s1;
	(tag) =	ssettag s2;
	_ =	strace s9  }
0x27: {  	s1 =	sld [smem:$0x3FA2]  }
0x28: {  	s2 =	sld [smem:$0x3FA3]  }
0x29: {  	s4 =	sld [smem:$0x3FA5]  }
0x2a: {  	p0 =	seq.s32 s5, $0x0;
	s5 =	sld [smem:$0x3FA6]  }
0x2b: {  	s6 =	sld [smem:$0x3FA7]  }
0x2c: {  	s7 =	sld [smem:$0x3FA8]  }
0x2d: {  	s3 =	simm.s32 $0x108;
	s8 =	sld [smem:$0x3FA9]  }
0x2e: {  	s3 =	simm.s32 @!p0 $0x1082;
	s9 =	sld [smem:$0x3FAA]  }
0x2f: {  	lr =	sadd.s32 s0, s3;
	s0 =	sld [smem:$0x3FA1]  }
0x30: {  	s3 =	sld [smem:$0x3FA4]  }
0x31: {  	[smem:$0x3FAD] =	sst s10  }
0x32: {  	s10 =	sld [smem:$0x3FAB];
	_ =	sdelay $0x3  }
0x33: {  	p0 =	seq.s32 s10, $0x1;
	s10 =	sld [smem:$0x3FAD];
	_ =	sdelay $0x3  }
0x34: {  	[smem:$0x3FAD] =	sst s10  }
0x35: {  	s10 =	sld [smem:$0x3FAC];
	_ =	sdelay $0x3  }
0x36: {  	p1 =	seq.s32 s10, $0x1;
	s10 =	sld [smem:$0x3FAD];
	_ =	sdelay $0x3  }
0x37: {  	[smem:$0x3FAD] =	sst s10  }
0x38: {  	s10 =	sld [smem:$0x3FAE]  }
0x39: {  	_ = 	snop;
	(pc) =	sbr.ind lr, $3  }
0x3a: {  	_ = 	snop  }
0x3b: {  	_ = 	snop  }
0x3c: {  	p2 =	seq.s32 s10, $0x1;
	s10 =	sld [smem:$0x3FAD]  }
0x3d: {  	_ =	shalt  }
0x3e: {  	_ =	shalt  }
0x3f: {  	_ =	shalt  }
0x40: {  	_ =	shalt  }
0x41: {  	_ =	shalt  }
0x42: {  	_ =	shalt  }
0x43: {  	_ =	shalt  }
0x44: {  	_ =	shalt  }
0x45: {  	_ =	shalt  }
0x46: {  	_ =	shalt  }
0x47: {  	_ =	shalt  }
0x48: {  	_ =	shalt  }
0x49: {  	_ =	shalt  }
0x4a: {  	_ =	shalt  }
0x4b: {  	_ =	shalt  }
0x4c: {  	_ =	shalt  }
0x4d: {  	_ =	shalt  }
0x4e: {  	_ =	shalt  }
0x4f: {  	_ =	shalt  }
0x50: {  	_ =	shalt  }
0x51: {  	_ =	shalt  }
0x52: {  	_ =	shalt  }
0x53: {  	_ =	shalt  }
0x54: {  	_ =	shalt  }
0x55: {  	_ =	shalt  }
0x56: {  	_ =	shalt  }
0x57: {  	_ =	shalt  }
0x58: {  	_ =	shalt  }
0x59: {  	_ =	shalt  }
0x5a: {  	_ =	shalt  }
0x5b: {  	_ =	shalt  }
0x5c: {  	_ =	shalt  }
0x5d: {  	_ =	shalt  }
0x5e: {  	_ =	shalt  }
0x5f: {  	_ =	shalt  }
0x60: {  	_ =	shalt  }
0x61: {  	_ =	shalt  }
0x62: {  	_ =	shalt  }
0x63: {  	_ =	shalt  }
0x64: {  	_ =	shalt  }
0x65: {  	_ =	shalt  }
0x66: {  	_ =	shalt  }
0x67: {  	_ =	shalt  }
0x68: {  	_ =	shalt  }
0x69: {  	_ =	shalt  }
0x6a: {  	_ =	shalt  }
0x6b: {  	_ =	shalt  }
0x6c: {  	_ =	shalt  }
0x6d: {  	_ =	shalt  }
0x6e: {  	_ =	shalt  }
0x6f: {  	_ =	shalt  }
0x70: {  	_ =	shalt  }
0x71: {  	_ =	shalt  }
0x72: {  	_ =	shalt  }
0x73: {  	_ =	shalt  }
0x74: {  	_ =	shalt  }
0x75: {  	_ =	shalt  }
0x76: {  	_ =	shalt  }
0x77: {  	_ =	shalt  }
0x78: {  	_ =	shalt  }
0x79: {  	_ =	shalt  }
0x7a: {  	_ =	shalt  }
0x7b: {  	_ =	shalt  }
0x7c: {  	_ =	shalt  }
0x7d: {  	_ =	shalt  }
0x7e: {  	_ =	shalt  }
0x7f: {  	_ =	shalt  }
0x80: {  	_ =	shalt  }
0x81: {  	_ =	shalt  }
0x82: {  	_ =	shalt  }
0x83: {  	_ =	shalt  }
0x84: {  	_ =	shalt  }
0x85: {  	_ =	shalt  }
0x86: {  	_ =	shalt  }
0x87: {  	_ =	shalt  }
.Lfunc_end0:
.L_simem_size_0:
called_computation_lowered:
.L_overlay_start_0:
0x88: {  	s2 =	sld [smem:$0x3FD9]  }
0x89: {  	s3 =	sld [smem:$0x3FFE];
	_ =	sdelay $0x1  }
0x8a: {  	s1 =	srdreg.scid  }
0x8b: {  	s0 =	sand.u32 $0x1, s1  }
0x8c: {  	s17 =	sshll.u32 s0, $0xA;
	s2 =	sadd.s32 s3, s2  }
0x8d: {  	s2 =	sadd.s32 s2, s17  }
0x8e: {  	[smem:$0x3FB9] =	sst s2  }
0x8f: {  	_ = 	snop  }
0x90: {  	s2 =	sld [smem:$0x3FD0];
	(tm) =	ssettm $0x1  }
0x91: {  	s18 =	sld [smem:$0x3FFB];
	_ =	sdelay $0x3  }
0x92: {  	_ =	strace s18  }
0x93: {  	s3 =	sld [smem:$0x3FFC];
	_ =	sdelay $0x3  }
0x94: {  	_ =	strace s3  }
0x95: {  	s3 =	sld [smem:$0x3FFD];
	_ =	sdelay $0x3  }
0x96: {  	_ =	strace s3  }
0x97: {  	_ =	strace $0x8FFFFFFF  }
0x98: {  	s19 =	sld [smem:$0x3FDB];
	_ =	sdelay $0x1  }
0x99: {  	s4 =	simm.s32 $_scs_section_size  }
0x9a: {  	s5 =	simm.s32 $_size__tile_overlayer_lowered;
	s6 =	simm.s32 $_tile_overlayer_lowered  }
0x9b: {  	s22 =	simm.s32 $0x1BFF;
	s21 =	sshll.u32 s6, $0x1;
	s3 =	sadd.s32 s4, s19  }
0x9c: {  	s7 =	simm.s32 $0x0;
	s20 =	sshll.u32 s5, $0x1;
	s5 =	sadd.s32 s21, s3  }
0x9d: {  	[timem:s7], [sflag:s22] =	dma.local [hbm:s5], s20  }
0x9e: {  	_ =	swait.ge [sflag:s22], s20  }
0x9f: {  	s4 =	ssub.s32 $0x0, s20;
	[sflag:s22] =	ssyncset.done $0x0  }
0xa0: {  	[sflag:s22] =	ssyncadd.s32 s4;
	_ =	sdelay $0x1  }
0xa1: {  	s23 =	simm.s32 $0x1B8B  }
0xa2: {  	_ =	swait.ge [sflag:s23], $0x1  }
0xa3: {  	[sflag:s23] =	ssyncset.done $0x0  }
0xa4: {  	s25 =	simm.s32 $0x1B8E;
	s24 =	sld [smem:$0x3FFE];
	[sflag:s23] =	ssyncadd.s32 $0xFFFFFFFF  }
0xa5: {  	s26 =	simm.s32 $execute0_lowered;
	[smem:$0x3FD2] =	sst s25  }
0xa6: {  	s5 =	sshll.u32 s26, $0x1;
	_ =	strace $0x80000046;
	[dreg:$0x1] =	wrdreg $0xFFFFFFFF  }
0xa7: {  	s28 =	simm.s32 $_size_execute0_lowered;
	s3 =	sadd.s32 s3, s5;
	[dreg:$0x0] =	wrdreg $0x0  }
0xa8: {  	s5 =	sshll.u32 s28, $0x1;
	[dreg:$0x2] =	wrdreg s3  }
0xa9: {  	[dreg:$0x3] =	wrdreg s5  }
0xaa: {  	[dreg:$0x4] =	wrdreg $0xC0  }
0xab: {  	_ =	task [dreg:s7], $0x5FFFF  }
0xac: {  	[dreg:$0x1] =	wrdreg $0xFFFFFFFF  }
0xad: {  	[dreg:$0x0] =	wrdreg $0x60  }
0xae: {  	[dreg:$0x2] =	wrdreg s2  }
0xaf: {  	[dreg:$0x3] =	wrdreg s24  }
0xb0: {  	[dreg:$0x4] =	wrdreg $0x91400  }
0xb1: {  	[dreg:$0x5] =	wrdreg $0x9  }
0xb2: {  	_ =	task.clear_ibuf [dreg:s7], $0x6FFFF;
	_ =	strace $0x90000046  }
0xb3: {  	s29 =	simm.s32 $0x9;
	_ =	strace $0x80000048  }
0xb4: {  	_ =	swait.ge [sflag:s29], $0x1  }
0xb5: {  	[sflag:s29] =	ssyncadd.s32 $0xFFFFFFFF  }
0xb6: {  	_ =	strace $0x90000048  }
0xb7: {  	_ =	sfence  }
0xb8: {  	s30 =	sld [smem:$0x0];
	_ =	sdelay $0x2  }
0xb9: {  	s31 =	sshll.u32 s1, $0xD;
	s1 =	sshrl.u32 s1, $0x2  }
0xba: {  	s3 =	sand.u32 $0x4000, s31;
	s1 =	sadd.s32 s1, s30  }
0xbb: {  	s0 =	sor.u32 s3, s0;
	s1 =	sshll.u32 s1, $0x11  }
0xbc: {  	s0 =	sor.u32 s1, s0  }
0xbd: {  	s0 =	sadd.s32 $0x8F2B, s0  }
0xbe: {  	[sflag:s0] =	ssyncadd.remote.s32 $0x1  }
0xbf: {  	_ =	sfence.sel $0xFFFF  }
0xc0: {  	[dreg:$0x0] =	wrdreg $0xFFFFFFFF;
	(pc) =	sbr.abs _section_cstart, $3  }
0xc1: {  	[dreg:$0x1] =	wrdreg $0xFFFFFFFF  }
0xc2: {  	_ =	task.clear_ibuf [dreg:s7], $0x2FFFF;
	_ =	strace $0x9FFFFFFF  }
0xc3: {  	(tm) =	ssettm $0x7FFFFFFF  }
tec
execute0_lowered:
.L_overlay_start_1:
0x0: {  	(tag) =	ssettag $0x1  }
0x1: {  	s1 =	rddreg [dreg:$0x0];
	s0 =	srdreg.scid  }
0x2: {  	s15 =	stileid.u32;
	s2 =	rddreg [dreg:$0x1]  }
0x3: {  	s4 =	rddreg [dreg:$0x2];
	s6 =	simm.s32 $0x0;
	s20 =	simm.s32 $0x7  }
0x4: {  	s28 =	simm.s32 $0x8;
	s29 =	simm.s32 $0x2;
	s3 =	smul.u32 $0x2EE0, s15  }
0x5: {  	s30 =	simm.s32 $0x4;
	s31 =	simm.s32 $0x20;
	s8 =	smul.u32 $0x271, s15  }
0x6: {  	s21 =	simm.s32 $0x7F40;
	s0 =	sand.u32 $0x1, s0;
	s15 =	smul.u32 $0x57E40, s15  }
0x7: {  	[smem:$0x7FF] =	sst s6;
	s7 =	sadd.s32 $0x2F2200, s2;
	s5 =	smul.u32 $0x2EE00, s0  }
0x8: {  	s9 =	smul.u32 $0x2710, s0;
	s10 =	sxor.u32 $0x1, s0;
	s0 =	ssub.s32 $0x2, s0  }
0x9: {  	_ =	strace $0x80000047;
	s13 =	sshrl.u32 s0, $0x1;
	s22 =	sadd.s32 $0x320, s3  }
0xa: {  	s26 =	sshrl.u32 s15, $0x2;
	s11 =	sadd.s32 s3, s5;
	s12 =	sadd.s32 s8, s9  }
0xb: {  	s8 =	smul.u32 $0x2EE00, s10;
	s0 =	ssub.s32 s0, s13;
	s19 =	sadd.s32 $0x4E20, s9  }
0xc: {  	s15 =	sadd.s32 s26, s4;
	s26 =	simm.s32 $0xC80;
	s17 =	sshll.u32 s11, $0x4  }
0xd: {  	s12 =	smul.u32 $0x12, s12;
	s11 =	sshrl.u32 s11, $0x3;
	s0 =	smax.u32 s0, $0x1  }
0xe: {  	s10 =	sadd.s32 s17, s2;
	s14 =	sadd.s32 s3, s8;
	s23 =	sadd.s32 s22, s8  }
0xf: {  	s11 =	sadd.s32 s1, s11;
	[dreg:$0x9] =	wrdreg s0;
	s17 =	simm.s32 $0x6D40  }
0x10: {  	s0 =	simm.s32 $0x0;
	s2 =	sadd.s32 s12, s2;
	s18 =	sshrl.u32 s14, $0x3  }
0x11: {  	s13 =	sshrl.u32 s23, $0x3;
	[dreg:$0x5] =	wrdreg s11;
	s12 =	sadd.s32 s1, s18  }
.Ltmp0:
0x12: {  	s24 =	sadd.s32 s1, s13;
	s13 =	sadd.s32 $0x38EA00, s10;
	(pc) =	sbr.rel .LBB2_1-.Ltmp0, $4  }
0x13: {  	s2 =	sadd.s32 $0x4200, s2;
	[dreg:$0x4] =	wrdreg s12;
	s12 =	sadd.s32 s5, s22  }
0x14: {  	s18 =	simm.s32 $0x9;
	[dreg:$0x6] =	wrdreg s24;
	s12 =	sshrl.u32 s12, $0x3  }
0x15: {  	v0 =	vimm.f32 $0.0e+00;
	vm0 =	vcmask $0x300;
	[dreg:$0x8] =	wrdreg s2;
	s2 =	simm.s32 $0xCA0;
	s25 =	sadd.s32 s1, s12  }
0x16: {  	v3 =	vsel vm0, $0x3F800000, v0;
	v1 =	vmov s9;
	v2 =	vmov s19;
	s24 =	simm.s32 $0x1;
	[dreg:$0x7] =	wrdreg s25;
	s25 =	simm.s32 $0x3  }
.LBB2_22:
0x17: {  	s9 =	simm.s32 $0x5  }
0x18: {  	_ =	swait.ge [sflag:s9], $0x1200  }
0x19: {  	[sflag:s9] =	ssyncset.done $0x0  }
0x1a: {  	s19 =	simm.s32 $0x6;
	[sflag:s9] =	ssyncadd.s32 $0xFFFFEE00  }
0x1b: {  	_ =	swait.ge [sflag:s19], $0x1200  }
0x1c: {  	[sflag:s19] =	ssyncset.done $0x0  }
0x1d: {  	s22 =	stileid.u32;
	[sflag:s19] =	ssyncadd.s32 $0xFFFFEE00  }
0x1e: {  	s9 =	sshll.u32 s22, $0x6;
	[bflag:$0x0] =	sbarrier.arrive $0xFFFF  }
0x1f: {  	s10 =	sshrl.u32 s15, $0x3;
	s9 =	sor.u32 $0x1C09, s9;
	s11 =	rddreg [dreg:$0x8]  }
0x20: {  	[hbm:s11], [sflag:s9] =	dma.local [spmem:s10], $0x2BF2  }
0x21: {  	_ =	swait.ge [sflag:s18], $0x2BF2  }
0x22: {  	s0 =	sadd.s32 $0x1, s0;
	s23 =	rddreg [dreg:$0x9]  }
0x23: {  	p0 =	sne.s32 s0, s23  }
.Ltmp1:
0x24: {  	_ = 	snop;
	(pc) =	sbr.rel @!p0 .LBB2_23-.Ltmp1, $3  }
0x25: {  	_ =	sdelay $0x1  }
0x26: {  	[sflag:s18] =	ssyncset.done $0x0  }
0x27: {  	[sflag:s18] =	ssyncadd.s32 $0xFFFFD40E  }
.LBB2_1:
0x28: {  	s9 =	simm.s32 $0x0;
	s10 =	simm.s32 $0x240  }
.LBB2_2:
0x29: {  	p0 =	sne.s32 s10, $0x45C0;
	[tilespmem:s9+$0x6DC0] =	vst v0  }
0x2a: {  	[tilespmem:s9+$0x6D40] =	vst v0  }
0x2b: {  	[tilespmem:s9+$0x6D50] =	vst v0  }
0x2c: {  	[tilespmem:s9+$0x6D60] =	vst v0  }
.Ltmp2:
0x2d: {  	[tilespmem:s9+$0x6D70] =	vst v0;
	(pc) =	sbr.rel @p0 .LBB2_2-.Ltmp2, $4  }
0x2e: {  	[tilespmem:s9+$0x6D80] =	vst v0  }
0x2f: {  	[tilespmem:s9+$0x6D90] =	vst v0  }
0x30: {  	[tilespmem:s9+$0x6DA0] =	vst v0  }
0x31: {  	[tilespmem:s9+$0x6DB0] =	vst v0;
	s9 =	sshra.s32 s10, $0x2;
	s10 =	sadd.s32 $0x240, s10  }
0x32: {  	[tilespmem:s9+$0x6DC0] =	vst v0  }
0x33: {  	[tilespmem:s9+$0x6D40] =	vst v0  }
0x34: {  	[tilespmem:s9+$0x6D50] =	vst v0  }
0x35: {  	[tilespmem:s9+$0x6D60] =	vst v0  }
0x36: {  	[tilespmem:s9+$0x6D70] =	vst v0  }
0x37: {  	[tilespmem:s9+$0x6D80] =	vst v0  }
0x38: {  	[tilespmem:s9+$0x6D90] =	vst v0  }
0x39: {  	[tilespmem:s9+$0x6DA0] =	vst v0  }
0x3a: {  	[tilespmem:s9+$0x6DB0] =	vst v0;
	s23 =	sadd.s32 $0x0, s15  }
0x3b: {  	[spmem:s23] =	stream.linear.scatter [tilespmem:s17], [sflag:$0x9], $0xE10, $0x38;
	[tilespmem:$0x1F0D0] =	vst v63  }
0x3c: {  	s9 =	simm.s32 $0x3840;
	_ =	swait.ge [sflag:s18], $0xE10  }
.LBB2_4:
0x3d: {  	s10 =	sshra.s32 s9, $0x2;
	[sflag:s18] =	ssyncset.done $0x0;
	p0 =	sne.s32 s9, $0x54600  }
.Ltmp3:
0x3e: {  	s10 =	sadd.s32 s10, s15;
	[sflag:s18] =	ssyncadd.s32 $0xFFFFF1F0;
	(pc) =	sbr.rel @p0 .LBB2_4-.Ltmp3, $3  }
0x3f: {  	[spmem:s10] =	stream.linear.scatter [tilespmem:s17], [sflag:$0x9], $0xE10, $0x38;
	[tilespmem:$0x1F0D0] =	vst v63  }
0x40: {  	s9 =	sadd.s32 $0x3840, s9;
	_ =	sdelay $0x1  }
0x41: {  	_ =	swait.ge [sflag:s18], $0xE10  }
0x42: {  	[sflag:s18] =	ssyncset.done $0x0  }
0x43: {  	s9 =	simm.s32 $0x440;
	s10 =	simm.s32 $0x80;
	[sflag:s18] =	ssyncadd.s32 $0xFFFFF1F0  }
.LBB2_6:
0x44: {  	p0 =	sne.s32 s9, $0x47C0;
	[tilespmem:s10+$0x6D40] =	vst v3;
	s11 =	smov.u32 s9;
	s9 =	sadd.s32 $0x240, s9  }
.Ltmp4:
0x45: {  	[tilespmem:s10+$0x7F40] =	vst v3;
	(pc) =	sbr.rel @p0 .LBB2_6-.Ltmp4, $2  }
0x46: {  	_ =	sdelay $0x2  }
0x47: {  	s10 =	sshra.s32 s11, $0x2  }
0x48: {  	[tilespmem:s10+$0x6D40] =	vst v3  }
0x49: {  	[tilespmem:s10+$0x7F40] =	vst v3  }
0x4a: {  	[bflag:$0x0] =	sbarrier.arrive $0xFFFF  }
0x4b: {  	s10 =	simm.s32 $0x0;
	s9 =	rddreg [dreg:$0x4]  }
0x4c: {  	[tilespmem:s10], [sflag:$0x7] =	stream.linear.gather [hbm4b:s9+s10], $0x320, $0x38;
	[tilespmem:$0x1F0D0] =	vst v63  }
0x4d: {  	s11 =	simm.s32 $0x640;
	s23 =	rddreg [dreg:$0x5]  }
0x4e: {  	[tilespmem:s11], [sflag:$0x7] =	stream.linear.gather [hbm4b:s23+s10], $0x320, $0x38;
	[tilespmem:$0x1F0D0] =	vst v63  }
0x4f: {  	_ =	swait.ge [sflag:s20], $0x320  }
0x50: {  	[sflag:s20] =	ssyncset.done $0x0  }
0x51: {  	[sflag:s20] =	ssyncadd.s32 $0xFFFFFCE0  }
0x52: {  	_ =	swait.ge [sflag:s20], $0x320  }
0x53: {  	[sflag:s20] =	ssyncset.done $0x0  }
0x54: {  	s12 =	simm.s32 $0x320;
	s11 =	rddreg [dreg:$0x6];
	[sflag:s20] =	ssyncadd.s32 $0xFFFFFCE0  }
0x55: {  	[tilespmem:s12], [sflag:$0x8] =	stream.linear.gather [hbm4b:s11+s10], $0x320, $0x38;
	[tilespmem:$0x1F0D0] =	vst v63  }
0x56: {  	s16 =	simm.s32 $0x960;
	s14 =	rddreg [dreg:$0x7]  }
0x57: {  	[tilespmem:s16], [sflag:$0x8] =	stream.linear.gather [hbm4b:s14+s10], $0x320, $0x38;
	[tilespmem:$0x1F0D0] =	vst v63  }
0x58: {  	v4 =	vld [tilespmem:$0x0]  }
0x59: {  	v6 =	vld [tilespmem:$0x10]  }
0x5a: {  	v5 =	vld [tilespmem:$0x640];
	_ =	sdelay $0x1  }
0x5b: {  	v7 =	vld [tilespmem:$0x650]  }
0x5c: {  	[tilespmem:$0xC80] =	vst v4  }
0x5d: {  	v4 =	vadd.s32 v1, v4;
	[tilespmem:$0xC90] =	vst v6  }
0x5e: {  	[tilespmem:$0xCC0] =	vst v4;
	v4 =	vadd.s32 v2, v5  }
0x5f: {  	[tilespmem:$0xCE0] =	vst v4;
	v4 =	vadd.s32 v1, v6  }
.Ltmp5:
0x60: {  	[tilespmem:$0xCD0] =	vst v4;
	v4 =	vadd.s32 v2, v7;
	(pc) =	sbr.rel .LBB2_8-.Ltmp5, $4  }
0x61: {  	s19 =	simm.s32 $0x40;
	s22 =	simm.s32 $0xCC0;
	s12 =	simm.s32 $0xD40;
	[tilespmem:$0xCF0] =	vst v4  }
0x62: {  	[tilespmem:s12], [sflag:$0x1] =	stream.indirect.gather [hbm4b:s7+s19], $0x80, s22, s19, $0xb8;
	[tilespmem:$0x1F0D0] =	vst v63  }
0x63: {  	s23 =	simm.s32 $0x4D40  }
0x64: {  	[tilespmem:s23], [sflag:$0x3] =	stream.linear.gather [hbm4b:s13+s10], $0x1000, $0x38;
	[tilespmem:$0x1F0D0] =	vst v63  }
.LBB2_17:
0x65: {  	v11 =	vld [tilespmem:s16+$0xFFFFFFD0];
	_ =	sdelay $0x1  }
0x66: {  	v12 =	vld [tilespmem:s16+$0x50];
	v46 =	vadd.f32 v10, v9  }
0x67: {  	v5 =	vadd.f32 v7, v5  }
0x68: {  	v7 =	vmax.f32 v46, $0.0e+00  }
0x69: {  	v6 =	vadd.f32 v8, v6;
	[tilespmem:s11+$0xFFFFFF30] =	vst v7;
	v5 =	vadd.f32 v11, v5  }
0x6a: {  	v7 =	vld [tilespmem:s12+$0xFFFFF060]  }
0x6b: {  	v47 =	vld [tilespmem:s12+$0x60];
	v6 =	vadd.f32 v12, v6;
	v5 =	vmax.f32 v5, $0.0e+00  }
0x6c: {  	v50 =	vld [tilespmem:s16+$0xFFFFFF60];
	[tilespmem:s11+$0xFFFFFFC0] =	vst v5  }
0x6d: {  	v5 =	vmax.f32 v6, $0.0e+00;
	v48 =	vld [tilespmem:s12+$0xFFFFF0E0]  }
0x6e: {  	[tilespmem:s11+$0x50] =	vst v5;
	v5 =	vld [tilespmem:s12+$0xE0]  }
0x6f: {  	v52 =	vld [tilespmem:s16+$0xFFFFFFE0]  }
0x70: {  	v49 =	vld [tilespmem:s12+$0xFFFFF160]  }
0x71: {  	v7 =	vadd.f32 v47, v7;
	v51 =	vld [tilespmem:s12+$0x160];
	_ =	sdelay $0x1  }
0x72: {  	v53 =	vld [tilespmem:s16+$0x60];
	v54 =	vadd.f32 v50, v7  }
0x73: {  	v5 =	vadd.f32 v5, v48  }
0x74: {  	v6 =	vmax.f32 v54, $0.0e+00  }
0x75: {  	[tilespmem:s11+$0xFFFFFF40] =	vst v6;
	v55 =	vadd.f32 v51, v49;
	v5 =	vadd.f32 v52, v5  }
0x76: {  	v6 =	vld [tilespmem:s12+$0xFFFFF070]  }
0x77: {  	v60 =	vld [tilespmem:s16+$0xFFFFFF70];
	v7 =	vadd.f32 v53, v55;
	v5 =	vmax.f32 v5, $0.0e+00  }
0x78: {  	[tilespmem:s11+$0xFFFFFFD0] =	vst v5;
	v5 =	vld [tilespmem:s12+$0x70]  }
0x79: {  	v7 =	vmax.f32 v7, $0.0e+00;
	v56 =	vld [tilespmem:s12+$0xFFFFF0F0]  }
0x7a: {  	[tilespmem:s11+$0x60] =	vst v7;
	v57 =	vld [tilespmem:s12+$0xF0]  }
0x7b: {  	v58 =	vld [tilespmem:s12+$0xFFFFF170]  }
0x7c: {  	v59 =	vld [tilespmem:s12+$0x170]  }
0x7d: {  	v61 =	vld [tilespmem:s16+$0xFFFFFFF0]  }
0x7e: {  	v13 =	vld [tilespmem:s16+$0x70]  }
0x7f: {  	v5 =	vadd.f32 v5, v6  }
0x80: {  	v62 =	vadd.f32 v57, v56  }
0x81: {  	v63 =	vadd.f32 v59, v58;
	v5 =	vadd.f32 v60, v5  }
0x82: {  	v6 =	vadd.f32 v61, v62  }
0x83: {  	[tilespmem:s10+$0x70] =	vst v4;
	v4 =	vmax.f32 v5, $0.0e+00;
	v5 =	vadd.f32 v13, v63  }
0x84: {  	[tilespmem:s11+$0xFFFFFF50] =	vst v4;
	v4 =	vmax.f32 v6, $0.0e+00  }
0x85: {  	[tilespmem:s11+$0xFFFFFFE0] =	vst v4;
	v4 =	vmax.f32 v5, $0.0e+00  }
0x86: {  	[tilespmem:s11+$0x70] =	vst v4  }
0x87: {  	[spmem:s4] =	stream.indirect.scatter.add.f32 [tilespmem:s17], [sflag:$0x5], $0x90, s26, s31, $0xb8;
	[tilespmem:$0x1F0D0] =	vst v63  }
.LBB2_21:
0x88: {  	p0 =	sne.s32 s9, $0x177  }
.Ltmp6:
0x89: {  	_ = 	snop;
	(pc) =	sbr.rel @!p0 .LBB2_22-.Ltmp6, $2  }
0x8a: {  	_ =	sdelay $0x2  }
0x8b: {  	s10 =	smov.u32 s9  }
.LBB2_8:
0x8c: {  	s9 =	sadd.s32 $0x1, s10  }
0x8d: {  	s11 =	smul.u32 $0x47AF, s9;
	_ =	sdelay $0x1  }
0x8e: {  	s11 =	sshrl.u32 s11, $0x10  }
0x8f: {  	s12 =	ssub.s32 s9, s11  }
0x90: {  	s12 =	sand.u32 $0xFFFE, s12  }
0x91: {  	s12 =	sshrl.u32 s12, $0x1  }
0x92: {  	s11 =	sadd.s32 s11, s12  }
0x93: {  	s11 =	sand.u32 $0xFFF0, s11  }
0x94: {  	s11 =	sshrl.u32 s11, $0x4  }
0x95: {  	s23 =	smul.u32 $0x19, s11;
	_ =	sdelay $0x1  }
0x96: {  	p0 =	seq.s32 s10, $0x176;
	s12 =	ssub.s32 s9, s23  }
0x97: {  	s14 =	sand.u32 @!p0 $0xFFFF, s12  }
0x98: {  	p1 =	sne.s32 @!p0 s14, $0x0  }
0x99: {  	p2 =	por p0, p1  }
.Ltmp7:
0x9a: {  	_ = 	snop;
	(pc) =	sbr.rel @p2 .LBB2_14-.Ltmp7, $3  }
0x9b: {  	_ =	sdelay $0x1  }
0x9c: {  	s14 =	sand.u32 $0x1, s11  }
0x9d: {  	p1 =	seq.s32 s14, $0x1  }
.Ltmp8:
0x9e: {  	(pc) =	sbr.rel @!p1 .LBB2_10-.Ltmp8, $1  }
0x9f: {  	_ =	sdelay $0x3  }
0xa0: {  	_ =	swait.ge [sflag:s28], $0x320;
	p2 =	sgt.u32 s10, $0x15C  }
.Ltmp9:
0xa1: {  	[sflag:s28] =	ssyncset.done $0x0;
	(pc) =	sbr.rel @p2 .LBB2_14-.Ltmp9, $4  }
0xa2: {  	[sflag:s28] =	ssyncadd.s32 $0xFFFFFCE0  }
0xa3: {  	_ =	swait.ge [sflag:s28], $0x320  }
0xa4: {  	[sflag:s28] =	ssyncset.done $0x0  }
0xa5: {  	[sflag:s28] =	ssyncadd.s32 $0xFFFFFCE0  }
0xa6: {  	s16 =	sadd.s32 $0x1, s11  }
0xa7: {  	s22 =	smul.u32 $0x320, s16;
	_ =	sdelay $0x1  }
0xa8: {  	s22 =	sadd.s32 s3, s22  }
0xa9: {  	s23 =	sadd.s32 s8, s22  }
.Ltmp10:
0xaa: {  	s22 =	sadd.s32 s5, s22;
	s23 =	sshrl.u32 s23, $0x3;
	(pc) =	sbr.rel .LBB2_13-.Ltmp10, $4  }
0xab: {  	s22 =	sshrl.u32 s22, $0x3;
	s23 =	sadd.s32 s1, s23  }
0xac: {  	[tilespmem:s6], [sflag:$0x7] =	stream.linear.gather [hbm4b:s23+s6], $0x320, $0x38;
	[tilespmem:$0x1F0D0] =	vst v63  }
0xad: {  	s19 =	simm.s32 $0x640;
	p2 =	por $0x1, $0x1;
	s22 =	sadd.s32 s1, s22  }
0xae: {  	[tilespmem:s19], [sflag:$0x7] =	stream.linear.gather [hbm4b:s22+s6], $0x320, $0x38;
	[tilespmem:$0x1F0D0] =	vst v63  }
.LBB2_10:
0xaf: {  	_ =	swait.ge [sflag:s20], $0x320  }
0xb0: {  	[sflag:s20] =	ssyncset.done $0x0  }
0xb1: {  	[sflag:s20] =	ssyncadd.s32 $0xFFFFFCE0  }
0xb2: {  	_ =	swait.ge [sflag:s20], $0x320  }
0xb3: {  	[sflag:s20] =	ssyncset.done $0x0  }
0xb4: {  	p2 =	slt.u32 s10, $0x15D;
	s16 =	sor.u32 $0x1, s11;
	[sflag:s20] =	ssyncadd.s32 $0xFFFFFCE0  }
.LBB2_13:
0xb5: {  	s22 =	sand.u32 $0x1, s16  }
0xb6: {  	p3 =	seq.s32 s22, $0x1  }
0xb7: {  	p2 =	por !p3, !p2  }
0xb8: {  	s16 =	smul.u32 @!p2 $0x320, s16;
	_ =	sdelay $0x1  }
0xb9: {  	s16 =	sadd.s32 @!p2 s3, s16  }
0xba: {  	s22 =	sadd.s32 @!p2 s8, s16  }
0xbb: {  	s23 =	simm.s32 @!p2 $0x0;
	s16 =	sadd.s32 @!p2 s5, s16;
	s22 =	sshrl.u32 @!p2 s22, $0x3  }
0xbc: {  	s19 =	simm.s32 @!p2 $0x320;
	s16 =	sshrl.u32 @!p2 s16, $0x3;
	s22 =	sadd.s32 @!p2 s1, s22  }
0xbd: {  	[tilespmem:s19], [sflag:$0x8] =	stream.linear.gather @!p2 [hbm4b:s22+s23], $0x320, $0x38;
	[tilespmem:$0x1F0D0] =	vst v63  }
0xbe: {  	s16 =	sadd.s32 @!p2 s1, s16;
	s19 =	simm.s32 @!p2 $0x960  }
0xbf: {  	[tilespmem:s19], [sflag:$0x8] =	stream.linear.gather @!p2 [hbm4b:s16+s23], $0x320, $0x38;
	[tilespmem:$0x1F0D0] =	vst v63  }
.LBB2_14:
0xc0: {  	s16 =	sand.u32 $0x1, s9  }
0xc1: {  	s19 =	sor.u32 s16, s14  }
0xc2: {  	p3 =	sne.s32 @!p0 s19, $0x0  }
0xc3: {  	p2 =	por p3, p0  }
0xc4: {  	p4 =	seq.s32 @!p2 s10, $0x0  }
0xc5: {  	p3 =	por @!p0 p4, p3  }
0xc6: {  	p3 =	por p3, p0  }
0xc7: {  	s19 =	simm.s32 @!p3 $0x5  }
0xc8: {  	_ =	swait.ge @!p3 [sflag:s19], $0x1200  }
0xc9: {  	s12 =	sand.u32 $0xFFFF, s12;
	[sflag:s19] =	ssyncset.done @!p3 $0x0  }
0xca: {  	[sflag:s19] =	ssyncadd.s32 @!p3 $0xFFFFEE00;
	s19 =	sshll.u32 @!p2 s12, $0x5  }
0xcb: {  	v4 =	vld @!p2 [tilespmem:s19+$0x0];
	_ =	sdelay $0x4  }
0xcc: {  	[tilespmem:$0xC80] =	vst @!p2 v4;
	v4 =	vadd.s32 @!p2 v1, v4  }
0xcd: {  	[tilespmem:$0xCC0] =	vst @!p2 v4  }
0xce: {  	v4 =	vld @!p2 [tilespmem:s19+$0x640];
	_ =	sdelay $0x4  }
0xcf: {  	v4 =	vadd.s32 @!p2 v2, v4  }
0xd0: {  	[tilespmem:$0xCE0] =	vst @!p2 v4  }
0xd1: {  	v4 =	vld @!p2 [tilespmem:s19+$0x10];
	_ =	sdelay $0x4  }
0xd2: {  	[tilespmem:$0xC90] =	vst @!p2 v4;
	v4 =	vadd.s32 @!p2 v1, v4  }
0xd3: {  	[tilespmem:$0xCD0] =	vst @!p2 v4  }
0xd4: {  	v4 =	vld @!p2 [tilespmem:s19+$0x650];
	_ =	sdelay $0x4  }
0xd5: {  	v4 =	vadd.s32 @!p2 v2, v4  }
0xd6: {  	s22 =	simm.s32 @!p2 $0xCC0;
	s23 =	simm.s32 @!p2 $0xD40;
	s19 =	simm.s32 @!p2 $0x40;
	[tilespmem:$0xCF0] =	vst @!p2 v4  }
0xd7: {  	[tilespmem:s23], [sflag:$0x1] =	stream.indirect.gather @!p2 [hbm4b:s7+s19], $0x80, s22, s19, $0xb8;
	[tilespmem:$0x1F0D0] =	vst v63  }
0xd8: {  	p4 =	sne.s32 @!p0 s14, $0x0;
	p3 =	seq.s32 s16, $0x1;
	s19 =	sshll.u32 @!p2 s9, $0x9  }
0xd9: {  	s22 =	simm.s32 @!p2 $0x0;
	s23 =	simm.s32 @!p2 $0x4D40;
	s19 =	sadd.s32 @!p2 s19, s13  }
0xda: {  	[tilespmem:s23], [sflag:$0x3] =	stream.linear.gather @!p2 [hbm4b:s19+s22], $0x1000, $0x38;
	[tilespmem:$0x1F0D0] =	vst v63  }
0xdb: {  	p2 =	por @!p0 !p3, p4  }
0xdc: {  	p2 =	por p2, p0  }
0xdd: {  	p6 =	por p4, p0;
	p5 =	seq.s32 @!p2 s10, $0x0  }
0xde: {  	p3 =	por @!p6 p5, !p3  }
0xdf: {  	p3 =	por @!p0 p3, p4  }
0xe0: {  	p3 =	por p3, p0  }
0xe1: {  	s14 =	simm.s32 @!p3 $0x6  }
0xe2: {  	_ =	swait.ge @!p3 [sflag:s14], $0x1200  }
0xe3: {  	[sflag:s14] =	ssyncset.done @!p3 $0x0  }
0xe4: {  	[sflag:s14] =	ssyncadd.s32 @!p3 $0xFFFFEE00;
	s14 =	sshll.u32 @!p2 s12, $0x5  }
0xe5: {  	v4 =	vld @!p2 [tilespmem:s14+$0x0];
	_ =	sdelay $0x4  }
0xe6: {  	[tilespmem:$0xCA0] =	vst @!p2 v4;
	v4 =	vadd.s32 @!p2 v1, v4  }
0xe7: {  	[tilespmem:$0xD00] =	vst @!p2 v4  }
0xe8: {  	v4 =	vld @!p2 [tilespmem:s14+$0x640];
	_ =	sdelay $0x4  }
0xe9: {  	v4 =	vadd.s32 @!p2 v2, v4  }
0xea: {  	[tilespmem:$0xD20] =	vst @!p2 v4  }
0xeb: {  	v4 =	vld @!p2 [tilespmem:s14+$0x10];
	_ =	sdelay $0x4  }
0xec: {  	[tilespmem:$0xCB0] =	vst @!p2 v4;
	v4 =	vadd.s32 @!p2 v1, v4  }
0xed: {  	[tilespmem:$0xD10] =	vst @!p2 v4  }
0xee: {  	v4 =	vld @!p2 [tilespmem:s14+$0x650];
	_ =	sdelay $0x4  }
0xef: {  	v4 =	vadd.s32 @!p2 v2, v4  }
0xf0: {  	s19 =	simm.s32 @!p2 $0xD00;
	s22 =	simm.s32 @!p2 $0x2D40;
	s14 =	simm.s32 @!p2 $0x40;
	[tilespmem:$0xD30] =	vst @!p2 v4  }
0xf1: {  	[tilespmem:s22], [sflag:$0x2] =	stream.indirect.gather @!p2 [hbm4b:s7+s14], $0x80, s19, s14, $0xb8;
	[tilespmem:$0x1F0D0] =	vst v63  }
0xf2: {  	p3 =	sne.s32 s16, $0x0;
	s14 =	sshll.u32 @!p2 s9, $0x9  }
0xf3: {  	s19 =	simm.s32 @!p2 $0x0;
	s22 =	simm.s32 @!p2 $0x5D40;
	s14 =	sadd.s32 @!p2 s14, s13  }
0xf4: {  	[tilespmem:s22], [sflag:$0x4] =	stream.linear.gather @!p2 [hbm4b:s14+s19], $0x1000, $0x38;
	[tilespmem:$0x1F0D0] =	vst v63  }
0xf5: {  	p2 =	por !p1, p3  }
0xf6: {  	p4 =	seq.s32 @!p2 s10, $0x0  }
0xf7: {  	p1 =	por @!p3 p4, !p1  }
0xf8: {  	p1 =	por p1, p3  }
0xf9: {  	s14 =	simm.s32 @!p1 $0x5  }
0xfa: {  	_ =	swait.ge @!p1 [sflag:s14], $0x1200  }
0xfb: {  	[sflag:s14] =	ssyncset.done @!p1 $0x0  }
0xfc: {  	[sflag:s14] =	ssyncadd.s32 @!p1 $0xFFFFEE00;
	s14 =	sshll.u32 @!p2 s12, $0x5  }
0xfd: {  	v4 =	vld @!p2 [tilespmem:s14+$0x320];
	_ =	sdelay $0x4  }
0xfe: {  	[tilespmem:$0xC80] =	vst @!p2 v4;
	v4 =	vadd.s32 @!p2 v1, v4  }
0xff: {  	[tilespmem:$0xCC0] =	vst @!p2 v4  }
0x100: {  	v4 =	vld @!p2 [tilespmem:s14+$0x960];
	_ =	sdelay $0x4  }
0x101: {  	v4 =	vadd.s32 @!p2 v2, v4  }
0x102: {  	[tilespmem:$0xCE0] =	vst @!p2 v4  }
0x103: {  	v4 =	vld @!p2 [tilespmem:s14+$0x330];
	_ =	sdelay $0x4  }
0x104: {  	[tilespmem:$0xC90] =	vst @!p2 v4;
	v4 =	vadd.s32 @!p2 v1, v4  }
0x105: {  	[tilespmem:$0xCD0] =	vst @!p2 v4  }
0x106: {  	v4 =	vld @!p2 [tilespmem:s14+$0x970];
	_ =	sdelay $0x4  }
0x107: {  	s11 =	sand.u32 s11, s9;
	v4 =	vadd.s32 @!p2 v2, v4  }
0x108: {  	s16 =	simm.s32 @!p2 $0xCC0;
	s19 =	simm.s32 @!p2 $0xD40;
	s14 =	simm.s32 @!p2 $0x40;
	[tilespmem:$0xCF0] =	vst @!p2 v4  }
0x109: {  	[tilespmem:s19], [sflag:$0x1] =	stream.indirect.gather @!p2 [hbm4b:s7+s14], $0x80, s16, s14, $0xb8;
	[tilespmem:$0x1F0D0] =	vst v63  }
0x10a: {  	s11 =	sand.u32 $0x1, s11;
	s14 =	sshll.u32 @!p2 s9, $0x9  }
0x10b: {  	s16 =	simm.s32 @!p2 $0x0;
	s19 =	simm.s32 @!p2 $0x4D40;
	s14 =	sadd.s32 @!p2 s14, s13  }
0x10c: {  	[tilespmem:s19], [sflag:$0x3] =	stream.linear.gather @!p2 [hbm4b:s14+s16], $0x1000, $0x38;
	[tilespmem:$0x1F0D0] =	vst v63  }
0x10d: {  	p2 =	seq.s32 s11, $0x1  }
0x10e: {  	p1 =	por !p2, p0  }
0x10f: {  	p3 =	seq.s32 @!p1 s10, $0x0  }
0x110: {  	p2 =	por @!p0 p3, !p2  }
0x111: {  	p0 =	por p2, p0  }
0x112: {  	s11 =	simm.s32 @!p0 $0x6  }
0x113: {  	_ =	swait.ge @!p0 [sflag:s11], $0x1200  }
0x114: {  	[sflag:s11] =	ssyncset.done @!p0 $0x0  }
0x115: {  	[sflag:s11] =	ssyncadd.s32 @!p0 $0xFFFFEE00;
	s11 =	sshll.u32 @!p1 s12, $0x5  }
0x116: {  	v4 =	vld @!p1 [tilespmem:s11+$0x320];
	_ =	sdelay $0x4  }
0x117: {  	[tilespmem:$0xCA0] =	vst @!p1 v4;
	v4 =	vadd.s32 @!p1 v1, v4  }
0x118: {  	[tilespmem:$0xD00] =	vst @!p1 v4  }
0x119: {  	v4 =	vld @!p1 [tilespmem:s11+$0x960];
	_ =	sdelay $0x4  }
0x11a: {  	v4 =	vadd.s32 @!p1 v2, v4  }
0x11b: {  	[tilespmem:$0xD20] =	vst @!p1 v4  }
0x11c: {  	v4 =	vld @!p1 [tilespmem:s11+$0x330];
	_ =	sdelay $0x4  }
0x11d: {  	[tilespmem:$0xCB0] =	vst @!p1 v4;
	v4 =	vadd.s32 @!p1 v1, v4  }
0x11e: {  	[tilespmem:$0xD10] =	vst @!p1 v4  }
0x11f: {  	v4 =	vld @!p1 [tilespmem:s11+$0x970];
	_ =	sdelay $0x3  }
0x120: {  	s23 =	sand.u32 $0x1, s10  }
0x121: {  	s14 =	simm.s32 @!p1 $0x2D40;
	p0 =	seq.s32 s23, $0x1;
	v4 =	vadd.s32 @!p1 v2, v4  }
.Ltmp11:
0x122: {  	s12 =	simm.s32 @!p1 $0xD00;
	s11 =	simm.s32 @!p1 $0x40;
	[tilespmem:$0xD30] =	vst @!p1 v4;
	(pc) =	sbr.rel @!p0 .LBB2_15-.Ltmp11, $4  }
0x123: {  	[tilespmem:s14], [sflag:$0x2] =	stream.indirect.gather @!p1 [hbm4b:s7+s11], $0x80, s12, s11, $0xb8;
	[tilespmem:$0x1F0D0] =	vst v63  }
0x124: {  	s11 =	sshll.u32 @!p1 s9, $0x9  }
0x125: {  	s12 =	simm.s32 @!p1 $0x0;
	s14 =	simm.s32 @!p1 $0x5D40;
	s11 =	sadd.s32 @!p1 s11, s13  }
0x126: {  	[tilespmem:s14], [sflag:$0x4] =	stream.linear.gather @!p1 [hbm4b:s11+s12], $0x1000, $0x38;
	[tilespmem:$0x1F0D0] =	vst v63  }
0x127: {  	_ =	swait.ge [sflag:s29], $0x2000  }
0x128: {  	[sflag:s29] =	ssyncset.done $0x0  }
0x129: {  	[sflag:s29] =	ssyncadd.s32 $0xFFFFE000  }
0x12a: {  	_ =	swait.ge [sflag:s30], $0x1000  }
0x12b: {  	[sflag:s30] =	ssyncset.done $0x0  }
0x12c: {  	s22 =	simm.s32 $0x3D40;
	[sflag:s30] =	ssyncadd.s32 $0xFFFFF000  }
0x12d: {  	v4 =	vld [tilespmem:s22+$0xFFFFF180]  }
0x12e: {  	v5 =	vld [tilespmem:s22+$0x180]  }
0x12f: {  	s16 =	simm.s32 $0x5E40  }
0x130: {  	v6 =	vld [tilespmem:s16+$0x80];
	_ =	sdelay $0x2  }
0x131: {  	v4 =	vadd.f32 v5, v4;
	_ =	sdelay $0x1  }
0x132: {  	v7 =	vld [tilespmem:s22+$0x0];
	v4 =	vadd.f32 v6, v4  }
0x133: {  	v8 =	vld [tilespmem:s22+$0xFFFFF080]  }
0x134: {  	s10 =	simm.s32 $0x8060;
	v9 =	vld [tilespmem:s22+$0x80];
	v4 =	vmax.f32 v4, $0.0e+00  }
0x135: {  	v10 =	vld [tilespmem:s16+$0xFFFFFF80];
	[tilespmem:s10+$0x90] =	vst v4  }
0x136: {  	v4 =	vld [tilespmem:s22+$0xFFFFF190]  }
0x137: {  	v5 =	vld [tilespmem:s22+$0x190]  }
0x138: {  	v11 =	vld [tilespmem:s22+$0xFFFFF100]  }
0x139: {  	s12 =	simm.s32 $0x3F40;
	v6 =	vld [tilespmem:s16+$0x90]  }
0x13a: {  	v14 =	vld [tilespmem:s12+$0xFFFFF180]  }
0x13b: {  	v15 =	vld [tilespmem:s12+$0x180]  }
0x13c: {  	v4 =	vadd.f32 v5, v4;
	v5 =	vld [tilespmem:s22+$0xFFFFF000]  }
0x13d: {  	v16 =	vld [tilespmem:s12+$0x0]  }
0x13e: {  	s14 =	simm.s32 $0x6040;
	v4 =	vadd.f32 v6, v4;
	v6 =	vld [tilespmem:s16+$0xFFFFFF00]  }
0x13f: {  	v17 =	vld [tilespmem:s14+$0x80]  }
0x140: {  	v18 =	vld [tilespmem:s12+$0xFFFFF080];
	v4 =	vmax.f32 v4, $0.0e+00  }
0x141: {  	v19 =	vld [tilespmem:s12+$0x80];
	[tilespmem:s10+$0xA0] =	vst v4;
	v4 =	vadd.f32 v7, v5  }
0x142: {  	v5 =	vld [tilespmem:s22+$0xFFFFF1A0]  }
0x143: {  	v8 =	vadd.f32 v9, v8;
	v7 =	vld [tilespmem:s22+$0x1A0];
	v4 =	vadd.f32 v6, v4  }
0x144: {  	v9 =	vld [tilespmem:s22+$0x100]  }
0x145: {  	v8 =	vadd.f32 v10, v8;
	v6 =	vld [tilespmem:s16+$0xA0];
	v4 =	vmax.f32 v4, $0.0e+00  }
0x146: {  	v10 =	vld [tilespmem:s16+$0x0];
	[tilespmem:s10+$0xFFFFFEE0] =	vst v4  }
0x147: {  	v4 =	vmax.f32 v8, $0.0e+00;
	v8 =	vld [tilespmem:s22+$0xFFFFF010]  }
0x148: {  	v5 =	vadd.f32 v7, v5;
	[tilespmem:s10+$0xFFFFFF70] =	vst v4;
	v4 =	vld [tilespmem:s22+$0x10]  }
0x149: {  	v9 =	vadd.f32 v9, v11;
	v11 =	vld [tilespmem:s16+$0xFFFFFF10]  }
0x14a: {  	v7 =	vld [tilespmem:s22+$0xFFFFF090];
	v5 =	vadd.f32 v6, v5  }
0x14b: {  	v6 =	vld [tilespmem:s22+$0x90]  }
0x14c: {  	v20 =	vld [tilespmem:s12+$0xFFFFF100];
	v5 =	vmax.f32 v5, $0.0e+00  }
0x14d: {  	v12 =	vld [tilespmem:s16+$0xFFFFFF90];
	[tilespmem:s10+$0xB0] =	vst v5;
	v5 =	vadd.f32 v10, v9  }
0x14e: {  	v4 =	vadd.f32 v4, v8;
	v9 =	vld [tilespmem:s22+$0xFFFFF1B0]  }
0x14f: {  	v8 =	vld [tilespmem:s22+$0x1B0];
	v5 =	vmax.f32 v5, $0.0e+00  }
0x150: {  	v4 =	vadd.f32 v11, v4;
	[tilespmem:s10+$0x0] =	vst v5;
	v5 =	vadd.f32 v6, v7;
	v6 =	vld [tilespmem:s16+$0xB0]  }
0x151: {  	v7 =	vld [tilespmem:s22+$0xFFFFF110]  }
0x152: {  	v10 =	vld [tilespmem:s22+$0x110];
	v4 =	vmax.f32 v4, $0.0e+00;
	v5 =	vadd.f32 v12, v5  }
0x153: {  	v11 =	vld [tilespmem:s16+$0x10];
	[tilespmem:s10+$0xFFFFFEF0] =	vst v4  }
0x154: {  	v4 =	vadd.f32 v8, v9;
	v8 =	vld [tilespmem:s22+$0xFFFFF020];
	v5 =	vmax.f32 v5, $0.0e+00  }
0x155: {  	[tilespmem:s10+$0xFFFFFF80] =	vst v5;
	v5 =	vld [tilespmem:s22+$0x20]  }
0x156: {  	v4 =	vadd.f32 v6, v4;
	v6 =	vld [tilespmem:s22+$0xFFFFF0A0]  }
0x157: {  	v9 =	vld [tilespmem:s22+$0xA0];
	v7 =	vadd.f32 v10, v7  }
0x158: {  	v10 =	vld [tilespmem:s16+$0xFFFFFF20];
	v4 =	vmax.f32 v4, $0.0e+00  }
0x159: {  	v39 =	vld [tilespmem:s16+$0xFFFFFFA0];
	[tilespmem:s10+$0xC0] =	vst v4;
	v7 =	vadd.f32 v11, v7  }
0x15a: {  	v4 =	vld [tilespmem:s22+$0xFFFFF1C0]  }
0x15b: {  	v11 =	vld [tilespmem:s22+$0x1C0];
	v7 =	vmax.f32 v7, $0.0e+00  }
0x15c: {  	v5 =	vadd.f32 v5, v8;
	v8 =	vld [tilespmem:s16+$0xC0];
	[tilespmem:s10+$0x10] =	vst v7  }
0x15d: {  	v7 =	vld [tilespmem:s22+$0xFFFFF120]  }
0x15e: {  	v6 =	vadd.f32 v9, v6;
	v5 =	vadd.f32 v10, v5;
	v9 =	vld [tilespmem:s22+$0x120]  }
0x15f: {  	v43 =	vld [tilespmem:s12+$0x100]  }
0x160: {  	v10 =	vld [tilespmem:s16+$0x20];
	v6 =	vadd.f32 v39, v6;
	v4 =	vadd.f32 v11, v4;
	v5 =	vmax.f32 v5, $0.0e+00  }
0x161: {  	v21 =	vld [tilespmem:s12+$0xFFFFF000];
	[tilespmem:s10+$0xFFFFFF00] =	vst v5  }
0x162: {  	v5 =	vmax.f32 v6, $0.0e+00;
	v4 =	vadd.f32 v8, v4;
	v6 =	vld [tilespmem:s22+$0xFFFFF030]  }
0x163: {  	[tilespmem:s10+$0xFFFFFF90] =	vst v5;
	v5 =	vld [tilespmem:s22+$0x30];
	v7 =	vadd.f32 v9, v7  }
0x164: {  	v8 =	vld [tilespmem:s22+$0xFFFFF0B0];
	v4 =	vmax.f32 v4, $0.0e+00  }
0x165: {  	[tilespmem:s10+$0xD0] =	vst v4;
	v7 =	vadd.f32 v10, v7;
	v10 =	vld [tilespmem:s16+$0xFFFFFF30]  }
0x166: {  	v4 =	vld [tilespmem:s22+$0xFFFFF1D0]  }
0x167: {  	v9 =	vld [tilespmem:s22+$0x1D0]  }
0x168: {  	v11 =	vld [tilespmem:s16+$0xD0];
	v7 =	vmax.f32 v7, $0.0e+00  }
0x169: {  	[tilespmem:s10+$0x20] =	vst v7;
	v7 =	vld [tilespmem:s22+$0xB0]  }
0x16a: {  	v5 =	vadd.f32 v5, v6;
	v40 =	vld [tilespmem:s22+$0xFFFFF130]  }
0x16b: {  	v6 =	vld [tilespmem:s22+$0x130]  }
0x16c: {  	v5 =	vadd.f32 v10, v5;
	v4 =	vadd.f32 v9, v4;
	v9 =	vld [tilespmem:s16+$0xFFFFFFB0]  }
0x16d: {  	v44 =	vld [tilespmem:s14+$0xFFFFFF00]  }
0x16e: {  	v10 =	vld [tilespmem:s16+$0x30];
	v5 =	vmax.f32 v5, $0.0e+00;
	v4 =	vadd.f32 v11, v4  }
0x16f: {  	v22 =	vld [tilespmem:s14+$0xFFFFFF80];
	v7 =	vadd.f32 v7, v8;
	[tilespmem:s10+$0xFFFFFF10] =	vst v5  }
0x170: {  	v5 =	vld [tilespmem:s22+$0xFFFFF040];
	v4 =	vmax.f32 v4, $0.0e+00  }
0x171: {  	[tilespmem:s10+$0xE0] =	vst v4;
	v4 =	vadd.f32 v6, v40;
	v6 =	vadd.f32 v9, v7;
	v9 =	vld [tilespmem:s22+$0x40]  }
0x172: {  	v7 =	vld [tilespmem:s22+$0xFFFFF1E0]  }
0x173: {  	v8 =	vld [tilespmem:s22+$0x1E0];
	v4 =	vadd.f32 v10, v4;
	v6 =	vmax.f32 v6, $0.0e+00  }
0x174: {  	[tilespmem:s10+$0xFFFFFFA0] =	vst v6;
	v6 =	vld [tilespmem:s16+$0xE0]  }
0x175: {  	v14 =	vadd.f32 v15, v14;
	v4 =	vmax.f32 v4, $0.0e+00;
	v10 =	vld [tilespmem:s22+$0xFFFFF0C0]  }
0x176: {  	[tilespmem:s10+$0x30] =	vst v4;
	v4 =	vld [tilespmem:s22+$0xC0]  }
0x177: {  	v14 =	vadd.f32 v17, v14;
	v11 =	vld [tilespmem:s22+$0xFFFFF140]  }
0x178: {  	v7 =	vadd.f32 v8, v7;
	v8 =	vld [tilespmem:s16+$0xFFFFFF40]  }
0x179: {  	s11 =	simm.s32 $0x82A0;
	v18 =	vadd.f32 v19, v18;
	v14 =	vmax.f32 v14, $0.0e+00;
	v41 =	vld [tilespmem:s22+$0x140]  }
0x17a: {  	[tilespmem:s11+$0x90] =	vst v14;
	v6 =	vadd.f32 v6, v7;
	v7 =	vld [tilespmem:s16+$0xFFFFFFC0]  }
0x17b: {  	v18 =	vadd.f32 v22, v18;
	v14 =	vld [tilespmem:s12+$0xFFFFF190];
	v5 =	vadd.f32 v9, v5  }
0x17c: {  	v9 =	vld [tilespmem:s16+$0x40]  }
0x17d: {  	v52 =	vmax.f32 v18, $0.0e+00;
	v46 =	vld [tilespmem:s12+$0x190];
	v4 =	vadd.f32 v4, v10;
	v8 =	vadd.f32 v8, v5  }
0x17e: {  	[tilespmem:s11+$0xFFFFFF70] =	vst v52;
	v48 =	vld [tilespmem:s14+$0x90];
	v6 =	vmax.f32 v6, $0.0e+00  }
0x17f: {  	v55 =	vld [tilespmem:s12+$0xFFFFF090];
	[tilespmem:s10+$0xF0] =	vst v6;
	v10 =	vadd.f32 v41, v11;
	v7 =	vadd.f32 v7, v4;
	v8 =	vmax.f32 v8, $0.0e+00  }
0x180: {  	v5 =	vld [tilespmem:s22+$0xFFFFF1F0];
	[tilespmem:s10+$0xFFFFFF20] =	vst v8  }
0x181: {  	v8 =	vadd.f32 v9, v10;
	v7 =	vmax.f32 v7, $0.0e+00;
	v9 =	vld [tilespmem:s22+$0xFFFFF050]  }
0x182: {  	[tilespmem:s10+$0xFFFFFFB0] =	vst v7;
	v7 =	vld [tilespmem:s22+$0x50]  }
0x183: {  	v6 =	vld [tilespmem:s22+$0x1F0]  }
0x184: {  	v13 =	vld [tilespmem:s16+$0xFFFFFF50]  }
0x185: {  	v4 =	vld [tilespmem:s16+$0xF0]  }
0x186: {  	v8 =	vmax.f32 v8, $0.0e+00;
	v10 =	vld [tilespmem:s22+$0xFFFFF0D0]  }
0x187: {  	[tilespmem:s10+$0x40] =	vst v8;
	v8 =	vld [tilespmem:s22+$0xD0];
	v7 =	vadd.f32 v7, v9  }
0x188: {  	v47 =	vld [tilespmem:s16+$0xFFFFFFD0]  }
0x189: {  	v45 =	vadd.f32 v16, v21;
	v11 =	vld [tilespmem:s22+$0xFFFFF150];
	v7 =	vadd.f32 v13, v7  }
0x18a: {  	v42 =	vld [tilespmem:s22+$0x150]  }
0x18b: {  	v9 =	vld [tilespmem:s14+$0x0];
	v13 =	vadd.f32 v44, v45;
	v7 =	vmax.f32 v7, $0.0e+00  }
0x18c: {  	v8 =	vadd.f32 v8, v10;
	[tilespmem:s10+$0xFFFFFF30] =	vst v7;
	v7 =	vld [tilespmem:s16+$0x50]  }
0x18d: {  	v50 =	vadd.f32 v46, v14;
	v13 =	vmax.f32 v13, $0.0e+00;
	v49 =	vld [tilespmem:s22+$0xFFFFF060]  }
0x18e: {  	v8 =	vadd.f32 v47, v8;
	[tilespmem:s11+$0xFFFFFEE0] =	vst v13;
	v51 =	vld [tilespmem:s22+$0x60]  }
0x18f: {  	v13 =	vadd.f32 v48, v50;
	v53 =	vld [tilespmem:s12+$0xFFFFF010]  }
0x190: {  	v8 =	vmax.f32 v8, $0.0e+00;
	v54 =	vld [tilespmem:s12+$0x10]  }
0x191: {  	v59 =	vld [tilespmem:s14+$0xFFFFFF10];
	[tilespmem:s10+$0xFFFFFFC0] =	vst v8;
	v13 =	vmax.f32 v13, $0.0e+00  }
0x192: {  	v60 =	vld [tilespmem:s22+$0xFFFFF0E0];
	[tilespmem:s11+$0xA0] =	vst v13  }
0x193: {  	v15 =	vadd.f32 v43, v20;
	v13 =	vld [tilespmem:s12+$0xFFFFF1A0]  }
0x194: {  	v10 =	vld [tilespmem:s12+$0x1A0]  }
0x195: {  	v9 =	vadd.f32 v9, v15;
	v61 =	vld [tilespmem:s22+$0xE0]  }
0x196: {  	v11 =	vadd.f32 v42, v11;
	v58 =	vld [tilespmem:s14+$0xA0]  }
0x197: {  	v9 =	vmax.f32 v9, $0.0e+00;
	v32 =	vld [tilespmem:s16+$0xFFFFFFE0]  }
0x198: {  	[tilespmem:s11+$0x0] =	vst v9;
	v9 =	vld [tilespmem:s12+$0x90];
	v7 =	vadd.f32 v7, v11  }
0x199: {  	v56 =	vld [tilespmem:s12+$0xFFFFF110];
	v10 =	vadd.f32 v10, v13  }
0x19a: {  	v57 =	vld [tilespmem:s12+$0x110];
	v7 =	vmax.f32 v7, $0.0e+00  }
0x19b: {  	v8 =	vld [tilespmem:s14+$0x10];
	[tilespmem:s10+$0x50] =	vst v7;
	v7 =	vadd.f32 v54, v53;
	v10 =	vadd.f32 v58, v10  }
0x19c: {  	v11 =	vld [tilespmem:s14+$0xFFFFFF90]  }
0x19d: {  	v12 =	vadd.f32 v61, v60;
	v62 =	vld [tilespmem:s22+$0xFFFFF160];
	v7 =	vadd.f32 v59, v7;
	v10 =	vmax.f32 v10, $0.0e+00  }
0x19e: {  	v63 =	vld [tilespmem:s22+$0x160];
	[tilespmem:s11+$0xB0] =	vst v10  }
0x19f: {  	v12 =	vadd.f32 v32, v12;
	v7 =	vmax.f32 v7, $0.0e+00;
	v24 =	vld [tilespmem:s12+$0xFFFFF1B0]  }
0x1a0: {  	[tilespmem:s11+$0xFFFFFEF0] =	vst v7;
	v7 =	vld [tilespmem:s12+$0x1B0]  }
0x1a1: {  	v9 =	vadd.f32 v9, v55;
	v34 =	vld [tilespmem:s16+$0x60];
	v12 =	vmax.f32 v12, $0.0e+00  }
0x1a2: {  	[tilespmem:s10+$0xFFFFFFD0] =	vst v12;
	v25 =	vld [tilespmem:s14+$0xB0]  }
0x1a3: {  	v9 =	vadd.f32 v11, v9;
	v45 =	vld [tilespmem:s22+$0xFFFFF0F0]  }
0x1a4: {  	v18 =	vadd.f32 v57, v56;
	v46 =	vld [tilespmem:s22+$0xF0]  }
0x1a5: {  	v9 =	vmax.f32 v9, $0.0e+00;
	v11 =	vld [tilespmem:s12+$0xFFFFF020];
	v7 =	vadd.f32 v7, v24  }
0x1a6: {  	v8 =	vadd.f32 v8, v18;
	[tilespmem:s11+$0xFFFFFF80] =	vst v9;
	v9 =	vld [tilespmem:s12+$0x20]  }
0x1a7: {  	v10 =	vld [tilespmem:s16+$0xFFFFFF60];
	v7 =	vadd.f32 v25, v7  }
0x1a8: {  	v8 =	vmax.f32 v8, $0.0e+00;
	v26 =	vld [tilespmem:s12+$0xFFFFF0A0]  }
0x1a9: {  	[tilespmem:s11+$0x10] =	vst v8;
	v8 =	vld [tilespmem:s12+$0xA0];
	v7 =	vmax.f32 v7, $0.0e+00  }
0x1aa: {  	v29 =	vld [tilespmem:s14+$0xFFFFFF20];
	[tilespmem:s11+$0xC0] =	vst v7  }
0x1ab: {  	v7 =	vadd.f32 v9, v11;
	v9 =	vld [tilespmem:s12+$0xFFFFF1C0]  }
0x1ac: {  	v11 =	vld [tilespmem:s12+$0x1C0]  }
0x1ad: {  	v30 =	vld [tilespmem:s14+$0xFFFFFFA0];
	v15 =	vadd.f32 v63, v62  }
0x1ae: {  	v14 =	vadd.f32 v51, v49;
	v33 =	vld [tilespmem:s14+$0xC0]  }
0x1af: {  	v5 =	vadd.f32 v6, v5;
	v6 =	vld [tilespmem:s16+$0xFFFFFFF0];
	v15 =	vadd.f32 v34, v15  }
0x1b0: {  	v27 =	vld [tilespmem:s12+$0xFFFFF120];
	v10 =	vadd.f32 v10, v14;
	v8 =	vadd.f32 v8, v26  }
0x1b1: {  	v28 =	vld [tilespmem:s12+$0x120];
	v44 =	vmax.f32 v15, $0.0e+00;
	v7 =	vadd.f32 v29, v7;
	v9 =	vadd.f32 v11, v9  }
0x1b2: {  	v31 =	vld [tilespmem:s14+$0x20];
	[tilespmem:s10+$0x60] =	vst v44;
	v10 =	vmax.f32 v10, $0.0e+00;
	v8 =	vadd.f32 v30, v8  }
0x1b3: {  	v47 =	vld [tilespmem:s22+$0xFFFFF170];
	[tilespmem:s10+$0xFFFFFF40] =	vst v10;
	v7 =	vmax.f32 v7, $0.0e+00;
	v9 =	vadd.f32 v33, v9  }
0x1b4: {  	v8 =	vmax.f32 v8, $0.0e+00;
	v43 =	vld [tilespmem:s22+$0x70];
	[tilespmem:s11+$0xFFFFFF00] =	vst v7  }
0x1b5: {  	[tilespmem:s11+$0xFFFFFF90] =	vst v8;
	v35 =	vld [tilespmem:s12+$0xFFFFF030];
	v9 =	vmax.f32 v9, $0.0e+00  }
0x1b6: {  	v10 =	vadd.f32 v28, v27;
	v8 =	vld [tilespmem:s12+$0x30];
	[tilespmem:s11+$0xD0] =	vst v9  }
0x1b7: {  	v9 =	vld [tilespmem:s12+$0xFFFFF1D0]  }
0x1b8: {  	v10 =	vadd.f32 v31, v10;
	v38 =	vld [tilespmem:s12+$0x1D0]  }
0x1b9: {  	v39 =	vld [tilespmem:s14+$0xFFFFFF30]  }
0x1ba: {  	v10 =	vmax.f32 v10, $0.0e+00;
	v40 =	vld [tilespmem:s14+$0xD0]  }
0x1bb: {  	[tilespmem:s11+$0x20] =	vst v10;
	v10 =	vld [tilespmem:s12+$0xB0]  }
0x1bc: {  	v11 =	vld [tilespmem:s12+$0xFFFFF0B0];
	v8 =	vadd.f32 v8, v35  }
0x1bd: {  	v41 =	vld [tilespmem:s14+$0xFFFFFFB0];
	v9 =	vadd.f32 v38, v9  }
0x1be: {  	v36 =	vld [tilespmem:s12+$0xFFFFF130];
	v8 =	vadd.f32 v39, v8  }
0x1bf: {  	v37 =	vld [tilespmem:s12+$0x130];
	v9 =	vadd.f32 v40, v9  }
0x1c0: {  	v42 =	vld [tilespmem:s14+$0x30];
	v8 =	vmax.f32 v8, $0.0e+00  }
0x1c1: {  	v7 =	vld [tilespmem:s22+$0xFFFFF070];
	v10 =	vadd.f32 v10, v11;
	[tilespmem:s11+$0xFFFFFF10] =	vst v8;
	v8 =	vmax.f32 v9, $0.0e+00  }
0x1c2: {  	v11 =	vld [tilespmem:s12+$0xFFFFF040];
	[tilespmem:s11+$0xE0] =	vst v8  }
0x1c3: {  	v10 =	vadd.f32 v41, v10;
	v48 =	vld [tilespmem:s12+$0xFFFFF1E0]  }
0x1c4: {  	v49 =	vld [tilespmem:s12+$0x1E0]  }
0x1c5: {  	v10 =	vmax.f32 v10, $0.0e+00;
	v50 =	vld [tilespmem:s12+$0x40];
	v8 =	vadd.f32 v37, v36  }
0x1c6: {  	[tilespmem:s11+$0xFFFFFFA0] =	vst v10;
	v10 =	vld [tilespmem:s14+$0xE0]  }
0x1c7: {  	v51 =	vld [tilespmem:s12+$0xFFFFF0C0];
	v8 =	vadd.f32 v42, v8  }
0x1c8: {  	v54 =	vld [tilespmem:s14+$0xFFFFFF40]  }
0x1c9: {  	v55 =	vld [tilespmem:s14+$0xFFFFFFC0];
	v8 =	vmax.f32 v8, $0.0e+00;
	v16 =	vadd.f32 v49, v48  }
0x1ca: {  	[tilespmem:s11+$0x30] =	vst v8;
	v8 =	vld [tilespmem:s12+$0xC0]  }
0x1cb: {  	v52 =	vld [tilespmem:s12+$0xFFFFF140];
	v10 =	vadd.f32 v10, v16  }
0x1cc: {  	v53 =	vld [tilespmem:s12+$0x140]  }
0x1cd: {  	v56 =	vld [tilespmem:s14+$0x40];
	v10 =	vmax.f32 v10, $0.0e+00  }
0x1ce: {  	v11 =	vadd.f32 v50, v11;
	[tilespmem:s11+$0xF0] =	vst v10;
	v10 =	vld [tilespmem:s16+$0xFFFFFF70]  }
0x1cf: {  	v57 =	vld [tilespmem:s12+$0xFFFFF1F0]  }
0x1d0: {  	v11 =	vadd.f32 v54, v11;
	v8 =	vadd.f32 v8, v51;
	v58 =	vld [tilespmem:s12+$0x1F0]  }
0x1d1: {  	v9 =	vld [tilespmem:s22+$0x170]  }
0x1d2: {  	v11 =	vmax.f32 v11, $0.0e+00;
	v18 =	vadd.f32 v53, v52;
	v8 =	vadd.f32 v55, v8;
	v59 =	vld [tilespmem:s14+$0xF0]  }
0x1d3: {  	v4 =	vadd.f32 v4, v5;
	v5 =	vadd.f32 v43, v7;
	[tilespmem:s11+$0xFFFFFF20] =	vst v11;
	v11 =	vld [tilespmem:s16+$0x70]  }
0x1d4: {  	v7 =	vadd.f32 v46, v45;
	v61 =	vld [tilespmem:s12+$0xFFFFF050];
	v60 =	vadd.f32 v56, v18;
	v8 =	vmax.f32 v8, $0.0e+00  }
0x1d5: {  	v4 =	vmax.f32 v4, $0.0e+00;
	v62 =	vld [tilespmem:s12+$0x50];
	[tilespmem:s11+$0xFFFFFFB0] =	vst v8;
	v10 =	vadd.f32 v10, v5;
	v8 =	vadd.f32 v58, v57  }
0x1d6: {  	[tilespmem:s10+$0x100] =	vst v4;
	v63 =	vadd.f32 v6, v7;
	v4 =	vadd.f32 v9, v47;
	v9 =	vmax.f32 v60, $0.0e+00;
	v5 =	vld [tilespmem:s12+$0xFFFFF0D0]  }
0x1d7: {  	[tilespmem:s11+$0x40] =	vst v9;
	v7 =	vld [tilespmem:s12+$0xD0];
	v6 =	vmax.f32 v10, $0.0e+00;
	v9 =	vadd.f32 v59, v8  }
0x1d8: {  	v4 =	vadd.f32 v11, v4;
	v10 =	vmax.f32 v63, $0.0e+00;
	[tilespmem:s10+$0xFFFFFF50] =	vst v6;
	v6 =	vld [tilespmem:s12+$0xFFFFF150]  }
0x1d9: {  	v8 =	vld [tilespmem:s12+$0x150];
	[tilespmem:s10+$0xFFFFFFE0] =	vst v10;
	v11 =	vmax.f32 v9, $0.0e+00  }
0x1da: {  	s23 =	simm.s32 $0x4140;
	s22 =	simm.s32 $0x4;
	s16 =	simm.s32 $0x6040;
	v4 =	vmax.f32 v4, $0.0e+00;
	v10 =	vld [tilespmem:s14+$0xFFFFFF50];
	v9 =	vadd.f32 v62, v61;
	[tilespmem:s11+$0x100] =	vst v11  }
.LBB2_19:
0x1db: {  	v11 =	vld [tilespmem:s23+$0xFFFFF180];
	[tilespmem:s10+$0x70] =	vst v4;
	s10 =	smov.u32 s11  }
0x1dc: {  	v4 =	vld [tilespmem:s23+$0x180];
	v5 =	vadd.f32 v7, v5  }
0x1dd: {  	s14 =	sadd.s32 $0x200, s14;
	v7 =	vld [tilespmem:s23+$0x0]  }
0x1de: {  	v12 =	vld [tilespmem:s14+$0x80];
	v6 =	vadd.f32 v8, v6  }
0x1df: {  	v8 =	vld [tilespmem:s23+$0xFFFFF080];
	v9 =	vadd.f32 v10, v9  }
0x1e0: {  	v10 =	vld [tilespmem:s23+$0x80]  }
0x1e1: {  	v13 =	vld [tilespmem:s23+$0xFFFFF100];
	v4 =	vadd.f32 v4, v11;
	v9 =	vmax.f32 v9, $0.0e+00  }
0x1e2: {  	v11 =	vld [tilespmem:s23+$0x100];
	[tilespmem:s11+$0xFFFFFF30] =	vst v9  }
0x1e3: {  	s22 =	sadd.s32 $0x4, s22;
	v9 =	vld [tilespmem:s23+$0xFFFFF000];
	v4 =	vadd.f32 v12, v4  }
0x1e4: {  	p0 =	slt.u32 s22, $0x1C;
	v12 =	vld [tilespmem:s14+$0xFFFFFF00]  }
0x1e5: {  	s11 =	sadd.s32 $0x240, s11;
	v8 =	vadd.f32 v10, v8;
	v10 =	vld [tilespmem:s14+$0xFFFFFF80];
	v4 =	vmax.f32 v4, $0.0e+00  }
0x1e6: {  	v14 =	vld [tilespmem:s14+$0x0];
	[tilespmem:s11+$0x90] =	vst v4  }
0x1e7: {  	v4 =	vadd.f32 v11, v13;
	v11 =	vld [tilespmem:s23+$0xFFFFF190]  }
0x1e8: {  	v7 =	vadd.f32 v7, v9;
	v9 =	vld [tilespmem:s23+$0x190]  }
0x1e9: {  	v13 =	vld [tilespmem:s16+$0xFFFFFFD0]  }
0x1ea: {  	v7 =	vadd.f32 v12, v7;
	v8 =	vadd.f32 v10, v8;
	v10 =	vld [tilespmem:s14+$0x90]  }
0x1eb: {  	v4 =	vadd.f32 v14, v4;
	v12 =	vld [tilespmem:s16+$0x50]  }
0x1ec: {  	v7 =	vmax.f32 v7, $0.0e+00;
	v8 =	vmax.f32 v8, $0.0e+00;
	v14 =	vld [tilespmem:s12+$0xFFFFF060]  }
0x1ed: {  	[tilespmem:s11+$0xFFFFFEE0] =	vst v7;
	v4 =	vmax.f32 v4, $0.0e+00;
	v7 =	vadd.f32 v9, v11;
	v9 =	vld [tilespmem:s12+$0x60]  }
0x1ee: {  	v11 =	vld [tilespmem:s23+$0xFFFFF010];
	[tilespmem:s11+$0xFFFFFF70] =	vst v8;
	v5 =	vadd.f32 v13, v5  }
0x1ef: {  	v8 =	vld [tilespmem:s23+$0x10];
	[tilespmem:s11+$0x0] =	vst v4;
	v4 =	vadd.f32 v10, v7  }
0x1f0: {  	v7 =	vld [tilespmem:s23+$0xFFFFF090];
	v5 =	vmax.f32 v5, $0.0e+00;
	v6 =	vadd.f32 v12, v6  }
0x1f1: {  	v10 =	vld [tilespmem:s23+$0x90];
	v4 =	vmax.f32 v4, $0.0e+00;
	[tilespmem:s10+$0xFFFFFFC0] =	vst v5  }
0x1f2: {  	v5 =	vld [tilespmem:s23+$0xFFFFF110];
	[tilespmem:s11+$0xA0] =	vst v4;
	v4 =	vadd.f32 v9, v14;
	v6 =	vmax.f32 v6, $0.0e+00  }
0x1f3: {  	v9 =	vld [tilespmem:s23+$0xFFFFF1A0];
	[tilespmem:s10+$0x50] =	vst v6  }
0x1f4: {  	v6 =	vadd.f32 v8, v11;
	v8 =	vld [tilespmem:s23+$0x1A0]  }
0x1f5: {  	v11 =	vld [tilespmem:s23+$0x110]  }
0x1f6: {  	v7 =	vadd.f32 v10, v7;
	v10 =	vld [tilespmem:s14+$0xA0]  }
0x1f7: {  	v12 =	vld [tilespmem:s14+$0xFFFFFF10]  }
0x1f8: {  	v13 =	vld [tilespmem:s14+$0xFFFFFF90]  }
0x1f9: {  	v14 =	vld [tilespmem:s14+$0x10];
	v8 =	vadd.f32 v8, v9  }
0x1fa: {  	v5 =	vadd.f32 v11, v5;
	v9 =	vld [tilespmem:s12+$0xFFFFF0E0]  }
0x1fb: {  	v8 =	vadd.f32 v10, v8;
	v10 =	vld [tilespmem:s12+$0xE0]  }
0x1fc: {  	v6 =	vadd.f32 v12, v6;
	v11 =	vld [tilespmem:s12+$0xFFFFF160]  }
0x1fd: {  	v7 =	vadd.f32 v13, v7;
	v8 =	vmax.f32 v8, $0.0e+00;
	v12 =	vld [tilespmem:s12+$0x160]  }
0x1fe: {  	v6 =	vmax.f32 v6, $0.0e+00;
	v5 =	vadd.f32 v14, v5;
	[tilespmem:s11+$0xB0] =	vst v8;
	v8 =	vld [tilespmem:s16+$0xFFFFFF60]  }
0x1ff: {  	[tilespmem:s11+$0xFFFFFEF0] =	vst v6;
	v6 =	vmax.f32 v7, $0.0e+00;
	v7 =	vld [tilespmem:s23+$0xFFFFF1B0]  }
0x200: {  	[tilespmem:s11+$0xFFFFFF80] =	vst v6;
	v5 =	vmax.f32 v5, $0.0e+00;
	v6 =	vld [tilespmem:s23+$0x1B0];
	v9 =	vadd.f32 v10, v9  }
0x201: {  	v10 =	vld [tilespmem:s23+$0xFFFFF020];
	[tilespmem:s11+$0x10] =	vst v5  }
0x202: {  	v5 =	vld [tilespmem:s14+$0xB0];
	v11 =	vadd.f32 v12, v11  }
0x203: {  	v12 =	vld [tilespmem:s23+$0x20];
	v4 =	vadd.f32 v8, v4  }
0x204: {  	v8 =	vld [tilespmem:s23+$0xFFFFF0A0]  }
0x205: {  	v13 =	vld [tilespmem:s23+$0xA0];
	v6 =	vadd.f32 v6, v7;
	v4 =	vmax.f32 v4, $0.0e+00  }
0x206: {  	v7 =	vld [tilespmem:s23+$0xFFFFF120];
	[tilespmem:s10+$0xFFFFFF40] =	vst v4  }
0x207: {  	v4 =	vld [tilespmem:s23+$0x120];
	v5 =	vadd.f32 v5, v6  }
0x208: {  	v6 =	vadd.f32 v12, v10;
	v10 =	vld [tilespmem:s14+$0xFFFFFF20]  }
0x209: {  	v12 =	vld [tilespmem:s14+$0xFFFFFFA0];
	v5 =	vmax.f32 v5, $0.0e+00  }
0x20a: {  	v8 =	vadd.f32 v13, v8;
	v13 =	vld [tilespmem:s14+$0x20];
	[tilespmem:s11+$0xC0] =	vst v5  }
0x20b: {  	v5 =	vld [tilespmem:s23+$0xFFFFF1C0]  }
0x20c: {  	v4 =	vadd.f32 v4, v7;
	v7 =	vld [tilespmem:s23+$0x1C0]  }
0x20d: {  	v6 =	vadd.f32 v10, v6;
	v10 =	vld [tilespmem:s16+$0xFFFFFFE0]  }
0x20e: {  	v8 =	vadd.f32 v12, v8;
	v12 =	vld [tilespmem:s14+$0xC0]  }
0x20f: {  	v6 =	vmax.f32 v6, $0.0e+00;
	v4 =	vadd.f32 v13, v4;
	v13 =	vld [tilespmem:s16+$0x60]  }
0x210: {  	[tilespmem:s11+$0xFFFFFF00] =	vst v6;
	v6 =	vmax.f32 v8, $0.0e+00;
	v8 =	vld [tilespmem:s12+$0xFFFFF070]  }
0x211: {  	v14 =	vld [tilespmem:s23+$0xFFFFF030];
	[tilespmem:s11+$0xFFFFFF90] =	vst v6;
	v4 =	vmax.f32 v4, $0.0e+00;
	v5 =	vadd.f32 v7, v5  }
0x212: {  	v6 =	vld [tilespmem:s23+$0x30];
	[tilespmem:s11+$0x20] =	vst v4;
	v4 =	vadd.f32 v10, v9  }
0x213: {  	v7 =	vld [tilespmem:s23+$0xFFFFF0B0];
	v5 =	vadd.f32 v12, v5  }
0x214: {  	v9 =	vld [tilespmem:s23+$0xB0];
	v4 =	vmax.f32 v4, $0.0e+00;
	v10 =	vadd.f32 v13, v11  }
0x215: {  	v11 =	vld [tilespmem:s23+$0xFFFFF130];
	v5 =	vmax.f32 v5, $0.0e+00;
	[tilespmem:s10+$0xFFFFFFD0] =	vst v4  }
0x216: {  	v4 =	vld [tilespmem:s23+$0x130];
	[tilespmem:s11+$0xD0] =	vst v5;
	v5 =	vmax.f32 v10, $0.0e+00  }
0x217: {  	v6 =	vadd.f32 v6, v14;
	v10 =	vld [tilespmem:s23+$0xFFFFF1D0];
	[tilespmem:s10+$0x60] =	vst v5  }
0x218: {  	v5 =	vld [tilespmem:s23+$0x1D0]  }
0x219: {  	v12 =	vld [tilespmem:s14+$0xFFFFFF30];
	v7 =	vadd.f32 v9, v7  }
0x21a: {  	v9 =	vld [tilespmem:s14+$0xD0]  }
0x21b: {  	v13 =	vld [tilespmem:s14+$0xFFFFFFB0];
	v4 =	vadd.f32 v4, v11  }
0x21c: {  	v11 =	vld [tilespmem:s14+$0x30]  }
0x21d: {  	v5 =	vadd.f32 v5, v10;
	v10 =	vld [tilespmem:s12+$0x70]  }
0x21e: {  	v6 =	vadd.f32 v12, v6;
	v12 =	vld [tilespmem:s12+$0xFFFFF0F0]  }
0x21f: {  	v5 =	vadd.f32 v9, v5;
	v9 =	vld [tilespmem:s12+$0xF0]  }
0x220: {  	v6 =	vmax.f32 v6, $0.0e+00;
	v7 =	vadd.f32 v13, v7;
	v13 =	vld [tilespmem:s12+$0xFFFFF170]  }
0x221: {  	[tilespmem:s11+$0xFFFFFF10] =	vst v6;
	v4 =	vadd.f32 v11, v4;
	v5 =	vmax.f32 v5, $0.0e+00;
	v6 =	vld [tilespmem:s12+$0x170];
	s12 =	smov.u32 s23  }
0x222: {  	v11 =	vld [tilespmem:s23+$0xFFFFF040];
	v7 =	vmax.f32 v7, $0.0e+00;
	[tilespmem:s11+$0xE0] =	vst v5;
	v5 =	vadd.f32 v10, v8  }
0x223: {  	[tilespmem:s11+$0xFFFFFFA0] =	vst v7;
	v4 =	vmax.f32 v4, $0.0e+00;
	v7 =	vld [tilespmem:s23+$0xFFFFF1E0]  }
0x224: {  	[tilespmem:s11+$0x30] =	vst v4;
	v4 =	vld [tilespmem:s23+$0x1E0];
	v8 =	vadd.f32 v9, v12  }
0x225: {  	v9 =	vld [tilespmem:s23+$0x40]  }
0x226: {  	v10 =	vld [tilespmem:s14+$0xE0];
	v12 =	vadd.f32 v6, v13  }
0x227: {  	v6 =	vld [tilespmem:s23+$0xFFFFF0C0]  }
0x228: {  	v13 =	vld [tilespmem:s23+$0xC0]  }
0x229: {  	v14 =	vld [tilespmem:s23+$0xFFFFF140];
	v4 =	vadd.f32 v4, v7  }
0x22a: {  	v7 =	vadd.f32 v9, v11;
	v9 =	vld [tilespmem:s23+$0x140]  }
0x22b: {  	v11 =	vld [tilespmem:s14+$0xFFFFFF40];
	v4 =	vadd.f32 v10, v4  }
0x22c: {  	v10 =	vld [tilespmem:s14+$0xFFFFFFC0]  }
0x22d: {  	v6 =	vadd.f32 v13, v6;
	v13 =	vld [tilespmem:s14+$0x40];
	v4 =	vmax.f32 v4, $0.0e+00  }
0x22e: {  	[tilespmem:s11+$0xF0] =	vst v4;
	v4 =	vld [tilespmem:s16+$0xFFFFFF70]  }
0x22f: {  	v9 =	vadd.f32 v9, v14;
	v14 =	vld [tilespmem:s23+$0xFFFFF1F0]  }
0x230: {  	v7 =	vadd.f32 v11, v7;
	v11 =	vld [tilespmem:s23+$0x1F0]  }
0x231: {  	v6 =	vadd.f32 v10, v6;
	v10 =	vld [tilespmem:s16+$0xFFFFFFF0]  }
0x232: {  	v7 =	vmax.f32 v7, $0.0e+00;
	v9 =	vadd.f32 v13, v9;
	v13 =	vld [tilespmem:s14+$0xF0]  }
0x233: {  	[tilespmem:s11+$0xFFFFFF20] =	vst v7;
	v6 =	vmax.f32 v6, $0.0e+00;
	v4 =	vadd.f32 v4, v5;
	v15 =	vld [tilespmem:s16+$0x70];
	s16 =	smov.u32 s14  }
0x234: {  	v16 =	vld [tilespmem:s23+$0xFFFFF050];
	[tilespmem:s11+$0xFFFFFFB0] =	vst v6;
	v5 =	vmax.f32 v9, $0.0e+00  }
0x235: {  	v9 =	vld [tilespmem:s23+$0x50];
	[tilespmem:s11+$0x40] =	vst v5;
	v6 =	vadd.f32 v11, v14;
	v4 =	vmax.f32 v4, $0.0e+00  }
.Ltmp12:
0x236: {  	v5 =	vld [tilespmem:s23+$0xFFFFF0D0];
	[tilespmem:s10+$0xFFFFFF50] =	vst v4;
	v4 =	vadd.f32 v10, v8;
	(pc) =	sbr.rel @p0 .LBB2_19-.Ltmp12, $4  }
0x237: {  	v7 =	vld [tilespmem:s23+$0xD0];
	v10 =	vadd.f32 v13, v6  }
0x238: {  	v6 =	vld [tilespmem:s23+$0xFFFFF150];
	v4 =	vmax.f32 v4, $0.0e+00;
	v11 =	vadd.f32 v15, v12  }
0x239: {  	v8 =	vld [tilespmem:s23+$0x150];
	v12 =	vmax.f32 v10, $0.0e+00;
	[tilespmem:s10+$0xFFFFFFE0] =	vst v4  }
0x23a: {  	s23 =	sadd.s32 $0x200, s23;
	v9 =	vadd.f32 v9, v16;
	v10 =	vld [tilespmem:s14+$0xFFFFFF50];
	[tilespmem:s11+$0x100] =	vst v12;
	v4 =	vmax.f32 v11, $0.0e+00  }
0x23b: {  	_ =	sdelay $0x1  }
0x23c: {  	v11 =	vld [tilespmem:s16+$0xFFFFFFD0];
	_ =	sdelay $0x1  }
0x23d: {  	v12 =	vld [tilespmem:s16+$0x50];
	v46 =	vadd.f32 v10, v9  }
0x23e: {  	v5 =	vadd.f32 v7, v5  }
0x23f: {  	v7 =	vmax.f32 v46, $0.0e+00  }
0x240: {  	v6 =	vadd.f32 v8, v6;
	v5 =	vadd.f32 v11, v5;
	[tilespmem:s11+$0xFFFFFF30] =	vst v7  }
0x241: {  	v7 =	vld [tilespmem:s12+$0xFFFFF060]  }
0x242: {  	v6 =	vadd.f32 v12, v6;
	v5 =	vmax.f32 v5, $0.0e+00;
	v47 =	vld [tilespmem:s12+$0x60]  }
0x243: {  	[tilespmem:s11+$0xFFFFFFC0] =	vst v5;
	v50 =	vld [tilespmem:s16+$0xFFFFFF60]  }
0x244: {  	v5 =	vmax.f32 v6, $0.0e+00;
	v48 =	vld [tilespmem:s12+$0xFFFFF0E0]  }
0x245: {  	[tilespmem:s11+$0x50] =	vst v5;
	v5 =	vld [tilespmem:s12+$0xE0]  }
0x246: {  	v52 =	vld [tilespmem:s16+$0xFFFFFFE0]  }
0x247: {  	v49 =	vld [tilespmem:s12+$0xFFFFF160]  }
0x248: {  	v51 =	vld [tilespmem:s12+$0x160];
	v7 =	vadd.f32 v47, v7;
	_ =	sdelay $0x1  }
0x249: {  	v53 =	vld [tilespmem:s16+$0x60];
	v5 =	vadd.f32 v5, v48;
	v54 =	vadd.f32 v50, v7;
	_ =	sdelay $0x1  }
0x24a: {  	v5 =	vadd.f32 v52, v5;
	v6 =	vmax.f32 v54, $0.0e+00  }
0x24b: {  	v55 =	vadd.f32 v51, v49;
	[tilespmem:s11+$0xFFFFFF40] =	vst v6  }
0x24c: {  	v5 =	vmax.f32 v5, $0.0e+00;
	v6 =	vld [tilespmem:s12+$0xFFFFF070]  }
0x24d: {  	v7 =	vadd.f32 v53, v55;
	[tilespmem:s11+$0xFFFFFFD0] =	vst v5;
	v5 =	vld [tilespmem:s12+$0x70]  }
0x24e: {  	v60 =	vld [tilespmem:s16+$0xFFFFFF70]  }
0x24f: {  	v7 =	vmax.f32 v7, $0.0e+00;
	v56 =	vld [tilespmem:s12+$0xFFFFF0F0]  }
0x250: {  	[tilespmem:s11+$0x60] =	vst v7;
	v57 =	vld [tilespmem:s12+$0xF0]  }
0x251: {  	v58 =	vld [tilespmem:s12+$0xFFFFF170]  }
0x252: {  	v59 =	vld [tilespmem:s12+$0x170]  }
0x253: {  	v61 =	vld [tilespmem:s16+$0xFFFFFFF0]  }
0x254: {  	v13 =	vld [tilespmem:s16+$0x70]  }
0x255: {  	v5 =	vadd.f32 v5, v6  }
0x256: {  	v62 =	vadd.f32 v57, v56  }
0x257: {  	v63 =	vadd.f32 v59, v58;
	v5 =	vadd.f32 v60, v5  }
0x258: {  	v6 =	vadd.f32 v61, v62  }
.Ltmp13:
0x259: {  	[tilespmem:s10+$0x70] =	vst v4;
	v4 =	vmax.f32 v5, $0.0e+00;
	v5 =	vadd.f32 v13, v63;
	(pc) =	sbr.rel .LBB2_21-.Ltmp13, $4  }
0x25a: {  	[tilespmem:s11+$0xFFFFFF50] =	vst v4;
	v4 =	vmax.f32 v6, $0.0e+00  }
0x25b: {  	[tilespmem:s11+$0xFFFFFFE0] =	vst v4;
	v4 =	vmax.f32 v5, $0.0e+00  }
0x25c: {  	[tilespmem:s11+$0x70] =	vst v4  }
0x25d: {  	[spmem:s4] =	stream.indirect.scatter.add.f32 [tilespmem:s21], [sflag:$0x6], $0x90, s2, s31, $0xb8;
	[tilespmem:$0x1F0D0] =	vst v63  }
.LBB2_15:
0x25e: {  	_ =	swait.ge [sflag:s24], $0x2000  }
0x25f: {  	[sflag:s24] =	ssyncset.done $0x0  }
0x260: {  	[sflag:s24] =	ssyncadd.s32 $0xFFFFE000  }
0x261: {  	_ =	swait.ge [sflag:s25], $0x1000  }
0x262: {  	[sflag:s25] =	ssyncset.done $0x0  }
0x263: {  	s22 =	simm.s32 $0x1D40;
	[sflag:s25] =	ssyncadd.s32 $0xFFFFF000  }
0x264: {  	v4 =	vld [tilespmem:s22+$0xFFFFF180]  }
0x265: {  	v5 =	vld [tilespmem:s22+$0x180]  }
0x266: {  	s16 =	simm.s32 $0x4E40  }
0x267: {  	v6 =	vld [tilespmem:s16+$0x80];
	_ =	sdelay $0x2  }
0x268: {  	v4 =	vadd.f32 v5, v4;
	_ =	sdelay $0x1  }
0x269: {  	v7 =	vld [tilespmem:s22+$0x0];
	v4 =	vadd.f32 v6, v4  }
0x26a: {  	v8 =	vld [tilespmem:s22+$0xFFFFF080]  }
0x26b: {  	s10 =	simm.s32 $0x6E60;
	v9 =	vld [tilespmem:s22+$0x80];
	v4 =	vmax.f32 v4, $0.0e+00  }
0x26c: {  	v10 =	vld [tilespmem:s16+$0xFFFFFF80];
	[tilespmem:s10+$0x90] =	vst v4  }
0x26d: {  	v4 =	vld [tilespmem:s22+$0xFFFFF190]  }
0x26e: {  	v5 =	vld [tilespmem:s22+$0x190]  }
0x26f: {  	v11 =	vld [tilespmem:s22+$0xFFFFF100]  }
0x270: {  	s12 =	simm.s32 $0x1F40;
	v6 =	vld [tilespmem:s16+$0x90]  }
0x271: {  	v14 =	vld [tilespmem:s12+$0xFFFFF180]  }
0x272: {  	v15 =	vld [tilespmem:s12+$0x180]  }
0x273: {  	v4 =	vadd.f32 v5, v4;
	v5 =	vld [tilespmem:s22+$0xFFFFF000]  }
0x274: {  	v16 =	vld [tilespmem:s12+$0x0]  }
0x275: {  	s14 =	simm.s32 $0x5040;
	v4 =	vadd.f32 v6, v4;
	v6 =	vld [tilespmem:s16+$0xFFFFFF00]  }
0x276: {  	v17 =	vld [tilespmem:s14+$0x80]  }
0x277: {  	v18 =	vld [tilespmem:s12+$0xFFFFF080];
	v4 =	vmax.f32 v4, $0.0e+00  }
0x278: {  	v19 =	vld [tilespmem:s12+$0x80];
	[tilespmem:s10+$0xA0] =	vst v4;
	v4 =	vadd.f32 v7, v5  }
0x279: {  	v5 =	vld [tilespmem:s22+$0xFFFFF1A0]  }
0x27a: {  	v8 =	vadd.f32 v9, v8;
	v7 =	vld [tilespmem:s22+$0x1A0];
	v4 =	vadd.f32 v6, v4  }
0x27b: {  	v9 =	vld [tilespmem:s22+$0x100]  }
0x27c: {  	v8 =	vadd.f32 v10, v8;
	v6 =	vld [tilespmem:s16+$0xA0];
	v4 =	vmax.f32 v4, $0.0e+00  }
0x27d: {  	v10 =	vld [tilespmem:s16+$0x0];
	[tilespmem:s10+$0xFFFFFEE0] =	vst v4  }
0x27e: {  	v4 =	vmax.f32 v8, $0.0e+00;
	v8 =	vld [tilespmem:s22+$0xFFFFF010]  }
0x27f: {  	v5 =	vadd.f32 v7, v5;
	[tilespmem:s10+$0xFFFFFF70] =	vst v4;
	v4 =	vld [tilespmem:s22+$0x10]  }
0x280: {  	v9 =	vadd.f32 v9, v11;
	v11 =	vld [tilespmem:s16+$0xFFFFFF10]  }
0x281: {  	v7 =	vld [tilespmem:s22+$0xFFFFF090];
	v5 =	vadd.f32 v6, v5  }
0x282: {  	v6 =	vld [tilespmem:s22+$0x90]  }
0x283: {  	v20 =	vld [tilespmem:s12+$0xFFFFF100];
	v5 =	vmax.f32 v5, $0.0e+00  }
0x284: {  	v12 =	vld [tilespmem:s16+$0xFFFFFF90];
	[tilespmem:s10+$0xB0] =	vst v5;
	v5 =	vadd.f32 v10, v9  }
0x285: {  	v4 =	vadd.f32 v4, v8;
	v9 =	vld [tilespmem:s22+$0xFFFFF1B0]  }
0x286: {  	v8 =	vld [tilespmem:s22+$0x1B0];
	v5 =	vmax.f32 v5, $0.0e+00  }
0x287: {  	v4 =	vadd.f32 v11, v4;
	[tilespmem:s10+$0x0] =	vst v5;
	v5 =	vadd.f32 v6, v7;
	v6 =	vld [tilespmem:s16+$0xB0]  }
0x288: {  	v7 =	vld [tilespmem:s22+$0xFFFFF110]  }
0x289: {  	v10 =	vld [tilespmem:s22+$0x110];
	v4 =	vmax.f32 v4, $0.0e+00;
	v5 =	vadd.f32 v12, v5  }
0x28a: {  	v11 =	vld [tilespmem:s16+$0x10];
	[tilespmem:s10+$0xFFFFFEF0] =	vst v4  }
0x28b: {  	v4 =	vadd.f32 v8, v9;
	v8 =	vld [tilespmem:s22+$0xFFFFF020];
	v5 =	vmax.f32 v5, $0.0e+00  }
0x28c: {  	[tilespmem:s10+$0xFFFFFF80] =	vst v5;
	v5 =	vld [tilespmem:s22+$0x20]  }
0x28d: {  	v4 =	vadd.f32 v6, v4;
	v6 =	vld [tilespmem:s22+$0xFFFFF0A0]  }
0x28e: {  	v9 =	vld [tilespmem:s22+$0xA0];
	v7 =	vadd.f32 v10, v7  }
0x28f: {  	v10 =	vld [tilespmem:s16+$0xFFFFFF20];
	v4 =	vmax.f32 v4, $0.0e+00  }
0x290: {  	v39 =	vld [tilespmem:s16+$0xFFFFFFA0];
	[tilespmem:s10+$0xC0] =	vst v4;
	v7 =	vadd.f32 v11, v7  }
0x291: {  	v4 =	vld [tilespmem:s22+$0xFFFFF1C0]  }
0x292: {  	v11 =	vld [tilespmem:s22+$0x1C0];
	v7 =	vmax.f32 v7, $0.0e+00  }
0x293: {  	v5 =	vadd.f32 v5, v8;
	v8 =	vld [tilespmem:s16+$0xC0];
	[tilespmem:s10+$0x10] =	vst v7  }
0x294: {  	v7 =	vld [tilespmem:s22+$0xFFFFF120]  }
0x295: {  	v6 =	vadd.f32 v9, v6;
	v5 =	vadd.f32 v10, v5;
	v9 =	vld [tilespmem:s22+$0x120]  }
0x296: {  	v43 =	vld [tilespmem:s12+$0x100]  }
0x297: {  	v10 =	vld [tilespmem:s16+$0x20];
	v6 =	vadd.f32 v39, v6;
	v4 =	vadd.f32 v11, v4;
	v5 =	vmax.f32 v5, $0.0e+00  }
0x298: {  	v21 =	vld [tilespmem:s12+$0xFFFFF000];
	[tilespmem:s10+$0xFFFFFF00] =	vst v5  }
0x299: {  	v5 =	vmax.f32 v6, $0.0e+00;
	v4 =	vadd.f32 v8, v4;
	v6 =	vld [tilespmem:s22+$0xFFFFF030]  }
0x29a: {  	[tilespmem:s10+$0xFFFFFF90] =	vst v5;
	v5 =	vld [tilespmem:s22+$0x30];
	v7 =	vadd.f32 v9, v7  }
0x29b: {  	v8 =	vld [tilespmem:s22+$0xFFFFF0B0];
	v4 =	vmax.f32 v4, $0.0e+00  }
0x29c: {  	[tilespmem:s10+$0xD0] =	vst v4;
	v7 =	vadd.f32 v10, v7;
	v10 =	vld [tilespmem:s16+$0xFFFFFF30]  }
0x29d: {  	v4 =	vld [tilespmem:s22+$0xFFFFF1D0]  }
0x29e: {  	v9 =	vld [tilespmem:s22+$0x1D0]  }
0x29f: {  	v11 =	vld [tilespmem:s16+$0xD0];
	v7 =	vmax.f32 v7, $0.0e+00  }
0x2a0: {  	[tilespmem:s10+$0x20] =	vst v7;
	v7 =	vld [tilespmem:s22+$0xB0]  }
0x2a1: {  	v5 =	vadd.f32 v5, v6;
	v40 =	vld [tilespmem:s22+$0xFFFFF130]  }
0x2a2: {  	v6 =	vld [tilespmem:s22+$0x130]  }
0x2a3: {  	v5 =	vadd.f32 v10, v5;
	v4 =	vadd.f32 v9, v4;
	v9 =	vld [tilespmem:s16+$0xFFFFFFB0]  }
0x2a4: {  	v44 =	vld [tilespmem:s14+$0xFFFFFF00]  }
0x2a5: {  	v10 =	vld [tilespmem:s16+$0x30];
	v5 =	vmax.f32 v5, $0.0e+00;
	v4 =	vadd.f32 v11, v4  }
0x2a6: {  	v22 =	vld [tilespmem:s14+$0xFFFFFF80];
	v7 =	vadd.f32 v7, v8;
	[tilespmem:s10+$0xFFFFFF10] =	vst v5  }
0x2a7: {  	v5 =	vld [tilespmem:s22+$0xFFFFF040];
	v4 =	vmax.f32 v4, $0.0e+00  }
0x2a8: {  	[tilespmem:s10+$0xE0] =	vst v4;
	v4 =	vadd.f32 v6, v40;
	v6 =	vadd.f32 v9, v7;
	v9 =	vld [tilespmem:s22+$0x40]  }
0x2a9: {  	v7 =	vld [tilespmem:s22+$0xFFFFF1E0]  }
0x2aa: {  	v8 =	vld [tilespmem:s22+$0x1E0];
	v4 =	vadd.f32 v10, v4;
	v6 =	vmax.f32 v6, $0.0e+00  }
0x2ab: {  	[tilespmem:s10+$0xFFFFFFA0] =	vst v6;
	v6 =	vld [tilespmem:s16+$0xE0]  }
0x2ac: {  	v14 =	vadd.f32 v15, v14;
	v4 =	vmax.f32 v4, $0.0e+00;
	v10 =	vld [tilespmem:s22+$0xFFFFF0C0]  }
0x2ad: {  	[tilespmem:s10+$0x30] =	vst v4;
	v4 =	vld [tilespmem:s22+$0xC0]  }
0x2ae: {  	v14 =	vadd.f32 v17, v14;
	v11 =	vld [tilespmem:s22+$0xFFFFF140]  }
0x2af: {  	v7 =	vadd.f32 v8, v7;
	v8 =	vld [tilespmem:s16+$0xFFFFFF40]  }
0x2b0: {  	s11 =	simm.s32 $0x70A0;
	v18 =	vadd.f32 v19, v18;
	v14 =	vmax.f32 v14, $0.0e+00;
	v41 =	vld [tilespmem:s22+$0x140]  }
0x2b1: {  	[tilespmem:s11+$0x90] =	vst v14;
	v6 =	vadd.f32 v6, v7;
	v7 =	vld [tilespmem:s16+$0xFFFFFFC0]  }
0x2b2: {  	v18 =	vadd.f32 v22, v18;
	v14 =	vld [tilespmem:s12+$0xFFFFF190];
	v5 =	vadd.f32 v9, v5  }
0x2b3: {  	v9 =	vld [tilespmem:s16+$0x40]  }
0x2b4: {  	v52 =	vmax.f32 v18, $0.0e+00;
	v46 =	vld [tilespmem:s12+$0x190];
	v4 =	vadd.f32 v4, v10;
	v8 =	vadd.f32 v8, v5  }
0x2b5: {  	[tilespmem:s11+$0xFFFFFF70] =	vst v52;
	v48 =	vld [tilespmem:s14+$0x90];
	v6 =	vmax.f32 v6, $0.0e+00  }
0x2b6: {  	v55 =	vld [tilespmem:s12+$0xFFFFF090];
	[tilespmem:s10+$0xF0] =	vst v6;
	v10 =	vadd.f32 v41, v11;
	v7 =	vadd.f32 v7, v4;
	v8 =	vmax.f32 v8, $0.0e+00  }
0x2b7: {  	v5 =	vld [tilespmem:s22+$0xFFFFF1F0];
	[tilespmem:s10+$0xFFFFFF20] =	vst v8  }
0x2b8: {  	v8 =	vadd.f32 v9, v10;
	v7 =	vmax.f32 v7, $0.0e+00;
	v9 =	vld [tilespmem:s22+$0xFFFFF050]  }
0x2b9: {  	[tilespmem:s10+$0xFFFFFFB0] =	vst v7;
	v7 =	vld [tilespmem:s22+$0x50]  }
0x2ba: {  	v6 =	vld [tilespmem:s22+$0x1F0]  }
0x2bb: {  	v13 =	vld [tilespmem:s16+$0xFFFFFF50]  }
0x2bc: {  	v4 =	vld [tilespmem:s16+$0xF0]  }
0x2bd: {  	v8 =	vmax.f32 v8, $0.0e+00;
	v10 =	vld [tilespmem:s22+$0xFFFFF0D0]  }
0x2be: {  	[tilespmem:s10+$0x40] =	vst v8;
	v8 =	vld [tilespmem:s22+$0xD0];
	v7 =	vadd.f32 v7, v9  }
0x2bf: {  	v47 =	vld [tilespmem:s16+$0xFFFFFFD0]  }
0x2c0: {  	v45 =	vadd.f32 v16, v21;
	v11 =	vld [tilespmem:s22+$0xFFFFF150];
	v7 =	vadd.f32 v13, v7  }
0x2c1: {  	v42 =	vld [tilespmem:s22+$0x150]  }
0x2c2: {  	v9 =	vld [tilespmem:s14+$0x0];
	v13 =	vadd.f32 v44, v45;
	v7 =	vmax.f32 v7, $0.0e+00  }
0x2c3: {  	v8 =	vadd.f32 v8, v10;
	[tilespmem:s10+$0xFFFFFF30] =	vst v7;
	v7 =	vld [tilespmem:s16+$0x50]  }
0x2c4: {  	v50 =	vadd.f32 v46, v14;
	v13 =	vmax.f32 v13, $0.0e+00;
	v49 =	vld [tilespmem:s22+$0xFFFFF060]  }
0x2c5: {  	v8 =	vadd.f32 v47, v8;
	[tilespmem:s11+$0xFFFFFEE0] =	vst v13;
	v51 =	vld [tilespmem:s22+$0x60]  }
0x2c6: {  	v13 =	vadd.f32 v48, v50;
	v53 =	vld [tilespmem:s12+$0xFFFFF010]  }
0x2c7: {  	v8 =	vmax.f32 v8, $0.0e+00;
	v54 =	vld [tilespmem:s12+$0x10]  }
0x2c8: {  	v59 =	vld [tilespmem:s14+$0xFFFFFF10];
	[tilespmem:s10+$0xFFFFFFC0] =	vst v8;
	v13 =	vmax.f32 v13, $0.0e+00  }
0x2c9: {  	v60 =	vld [tilespmem:s22+$0xFFFFF0E0];
	[tilespmem:s11+$0xA0] =	vst v13  }
0x2ca: {  	v15 =	vadd.f32 v43, v20;
	v13 =	vld [tilespmem:s12+$0xFFFFF1A0]  }
0x2cb: {  	v10 =	vld [tilespmem:s12+$0x1A0]  }
0x2cc: {  	v9 =	vadd.f32 v9, v15;
	v61 =	vld [tilespmem:s22+$0xE0]  }
0x2cd: {  	v11 =	vadd.f32 v42, v11;
	v58 =	vld [tilespmem:s14+$0xA0]  }
0x2ce: {  	v9 =	vmax.f32 v9, $0.0e+00;
	v32 =	vld [tilespmem:s16+$0xFFFFFFE0]  }
0x2cf: {  	[tilespmem:s11+$0x0] =	vst v9;
	v9 =	vld [tilespmem:s12+$0x90];
	v7 =	vadd.f32 v7, v11  }
0x2d0: {  	v56 =	vld [tilespmem:s12+$0xFFFFF110];
	v10 =	vadd.f32 v10, v13  }
0x2d1: {  	v57 =	vld [tilespmem:s12+$0x110];
	v7 =	vmax.f32 v7, $0.0e+00  }
0x2d2: {  	v8 =	vld [tilespmem:s14+$0x10];
	[tilespmem:s10+$0x50] =	vst v7;
	v7 =	vadd.f32 v54, v53;
	v10 =	vadd.f32 v58, v10  }
0x2d3: {  	v11 =	vld [tilespmem:s14+$0xFFFFFF90]  }
0x2d4: {  	v12 =	vadd.f32 v61, v60;
	v62 =	vld [tilespmem:s22+$0xFFFFF160];
	v7 =	vadd.f32 v59, v7;
	v10 =	vmax.f32 v10, $0.0e+00  }
0x2d5: {  	v63 =	vld [tilespmem:s22+$0x160];
	[tilespmem:s11+$0xB0] =	vst v10  }
0x2d6: {  	v12 =	vadd.f32 v32, v12;
	v7 =	vmax.f32 v7, $0.0e+00;
	v24 =	vld [tilespmem:s12+$0xFFFFF1B0]  }
0x2d7: {  	[tilespmem:s11+$0xFFFFFEF0] =	vst v7;
	v7 =	vld [tilespmem:s12+$0x1B0]  }
0x2d8: {  	v9 =	vadd.f32 v9, v55;
	v34 =	vld [tilespmem:s16+$0x60];
	v12 =	vmax.f32 v12, $0.0e+00  }
0x2d9: {  	[tilespmem:s10+$0xFFFFFFD0] =	vst v12;
	v25 =	vld [tilespmem:s14+$0xB0]  }
0x2da: {  	v9 =	vadd.f32 v11, v9;
	v45 =	vld [tilespmem:s22+$0xFFFFF0F0]  }
0x2db: {  	v18 =	vadd.f32 v57, v56;
	v46 =	vld [tilespmem:s22+$0xF0]  }
0x2dc: {  	v9 =	vmax.f32 v9, $0.0e+00;
	v11 =	vld [tilespmem:s12+$0xFFFFF020];
	v7 =	vadd.f32 v7, v24  }
0x2dd: {  	v8 =	vadd.f32 v8, v18;
	[tilespmem:s11+$0xFFFFFF80] =	vst v9;
	v9 =	vld [tilespmem:s12+$0x20]  }
0x2de: {  	v10 =	vld [tilespmem:s16+$0xFFFFFF60];
	v7 =	vadd.f32 v25, v7  }
0x2df: {  	v8 =	vmax.f32 v8, $0.0e+00;
	v26 =	vld [tilespmem:s12+$0xFFFFF0A0]  }
0x2e0: {  	[tilespmem:s11+$0x10] =	vst v8;
	v8 =	vld [tilespmem:s12+$0xA0];
	v7 =	vmax.f32 v7, $0.0e+00  }
0x2e1: {  	v29 =	vld [tilespmem:s14+$0xFFFFFF20];
	[tilespmem:s11+$0xC0] =	vst v7  }
0x2e2: {  	v7 =	vadd.f32 v9, v11;
	v9 =	vld [tilespmem:s12+$0xFFFFF1C0]  }
0x2e3: {  	v11 =	vld [tilespmem:s12+$0x1C0]  }
0x2e4: {  	v30 =	vld [tilespmem:s14+$0xFFFFFFA0];
	v15 =	vadd.f32 v63, v62  }
0x2e5: {  	v14 =	vadd.f32 v51, v49;
	v33 =	vld [tilespmem:s14+$0xC0]  }
0x2e6: {  	v5 =	vadd.f32 v6, v5;
	v6 =	vld [tilespmem:s16+$0xFFFFFFF0];
	v15 =	vadd.f32 v34, v15  }
0x2e7: {  	v27 =	vld [tilespmem:s12+$0xFFFFF120];
	v10 =	vadd.f32 v10, v14;
	v8 =	vadd.f32 v8, v26  }
0x2e8: {  	v28 =	vld [tilespmem:s12+$0x120];
	v44 =	vmax.f32 v15, $0.0e+00;
	v7 =	vadd.f32 v29, v7;
	v9 =	vadd.f32 v11, v9  }
0x2e9: {  	v31 =	vld [tilespmem:s14+$0x20];
	[tilespmem:s10+$0x60] =	vst v44;
	v10 =	vmax.f32 v10, $0.0e+00;
	v8 =	vadd.f32 v30, v8  }
0x2ea: {  	v47 =	vld [tilespmem:s22+$0xFFFFF170];
	[tilespmem:s10+$0xFFFFFF40] =	vst v10;
	v7 =	vmax.f32 v7, $0.0e+00;
	v9 =	vadd.f32 v33, v9  }
0x2eb: {  	v8 =	vmax.f32 v8, $0.0e+00;
	v43 =	vld [tilespmem:s22+$0x70];
	[tilespmem:s11+$0xFFFFFF00] =	vst v7  }
0x2ec: {  	[tilespmem:s11+$0xFFFFFF90] =	vst v8;
	v35 =	vld [tilespmem:s12+$0xFFFFF030];
	v9 =	vmax.f32 v9, $0.0e+00  }
0x2ed: {  	v10 =	vadd.f32 v28, v27;
	v8 =	vld [tilespmem:s12+$0x30];
	[tilespmem:s11+$0xD0] =	vst v9  }
0x2ee: {  	v9 =	vld [tilespmem:s12+$0xFFFFF1D0]  }
0x2ef: {  	v10 =	vadd.f32 v31, v10;
	v38 =	vld [tilespmem:s12+$0x1D0]  }
0x2f0: {  	v39 =	vld [tilespmem:s14+$0xFFFFFF30]  }
0x2f1: {  	v10 =	vmax.f32 v10, $0.0e+00;
	v40 =	vld [tilespmem:s14+$0xD0]  }
0x2f2: {  	[tilespmem:s11+$0x20] =	vst v10;
	v10 =	vld [tilespmem:s12+$0xB0]  }
0x2f3: {  	v11 =	vld [tilespmem:s12+$0xFFFFF0B0];
	v8 =	vadd.f32 v8, v35  }
0x2f4: {  	v41 =	vld [tilespmem:s14+$0xFFFFFFB0];
	v9 =	vadd.f32 v38, v9  }
0x2f5: {  	v36 =	vld [tilespmem:s12+$0xFFFFF130];
	v8 =	vadd.f32 v39, v8  }
0x2f6: {  	v37 =	vld [tilespmem:s12+$0x130];
	v9 =	vadd.f32 v40, v9  }
0x2f7: {  	v42 =	vld [tilespmem:s14+$0x30];
	v8 =	vmax.f32 v8, $0.0e+00  }
0x2f8: {  	v7 =	vld [tilespmem:s22+$0xFFFFF070];
	v10 =	vadd.f32 v10, v11;
	[tilespmem:s11+$0xFFFFFF10] =	vst v8;
	v8 =	vmax.f32 v9, $0.0e+00  }
0x2f9: {  	v11 =	vld [tilespmem:s12+$0xFFFFF040];
	[tilespmem:s11+$0xE0] =	vst v8  }
0x2fa: {  	v10 =	vadd.f32 v41, v10;
	v48 =	vld [tilespmem:s12+$0xFFFFF1E0]  }
0x2fb: {  	v49 =	vld [tilespmem:s12+$0x1E0]  }
0x2fc: {  	v10 =	vmax.f32 v10, $0.0e+00;
	v50 =	vld [tilespmem:s12+$0x40];
	v8 =	vadd.f32 v37, v36  }
0x2fd: {  	[tilespmem:s11+$0xFFFFFFA0] =	vst v10;
	v10 =	vld [tilespmem:s14+$0xE0]  }
0x2fe: {  	v51 =	vld [tilespmem:s12+$0xFFFFF0C0];
	v8 =	vadd.f32 v42, v8  }
0x2ff: {  	v54 =	vld [tilespmem:s14+$0xFFFFFF40]  }
0x300: {  	v55 =	vld [tilespmem:s14+$0xFFFFFFC0];
	v8 =	vmax.f32 v8, $0.0e+00;
	v16 =	vadd.f32 v49, v48  }
0x301: {  	[tilespmem:s11+$0x30] =	vst v8;
	v8 =	vld [tilespmem:s12+$0xC0]  }
0x302: {  	v52 =	vld [tilespmem:s12+$0xFFFFF140];
	v10 =	vadd.f32 v10, v16  }
0x303: {  	v53 =	vld [tilespmem:s12+$0x140]  }
0x304: {  	v56 =	vld [tilespmem:s14+$0x40];
	v10 =	vmax.f32 v10, $0.0e+00  }
0x305: {  	v11 =	vadd.f32 v50, v11;
	[tilespmem:s11+$0xF0] =	vst v10;
	v10 =	vld [tilespmem:s16+$0xFFFFFF70]  }
0x306: {  	v57 =	vld [tilespmem:s12+$0xFFFFF1F0]  }
0x307: {  	v11 =	vadd.f32 v54, v11;
	v8 =	vadd.f32 v8, v51;
	v58 =	vld [tilespmem:s12+$0x1F0]  }
0x308: {  	v9 =	vld [tilespmem:s22+$0x170]  }
0x309: {  	v11 =	vmax.f32 v11, $0.0e+00;
	v18 =	vadd.f32 v53, v52;
	v8 =	vadd.f32 v55, v8;
	v59 =	vld [tilespmem:s14+$0xF0]  }
0x30a: {  	v4 =	vadd.f32 v4, v5;
	v5 =	vadd.f32 v43, v7;
	[tilespmem:s11+$0xFFFFFF20] =	vst v11;
	v11 =	vld [tilespmem:s16+$0x70]  }
0x30b: {  	v7 =	vadd.f32 v46, v45;
	v61 =	vld [tilespmem:s12+$0xFFFFF050];
	v60 =	vadd.f32 v56, v18;
	v8 =	vmax.f32 v8, $0.0e+00  }
0x30c: {  	v4 =	vmax.f32 v4, $0.0e+00;
	v62 =	vld [tilespmem:s12+$0x50];
	[tilespmem:s11+$0xFFFFFFB0] =	vst v8;
	v10 =	vadd.f32 v10, v5;
	v8 =	vadd.f32 v58, v57  }
0x30d: {  	[tilespmem:s10+$0x100] =	vst v4;
	v63 =	vadd.f32 v6, v7;
	v4 =	vadd.f32 v9, v47;
	v9 =	vmax.f32 v60, $0.0e+00;
	v5 =	vld [tilespmem:s12+$0xFFFFF0D0]  }
0x30e: {  	[tilespmem:s11+$0x40] =	vst v9;
	v7 =	vld [tilespmem:s12+$0xD0];
	v6 =	vmax.f32 v10, $0.0e+00;
	v9 =	vadd.f32 v59, v8  }
0x30f: {  	v4 =	vadd.f32 v11, v4;
	v10 =	vmax.f32 v63, $0.0e+00;
	[tilespmem:s10+$0xFFFFFF50] =	vst v6;
	v6 =	vld [tilespmem:s12+$0xFFFFF150]  }
0x310: {  	v8 =	vld [tilespmem:s12+$0x150];
	[tilespmem:s10+$0xFFFFFFE0] =	vst v10;
	v11 =	vmax.f32 v9, $0.0e+00  }
0x311: {  	s23 =	simm.s32 $0x2140;
	s22 =	simm.s32 $0x4;
	s16 =	simm.s32 $0x5040;
	v4 =	vmax.f32 v4, $0.0e+00;
	v10 =	vld [tilespmem:s14+$0xFFFFFF50];
	v9 =	vadd.f32 v62, v61;
	[tilespmem:s11+$0x100] =	vst v11  }
.LBB2_16:
0x312: {  	v11 =	vld [tilespmem:s23+$0xFFFFF180];
	[tilespmem:s10+$0x70] =	vst v4;
	s10 =	smov.u32 s11  }
0x313: {  	v5 =	vadd.f32 v7, v5;
	v4 =	vld [tilespmem:s23+$0x180]  }
0x314: {  	s14 =	sadd.s32 $0x200, s14;
	v7 =	vld [tilespmem:s23+$0x0]  }
0x315: {  	v6 =	vadd.f32 v8, v6;
	v12 =	vld [tilespmem:s14+$0x80]  }
0x316: {  	v9 =	vadd.f32 v10, v9;
	v8 =	vld [tilespmem:s23+$0xFFFFF080]  }
0x317: {  	v10 =	vld [tilespmem:s23+$0x80]  }
0x318: {  	v9 =	vmax.f32 v9, $0.0e+00;
	v13 =	vld [tilespmem:s23+$0xFFFFF100];
	v4 =	vadd.f32 v4, v11  }
0x319: {  	v11 =	vld [tilespmem:s23+$0x100];
	[tilespmem:s11+$0xFFFFFF30] =	vst v9  }
0x31a: {  	s22 =	sadd.s32 $0x4, s22;
	v9 =	vld [tilespmem:s23+$0xFFFFF000];
	v4 =	vadd.f32 v12, v4  }
0x31b: {  	p0 =	slt.u32 s22, $0x1C;
	v12 =	vld [tilespmem:s14+$0xFFFFFF00]  }
0x31c: {  	s11 =	sadd.s32 $0x240, s11;
	v8 =	vadd.f32 v10, v8;
	v10 =	vld [tilespmem:s14+$0xFFFFFF80];
	v4 =	vmax.f32 v4, $0.0e+00  }
0x31d: {  	v14 =	vld [tilespmem:s14+$0x0];
	[tilespmem:s11+$0x90] =	vst v4  }
0x31e: {  	v4 =	vadd.f32 v11, v13;
	v11 =	vld [tilespmem:s23+$0xFFFFF190]  }
0x31f: {  	v7 =	vadd.f32 v7, v9;
	v9 =	vld [tilespmem:s23+$0x190]  }
0x320: {  	v13 =	vld [tilespmem:s16+$0xFFFFFFD0]  }
0x321: {  	v7 =	vadd.f32 v12, v7;
	v8 =	vadd.f32 v10, v8;
	v10 =	vld [tilespmem:s14+$0x90]  }
0x322: {  	v4 =	vadd.f32 v14, v4;
	v12 =	vld [tilespmem:s16+$0x50]  }
0x323: {  	v7 =	vmax.f32 v7, $0.0e+00;
	v8 =	vmax.f32 v8, $0.0e+00;
	v14 =	vld [tilespmem:s12+$0xFFFFF060]  }
0x324: {  	[tilespmem:s11+$0xFFFFFEE0] =	vst v7;
	v4 =	vmax.f32 v4, $0.0e+00;
	v7 =	vadd.f32 v9, v11;
	v9 =	vld [tilespmem:s12+$0x60]  }
0x325: {  	v11 =	vld [tilespmem:s23+$0xFFFFF010];
	[tilespmem:s11+$0xFFFFFF70] =	vst v8;
	v5 =	vadd.f32 v13, v5  }
0x326: {  	v8 =	vld [tilespmem:s23+$0x10];
	[tilespmem:s11+$0x0] =	vst v4;
	v4 =	vadd.f32 v10, v7  }
0x327: {  	v7 =	vld [tilespmem:s23+$0xFFFFF090];
	v5 =	vmax.f32 v5, $0.0e+00;
	v6 =	vadd.f32 v12, v6  }
0x328: {  	v10 =	vld [tilespmem:s23+$0x90];
	v4 =	vmax.f32 v4, $0.0e+00;
	[tilespmem:s10+$0xFFFFFFC0] =	vst v5  }
0x329: {  	v5 =	vld [tilespmem:s23+$0xFFFFF110];
	[tilespmem:s11+$0xA0] =	vst v4;
	v4 =	vadd.f32 v9, v14;
	v6 =	vmax.f32 v6, $0.0e+00  }
0x32a: {  	v9 =	vld [tilespmem:s23+$0xFFFFF1A0];
	[tilespmem:s10+$0x50] =	vst v6  }
0x32b: {  	v6 =	vadd.f32 v8, v11;
	v8 =	vld [tilespmem:s23+$0x1A0]  }
0x32c: {  	v11 =	vld [tilespmem:s23+$0x110]  }
0x32d: {  	v7 =	vadd.f32 v10, v7;
	v10 =	vld [tilespmem:s14+$0xA0]  }
0x32e: {  	v12 =	vld [tilespmem:s14+$0xFFFFFF10]  }
0x32f: {  	v13 =	vld [tilespmem:s14+$0xFFFFFF90]  }
0x330: {  	v14 =	vld [tilespmem:s14+$0x10];
	v8 =	vadd.f32 v8, v9  }
0x331: {  	v5 =	vadd.f32 v11, v5;
	v9 =	vld [tilespmem:s12+$0xFFFFF0E0]  }
0x332: {  	v8 =	vadd.f32 v10, v8;
	v10 =	vld [tilespmem:s12+$0xE0]  }
0x333: {  	v6 =	vadd.f32 v12, v6;
	v11 =	vld [tilespmem:s12+$0xFFFFF160]  }
0x334: {  	v7 =	vadd.f32 v13, v7;
	v8 =	vmax.f32 v8, $0.0e+00;
	v12 =	vld [tilespmem:s12+$0x160]  }
0x335: {  	v6 =	vmax.f32 v6, $0.0e+00;
	v5 =	vadd.f32 v14, v5;
	[tilespmem:s11+$0xB0] =	vst v8;
	v8 =	vld [tilespmem:s16+$0xFFFFFF60]  }
0x336: {  	[tilespmem:s11+$0xFFFFFEF0] =	vst v6;
	v6 =	vmax.f32 v7, $0.0e+00;
	v7 =	vld [tilespmem:s23+$0xFFFFF1B0]  }
0x337: {  	[tilespmem:s11+$0xFFFFFF80] =	vst v6;
	v5 =	vmax.f32 v5, $0.0e+00;
	v6 =	vld [tilespmem:s23+$0x1B0];
	v9 =	vadd.f32 v10, v9  }
0x338: {  	v10 =	vld [tilespmem:s23+$0xFFFFF020];
	[tilespmem:s11+$0x10] =	vst v5  }
0x339: {  	v5 =	vld [tilespmem:s14+$0xB0];
	v11 =	vadd.f32 v12, v11  }
0x33a: {  	v12 =	vld [tilespmem:s23+$0x20];
	v4 =	vadd.f32 v8, v4  }
0x33b: {  	v8 =	vld [tilespmem:s23+$0xFFFFF0A0]  }
0x33c: {  	v13 =	vld [tilespmem:s23+$0xA0];
	v6 =	vadd.f32 v6, v7;
	v4 =	vmax.f32 v4, $0.0e+00  }
0x33d: {  	v7 =	vld [tilespmem:s23+$0xFFFFF120];
	[tilespmem:s10+$0xFFFFFF40] =	vst v4  }
0x33e: {  	v4 =	vld [tilespmem:s23+$0x120];
	v5 =	vadd.f32 v5, v6  }
0x33f: {  	v6 =	vadd.f32 v12, v10;
	v10 =	vld [tilespmem:s14+$0xFFFFFF20]  }
0x340: {  	v12 =	vld [tilespmem:s14+$0xFFFFFFA0];
	v5 =	vmax.f32 v5, $0.0e+00  }
0x341: {  	v8 =	vadd.f32 v13, v8;
	v13 =	vld [tilespmem:s14+$0x20];
	[tilespmem:s11+$0xC0] =	vst v5  }
0x342: {  	v5 =	vld [tilespmem:s23+$0xFFFFF1C0]  }
0x343: {  	v4 =	vadd.f32 v4, v7;
	v7 =	vld [tilespmem:s23+$0x1C0]  }
0x344: {  	v6 =	vadd.f32 v10, v6;
	v10 =	vld [tilespmem:s16+$0xFFFFFFE0]  }
0x345: {  	v8 =	vadd.f32 v12, v8;
	v12 =	vld [tilespmem:s14+$0xC0]  }
0x346: {  	v6 =	vmax.f32 v6, $0.0e+00;
	v4 =	vadd.f32 v13, v4;
	v13 =	vld [tilespmem:s16+$0x60]  }
0x347: {  	[tilespmem:s11+$0xFFFFFF00] =	vst v6;
	v6 =	vmax.f32 v8, $0.0e+00;
	v8 =	vld [tilespmem:s12+$0xFFFFF070]  }
0x348: {  	v14 =	vld [tilespmem:s23+$0xFFFFF030];
	[tilespmem:s11+$0xFFFFFF90] =	vst v6;
	v4 =	vmax.f32 v4, $0.0e+00;
	v5 =	vadd.f32 v7, v5  }
0x349: {  	v6 =	vld [tilespmem:s23+$0x30];
	[tilespmem:s11+$0x20] =	vst v4;
	v4 =	vadd.f32 v10, v9  }
0x34a: {  	v7 =	vld [tilespmem:s23+$0xFFFFF0B0];
	v5 =	vadd.f32 v12, v5  }
0x34b: {  	v9 =	vld [tilespmem:s23+$0xB0];
	v4 =	vmax.f32 v4, $0.0e+00;
	v10 =	vadd.f32 v13, v11  }
0x34c: {  	v11 =	vld [tilespmem:s23+$0xFFFFF130];
	v5 =	vmax.f32 v5, $0.0e+00;
	[tilespmem:s10+$0xFFFFFFD0] =	vst v4  }
0x34d: {  	v4 =	vld [tilespmem:s23+$0x130];
	[tilespmem:s11+$0xD0] =	vst v5;
	v5 =	vmax.f32 v10, $0.0e+00  }
0x34e: {  	v6 =	vadd.f32 v6, v14;
	v10 =	vld [tilespmem:s23+$0xFFFFF1D0];
	[tilespmem:s10+$0x60] =	vst v5  }
0x34f: {  	v5 =	vld [tilespmem:s23+$0x1D0]  }
0x350: {  	v12 =	vld [tilespmem:s14+$0xFFFFFF30];
	v7 =	vadd.f32 v9, v7  }
0x351: {  	v9 =	vld [tilespmem:s14+$0xD0]  }
0x352: {  	v13 =	vld [tilespmem:s14+$0xFFFFFFB0];
	v4 =	vadd.f32 v4, v11  }
0x353: {  	v11 =	vld [tilespmem:s14+$0x30]  }
0x354: {  	v5 =	vadd.f32 v5, v10;
	v10 =	vld [tilespmem:s12+$0x70]  }
0x355: {  	v6 =	vadd.f32 v12, v6;
	v12 =	vld [tilespmem:s12+$0xFFFFF0F0]  }
0x356: {  	v5 =	vadd.f32 v9, v5;
	v9 =	vld [tilespmem:s12+$0xF0]  }
0x357: {  	v6 =	vmax.f32 v6, $0.0e+00;
	v7 =	vadd.f32 v13, v7;
	v13 =	vld [tilespmem:s12+$0xFFFFF170]  }
0x358: {  	[tilespmem:s11+$0xFFFFFF10] =	vst v6;
	v4 =	vadd.f32 v11, v4;
	v5 =	vmax.f32 v5, $0.0e+00;
	v6 =	vld [tilespmem:s12+$0x170];
	s12 =	smov.u32 s23  }
0x359: {  	v11 =	vld [tilespmem:s23+$0xFFFFF040];
	v7 =	vmax.f32 v7, $0.0e+00;
	[tilespmem:s11+$0xE0] =	vst v5;
	v5 =	vadd.f32 v10, v8  }
0x35a: {  	[tilespmem:s11+$0xFFFFFFA0] =	vst v7;
	v4 =	vmax.f32 v4, $0.0e+00;
	v7 =	vld [tilespmem:s23+$0xFFFFF1E0]  }
0x35b: {  	[tilespmem:s11+$0x30] =	vst v4;
	v4 =	vld [tilespmem:s23+$0x1E0];
	v8 =	vadd.f32 v9, v12  }
0x35c: {  	v9 =	vld [tilespmem:s23+$0x40]  }
0x35d: {  	v10 =	vld [tilespmem:s14+$0xE0];
	v12 =	vadd.f32 v6, v13  }
0x35e: {  	v6 =	vld [tilespmem:s23+$0xFFFFF0C0]  }
0x35f: {  	v13 =	vld [tilespmem:s23+$0xC0]  }
0x360: {  	v14 =	vld [tilespmem:s23+$0xFFFFF140];
	v4 =	vadd.f32 v4, v7  }
0x361: {  	v7 =	vadd.f32 v9, v11;
	v9 =	vld [tilespmem:s23+$0x140]  }
0x362: {  	v11 =	vld [tilespmem:s14+$0xFFFFFF40];
	v4 =	vadd.f32 v10, v4  }
0x363: {  	v10 =	vld [tilespmem:s14+$0xFFFFFFC0]  }
0x364: {  	v6 =	vadd.f32 v13, v6;
	v13 =	vld [tilespmem:s14+$0x40];
	v4 =	vmax.f32 v4, $0.0e+00  }
0x365: {  	[tilespmem:s11+$0xF0] =	vst v4;
	v4 =	vld [tilespmem:s16+$0xFFFFFF70]  }
0x366: {  	v9 =	vadd.f32 v9, v14;
	v14 =	vld [tilespmem:s23+$0xFFFFF1F0]  }
0x367: {  	v7 =	vadd.f32 v11, v7;
	v11 =	vld [tilespmem:s23+$0x1F0]  }
0x368: {  	v6 =	vadd.f32 v10, v6;
	v10 =	vld [tilespmem:s16+$0xFFFFFFF0]  }
0x369: {  	v7 =	vmax.f32 v7, $0.0e+00;
	v9 =	vadd.f32 v13, v9;
	v13 =	vld [tilespmem:s14+$0xF0]  }
0x36a: {  	[tilespmem:s11+$0xFFFFFF20] =	vst v7;
	v6 =	vmax.f32 v6, $0.0e+00;
	v4 =	vadd.f32 v4, v5;
	v15 =	vld [tilespmem:s16+$0x70];
	s16 =	smov.u32 s14  }
0x36b: {  	v16 =	vld [tilespmem:s23+$0xFFFFF050];
	[tilespmem:s11+$0xFFFFFFB0] =	vst v6;
	v5 =	vmax.f32 v9, $0.0e+00  }
0x36c: {  	v9 =	vld [tilespmem:s23+$0x50];
	[tilespmem:s11+$0x40] =	vst v5;
	v6 =	vadd.f32 v11, v14;
	v4 =	vmax.f32 v4, $0.0e+00  }
.Ltmp14:
0x36d: {  	v5 =	vld [tilespmem:s23+$0xFFFFF0D0];
	[tilespmem:s10+$0xFFFFFF50] =	vst v4;
	v4 =	vadd.f32 v10, v8;
	(pc) =	sbr.rel @p0 .LBB2_16-.Ltmp14, $4  }
0x36e: {  	v7 =	vld [tilespmem:s23+$0xD0];
	v10 =	vadd.f32 v13, v6  }
0x36f: {  	v6 =	vld [tilespmem:s23+$0xFFFFF150];
	v4 =	vmax.f32 v4, $0.0e+00;
	v11 =	vadd.f32 v15, v12  }
0x370: {  	v8 =	vld [tilespmem:s23+$0x150];
	v12 =	vmax.f32 v10, $0.0e+00;
	[tilespmem:s10+$0xFFFFFFE0] =	vst v4  }
0x371: {  	s23 =	sadd.s32 $0x200, s23;
	v9 =	vadd.f32 v9, v16;
	v10 =	vld [tilespmem:s14+$0xFFFFFF50];
	[tilespmem:s11+$0x100] =	vst v12;
	v4 =	vmax.f32 v11, $0.0e+00  }
.Ltmp15:
0x372: {  	_ = 	snop;
	(pc) =	sbr.rel .LBB2_17-.Ltmp15, $1  }
0x373: {  	_ =	sdelay $0x3  }
.LBB2_23:
0x374: {  	_ =	sfence.sel $0x180000  }
0x375: {  	[bflag:$0x0] =	sbarrier.arrive $0xFFFF  }
0x376: {  	_ =	strace $0x90000047  }
0x377: {  	s0 =	stileid.u32;
	[bflag:$0x2] =	sbarrier.arrive $0xFFFF  }
0x378: {  	p0 =	sne.s32 s0, $0x0;
	s0 =	rddreg [dreg:$0x3]  }
0x379: {  	s0 =	sadd.s32 @!p0 $0x100000, s0  }
0x37a: {  	[sflag:s0] =	ssyncadd.tile.s32 @!p0 $0x1;
	_ =	shalt  }
.Lfunc_end2:
_tile_overlayer_lowered:
.L_overlay_start_2:
0x37b: {  	(tag) =	ssettag $0x2  }
0x37c: {  	s0 =	rddreg [dreg:$0x0];
	s2 =	stileid.u32  }
0x37d: {  	s1 =	rddreg [dreg:$0x1];
	p0 =	sne.s32 s2, $0x0  }
0x37e: {  	s3 =	rddreg [dreg:$0x2];
	[bflag:$0x3] =	sbarrier.arrive $0xFFFF;
	s2 =	simm.s32 @!p0 $0x1C09  }
0x37f: {  	[timem:s3], [sflag:s2] =	dma.local @!p0 [hbm:s0], s1  }
0x380: {  	s0 =	simm.s32 @!p0 $0x9  }
0x381: {  	_ =	swait.ge @!p0 [sflag:s0], s1  }
0x382: {  	s1 =	ssub.s32 @!p0 $0x0, s1;
	[sflag:s0] =	ssyncset.done @!p0 $0x0  }
0x383: {  	[sflag:s0] =	ssyncadd.s32 @!p0 s1  }
0x384: {  	[bflag:$0x3] =	sbarrier.arrive $0xFFFF  }
0x385: {  	_ =	shalt  }

</sc_bundles>
